<compile_context>
chip_gen: v7x
topology: tpu7x:2x2x1
jax: 0.10.2.dev20260603
libtpu: 0.0.44.dev20260713+nightly
codegen_flags: <defaults>
</compile_context>

<pallas_src>
import functools

import jax
import jax.numpy as jnp
from jax import lax
from jax.experimental import pallas as pl
from jax.experimental.pallas import tpu as pltpu
from jax.experimental.pallas import tpu_sc as plsc

H = 128
F = 97
NH = 4000
NF = 50000
E = 500000
NC = 10
NB = 64

_NSC = 2
_NSUB = 16
_NW = _NSC * _NSUB

_W = 128
_HWIN_PW = -(-E // (_W * _NW))
_HWIN_TOT = _HWIN_PW * _NW
_EPAD = _HWIN_TOT * _W
_NHP = 4096


def _pad_edges(src, dst, n_dst_real, n_src_real, n_pad_total):
    npad = n_pad_total - src.shape[0]
    pad_pos = jnp.arange(npad, dtype=jnp.int32)
    pad_src = pad_pos * 37 % n_src_real
    pad_dst = n_dst_real + (pad_pos % 16)
    return (jnp.concatenate([src.astype(jnp.int32), pad_src]),
            jnp.concatenate([dst.astype(jnp.int32), pad_dst]))


def _f2h_agg_kernel(src2d, dst2d, init, msrc, out, src_st, dst_st, rows, gsem, ssem, acc):
    c = lax.axis_index("c")
    s = lax.axis_index("s")
    wid = c * _NSUB + s
    rows_per_tile = _NHP // _NSUB
    r0 = s * rows_per_tile

    pltpu.sync_copy(src2d.at[wid], src_st)
    pltpu.sync_copy(dst2d.at[wid], dst_st)
    pltpu.sync_copy(init.at[c, pl.ds(r0, rows_per_tile)], acc.at[pl.ds(r0, rows_per_tile)])
    plsc.subcore_barrier()

    pltpu.async_copy(msrc.at[src_st.at[0]], rows.at[0], gsem.at[0])
    pltpu.async_copy(msrc.at[src_st.at[1]], rows.at[1], gsem.at[1])

    def body(k, _):
        b = k % 2
        pltpu.make_async_copy(msrc.at[src_st.at[k]], rows.at[b], gsem.at[b]).wait()
        pltpu.async_copy(rows.at[b], acc.at[dst_st.at[k]], ssem.at[b], add=True).wait()

        @pl.when(k + 2 < _HWIN_PW)
        def _():
            pltpu.async_copy(msrc.at[src_st.at[k + 2]], rows.at[b], gsem.at[b])
        return ()

    lax.fori_loop(0, _HWIN_PW, body, (), unroll=False)
    plsc.subcore_barrier()
    pltpu.sync_copy(acc.at[pl.ds(r0, rows_per_tile)], out.at[c, pl.ds(r0, rows_per_tile)])


_FS = 25088
_FACC = _FS + 128
_NFP = 2 * _FS
_FW = 128
_FWPT = 512
_FBLK = 8
_FEPAD = _FWPT * _NSUB * _FW
_HF = H // 2


def _f_agg_kernel(src3d, dst3d, init, gtab2, out, src_st, dst_st, srcw, dstw,
                  rows, gsem, ssem, acc):
    c = lax.axis_index("c")
    s = lax.axis_index("s")
    rpt = _FACC // _NSUB
    r0 = s * rpt
    srcoff = c * (NH + NF)

    def half_pass(d, _):
        base = d * _FS
        pltpu.sync_copy(init.at[c, d, pl.ds(r0, rpt)], acc.at[pl.ds(r0, rpt)])
        plsc.subcore_barrier()

        def stage(blk):
            pltpu.sync_copy(src3d.at[s, pl.ds(blk * _FBLK, _FBLK)], src_st.at[blk % 2])
            pltpu.sync_copy(dst3d.at[s, pl.ds(blk * _FBLK, _FBLK)], dst_st.at[blk % 2])

        def fix(w, b):
            p = (w // _FBLK) % 2
            wm = w % _FBLK
            for j in range(_FW // 16):
                sv = src_st[p, wm, pl.ds(j * 16, 16)]
                dv = dst_st[p, wm, pl.ds(j * 16, 16)]
                m = (dv >= base) & (dv < base + _FS)
                rel = jnp.where(m, dv - base, _FS + j * 16 + lax.iota(jnp.int32, 16))
                srcw[b, pl.ds(j * 16, 16)] = sv + srcoff
                dstw[b, pl.ds(j * 16, 16)] = rel

        stage(0)
        fix(0, 0)
        pltpu.async_copy(gtab2.at[srcw.at[0]], rows.at[0], gsem.at[0])
        fix(1, 1)
        pltpu.async_copy(gtab2.at[srcw.at[1]], rows.at[1], gsem.at[1])

        def body(w, _):
            b = w % 2
            pltpu.make_async_copy(gtab2.at[srcw.at[b]], rows.at[b], gsem.at[b]).wait()
            pltpu.async_copy(rows.at[b], acc.at[dstw.at[b]], ssem.at[b], add=True).wait()

            @pl.when(w + 2 < _FWPT)
            def _():
                nw = w + 2

                @pl.when(nw % _FBLK == 0)
                def _():
                    stage(nw // _FBLK)

                fix(nw, b)
                pltpu.async_copy(gtab2.at[srcw.at[b]], rows.at[b], gsem.at[b])
            return ()

        lax.fori_loop(0, _FWPT, body, (), unroll=False)
        plsc.subcore_barrier()
        drpt = _FS // _NSUB
        pltpu.sync_copy(acc.at[pl.ds(s * drpt, drpt)],
                        out.at[c, d, pl.ds(s * drpt, drpt)])
        plsc.subcore_barrier()
        return ()

    lax.fori_loop(0, 2, half_pass, (), unroll=False)


def _f_agg(gtab, src_g, dst_g, init_full):
    src3d = src_g.reshape(_NSUB, _FWPT, _FW)
    dst3d = dst_g.reshape(_NSUB, _FWPT, _FW)
    gtab2 = jnp.concatenate(gtab)
    zp = jnp.pad(init_full, ((0, _NFP - NF), (0, 0)))
    initp = jnp.concatenate(
        [jnp.stack([zp[:, :_HF], zp[:, _HF:]]).reshape(2, 2, _FS, _HF),
         jnp.zeros((2, 2, 128, _HF), jnp.float32)], axis=2)
    k = pl.kernel(
        _f_agg_kernel,
        out_type=jax.ShapeDtypeStruct((2, 2, _FS, _HF), jnp.float32),
        mesh=plsc.VectorSubcoreMesh(core_axis_name="c", subcore_axis_name="s"),
        scratch_types=[
            pltpu.VMEM((2, _FBLK, _FW), jnp.int32),
            pltpu.VMEM((2, _FBLK, _FW), jnp.int32),
            pltpu.VMEM((2, _FW), jnp.int32),
            pltpu.VMEM((2, _FW), jnp.int32),
            pltpu.VMEM((2, _FW, _HF), jnp.float32),
            pltpu.SemaphoreType.DMA((2,)),
            pltpu.SemaphoreType.DMA((2,)),
            pltpu.VMEM_SHARED((_FACC, _HF), jnp.float32),
        ],
        compiler_params=pltpu.CompilerParams(use_tc_tiling_on_sc=False),
    )
    out = k(src3d, dst3d, initp, gtab2)
    return jnp.concatenate(
        [out[0].reshape(_NFP, _HF), out[1].reshape(_NFP, _HF)], axis=1)[:NF]


def _f2h_agg(msrc, e_src, e_dst, init_row):
    src_p, dst_p = _pad_edges(e_src, e_dst, NH, NF, _EPAD)
    src2d = src_p.reshape(_NW, _HWIN_PW, _W)
    dst2d = dst_p.reshape(_NW, _HWIN_PW, _W)
    init = jnp.stack([
        jnp.pad(init_row, ((0, _NHP - NH), (0, 0))),
        jnp.zeros((_NHP, H), jnp.float32),
    ])
    k = pl.kernel(
        _f2h_agg_kernel,
        out_type=jax.ShapeDtypeStruct((2, _NHP, H), jnp.float32),
        mesh=plsc.VectorSubcoreMesh(core_axis_name="c", subcore_axis_name="s"),
        scratch_types=[
            pltpu.VMEM((_HWIN_PW, _W), jnp.int32),
            pltpu.VMEM((_HWIN_PW, _W), jnp.int32),
            pltpu.VMEM((2, _W, H), jnp.float32),
            pltpu.SemaphoreType.DMA((2,)),
            pltpu.SemaphoreType.DMA((2,)),
            pltpu.VMEM_SHARED((_NHP, H), jnp.float32),
        ],
    )
    out = k(src2d, dst2d, init, msrc)
    return out[:, :NH]



def _mm_kernel(x_ref, w_ref, b_ref, o_ref, *, relu_x):
    x = x_ref[...]
    if relu_x:
        x = jnp.maximum(x, 0.0)
    o_ref[...] = jnp.dot(x, w_ref[...], preferred_element_type=jnp.float32) + b_ref[...]


def _mm(x, w, b, relu_x=False, bm=2000):
    m, kdim = x.shape
    n = w.shape[1]
    return pl.pallas_call(
        functools.partial(_mm_kernel, relu_x=relu_x),
        grid=(m // bm,),
        in_specs=[pl.BlockSpec((bm, kdim), lambda i: (i, 0)),
                  pl.BlockSpec((kdim, n), lambda i: (0, 0)),
                  pl.BlockSpec((1, n), lambda i: (0, 0))],
        out_specs=pl.BlockSpec((bm, n), lambda i: (i, 0)),
        out_shape=jax.ShapeDtypeStruct((m, n), jnp.float32),
    )(x, w, b.reshape(1, n))


def _h1_kernel(oh_ref, w_ref, o_ref):
    xh = jnp.maximum(oh_ref[0] + oh_ref[1], 0.0)
    o_ref[...] = jnp.dot(xh, w_ref[...], preferred_element_type=jnp.float32)


def _h1_mm(oh2, w):
    return pl.pallas_call(
        _h1_kernel,
        out_shape=jax.ShapeDtypeStruct((NH, H), jnp.float32),
    )(oh2, w)


_NFSEG = 51200


def _final_kernel(x_ref, bid_ref, w1_ref, b1_ref, w2_ref, b2_ref, w3_ref, b3_ref,
                  out_ref, acc_ref):
    i = pl.program_id(0)
    nblk = pl.num_programs(0)

    @pl.when(i == 0)
    def _():
        acc_ref[...] = jnp.full((NB, H), -jnp.inf, jnp.float32)

    x = x_ref[...]
    bid = bid_ref[...]
    lo = jnp.min(bid)
    hi = jnp.max(bid)
    for s in range(NB):
        @pl.when(jnp.logical_and(lo <= s, s <= hi))
        def _():
            m = jnp.max(jnp.where(bid == s, x, -jnp.inf), axis=0)
            acc_ref[s, :] = jnp.maximum(acc_ref[s, :], m)

    @pl.when(i == nblk - 1)
    def _():
        h1 = jnp.maximum(jnp.dot(acc_ref[...], w1_ref[...],
                                 preferred_element_type=jnp.float32) + b1_ref[...], 0.0)
        h2 = jnp.maximum(jnp.dot(h1, w2_ref[...],
                                 preferred_element_type=jnp.float32) + b2_ref[...], 0.0)
        out_ref[...] = jnp.dot(h2, w3_ref[...],
                               preferred_element_type=jnp.float32) + b3_ref[...]


def _segmax_mlp(x_f, nf_batch, w1, b1, w2, b2, w3, b3):
    xp = jnp.pad(x_f, ((0, _NFSEG - NF), (0, 0)))
    bidb = jnp.broadcast_to(
        jnp.pad(nf_batch.astype(jnp.float32), (0, _NFSEG - NF),
                constant_values=float(NB))[:, None], (_NFSEG, H))
    bm = 2048
    return pl.pallas_call(
        _final_kernel,
        grid=(_NFSEG // bm,),
        in_specs=[pl.BlockSpec((bm, H), lambda i: (i, 0)),
                  pl.BlockSpec((bm, H), lambda i: (i, 0)),
                  pl.BlockSpec((H, H // 2), lambda i: (0, 0)),
                  pl.BlockSpec((1, H // 2), lambda i: (0, 0)),
                  pl.BlockSpec((H // 2, H), lambda i: (0, 0)),
                  pl.BlockSpec((1, H), lambda i: (0, 0)),
                  pl.BlockSpec((H, NC), lambda i: (0, 0)),
                  pl.BlockSpec((1, NC), lambda i: (0, 0))],
        out_specs=pl.BlockSpec((NB, NC), lambda i: (0, 0)),
        out_shape=jax.ShapeDtypeStruct((NB, NC), jnp.float32),
        scratch_shapes=[pltpu.VMEM((NB, H), jnp.float32)],
    )(xp, bidb, w1, b1.reshape(1, -1), w2, b2.reshape(1, -1), w3, b3.reshape(1, -1))


def _hgather_kernel(ew, ids2d, out, idx_v, rows_v, sem):
    c = lax.axis_index("c")
    s = lax.axis_index("s")
    wid = c * _NSUB + s
    pltpu.sync_copy(ids2d.at[wid], idx_v)
    pltpu.async_copy(ew.at[idx_v], rows_v, sem).wait()
    pltpu.sync_copy(rows_v, out.at[wid])


def _hgather(ew, ids):
    idp = jnp.pad(ids.astype(jnp.int32), (0, 4096 - NH)).reshape(_NW, 128)
    k = pl.kernel(
        _hgather_kernel,
        out_type=jax.ShapeDtypeStruct((_NW, 128, 2 * H), jnp.float32),
        mesh=plsc.VectorSubcoreMesh(core_axis_name="c", subcore_axis_name="s"),
        scratch_types=[
            pltpu.VMEM((128,), jnp.int32),
            pltpu.VMEM((128, 2 * H), jnp.float32),
            pltpu.SemaphoreType.DMA,
        ],
    )
    return k(ew, idp).reshape(4096, 2 * H)


def kernel(host_node_ids, nf_x, e_h2f_src, e_h2f_dst, e_f2h_src, e_f2h_dst, e_f2f, nf_batch, emb_table, l0_h2f_Wrel, l0_h2f_Wroot, l0_h2f_b, l0_f2h_Wrel, l0_f2h_Wroot, l0_f2h_b, l0_f2f_Wrel, l0_f2f_Wroot, l0_f2f_b, l1_h2f_Wrel, l1_h2f_Wroot, l1_h2f_b, l1_f2h_Wrel, l1_f2h_Wroot, l1_f2h_b, l1_f2f_Wrel, l1_f2f_Wroot, l1_f2f_b, cls_W1, cls_b1, cls_W2, cls_b2, cls_W3, cls_b3):
    src_g, dst_g = _pad_edges(
        jnp.concatenate([e_h2f_src.astype(jnp.int32),
                         e_f2f[0].astype(jnp.int32) + NH]),
        jnp.concatenate([e_h2f_dst.astype(jnp.int32),
                         e_f2f[1].astype(jnp.int32)]),
        NF, NH + NF, _FEPAD)

    ew = _mm(emb_table, jnp.concatenate([l0_h2f_Wrel, l0_f2h_Wroot], axis=1),
             jnp.concatenate([jnp.zeros_like(l0_h2f_b), l0_f2h_b]), bm=4000)
    g = _hgather(ew, host_node_ids)
    f0 = _mm(nf_x,
             jnp.concatenate([l0_f2f_Wrel, l0_f2h_Wrel,
                              l0_h2f_Wroot + l0_f2f_Wroot], axis=1),
             jnp.concatenate([jnp.zeros((2 * H,), jnp.float32),
                              l0_h2f_b + l0_f2f_b]))

    gtab0 = [g[:NH, :_HF], f0[:, :_HF], g[:NH, _HF:H], f0[:, _HF:H]]
    o_f0 = _f_agg(gtab0, src_g, dst_g, f0[:, 2 * H:])
    oh2 = _f2h_agg(f0[:, H:2 * H], e_f2h_src, e_f2h_dst, g[:NH, H:])

    t1 = _h1_mm(oh2, l1_h2f_Wrel)
    f1 = _mm(o_f0,
             jnp.concatenate([l1_f2f_Wrel, l1_h2f_Wroot + l1_f2f_Wroot], axis=1),
             jnp.concatenate([jnp.zeros((H,), jnp.float32),
                              l1_h2f_b + l1_f2f_b]), relu_x=True)
    gtab1 = [t1[:, :_HF], f1[:, :_HF], t1[:, _HF:], f1[:, _HF:H]]
    o_f1 = _f_agg(gtab1, src_g, dst_g, f1[:, H:])

    return _segmax_mlp(o_f1, nf_batch, cls_W1, cls_b1, cls_W2, cls_b2,
                       cls_W3, cls_b3)

# --- scband reference (transcript-rebuilt; emitter-appended) ---
"""Pipeline reference for scband-repr1-classifier-25967372272284 (READ-ONLY COPY).

The authoritative reference and input builder live on the scoring server;
editing this copy changes nothing except your own understanding.
"""

import jax, jax.numpy as jnp
import numpy as np

H = 128
F = 97
NH = 4000
NF = 50000
E = 500000
NC = 10
NB = 64

def setup_inputs(seed: int = 0):
    key = jax.random.key(seed)
    ks = jax.random.split(key, 40)
    def p(i, shape):
        return jax.random.normal(ks[i], shape, dtype=jnp.float32) * 0.05
    inp = {}
    inp['host_node_ids'] = jax.random.randint(ks[0], (NH,), 0, 4000)
    inp['nf_x'] = jax.random.normal(ks[1], (NF, F), dtype=jnp.float32)
    inp['e_h2f_src'] = jax.random.randint(ks[2], (E,), 0, NH)
    inp['e_h2f_dst'] = jax.random.randint(ks[3], (E,), 0, NF)
    inp['e_f2h_src'] = jax.random.randint(ks[4], (E,), 0, NF)
    inp['e_f2h_dst'] = jax.random.randint(ks[5], (E,), 0, NH)
    inp['e_f2f'] = jax.random.randint(ks[6], (2, E), 0, NF)
    inp['nf_batch'] = jnp.sort(jax.random.randint(ks[7], (NF,), 0, NB))
    inp['emb_table'] = p(8, (4000, H))
    inp['l0_h2f_Wrel'] = p(9, (H, H)); inp['l0_h2f_Wroot'] = p(10, (F, H)); inp['l0_h2f_b'] = p(11, (H,))
    inp['l0_f2h_Wrel'] = p(12, (F, H)); inp['l0_f2h_Wroot'] = p(13, (H, H)); inp['l0_f2h_b'] = p(14, (H,))
    inp['l0_f2f_Wrel'] = p(15, (F, H)); inp['l0_f2f_Wroot'] = p(16, (F, H)); inp['l0_f2f_b'] = p(17, (H,))
    inp['l1_h2f_Wrel'] = p(18, (H, H)); inp['l1_h2f_Wroot'] = p(19, (H, H)); inp['l1_h2f_b'] = p(20, (H,))
    inp['l1_f2h_Wrel'] = p(21, (H, H)); inp['l1_f2h_Wroot'] = p(22, (H, H)); inp['l1_f2h_b'] = p(23, (H,))
    inp['l1_f2f_Wrel'] = p(24, (H, H)); inp['l1_f2f_Wroot'] = p(25, (H, H)); inp['l1_f2f_b'] = p(26, (H,))
    inp['cls_W1'] = p(27, (H, H // 2)); inp['cls_b1'] = p(28, (H // 2,))
    inp['cls_W2'] = p(29, (H // 2, H)); inp['cls_b2'] = p(30, (H,))
    inp['cls_W3'] = p(31, (H, NC)); inp['cls_b3'] = p(32, (NC,))
    return inp

def _gconv(x_src, x_dst, src, dst, Wrel, Wroot, b, n_dst):
    # PyG GraphConv: out = lin_rel(sum_{j in N(i)} x_j) + lin_root(x_i)
    agg = jax.ops.segment_sum(x_src[src], dst, num_segments=n_dst)
    return agg @ Wrel + b + x_dst @ Wroot

def reference(host_node_ids, nf_x, e_h2f_src, e_h2f_dst, e_f2h_src, e_f2h_dst, e_f2f, nf_batch, emb_table, l0_h2f_Wrel, l0_h2f_Wroot, l0_h2f_b, l0_f2h_Wrel, l0_f2h_Wroot, l0_f2h_b, l0_f2f_Wrel, l0_f2f_Wroot, l0_f2f_b, l1_h2f_Wrel, l1_h2f_Wroot, l1_h2f_b, l1_f2h_Wrel, l1_f2h_Wroot, l1_f2h_b, l1_f2f_Wrel, l1_f2f_Wroot, l1_f2f_b, cls_W1, cls_b1, cls_W2, cls_b2, cls_W3, cls_b3):
    x_h = emb_table[host_node_ids]
    x_f = nf_x
    # layer 0 (HeteroConv, aggr='sum' across edge types per dst node type)
    o_f = _gconv(x_h, x_f, e_h2f_src, e_h2f_dst, l0_h2f_Wrel, l0_h2f_Wroot, l0_h2f_b, NF)
    o_f = o_f + _gconv(x_f, x_f, e_f2f[0], e_f2f[1], l0_f2f_Wrel, l0_f2f_Wroot, l0_f2f_b, NF)
    o_h = _gconv(x_f, x_h, e_f2h_src, e_f2h_dst, l0_f2h_Wrel, l0_f2h_Wroot, l0_f2h_b, NH)
    x_f = jax.nn.relu(o_f)
    x_h = jax.nn.relu(o_h)
    # layer 1 (last conv, no relu)
    o_f = _gconv(x_h, x_f, e_h2f_src, e_h2f_dst, l1_h2f_Wrel, l1_h2f_Wroot, l1_h2f_b, NF)
    o_f = o_f + _gconv(x_f, x_f, e_f2f[0], e_f2f[1], l1_f2f_Wrel, l1_f2f_Wroot, l1_f2f_b, NF)
    o_h = _gconv(x_f, x_h, e_f2h_src, e_f2h_dst, l1_f2h_Wrel, l1_f2h_Wroot, l1_f2h_b, NH)  # computed by HeteroConv, unused downstream
    x_f = o_f
    pooled = jax.ops.segment_max(x_f, nf_batch, num_segments=NB)
    h1 = jax.nn.relu(pooled @ cls_W1 + cls_b1)
    h2 = jax.nn.relu(h1 @ cls_W2 + cls_b2)
    return h2 @ cls_W3 + cls_b3

if __name__ == "__main__":
    import jax
    _d = setup_inputs()
    print(jax.jit(kernel)(*tuple(_d.values())))

</pallas_src>

<mosaic_0001>
#map = affine_map<(d0, d1) -> (0, 0)>
#map1 = affine_map<(d0, d1) -> (0, 0, 0)>
module attributes {stable_mosaic.version = 14 : i64} {
  func.func @_hgather_kernel(%arg0: i32, %arg1: i32, %arg2: memref<4000x256xf32, #tpu.memory_space<hbm>>, %arg3: memref<32x128xi32, #tpu.memory_space<hbm>>, %arg4: memref<32x128x256xf32, #tpu.memory_space<hbm>>, %arg5: memref<128xi32, #tpu.memory_space<vmem>>, %arg6: memref<128x256xf32, #tpu.memory_space<vmem>>, %arg7: memref<!tpu.dma_semaphore, #tpu.memory_space<semaphore_mem>>) attributes {dimension_semantics = [#tpu.dimension_semantics<core_parallel>, #tpu.dimension_semantics<subcore_parallel>], iteration_bounds = array<i64: 2, 16>, scalar_prefetch = 0 : i64, scratch_operands = 3 : i64, tpu.core_type = #tpu.core_type<sc_vector_subcore>, window_params = [{transform_indices = #map}, {transform_indices = #map}, {transform_indices = #map1}]} {
    %mul3A = arith.constant 16 : i32
    %mul3A_0 = arith.muli %arg0, %mul3A : i32
    %add3A = arith.addi %mul3A_0, %arg1 : i32
    "tpu.region"() ({
      %run_scoped3A = tpu.sem_alloc : memref<!tpu.dma_semaphore, #tpu.memory_space<semaphore_mem>>
      %dma_start3A_5 = arith.constant 0 : i32
      %dma_start3A_6 = tpu.memref_slice %arg3[%add3A, %dma_start3A_5] : memref<32x128xi32, #tpu.memory_space<hbm>> -> memref<1x128xi32, #tpu.memory_space<hbm>>
      %dma_start3A_7 = tpu.memref_squeeze %dma_start3A_6 : memref<1x128xi32, #tpu.memory_space<hbm>> -> memref<128xi32, #tpu.memory_space<hbm>>
      %dma_start3A_8 = arith.constant 0 : i32
      %dma_start3A_9 = tpu.memref_slice %arg3[%add3A, %dma_start3A_8] : memref<32x128xi32, #tpu.memory_space<hbm>> -> memref<1x128xi32, #tpu.memory_space<hbm>>
      %dma_start3A_10 = tpu.memref_squeeze %dma_start3A_9 : memref<1x128xi32, #tpu.memory_space<hbm>> -> memref<128xi32, #tpu.memory_space<hbm>>
      tpu.enqueue_dma source(%dma_start3A_10 : memref<128xi32, #tpu.memory_space<hbm>>) target(%arg5 : memref<128xi32, #tpu.memory_space<vmem>>) target_semaphore(%run_scoped3A : memref<!tpu.dma_semaphore, #tpu.memory_space<semaphore_mem>>)
      %dma_wait3A_11 = arith.constant 0 : i32
      %dma_wait3A_12 = tpu.memref_slice %arg3[%add3A, %dma_wait3A_11] : memref<32x128xi32, #tpu.memory_space<hbm>> -> memref<1x128xi32, #tpu.memory_space<hbm>>
      %dma_wait3A_13 = tpu.memref_squeeze %dma_wait3A_12 : memref<1x128xi32, #tpu.memory_space<hbm>> -> memref<128xi32, #tpu.memory_space<hbm>>
      %dma_wait3A_14 = arith.constant 0 : i32
      %dma_wait3A_15 = tpu.memref_slice %arg3[%add3A, %dma_wait3A_14] : memref<32x128xi32, #tpu.memory_space<hbm>> -> memref<1x128xi32, #tpu.memory_space<hbm>>
      %dma_wait3A_16 = tpu.memref_squeeze %dma_wait3A_15 : memref<1x128xi32, #tpu.memory_space<hbm>> -> memref<128xi32, #tpu.memory_space<hbm>>
      tpu.wait_dma2 semaphore(%run_scoped3A : memref<!tpu.dma_semaphore, #tpu.memory_space<semaphore_mem>>) src(%dma_wait3A_16 : memref<128xi32, #tpu.memory_space<hbm>>) dst(%arg5 : memref<128xi32, #tpu.memory_space<vmem>>)
      tpu.yield
    }) : () -> ()
    %dma_start3A = arith.constant 0 : i32
    %dma_start3A_1 = arith.constant 0 : i32
    %dma_start3A_2 = tpu.memref_slice %arg2[%dma_start3A, %dma_start3A_1] : memref<4000x256xf32, #tpu.memory_space<hbm>> -> memref<4000x256xf32, #tpu.memory_space<hbm>>
    tpu.enqueue_indirect_dma source(%dma_start3A_2 : memref<4000x256xf32, #tpu.memory_space<hbm>>) target(%arg6 : memref<128x256xf32, #tpu.memory_space<vmem>>) offsets(%arg5 : memref<128xi32, #tpu.memory_space<vmem>>) semaphore(%arg7 : memref<!tpu.dma_semaphore, #tpu.memory_space<semaphore_mem>>)
    %dma_wait3A = arith.constant 0 : i32
    %dma_wait3A_3 = arith.constant 0 : i32
    %dma_wait3A_4 = tpu.memref_slice %arg2[%dma_wait3A, %dma_wait3A_3] : memref<4000x256xf32, #tpu.memory_space<hbm>> -> memref<4000x256xf32, #tpu.memory_space<hbm>>
    tpu.wait_indirect_dma semaphore(%arg7 : memref<!tpu.dma_semaphore, #tpu.memory_space<semaphore_mem>>) src(%dma_wait3A_4 : memref<4000x256xf32, #tpu.memory_space<hbm>>) dst(%arg6 : memref<128x256xf32, #tpu.memory_space<vmem>>)
    "tpu.region"() ({
      %run_scoped3A = tpu.sem_alloc : memref<!tpu.dma_semaphore, #tpu.memory_space<semaphore_mem>>
      %dma_start3A_5 = arith.constant 0 : i32
      %dma_start3A_6 = arith.constant 0 : i32
      %dma_start3A_7 = tpu.memref_slice %arg4[%add3A, %dma_start3A_5, %dma_start3A_6] : memref<32x128x256xf32, #tpu.memory_space<hbm>> -> memref<1x128x256xf32, #tpu.memory_space<hbm>>
      %dma_start3A_8 = tpu.memref_squeeze %dma_start3A_7 : memref<1x128x256xf32, #tpu.memory_space<hbm>> -> memref<128x256xf32, #tpu.memory_space<hbm>>
      %dma_start3A_9 = arith.constant 0 : i32
      %dma_start3A_10 = arith.constant 0 : i32
      %dma_start3A_11 = tpu.memref_slice %arg4[%add3A, %dma_start3A_9, %dma_start3A_10] : memref<32x128x256xf32, #tpu.memory_space<hbm>> -> memref<1x128x256xf32, #tpu.memory_space<hbm>>
      %dma_start3A_12 = tpu.memref_squeeze %dma_start3A_11 : memref<1x128x256xf32, #tpu.memory_space<hbm>> -> memref<128x256xf32, #tpu.memory_space<hbm>>
      tpu.enqueue_dma source(%arg6 : memref<128x256xf32, #tpu.memory_space<vmem>>) target(%dma_start3A_12 : memref<128x256xf32, #tpu.memory_space<hbm>>) target_semaphore(%run_scoped3A : memref<!tpu.dma_semaphore, #tpu.memory_space<semaphore_mem>>)
      %dma_wait3A_13 = arith.constant 0 : i32
      %dma_wait3A_14 = arith.constant 0 : i32
      %dma_wait3A_15 = tpu.memref_slice %arg4[%add3A, %dma_wait3A_13, %dma_wait3A_14] : memref<32x128x256xf32, #tpu.memory_space<hbm>> -> memref<1x128x256xf32, #tpu.memory_space<hbm>>
      %dma_wait3A_16 = tpu.memref_squeeze %dma_wait3A_15 : memref<1x128x256xf32, #tpu.memory_space<hbm>> -> memref<128x256xf32, #tpu.memory_space<hbm>>
      %dma_wait3A_17 = arith.constant 0 : i32
      %dma_wait3A_18 = arith.constant 0 : i32
      %dma_wait3A_19 = tpu.memref_slice %arg4[%add3A, %dma_wait3A_17, %dma_wait3A_18] : memref<32x128x256xf32, #tpu.memory_space<hbm>> -> memref<1x128x256xf32, #tpu.memory_space<hbm>>
      %dma_wait3A_20 = tpu.memref_squeeze %dma_wait3A_19 : memref<1x128x256xf32, #tpu.memory_space<hbm>> -> memref<128x256xf32, #tpu.memory_space<hbm>>
      tpu.wait_dma2 semaphore(%run_scoped3A : memref<!tpu.dma_semaphore, #tpu.memory_space<semaphore_mem>>) src(%arg6 : memref<128x256xf32, #tpu.memory_space<vmem>>) dst(%dma_wait3A_20 : memref<128x256xf32, #tpu.memory_space<hbm>>)
      tpu.yield
    }) : () -> ()
    return
  }
}

#map = affine_map<(d0, d1) -> (0, 0, 0)>
#map1 = affine_map<(d0, d1) -> (0, 0, 0, 0)>
#map2 = affine_map<(d0, d1) -> (0, 0)>
module attributes {stable_mosaic.version = 14 : i64} {
  func.func @_f_agg_kernel(%arg0: i32, %arg1: i32, %arg2: memref<16x512x128xi32, #tpu.memory_space<hbm>>, %arg3: memref<16x512x128xi32, #tpu.memory_space<hbm>>, %arg4: memref<2x2x25216x64xf32, #tpu.memory_space<hbm>>, %arg5: memref<108000x64xf32, #tpu.memory_space<hbm>>, %arg6: memref<2x2x25088x64xf32, #tpu.memory_space<hbm>>, %arg7: memref<2x8x128xi32, #tpu.memory_space<vmem>>, %arg8: memref<2x8x128xi32, #tpu.memory_space<vmem>>, %arg9: memref<2x128xi32, #tpu.memory_space<vmem>>, %arg10: memref<2x128xi32, #tpu.memory_space<vmem>>, %arg11: memref<2x128x64xf32, #tpu.memory_space<vmem>>, %arg12: memref<2x!tpu.dma_semaphore, #tpu.memory_space<semaphore_mem>>, %arg13: memref<2x!tpu.dma_semaphore, #tpu.memory_space<semaphore_mem>>, %arg14: memref<25216x64xf32, #tpu.memory_space<vmem_shared>>) attributes {dimension_semantics = [#tpu.dimension_semantics<core_parallel>, #tpu.dimension_semantics<subcore_parallel>], iteration_bounds = array<i64: 2, 16>, scalar_prefetch = 0 : i64, scratch_operands = 8 : i64, tpu.core_type = #tpu.core_type<sc_vector_subcore>, window_params = [{transform_indices = #map}, {transform_indices = #map}, {transform_indices = #map1}, {transform_indices = #map2}, {transform_indices = #map1}]} {
    %mul3A = arith.constant 1576 : i32
    %mul3A_0 = arith.muli %arg1, %mul3A : i32
    %mul3A_1 = arith.constant 54000 : i32
    %mul3A_2 = arith.muli %arg0, %mul3A_1 : i32
    %scan3A = arith.constant 0 : i32
    %scan3A_3 = arith.constant 2 : i32
    %scan3A_4 = arith.addi %scan3A, %scan3A_3 : i32
    %scan3A_5 = arith.constant 1 : i32
    scf.for %scan3A_7 = %scan3A to %scan3A_4 step %scan3A_5  : i32 {
      %mul3A_8 = arith.constant 25088 : i32
      %mul3A_9 = arith.muli %scan3A_7, %mul3A_8 : i32
      "tpu.region"() ({
        %run_scoped3A_714 = tpu.sem_alloc : memref<!tpu.dma_semaphore, #tpu.memory_space<semaphore_mem>>
        %dma_start3A_715 = arith.constant 0 : i32
        %dma_start3A_716 = tpu.memref_slice %arg14[%mul3A_0, %dma_start3A_715] : memref<25216x64xf32, #tpu.memory_space<vmem_shared>> -> memref<1576x64xf32, #tpu.memory_space<vmem_shared>>
        %dma_start3A_717 = arith.constant 0 : i32
        %dma_start3A_718 = tpu.memref_slice %arg4[%arg0, %scan3A_7, %mul3A_0, %dma_start3A_717] : memref<2x2x25216x64xf32, #tpu.memory_space<hbm>> -> memref<1x1x1576x64xf32, #tpu.memory_space<hbm>>
        %dma_start3A_719 = tpu.memref_squeeze %dma_start3A_718 : memref<1x1x1576x64xf32, #tpu.memory_space<hbm>> -> memref<1576x64xf32, #tpu.memory_space<hbm>>
        tpu.enqueue_dma source(%dma_start3A_719 : memref<1576x64xf32, #tpu.memory_space<hbm>>) target(%dma_start3A_716 : memref<1576x64xf32, #tpu.memory_space<vmem_shared>>) target_semaphore(%run_scoped3A_714 : memref<!tpu.dma_semaphore, #tpu.memory_space<semaphore_mem>>)
        %dma_wait3A = arith.constant 0 : i32
        %dma_wait3A_720 = tpu.memref_slice %arg14[%mul3A_0, %dma_wait3A] : memref<25216x64xf32, #tpu.memory_space<vmem_shared>> -> memref<1576x64xf32, #tpu.memory_space<vmem_shared>>
        %dma_wait3A_721 = arith.constant 0 : i32
        %dma_wait3A_722 = tpu.memref_slice %arg4[%arg0, %scan3A_7, %mul3A_0, %dma_wait3A_721] : memref<2x2x25216x64xf32, #tpu.memory_space<hbm>> -> memref<1x1x1576x64xf32, #tpu.memory_space<hbm>>
        %dma_wait3A_723 = tpu.memref_squeeze %dma_wait3A_722 : memref<1x1x1576x64xf32, #tpu.memory_space<hbm>> -> memref<1576x64xf32, #tpu.memory_space<hbm>>
        tpu.wait_dma2 semaphore(%run_scoped3A_714 : memref<!tpu.dma_semaphore, #tpu.memory_space<semaphore_mem>>) src(%dma_wait3A_723 : memref<1576x64xf32, #tpu.memory_space<hbm>>) dst(%dma_wait3A_720 : memref<1576x64xf32, #tpu.memory_space<vmem_shared>>)
        tpu.yield
      }) : () -> ()
      %barrier3A = arith.constant 0 : index
      tpu.barrier barrier_id(%barrier3A)
      %run_scoped3A = arith.constant 0 : i32
      "tpu.region"() ({
        %run_scoped3A_714 = tpu.sem_alloc : memref<!tpu.dma_semaphore, #tpu.memory_space<semaphore_mem>>
        %dma_start3A_715 = arith.constant 0 : i32
        %dma_start3A_716 = arith.constant 0 : i32
        %dma_start3A_717 = tpu.memref_slice %arg7[%run_scoped3A, %dma_start3A_715, %dma_start3A_716] : memref<2x8x128xi32, #tpu.memory_space<vmem>> -> memref<1x8x128xi32, #tpu.memory_space<vmem>>
        %dma_start3A_718 = tpu.memref_squeeze %dma_start3A_717 : memref<1x8x128xi32, #tpu.memory_space<vmem>> -> memref<8x128xi32, #tpu.memory_space<vmem>>
        %dma_start3A_719 = arith.constant 0 : i32
        %dma_start3A_720 = arith.constant 0 : i32
        %dma_start3A_721 = tpu.memref_slice %arg2[%arg1, %dma_start3A_719, %dma_start3A_720] : memref<16x512x128xi32, #tpu.memory_space<hbm>> -> memref<1x8x128xi32, #tpu.memory_space<hbm>>
        %dma_start3A_722 = tpu.memref_squeeze %dma_start3A_721 : memref<1x8x128xi32, #tpu.memory_space<hbm>> -> memref<8x128xi32, #tpu.memory_space<hbm>>
        %dma_start3A_723 = arith.constant 0 : i32
        %dma_start3A_724 = arith.constant 0 : i32
        %dma_start3A_725 = tpu.memref_slice %arg7[%run_scoped3A, %dma_start3A_723, %dma_start3A_724] : memref<2x8x128xi32, #tpu.memory_space<vmem>> -> memref<1x8x128xi32, #tpu.memory_space<vmem>>
        %dma_start3A_726 = tpu.memref_squeeze %dma_start3A_725 : memref<1x8x128xi32, #tpu.memory_space<vmem>> -> memref<8x128xi32, #tpu.memory_space<vmem>>
        %dma_start3A_727 = arith.constant 0 : i32
        %dma_start3A_728 = arith.constant 0 : i32
        %dma_start3A_729 = tpu.memref_slice %arg2[%arg1, %dma_start3A_727, %dma_start3A_728] : memref<16x512x128xi32, #tpu.memory_space<hbm>> -> memref<1x8x128xi32, #tpu.memory_space<hbm>>
        %dma_start3A_730 = tpu.memref_squeeze %dma_start3A_729 : memref<1x8x128xi32, #tpu.memory_space<hbm>> -> memref<8x128xi32, #tpu.memory_space<hbm>>
        tpu.enqueue_dma source(%dma_start3A_730 : memref<8x128xi32, #tpu.memory_space<hbm>>) target(%dma_start3A_726 : memref<8x128xi32, #tpu.memory_space<vmem>>) target_semaphore(%run_scoped3A_714 : memref<!tpu.dma_semaphore, #tpu.memory_space<semaphore_mem>>)
        %dma_wait3A = arith.constant 0 : i32
        %dma_wait3A_731 = arith.constant 0 : i32
        %dma_wait3A_732 = tpu.memref_slice %arg7[%run_scoped3A, %dma_wait3A, %dma_wait3A_731] : memref<2x8x128xi32, #tpu.memory_space<vmem>> -> memref<1x8x128xi32, #tpu.memory_space<vmem>>
        %dma_wait3A_733 = tpu.memref_squeeze %dma_wait3A_732 : memref<1x8x128xi32, #tpu.memory_space<vmem>> -> memref<8x128xi32, #tpu.memory_space<vmem>>
        %dma_wait3A_734 = arith.constant 0 : i32
        %dma_wait3A_735 = arith.constant 0 : i32
        %dma_wait3A_736 = tpu.memref_slice %arg2[%arg1, %dma_wait3A_734, %dma_wait3A_735] : memref<16x512x128xi32, #tpu.memory_space<hbm>> -> memref<1x8x128xi32, #tpu.memory_space<hbm>>
        %dma_wait3A_737 = tpu.memref_squeeze %dma_wait3A_736 : memref<1x8x128xi32, #tpu.memory_space<hbm>> -> memref<8x128xi32, #tpu.memory_space<hbm>>
        %dma_wait3A_738 = arith.constant 0 : i32
        %dma_wait3A_739 = arith.constant 0 : i32
        %dma_wait3A_740 = tpu.memref_slice %arg7[%run_scoped3A, %dma_wait3A_738, %dma_wait3A_739] : memref<2x8x128xi32, #tpu.memory_space<vmem>> -> memref<1x8x128xi32, #tpu.memory_space<vmem>>
        %dma_wait3A_741 = tpu.memref_squeeze %dma_wait3A_740 : memref<1x8x128xi32, #tpu.memory_space<vmem>> -> memref<8x128xi32, #tpu.memory_space<vmem>>
        %dma_wait3A_742 = arith.constant 0 : i32
        %dma_wait3A_743 = arith.constant 0 : i32
        %dma_wait3A_744 = tpu.memref_slice %arg2[%arg1, %dma_wait3A_742, %dma_wait3A_743] : memref<16x512x128xi32, #tpu.memory_space<hbm>> -> memref<1x8x128xi32, #tpu.memory_space<hbm>>
        %dma_wait3A_745 = tpu.memref_squeeze %dma_wait3A_744 : memref<1x8x128xi32, #tpu.memory_space<hbm>> -> memref<8x128xi32, #tpu.memory_space<hbm>>
        tpu.wait_dma2 semaphore(%run_scoped3A_714 : memref<!tpu.dma_semaphore, #tpu.memory_space<semaphore_mem>>) src(%dma_wait3A_745 : memref<8x128xi32, #tpu.memory_space<hbm>>) dst(%dma_wait3A_741 : memref<8x128xi32, #tpu.memory_space<vmem>>)
        tpu.yield
      }) : () -> ()
      %run_scoped3A_10 = arith.constant 0 : i32
      "tpu.region"() ({
        %run_scoped3A_714 = tpu.sem_alloc : memref<!tpu.dma_semaphore, #tpu.memory_space<semaphore_mem>>
        %dma_start3A_715 = arith.constant 0 : i32
        %dma_start3A_716 = arith.constant 0 : i32
        %dma_start3A_717 = tpu.memref_slice %arg8[%run_scoped3A_10, %dma_start3A_715, %dma_start3A_716] : memref<2x8x128xi32, #tpu.memory_space<vmem>> -> memref<1x8x128xi32, #tpu.memory_space<vmem>>
        %dma_start3A_718 = tpu.memref_squeeze %dma_start3A_717 : memref<1x8x128xi32, #tpu.memory_space<vmem>> -> memref<8x128xi32, #tpu.memory_space<vmem>>
        %dma_start3A_719 = arith.constant 0 : i32
        %dma_start3A_720 = arith.constant 0 : i32
        %dma_start3A_721 = tpu.memref_slice %arg3[%arg1, %dma_start3A_719, %dma_start3A_720] : memref<16x512x128xi32, #tpu.memory_space<hbm>> -> memref<1x8x128xi32, #tpu.memory_space<hbm>>
        %dma_start3A_722 = tpu.memref_squeeze %dma_start3A_721 : memref<1x8x128xi32, #tpu.memory_space<hbm>> -> memref<8x128xi32, #tpu.memory_space<hbm>>
        %dma_start3A_723 = arith.constant 0 : i32
        %dma_start3A_724 = arith.constant 0 : i32
        %dma_start3A_725 = tpu.memref_slice %arg8[%run_scoped3A_10, %dma_start3A_723, %dma_start3A_724] : memref<2x8x128xi32, #tpu.memory_space<vmem>> -> memref<1x8x128xi32, #tpu.memory_space<vmem>>
        %dma_start3A_726 = tpu.memref_squeeze %dma_start3A_725 : memref<1x8x128xi32, #tpu.memory_space<vmem>> -> memref<8x128xi32, #tpu.memory_space<vmem>>
        %dma_start3A_727 = arith.constant 0 : i32
        %dma_start3A_728 = arith.constant 0 : i32
        %dma_start3A_729 = tpu.memref_slice %arg3[%arg1, %dma_start3A_727, %dma_start3A_728] : memref<16x512x128xi32, #tpu.memory_space<hbm>> -> memref<1x8x128xi32, #tpu.memory_space<hbm>>
        %dma_start3A_730 = tpu.memref_squeeze %dma_start3A_729 : memref<1x8x128xi32, #tpu.memory_space<hbm>> -> memref<8x128xi32, #tpu.memory_space<hbm>>
        tpu.enqueue_dma source(%dma_start3A_730 : memref<8x128xi32, #tpu.memory_space<hbm>>) target(%dma_start3A_726 : memref<8x128xi32, #tpu.memory_space<vmem>>) target_semaphore(%run_scoped3A_714 : memref<!tpu.dma_semaphore, #tpu.memory_space<semaphore_mem>>)
        %dma_wait3A = arith.constant 0 : i32
        %dma_wait3A_731 = arith.constant 0 : i32
        %dma_wait3A_732 = tpu.memref_slice %arg8[%run_scoped3A_10, %dma_wait3A, %dma_wait3A_731] : memref<2x8x128xi32, #tpu.memory_space<vmem>> -> memref<1x8x128xi32, #tpu.memory_space<vmem>>
        %dma_wait3A_733 = tpu.memref_squeeze %dma_wait3A_732 : memref<1x8x128xi32, #tpu.memory_space<vmem>> -> memref<8x128xi32, #tpu.memory_space<vmem>>
        %dma_wait3A_734 = arith.constant 0 : i32
        %dma_wait3A_735 = arith.constant 0 : i32
        %dma_wait3A_736 = tpu.memref_slice %arg3[%arg1, %dma_wait3A_734, %dma_wait3A_735] : memref<16x512x128xi32, #tpu.memory_space<hbm>> -> memref<1x8x128xi32, #tpu.memory_space<hbm>>
        %dma_wait3A_737 = tpu.memref_squeeze %dma_wait3A_736 : memref<1x8x128xi32, #tpu.memory_space<hbm>> -> memref<8x128xi32, #tpu.memory_space<hbm>>
        %dma_wait3A_738 = arith.constant 0 : i32
        %dma_wait3A_739 = arith.constant 0 : i32
        %dma_wait3A_740 = tpu.memref_slice %arg8[%run_scoped3A_10, %dma_wait3A_738, %dma_wait3A_739] : memref<2x8x128xi32, #tpu.memory_space<vmem>> -> memref<1x8x128xi32, #tpu.memory_space<vmem>>
        %dma_wait3A_741 = tpu.memref_squeeze %dma_wait3A_740 : memref<1x8x128xi32, #tpu.memory_space<vmem>> -> memref<8x128xi32, #tpu.memory_space<vmem>>
        %dma_wait3A_742 = arith.constant 0 : i32
        %dma_wait3A_743 = arith.constant 0 : i32
        %dma_wait3A_744 = tpu.memref_slice %arg3[%arg1, %dma_wait3A_742, %dma_wait3A_743] : memref<16x512x128xi32, #tpu.memory_space<hbm>> -> memref<1x8x128xi32, #tpu.memory_space<hbm>>
        %dma_wait3A_745 = tpu.memref_squeeze %dma_wait3A_744 : memref<1x8x128xi32, #tpu.memory_space<hbm>> -> memref<8x128xi32, #tpu.memory_space<hbm>>
        tpu.wait_dma2 semaphore(%run_scoped3A_714 : memref<!tpu.dma_semaphore, #tpu.memory_space<semaphore_mem>>) src(%dma_wait3A_745 : memref<8x128xi32, #tpu.memory_space<hbm>>) dst(%dma_wait3A_741 : memref<8x128xi32, #tpu.memory_space<vmem>>)
        tpu.yield
      }) : () -> ()
      %get3A = arith.constant 0 : i32
      %get3A_11 = arith.constant 0 : i32
      %get3A_12 = arith.index_cast %get3A : i32 to index
      %get3A_13 = arith.index_cast %get3A_11 : i32 to index
      %get3A_14 = arith.constant 0 : index
      %get3A_15 = tpu.vector_load %arg7[%get3A_12, %get3A_13, %get3A_14] {strides = array<i32>} : memref<2x8x128xi32, #tpu.memory_space<vmem>>, vector<1x1x16xi32>,
      %get3A_16 = vector.shape_cast %get3A_15 : vector<1x1x16xi32> to vector<16xi32>
      %get3A_17 = arith.constant 0 : i32
      %get3A_18 = arith.constant 0 : i32
      %get3A_19 = arith.index_cast %get3A_17 : i32 to index
      %get3A_20 = arith.index_cast %get3A_18 : i32 to index
      %get3A_21 = arith.constant 0 : index
      %get3A_22 = tpu.vector_load %arg8[%get3A_19, %get3A_20, %get3A_21] {strides = array<i32>} : memref<2x8x128xi32, #tpu.memory_space<vmem>>, vector<1x1x16xi32>,
      %get3A_23 = vector.shape_cast %get3A_22 : vector<1x1x16xi32> to vector<16xi32>
      %ge3A = vector.broadcast %mul3A_9 : i32 to vector<16xi32>
      %ge3A_24 = arith.cmpi sge, %get3A_23, %ge3A : vector<16xi32>
      %add3A = arith.constant 25088 : i32
      %add3A_25 = arith.addi %mul3A_9, %add3A : i32
      %lt3A = vector.broadcast %add3A_25 : i32 to vector<16xi32>
      %lt3A_26 = arith.cmpi slt, %get3A_23, %lt3A : vector<16xi32>
      %and3A = arith.andi %ge3A_24, %lt3A_26 : vector<16xi1>
      %sub3A = vector.broadcast %mul3A_9 : i32 to vector<16xi32>
      %sub3A_27 = arith.subi %get3A_23, %sub3A : vector<16xi32>
      %iota3A = tpu.iota {dimensions = array<i32: 0>} : vector<16xi32>
      %add3A_28 = arith.constant 25088 : i32
      %add3A_29 = vector.broadcast %add3A_28 : i32 to vector<16xi32>
      %add3A_30 = arith.addi %add3A_29, %iota3A : vector<16xi32>
      %select_n3A = arith.select %and3A, %sub3A_27, %add3A_30 : vector<16xi1>, vector<16xi32>
      %add3A_31 = vector.broadcast %mul3A_2 : i32 to vector<16xi32>
      %add3A_32 = arith.addi %get3A_16, %add3A_31 : vector<16xi32>
      %swap3A = arith.constant 0 : i32
      %swap3A_33 = arith.index_cast %swap3A : i32 to index
      %swap3A_34 = arith.constant 0 : index
      %swap3A_35 = tpu.vector_load %arg9[%swap3A_33, %swap3A_34] {strides = array<i32>} : memref<2x128xi32, #tpu.memory_space<vmem>>, vector<1x16xi32>,
      %swap3A_36 = vector.shape_cast %swap3A_35 : vector<1x16xi32> to vector<16xi32>
      %swap3A_37 = vector.shape_cast %add3A_32 : vector<16xi32> to vector<1x16xi32>
      tpu.vector_store %arg9[%swap3A_33, %swap3A_34], %swap3A_37 {strides = array<i32>} : memref<2x128xi32, #tpu.memory_space<vmem>>, vector<1x16xi32>,
      %swap3A_38 = arith.constant 0 : i32
      %swap3A_39 = arith.index_cast %swap3A_38 : i32 to index
      %swap3A_40 = arith.constant 0 : index
      %swap3A_41 = tpu.vector_load %arg10[%swap3A_39, %swap3A_40] {strides = array<i32>} : memref<2x128xi32, #tpu.memory_space<vmem>>, vector<1x16xi32>,
      %swap3A_42 = vector.shape_cast %swap3A_41 : vector<1x16xi32> to vector<16xi32>
      %swap3A_43 = vector.shape_cast %select_n3A : vector<16xi32> to vector<1x16xi32>
      tpu.vector_store %arg10[%swap3A_39, %swap3A_40], %swap3A_43 {strides = array<i32>} : memref<2x128xi32, #tpu.memory_space<vmem>>, vector<1x16xi32>,
      %get3A_44 = arith.constant 0 : i32
      %get3A_45 = arith.constant 0 : i32
      %get3A_46 = arith.index_cast %get3A_44 : i32 to index
      %get3A_47 = arith.index_cast %get3A_45 : i32 to index
      %get3A_48 = arith.constant 16 : index
      %get3A_49 = tpu.vector_load %arg7[%get3A_46, %get3A_47, %get3A_48] {strides = array<i32>} : memref<2x8x128xi32, #tpu.memory_space<vmem>>, vector<1x1x16xi32>,
      %get3A_50 = vector.shape_cast %get3A_49 : vector<1x1x16xi32> to vector<16xi32>
      %get3A_51 = arith.constant 0 : i32
      %get3A_52 = arith.constant 0 : i32
      %get3A_53 = arith.index_cast %get3A_51 : i32 to index
      %get3A_54 = arith.index_cast %get3A_52 : i32 to index
      %get3A_55 = arith.constant 16 : index
      %get3A_56 = tpu.vector_load %arg8[%get3A_53, %get3A_54, %get3A_55] {strides = array<i32>} : memref<2x8x128xi32, #tpu.memory_space<vmem>>, vector<1x1x16xi32>,
      %get3A_57 = vector.shape_cast %get3A_56 : vector<1x1x16xi32> to vector<16xi32>
      %ge3A_58 = vector.broadcast %mul3A_9 : i32 to vector<16xi32>
      %ge3A_59 = arith.cmpi sge, %get3A_57, %ge3A_58 : vector<16xi32>
      %add3A_60 = arith.constant 25088 : i32
      %add3A_61 = arith.addi %mul3A_9, %add3A_60 : i32
      %lt3A_62 = vector.broadcast %add3A_61 : i32 to vector<16xi32>
      %lt3A_63 = arith.cmpi slt, %get3A_57, %lt3A_62 : vector<16xi32>
      %and3A_64 = arith.andi %ge3A_59, %lt3A_63 : vector<16xi1>
      %sub3A_65 = vector.broadcast %mul3A_9 : i32 to vector<16xi32>
      %sub3A_66 = arith.subi %get3A_57, %sub3A_65 : vector<16xi32>
      %iota3A_67 = tpu.iota {dimensions = array<i32: 0>} : vector<16xi32>
      %add3A_68 = arith.constant 25104 : i32
      %add3A_69 = vector.broadcast %add3A_68 : i32 to vector<16xi32>
      %add3A_70 = arith.addi %add3A_69, %iota3A_67 : vector<16xi32>
      %select_n3A_71 = arith.select %and3A_64, %sub3A_66, %add3A_70 : vector<16xi1>, vector<16xi32>
      %add3A_72 = vector.broadcast %mul3A_2 : i32 to vector<16xi32>
      %add3A_73 = arith.addi %get3A_50, %add3A_72 : vector<16xi32>
      %swap3A_74 = arith.constant 0 : i32
      %swap3A_75 = arith.index_cast %swap3A_74 : i32 to index
      %swap3A_76 = arith.constant 16 : index
      %swap3A_77 = tpu.vector_load %arg9[%swap3A_75, %swap3A_76] {strides = array<i32>} : memref<2x128xi32, #tpu.memory_space<vmem>>, vector<1x16xi32>,
      %swap3A_78 = vector.shape_cast %swap3A_77 : vector<1x16xi32> to vector<16xi32>
      %swap3A_79 = vector.shape_cast %add3A_73 : vector<16xi32> to vector<1x16xi32>
      tpu.vector_store %arg9[%swap3A_75, %swap3A_76], %swap3A_79 {strides = array<i32>} : memref<2x128xi32, #tpu.memory_space<vmem>>, vector<1x16xi32>,
      %swap3A_80 = arith.constant 0 : i32
      %swap3A_81 = arith.index_cast %swap3A_80 : i32 to index
      %swap3A_82 = arith.constant 16 : index
      %swap3A_83 = tpu.vector_load %arg10[%swap3A_81, %swap3A_82] {strides = array<i32>} : memref<2x128xi32, #tpu.memory_space<vmem>>, vector<1x16xi32>,
      %swap3A_84 = vector.shape_cast %swap3A_83 : vector<1x16xi32> to vector<16xi32>
      %swap3A_85 = vector.shape_cast %select_n3A_71 : vector<16xi32> to vector<1x16xi32>
      tpu.vector_store %arg10[%swap3A_81, %swap3A_82], %swap3A_85 {strides = array<i32>} : memref<2x128xi32, #tpu.memory_space<vmem>>, vector<1x16xi32>,
      %get3A_86 = arith.constant 0 : i32
      %get3A_87 = arith.constant 0 : i32
      %get3A_88 = arith.index_cast %get3A_86 : i32 to index
      %get3A_89 = arith.index_cast %get3A_87 : i32 to index
      %get3A_90 = arith.constant 32 : index
      %get3A_91 = tpu.vector_load %arg7[%get3A_88, %get3A_89, %get3A_90] {strides = array<i32>} : memref<2x8x128xi32, #tpu.memory_space<vmem>>, vector<1x1x16xi32>,
      %get3A_92 = vector.shape_cast %get3A_91 : vector<1x1x16xi32> to vector<16xi32>
      %get3A_93 = arith.constant 0 : i32
      %get3A_94 = arith.constant 0 : i32
      %get3A_95 = arith.index_cast %get3A_93 : i32 to index
      %get3A_96 = arith.index_cast %get3A_94 : i32 to index
      %get3A_97 = arith.constant 32 : index
      %get3A_98 = tpu.vector_load %arg8[%get3A_95, %get3A_96, %get3A_97] {strides = array<i32>} : memref<2x8x128xi32, #tpu.memory_space<vmem>>, vector<1x1x16xi32>,
      %get3A_99 = vector.shape_cast %get3A_98 : vector<1x1x16xi32> to vector<16xi32>
      %ge3A_100 = vector.broadcast %mul3A_9 : i32 to vector<16xi32>
      %ge3A_101 = arith.cmpi sge, %get3A_99, %ge3A_100 : vector<16xi32>
      %add3A_102 = arith.constant 25088 : i32
      %add3A_103 = arith.addi %mul3A_9, %add3A_102 : i32
      %lt3A_104 = vector.broadcast %add3A_103 : i32 to vector<16xi32>
      %lt3A_105 = arith.cmpi slt, %get3A_99, %lt3A_104 : vector<16xi32>
      %and3A_106 = arith.andi %ge3A_101, %lt3A_105 : vector<16xi1>
      %sub3A_107 = vector.broadcast %mul3A_9 : i32 to vector<16xi32>
      %sub3A_108 = arith.subi %get3A_99, %sub3A_107 : vector<16xi32>
      %iota3A_109 = tpu.iota {dimensions = array<i32: 0>} : vector<16xi32>
      %add3A_110 = arith.constant 25120 : i32
      %add3A_111 = vector.broadcast %add3A_110 : i32 to vector<16xi32>
      %add3A_112 = arith.addi %add3A_111, %iota3A_109 : vector<16xi32>
      %select_n3A_113 = arith.select %and3A_106, %sub3A_108, %add3A_112 : vector<16xi1>, vector<16xi32>
      %add3A_114 = vector.broadcast %mul3A_2 : i32 to vector<16xi32>
      %add3A_115 = arith.addi %get3A_92, %add3A_114 : vector<16xi32>
      %swap3A_116 = arith.constant 0 : i32
      %swap3A_117 = arith.index_cast %swap3A_116 : i32 to index
      %swap3A_118 = arith.constant 32 : index
      %swap3A_119 = tpu.vector_load %arg9[%swap3A_117, %swap3A_118] {strides = array<i32>} : memref<2x128xi32, #tpu.memory_space<vmem>>, vector<1x16xi32>,
      %swap3A_120 = vector.shape_cast %swap3A_119 : vector<1x16xi32> to vector<16xi32>
      %swap3A_121 = vector.shape_cast %add3A_115 : vector<16xi32> to vector<1x16xi32>
      tpu.vector_store %arg9[%swap3A_117, %swap3A_118], %swap3A_121 {strides = array<i32>} : memref<2x128xi32, #tpu.memory_space<vmem>>, vector<1x16xi32>,
      %swap3A_122 = arith.constant 0 : i32
      %swap3A_123 = arith.index_cast %swap3A_122 : i32 to index
      %swap3A_124 = arith.constant 32 : index
      %swap3A_125 = tpu.vector_load %arg10[%swap3A_123, %swap3A_124] {strides = array<i32>} : memref<2x128xi32, #tpu.memory_space<vmem>>, vector<1x16xi32>,
      %swap3A_126 = vector.shape_cast %swap3A_125 : vector<1x16xi32> to vector<16xi32>
      %swap3A_127 = vector.shape_cast %select_n3A_113 : vector<16xi32> to vector<1x16xi32>
      tpu.vector_store %arg10[%swap3A_123, %swap3A_124], %swap3A_127 {strides = array<i32>} : memref<2x128xi32, #tpu.memory_space<vmem>>, vector<1x16xi32>,
      %get3A_128 = arith.constant 0 : i32
      %get3A_129 = arith.constant 0 : i32
      %get3A_130 = arith.index_cast %get3A_128 : i32 to index
      %get3A_131 = arith.index_cast %get3A_129 : i32 to index
      %get3A_132 = arith.constant 48 : index
      %get3A_133 = tpu.vector_load %arg7[%get3A_130, %get3A_131, %get3A_132] {strides = array<i32>} : memref<2x8x128xi32, #tpu.memory_space<vmem>>, vector<1x1x16xi32>,
      %get3A_134 = vector.shape_cast %get3A_133 : vector<1x1x16xi32> to vector<16xi32>
      %get3A_135 = arith.constant 0 : i32
      %get3A_136 = arith.constant 0 : i32
      %get3A_137 = arith.index_cast %get3A_135 : i32 to index
      %get3A_138 = arith.index_cast %get3A_136 : i32 to index
      %get3A_139 = arith.constant 48 : index
      %get3A_140 = tpu.vector_load %arg8[%get3A_137, %get3A_138, %get3A_139] {strides = array<i32>} : memref<2x8x128xi32, #tpu.memory_space<vmem>>, vector<1x1x16xi32>,
      %get3A_141 = vector.shape_cast %get3A_140 : vector<1x1x16xi32> to vector<16xi32>
      %ge3A_142 = vector.broadcast %mul3A_9 : i32 to vector<16xi32>
      %ge3A_143 = arith.cmpi sge, %get3A_141, %ge3A_142 : vector<16xi32>
      %add3A_144 = arith.constant 25088 : i32
      %add3A_145 = arith.addi %mul3A_9, %add3A_144 : i32
      %lt3A_146 = vector.broadcast %add3A_145 : i32 to vector<16xi32>
      %lt3A_147 = arith.cmpi slt, %get3A_141, %lt3A_146 : vector<16xi32>
      %and3A_148 = arith.andi %ge3A_143, %lt3A_147 : vector<16xi1>
      %sub3A_149 = vector.broadcast %mul3A_9 : i32 to vector<16xi32>
      %sub3A_150 = arith.subi %get3A_141, %sub3A_149 : vector<16xi32>
      %iota3A_151 = tpu.iota {dimensions = array<i32: 0>} : vector<16xi32>
      %add3A_152 = arith.constant 25136 : i32
      %add3A_153 = vector.broadcast %add3A_152 : i32 to vector<16xi32>
      %add3A_154 = arith.addi %add3A_153, %iota3A_151 : vector<16xi32>
      %select_n3A_155 = arith.select %and3A_148, %sub3A_150, %add3A_154 : vector<16xi1>, vector<16xi32>
      %add3A_156 = vector.broadcast %mul3A_2 : i32 to vector<16xi32>
      %add3A_157 = arith.addi %get3A_134, %add3A_156 : vector<16xi32>
      %swap3A_158 = arith.constant 0 : i32
      %swap3A_159 = arith.index_cast %swap3A_158 : i32 to index
      %swap3A_160 = arith.constant 48 : index
      %swap3A_161 = tpu.vector_load %arg9[%swap3A_159, %swap3A_160] {strides = array<i32>} : memref<2x128xi32, #tpu.memory_space<vmem>>, vector<1x16xi32>,
      %swap3A_162 = vector.shape_cast %swap3A_161 : vector<1x16xi32> to vector<16xi32>
      %swap3A_163 = vector.shape_cast %add3A_157 : vector<16xi32> to vector<1x16xi32>
      tpu.vector_store %arg9[%swap3A_159, %swap3A_160], %swap3A_163 {strides = array<i32>} : memref<2x128xi32, #tpu.memory_space<vmem>>, vector<1x16xi32>,
      %swap3A_164 = arith.constant 0 : i32
      %swap3A_165 = arith.index_cast %swap3A_164 : i32 to index
      %swap3A_166 = arith.constant 48 : index
      %swap3A_167 = tpu.vector_load %arg10[%swap3A_165, %swap3A_166] {strides = array<i32>} : memref<2x128xi32, #tpu.memory_space<vmem>>, vector<1x16xi32>,
      %swap3A_168 = vector.shape_cast %swap3A_167 : vector<1x16xi32> to vector<16xi32>
      %swap3A_169 = vector.shape_cast %select_n3A_155 : vector<16xi32> to vector<1x16xi32>
      tpu.vector_store %arg10[%swap3A_165, %swap3A_166], %swap3A_169 {strides = array<i32>} : memref<2x128xi32, #tpu.memory_space<vmem>>, vector<1x16xi32>,
      %get3A_170 = arith.constant 0 : i32
      %get3A_171 = arith.constant 0 : i32
      %get3A_172 = arith.index_cast %get3A_170 : i32 to index
      %get3A_173 = arith.index_cast %get3A_171 : i32 to index
      %get3A_174 = arith.constant 64 : index
      %get3A_175 = tpu.vector_load %arg7[%get3A_172, %get3A_173, %get3A_174] {strides = array<i32>} : memref<2x8x128xi32, #tpu.memory_space<vmem>>, vector<1x1x16xi32>,
      %get3A_176 = vector.shape_cast %get3A_175 : vector<1x1x16xi32> to vector<16xi32>
      %get3A_177 = arith.constant 0 : i32
      %get3A_178 = arith.constant 0 : i32
      %get3A_179 = arith.index_cast %get3A_177 : i32 to index
      %get3A_180 = arith.index_cast %get3A_178 : i32 to index
      %get3A_181 = arith.constant 64 : index
      %get3A_182 = tpu.vector_load %arg8[%get3A_179, %get3A_180, %get3A_181] {strides = array<i32>} : memref<2x8x128xi32, #tpu.memory_space<vmem>>, vector<1x1x16xi32>,
      %get3A_183 = vector.shape_cast %get3A_182 : vector<1x1x16xi32> to vector<16xi32>
      %ge3A_184 = vector.broadcast %mul3A_9 : i32 to vector<16xi32>
      %ge3A_185 = arith.cmpi sge, %get3A_183, %ge3A_184 : vector<16xi32>
      %add3A_186 = arith.constant 25088 : i32
      %add3A_187 = arith.addi %mul3A_9, %add3A_186 : i32
      %lt3A_188 = vector.broadcast %add3A_187 : i32 to vector<16xi32>
      %lt3A_189 = arith.cmpi slt, %get3A_183, %lt3A_188 : vector<16xi32>
      %and3A_190 = arith.andi %ge3A_185, %lt3A_189 : vector<16xi1>
      %sub3A_191 = vector.broadcast %mul3A_9 : i32 to vector<16xi32>
      %sub3A_192 = arith.subi %get3A_183, %sub3A_191 : vector<16xi32>
      %iota3A_193 = tpu.iota {dimensions = array<i32: 0>} : vector<16xi32>
      %add3A_194 = arith.constant 25152 : i32
      %add3A_195 = vector.broadcast %add3A_194 : i32 to vector<16xi32>
      %add3A_196 = arith.addi %add3A_195, %iota3A_193 : vector<16xi32>
      %select_n3A_197 = arith.select %and3A_190, %sub3A_192, %add3A_196 : vector<16xi1>, vector<16xi32>
      %add3A_198 = vector.broadcast %mul3A_2 : i32 to vector<16xi32>
      %add3A_199 = arith.addi %get3A_176, %add3A_198 : vector<16xi32>
      %swap3A_200 = arith.constant 0 : i32
      %swap3A_201 = arith.index_cast %swap3A_200 : i32 to index
      %swap3A_202 = arith.constant 64 : index
      %swap3A_203 = tpu.vector_load %arg9[%swap3A_201, %swap3A_202] {strides = array<i32>} : memref<2x128xi32, #tpu.memory_space<vmem>>, vector<1x16xi32>,
      %swap3A_204 = vector.shape_cast %swap3A_203 : vector<1x16xi32> to vector<16xi32>
      %swap3A_205 = vector.shape_cast %add3A_199 : vector<16xi32> to vector<1x16xi32>
      tpu.vector_store %arg9[%swap3A_201, %swap3A_202], %swap3A_205 {strides = array<i32>} : memref<2x128xi32, #tpu.memory_space<vmem>>, vector<1x16xi32>,
      %swap3A_206 = arith.constant 0 : i32
      %swap3A_207 = arith.index_cast %swap3A_206 : i32 to index
      %swap3A_208 = arith.constant 64 : index
      %swap3A_209 = tpu.vector_load %arg10[%swap3A_207, %swap3A_208] {strides = array<i32>} : memref<2x128xi32, #tpu.memory_space<vmem>>, vector<1x16xi32>,
      %swap3A_210 = vector.shape_cast %swap3A_209 : vector<1x16xi32> to vector<16xi32>
      %swap3A_211 = vector.shape_cast %select_n3A_197 : vector<16xi32> to vector<1x16xi32>
      tpu.vector_store %arg10[%swap3A_207, %swap3A_208], %swap3A_211 {strides = array<i32>} : memref<2x128xi32, #tpu.memory_space<vmem>>, vector<1x16xi32>,
      %get3A_212 = arith.constant 0 : i32
      %get3A_213 = arith.constant 0 : i32
      %get3A_214 = arith.index_cast %get3A_212 : i32 to index
      %get3A_215 = arith.index_cast %get3A_213 : i32 to index
      %get3A_216 = arith.constant 80 : index
      %get3A_217 = tpu.vector_load %arg7[%get3A_214, %get3A_215, %get3A_216] {strides = array<i32>} : memref<2x8x128xi32, #tpu.memory_space<vmem>>, vector<1x1x16xi32>,
      %get3A_218 = vector.shape_cast %get3A_217 : vector<1x1x16xi32> to vector<16xi32>
      %get3A_219 = arith.constant 0 : i32
      %get3A_220 = arith.constant 0 : i32
      %get3A_221 = arith.index_cast %get3A_219 : i32 to index
      %get3A_222 = arith.index_cast %get3A_220 : i32 to index
      %get3A_223 = arith.constant 80 : index
      %get3A_224 = tpu.vector_load %arg8[%get3A_221, %get3A_222, %get3A_223] {strides = array<i32>} : memref<2x8x128xi32, #tpu.memory_space<vmem>>, vector<1x1x16xi32>,
      %get3A_225 = vector.shape_cast %get3A_224 : vector<1x1x16xi32> to vector<16xi32>
      %ge3A_226 = vector.broadcast %mul3A_9 : i32 to vector<16xi32>
      %ge3A_227 = arith.cmpi sge, %get3A_225, %ge3A_226 : vector<16xi32>
      %add3A_228 = arith.constant 25088 : i32
      %add3A_229 = arith.addi %mul3A_9, %add3A_228 : i32
      %lt3A_230 = vector.broadcast %add3A_229 : i32 to vector<16xi32>
      %lt3A_231 = arith.cmpi slt, %get3A_225, %lt3A_230 : vector<16xi32>
      %and3A_232 = arith.andi %ge3A_227, %lt3A_231 : vector<16xi1>
      %sub3A_233 = vector.broadcast %mul3A_9 : i32 to vector<16xi32>
      %sub3A_234 = arith.subi %get3A_225, %sub3A_233 : vector<16xi32>
      %iota3A_235 = tpu.iota {dimensions = array<i32: 0>} : vector<16xi32>
      %add3A_236 = arith.constant 25168 : i32
      %add3A_237 = vector.broadcast %add3A_236 : i32 to vector<16xi32>
      %add3A_238 = arith.addi %add3A_237, %iota3A_235 : vector<16xi32>
      %select_n3A_239 = arith.select %and3A_232, %sub3A_234, %add3A_238 : vector<16xi1>, vector<16xi32>
      %add3A_240 = vector.broadcast %mul3A_2 : i32 to vector<16xi32>
      %add3A_241 = arith.addi %get3A_218, %add3A_240 : vector<16xi32>
      %swap3A_242 = arith.constant 0 : i32
      %swap3A_243 = arith.index_cast %swap3A_242 : i32 to index
      %swap3A_244 = arith.constant 80 : index
      %swap3A_245 = tpu.vector_load %arg9[%swap3A_243, %swap3A_244] {strides = array<i32>} : memref<2x128xi32, #tpu.memory_space<vmem>>, vector<1x16xi32>,
      %swap3A_246 = vector.shape_cast %swap3A_245 : vector<1x16xi32> to vector<16xi32>
      %swap3A_247 = vector.shape_cast %add3A_241 : vector<16xi32> to vector<1x16xi32>
      tpu.vector_store %arg9[%swap3A_243, %swap3A_244], %swap3A_247 {strides = array<i32>} : memref<2x128xi32, #tpu.memory_space<vmem>>, vector<1x16xi32>,
      %swap3A_248 = arith.constant 0 : i32
      %swap3A_249 = arith.index_cast %swap3A_248 : i32 to index
      %swap3A_250 = arith.constant 80 : index
      %swap3A_251 = tpu.vector_load %arg10[%swap3A_249, %swap3A_250] {strides = array<i32>} : memref<2x128xi32, #tpu.memory_space<vmem>>, vector<1x16xi32>,
      %swap3A_252 = vector.shape_cast %swap3A_251 : vector<1x16xi32> to vector<16xi32>
      %swap3A_253 = vector.shape_cast %select_n3A_239 : vector<16xi32> to vector<1x16xi32>
      tpu.vector_store %arg10[%swap3A_249, %swap3A_250], %swap3A_253 {strides = array<i32>} : memref<2x128xi32, #tpu.memory_space<vmem>>, vector<1x16xi32>,
      %get3A_254 = arith.constant 0 : i32
      %get3A_255 = arith.constant 0 : i32
      %get3A_256 = arith.index_cast %get3A_254 : i32 to index
      %get3A_257 = arith.index_cast %get3A_255 : i32 to index
      %get3A_258 = arith.constant 96 : index
      %get3A_259 = tpu.vector_load %arg7[%get3A_256, %get3A_257, %get3A_258] {strides = array<i32>} : memref<2x8x128xi32, #tpu.memory_space<vmem>>, vector<1x1x16xi32>,
      %get3A_260 = vector.shape_cast %get3A_259 : vector<1x1x16xi32> to vector<16xi32>
      %get3A_261 = arith.constant 0 : i32
      %get3A_262 = arith.constant 0 : i32
      %get3A_263 = arith.index_cast %get3A_261 : i32 to index
      %get3A_264 = arith.index_cast %get3A_262 : i32 to index
      %get3A_265 = arith.constant 96 : index
      %get3A_266 = tpu.vector_load %arg8[%get3A_263, %get3A_264, %get3A_265] {strides = array<i32>} : memref<2x8x128xi32, #tpu.memory_space<vmem>>, vector<1x1x16xi32>,
      %get3A_267 = vector.shape_cast %get3A_266 : vector<1x1x16xi32> to vector<16xi32>
      %ge3A_268 = vector.broadcast %mul3A_9 : i32 to vector<16xi32>
      %ge3A_269 = arith.cmpi sge, %get3A_267, %ge3A_268 : vector<16xi32>
      %add3A_270 = arith.constant 25088 : i32
      %add3A_271 = arith.addi %mul3A_9, %add3A_270 : i32
      %lt3A_272 = vector.broadcast %add3A_271 : i32 to vector<16xi32>
      %lt3A_273 = arith.cmpi slt, %get3A_267, %lt3A_272 : vector<16xi32>
      %and3A_274 = arith.andi %ge3A_269, %lt3A_273 : vector<16xi1>
      %sub3A_275 = vector.broadcast %mul3A_9 : i32 to vector<16xi32>
      %sub3A_276 = arith.subi %get3A_267, %sub3A_275 : vector<16xi32>
      %iota3A_277 = tpu.iota {dimensions = array<i32: 0>} : vector<16xi32>
      %add3A_278 = arith.constant 25184 : i32
      %add3A_279 = vector.broadcast %add3A_278 : i32 to vector<16xi32>
      %add3A_280 = arith.addi %add3A_279, %iota3A_277 : vector<16xi32>
      %select_n3A_281 = arith.select %and3A_274, %sub3A_276, %add3A_280 : vector<16xi1>, vector<16xi32>
      %add3A_282 = vector.broadcast %mul3A_2 : i32 to vector<16xi32>
      %add3A_283 = arith.addi %get3A_260, %add3A_282 : vector<16xi32>
      %swap3A_284 = arith.constant 0 : i32
      %swap3A_285 = arith.index_cast %swap3A_284 : i32 to index
      %swap3A_286 = arith.constant 96 : index
      %swap3A_287 = tpu.vector_load %arg9[%swap3A_285, %swap3A_286] {strides = array<i32>} : memref<2x128xi32, #tpu.memory_space<vmem>>, vector<1x16xi32>,
      %swap3A_288 = vector.shape_cast %swap3A_287 : vector<1x16xi32> to vector<16xi32>
      %swap3A_289 = vector.shape_cast %add3A_283 : vector<16xi32> to vector<1x16xi32>
      tpu.vector_store %arg9[%swap3A_285, %swap3A_286], %swap3A_289 {strides = array<i32>} : memref<2x128xi32, #tpu.memory_space<vmem>>, vector<1x16xi32>,
      %swap3A_290 = arith.constant 0 : i32
      %swap3A_291 = arith.index_cast %swap3A_290 : i32 to index
      %swap3A_292 = arith.constant 96 : index
      %swap3A_293 = tpu.vector_load %arg10[%swap3A_291, %swap3A_292] {strides = array<i32>} : memref<2x128xi32, #tpu.memory_space<vmem>>, vector<1x16xi32>,
      %swap3A_294 = vector.shape_cast %swap3A_293 : vector<1x16xi32> to vector<16xi32>
      %swap3A_295 = vector.shape_cast %select_n3A_281 : vector<16xi32> to vector<1x16xi32>
      tpu.vector_store %arg10[%swap3A_291, %swap3A_292], %swap3A_295 {strides = array<i32>} : memref<2x128xi32, #tpu.memory_space<vmem>>, vector<1x16xi32>,
      %get3A_296 = arith.constant 0 : i32
      %get3A_297 = arith.constant 0 : i32
      %get3A_298 = arith.index_cast %get3A_296 : i32 to index
      %get3A_299 = arith.index_cast %get3A_297 : i32 to index
      %get3A_300 = arith.constant 112 : index
      %get3A_301 = tpu.vector_load %arg7[%get3A_298, %get3A_299, %get3A_300] {strides = array<i32>} : memref<2x8x128xi32, #tpu.memory_space<vmem>>, vector<1x1x16xi32>,
      %get3A_302 = vector.shape_cast %get3A_301 : vector<1x1x16xi32> to vector<16xi32>
      %get3A_303 = arith.constant 0 : i32
      %get3A_304 = arith.constant 0 : i32
      %get3A_305 = arith.index_cast %get3A_303 : i32 to index
      %get3A_306 = arith.index_cast %get3A_304 : i32 to index
      %get3A_307 = arith.constant 112 : index
      %get3A_308 = tpu.vector_load %arg8[%get3A_305, %get3A_306, %get3A_307] {strides = array<i32>} : memref<2x8x128xi32, #tpu.memory_space<vmem>>, vector<1x1x16xi32>,
      %get3A_309 = vector.shape_cast %get3A_308 : vector<1x1x16xi32> to vector<16xi32>
      %ge3A_310 = vector.broadcast %mul3A_9 : i32 to vector<16xi32>
      %ge3A_311 = arith.cmpi sge, %get3A_309, %ge3A_310 : vector<16xi32>
      %add3A_312 = arith.constant 25088 : i32
      %add3A_313 = arith.addi %mul3A_9, %add3A_312 : i32
      %lt3A_314 = vector.broadcast %add3A_313 : i32 to vector<16xi32>
      %lt3A_315 = arith.cmpi slt, %get3A_309, %lt3A_314 : vector<16xi32>
      %and3A_316 = arith.andi %ge3A_311, %lt3A_315 : vector<16xi1>
      %sub3A_317 = vector.broadcast %mul3A_9 : i32 to vector<16xi32>
      %sub3A_318 = arith.subi %get3A_309, %sub3A_317 : vector<16xi32>
      %iota3A_319 = tpu.iota {dimensions = array<i32: 0>} : vector<16xi32>
      %add3A_320 = arith.constant 25200 : i32
      %add3A_321 = vector.broadcast %add3A_320 : i32 to vector<16xi32>
      %add3A_322 = arith.addi %add3A_321, %iota3A_319 : vector<16xi32>
      %select_n3A_323 = arith.select %and3A_316, %sub3A_318, %add3A_322 : vector<16xi1>, vector<16xi32>
      %add3A_324 = vector.broadcast %mul3A_2 : i32 to vector<16xi32>
      %add3A_325 = arith.addi %get3A_302, %add3A_324 : vector<16xi32>
      %swap3A_326 = arith.constant 0 : i32
      %swap3A_327 = arith.index_cast %swap3A_326 : i32 to index
      %swap3A_328 = arith.constant 112 : index
      %swap3A_329 = tpu.vector_load %arg9[%swap3A_327, %swap3A_328] {strides = array<i32>} : memref<2x128xi32, #tpu.memory_space<vmem>>, vector<1x16xi32>,
      %swap3A_330 = vector.shape_cast %swap3A_329 : vector<1x16xi32> to vector<16xi32>
      %swap3A_331 = vector.shape_cast %add3A_325 : vector<16xi32> to vector<1x16xi32>
      tpu.vector_store %arg9[%swap3A_327, %swap3A_328], %swap3A_331 {strides = array<i32>} : memref<2x128xi32, #tpu.memory_space<vmem>>, vector<1x16xi32>,
      %swap3A_332 = arith.constant 0 : i32
      %swap3A_333 = arith.index_cast %swap3A_332 : i32 to index
      %swap3A_334 = arith.constant 112 : index
      %swap3A_335 = tpu.vector_load %arg10[%swap3A_333, %swap3A_334] {strides = array<i32>} : memref<2x128xi32, #tpu.memory_space<vmem>>, vector<1x16xi32>,
      %swap3A_336 = vector.shape_cast %swap3A_335 : vector<1x16xi32> to vector<16xi32>
      %swap3A_337 = vector.shape_cast %select_n3A_323 : vector<16xi32> to vector<1x16xi32>
      tpu.vector_store %arg10[%swap3A_333, %swap3A_334], %swap3A_337 {strides = array<i32>} : memref<2x128xi32, #tpu.memory_space<vmem>>, vector<1x16xi32>,
      %dma_start3A = arith.constant 0 : i32
      %dma_start3A_338 = arith.constant 0 : i32
      %dma_start3A_339 = arith.constant 0 : i32
      %dma_start3A_340 = arith.constant 0 : i32
      %dma_start3A_341 = arith.constant 0 : i32
      %dma_start3A_342 = tpu.memref_slice %arg11[%dma_start3A_338, %dma_start3A_340, %dma_start3A_341] : memref<2x128x64xf32, #tpu.memory_space<vmem>> -> memref<1x128x64xf32, #tpu.memory_space<vmem>>
      %dma_start3A_343 = tpu.memref_squeeze %dma_start3A_342 : memref<1x128x64xf32, #tpu.memory_space<vmem>> -> memref<128x64xf32, #tpu.memory_space<vmem>>
      %dma_start3A_344 = arith.constant 0 : i32
      %dma_start3A_345 = tpu.memref_slice %arg9[%dma_start3A, %dma_start3A_344] : memref<2x128xi32, #tpu.memory_space<vmem>> -> memref<1x128xi32, #tpu.memory_space<vmem>>
      %dma_start3A_346 = tpu.memref_squeeze %dma_start3A_345 : memref<1x128xi32, #tpu.memory_space<vmem>> -> memref<128xi32, #tpu.memory_space<vmem>>
      %dma_start3A_347 = arith.constant 0 : i32
      %dma_start3A_348 = arith.constant 0 : i32
      %dma_start3A_349 = tpu.memref_slice %arg5[%dma_start3A_347, %dma_start3A_348] : memref<108000x64xf32, #tpu.memory_space<hbm>> -> memref<108000x64xf32, #tpu.memory_space<hbm>>
      %dma_start3A_350 = tpu.memref_slice %arg12[%dma_start3A_339] : memref<2x!tpu.dma_semaphore, #tpu.memory_space<semaphore_mem>> -> memref<1x!tpu.dma_semaphore, #tpu.memory_space<semaphore_mem>>
      %dma_start3A_351 = tpu.memref_squeeze %dma_start3A_350 : memref<1x!tpu.dma_semaphore, #tpu.memory_space<semaphore_mem>> -> memref<!tpu.dma_semaphore, #tpu.memory_space<semaphore_mem>>
      tpu.enqueue_indirect_dma source(%dma_start3A_349 : memref<108000x64xf32, #tpu.memory_space<hbm>>) target(%dma_start3A_343 : memref<128x64xf32, #tpu.memory_space<vmem>>) offsets(%dma_start3A_346 : memref<128xi32, #tpu.memory_space<vmem>>) semaphore(%dma_start3A_351 : memref<!tpu.dma_semaphore, #tpu.memory_space<semaphore_mem>>)
      %get3A_352 = arith.constant 0 : i32
      %get3A_353 = arith.constant 1 : i32
      %get3A_354 = arith.index_cast %get3A_352 : i32 to index
      %get3A_355 = arith.index_cast %get3A_353 : i32 to index
      %get3A_356 = arith.constant 0 : index
      %get3A_357 = tpu.vector_load %arg7[%get3A_354, %get3A_355, %get3A_356] {strides = array<i32>} : memref<2x8x128xi32, #tpu.memory_space<vmem>>, vector<1x1x16xi32>,
      %get3A_358 = vector.shape_cast %get3A_357 : vector<1x1x16xi32> to vector<16xi32>
      %get3A_359 = arith.constant 0 : i32
      %get3A_360 = arith.constant 1 : i32
      %get3A_361 = arith.index_cast %get3A_359 : i32 to index
      %get3A_362 = arith.index_cast %get3A_360 : i32 to index
      %get3A_363 = arith.constant 0 : index
      %get3A_364 = tpu.vector_load %arg8[%get3A_361, %get3A_362, %get3A_363] {strides = array<i32>} : memref<2x8x128xi32, #tpu.memory_space<vmem>>, vector<1x1x16xi32>,
      %get3A_365 = vector.shape_cast %get3A_364 : vector<1x1x16xi32> to vector<16xi32>
      %ge3A_366 = vector.broadcast %mul3A_9 : i32 to vector<16xi32>
      %ge3A_367 = arith.cmpi sge, %get3A_365, %ge3A_366 : vector<16xi32>
      %add3A_368 = arith.constant 25088 : i32
      %add3A_369 = arith.addi %mul3A_9, %add3A_368 : i32
      %lt3A_370 = vector.broadcast %add3A_369 : i32 to vector<16xi32>
      %lt3A_371 = arith.cmpi slt, %get3A_365, %lt3A_370 : vector<16xi32>
      %and3A_372 = arith.andi %ge3A_367, %lt3A_371 : vector<16xi1>
      %sub3A_373 = vector.broadcast %mul3A_9 : i32 to vector<16xi32>
      %sub3A_374 = arith.subi %get3A_365, %sub3A_373 : vector<16xi32>
      %iota3A_375 = tpu.iota {dimensions = array<i32: 0>} : vector<16xi32>
      %add3A_376 = arith.constant 25088 : i32
      %add3A_377 = vector.broadcast %add3A_376 : i32 to vector<16xi32>
      %add3A_378 = arith.addi %add3A_377, %iota3A_375 : vector<16xi32>
      %select_n3A_379 = arith.select %and3A_372, %sub3A_374, %add3A_378 : vector<16xi1>, vector<16xi32>
      %add3A_380 = vector.broadcast %mul3A_2 : i32 to vector<16xi32>
      %add3A_381 = arith.addi %get3A_358, %add3A_380 : vector<16xi32>
      %swap3A_382 = arith.constant 1 : i32
      %swap3A_383 = arith.index_cast %swap3A_382 : i32 to index
      %swap3A_384 = arith.constant 0 : index
      %swap3A_385 = tpu.vector_load %arg9[%swap3A_383, %swap3A_384] {strides = array<i32>} : memref<2x128xi32, #tpu.memory_space<vmem>>, vector<1x16xi32>,
      %swap3A_386 = vector.shape_cast %swap3A_385 : vector<1x16xi32> to vector<16xi32>
      %swap3A_387 = vector.shape_cast %add3A_381 : vector<16xi32> to vector<1x16xi32>
      tpu.vector_store %arg9[%swap3A_383, %swap3A_384], %swap3A_387 {strides = array<i32>} : memref<2x128xi32, #tpu.memory_space<vmem>>, vector<1x16xi32>,
      %swap3A_388 = arith.constant 1 : i32
      %swap3A_389 = arith.index_cast %swap3A_388 : i32 to index
      %swap3A_390 = arith.constant 0 : index
      %swap3A_391 = tpu.vector_load %arg10[%swap3A_389, %swap3A_390] {strides = array<i32>} : memref<2x128xi32, #tpu.memory_space<vmem>>, vector<1x16xi32>,
      %swap3A_392 = vector.shape_cast %swap3A_391 : vector<1x16xi32> to vector<16xi32>
      %swap3A_393 = vector.shape_cast %select_n3A_379 : vector<16xi32> to vector<1x16xi32>
      tpu.vector_store %arg10[%swap3A_389, %swap3A_390], %swap3A_393 {strides = array<i32>} : memref<2x128xi32, #tpu.memory_space<vmem>>, vector<1x16xi32>,
      %get3A_394 = arith.constant 0 : i32
      %get3A_395 = arith.constant 1 : i32
      %get3A_396 = arith.index_cast %get3A_394 : i32 to index
      %get3A_397 = arith.index_cast %get3A_395 : i32 to index
      %get3A_398 = arith.constant 16 : index
      %get3A_399 = tpu.vector_load %arg7[%get3A_396, %get3A_397, %get3A_398] {strides = array<i32>} : memref<2x8x128xi32, #tpu.memory_space<vmem>>, vector<1x1x16xi32>,
      %get3A_400 = vector.shape_cast %get3A_399 : vector<1x1x16xi32> to vector<16xi32>
      %get3A_401 = arith.constant 0 : i32
      %get3A_402 = arith.constant 1 : i32
      %get3A_403 = arith.index_cast %get3A_401 : i32 to index
      %get3A_404 = arith.index_cast %get3A_402 : i32 to index
      %get3A_405 = arith.constant 16 : index
      %get3A_406 = tpu.vector_load %arg8[%get3A_403, %get3A_404, %get3A_405] {strides = array<i32>} : memref<2x8x128xi32, #tpu.memory_space<vmem>>, vector<1x1x16xi32>,
      %get3A_407 = vector.shape_cast %get3A_406 : vector<1x1x16xi32> to vector<16xi32>
      %ge3A_408 = vector.broadcast %mul3A_9 : i32 to vector<16xi32>
      %ge3A_409 = arith.cmpi sge, %get3A_407, %ge3A_408 : vector<16xi32>
      %add3A_410 = arith.constant 25088 : i32
      %add3A_411 = arith.addi %mul3A_9, %add3A_410 : i32
      %lt3A_412 = vector.broadcast %add3A_411 : i32 to vector<16xi32>
      %lt3A_413 = arith.cmpi slt, %get3A_407, %lt3A_412 : vector<16xi32>
      %and3A_414 = arith.andi %ge3A_409, %lt3A_413 : vector<16xi1>
      %sub3A_415 = vector.broadcast %mul3A_9 : i32 to vector<16xi32>
      %sub3A_416 = arith.subi %get3A_407, %sub3A_415 : vector<16xi32>
      %iota3A_417 = tpu.iota {dimensions = array<i32: 0>} : vector<16xi32>
      %add3A_418 = arith.constant 25104 : i32
      %add3A_419 = vector.broadcast %add3A_418 : i32 to vector<16xi32>
      %add3A_420 = arith.addi %add3A_419, %iota3A_417 : vector<16xi32>
      %select_n3A_421 = arith.select %and3A_414, %sub3A_416, %add3A_420 : vector<16xi1>, vector<16xi32>
      %add3A_422 = vector.broadcast %mul3A_2 : i32 to vector<16xi32>
      %add3A_423 = arith.addi %get3A_400, %add3A_422 : vector<16xi32>
      %swap3A_424 = arith.constant 1 : i32
      %swap3A_425 = arith.index_cast %swap3A_424 : i32 to index
      %swap3A_426 = arith.constant 16 : index
      %swap3A_427 = tpu.vector_load %arg9[%swap3A_425, %swap3A_426] {strides = array<i32>} : memref<2x128xi32, #tpu.memory_space<vmem>>, vector<1x16xi32>,
      %swap3A_428 = vector.shape_cast %swap3A_427 : vector<1x16xi32> to vector<16xi32>
      %swap3A_429 = vector.shape_cast %add3A_423 : vector<16xi32> to vector<1x16xi32>
      tpu.vector_store %arg9[%swap3A_425, %swap3A_426], %swap3A_429 {strides = array<i32>} : memref<2x128xi32, #tpu.memory_space<vmem>>, vector<1x16xi32>,
      %swap3A_430 = arith.constant 1 : i32
      %swap3A_431 = arith.index_cast %swap3A_430 : i32 to index
      %swap3A_432 = arith.constant 16 : index
      %swap3A_433 = tpu.vector_load %arg10[%swap3A_431, %swap3A_432] {strides = array<i32>} : memref<2x128xi32, #tpu.memory_space<vmem>>, vector<1x16xi32>,
      %swap3A_434 = vector.shape_cast %swap3A_433 : vector<1x16xi32> to vector<16xi32>
      %swap3A_435 = vector.shape_cast %select_n3A_421 : vector<16xi32> to vector<1x16xi32>
      tpu.vector_store %arg10[%swap3A_431, %swap3A_432], %swap3A_435 {strides = array<i32>} : memref<2x128xi32, #tpu.memory_space<vmem>>, vector<1x16xi32>,
      %get3A_436 = arith.constant 0 : i32
      %get3A_437 = arith.constant 1 : i32
      %get3A_438 = arith.index_cast %get3A_436 : i32 to index
      %get3A_439 = arith.index_cast %get3A_437 : i32 to index
      %get3A_440 = arith.constant 32 : index
      %get3A_441 = tpu.vector_load %arg7[%get3A_438, %get3A_439, %get3A_440] {strides = array<i32>} : memref<2x8x128xi32, #tpu.memory_space<vmem>>, vector<1x1x16xi32>,
      %get3A_442 = vector.shape_cast %get3A_441 : vector<1x1x16xi32> to vector<16xi32>
      %get3A_443 = arith.constant 0 : i32
      %get3A_444 = arith.constant 1 : i32
      %get3A_445 = arith.index_cast %get3A_443 : i32 to index
      %get3A_446 = arith.index_cast %get3A_444 : i32 to index
      %get3A_447 = arith.constant 32 : index
      %get3A_448 = tpu.vector_load %arg8[%get3A_445, %get3A_446, %get3A_447] {strides = array<i32>} : memref<2x8x128xi32, #tpu.memory_space<vmem>>, vector<1x1x16xi32>,
      %get3A_449 = vector.shape_cast %get3A_448 : vector<1x1x16xi32> to vector<16xi32>
      %ge3A_450 = vector.broadcast %mul3A_9 : i32 to vector<16xi32>
      %ge3A_451 = arith.cmpi sge, %get3A_449, %ge3A_450 : vector<16xi32>
      %add3A_452 = arith.constant 25088 : i32
      %add3A_453 = arith.addi %mul3A_9, %add3A_452 : i32
      %lt3A_454 = vector.broadcast %add3A_453 : i32 to vector<16xi32>
      %lt3A_455 = arith.cmpi slt, %get3A_449, %lt3A_454 : vector<16xi32>
      %and3A_456 = arith.andi %ge3A_451, %lt3A_455 : vector<16xi1>
      %sub3A_457 = vector.broadcast %mul3A_9 : i32 to vector<16xi32>
      %sub3A_458 = arith.subi %get3A_449, %sub3A_457 : vector<16xi32>
      %iota3A_459 = tpu.iota {dimensions = array<i32: 0>} : vector<16xi32>
      %add3A_460 = arith.constant 25120 : i32
      %add3A_461 = vector.broadcast %add3A_460 : i32 to vector<16xi32>
      %add3A_462 = arith.addi %add3A_461, %iota3A_459 : vector<16xi32>
      %select_n3A_463 = arith.select %and3A_456, %sub3A_458, %add3A_462 : vector<16xi1>, vector<16xi32>
      %add3A_464 = vector.broadcast %mul3A_2 : i32 to vector<16xi32>
      %add3A_465 = arith.addi %get3A_442, %add3A_464 : vector<16xi32>
      %swap3A_466 = arith.constant 1 : i32
      %swap3A_467 = arith.index_cast %swap3A_466 : i32 to index
      %swap3A_468 = arith.constant 32 : index
      %swap3A_469 = tpu.vector_load %arg9[%swap3A_467, %swap3A_468] {strides = array<i32>} : memref<2x128xi32, #tpu.memory_space<vmem>>, vector<1x16xi32>,
      %swap3A_470 = vector.shape_cast %swap3A_469 : vector<1x16xi32> to vector<16xi32>
      %swap3A_471 = vector.shape_cast %add3A_465 : vector<16xi32> to vector<1x16xi32>
      tpu.vector_store %arg9[%swap3A_467, %swap3A_468], %swap3A_471 {strides = array<i32>} : memref<2x128xi32, #tpu.memory_space<vmem>>, vector<1x16xi32>,
      %swap3A_472 = arith.constant 1 : i32
      %swap3A_473 = arith.index_cast %swap3A_472 : i32 to index
      %swap3A_474 = arith.constant 32 : index
      %swap3A_475 = tpu.vector_load %arg10[%swap3A_473, %swap3A_474] {strides = array<i32>} : memref<2x128xi32, #tpu.memory_space<vmem>>, vector<1x16xi32>,
      %swap3A_476 = vector.shape_cast %swap3A_475 : vector<1x16xi32> to vector<16xi32>
      %swap3A_477 = vector.shape_cast %select_n3A_463 : vector<16xi32> to vector<1x16xi32>
      tpu.vector_store %arg10[%swap3A_473, %swap3A_474], %swap3A_477 {strides = array<i32>} : memref<2x128xi32, #tpu.memory_space<vmem>>, vector<1x16xi32>,
      %get3A_478 = arith.constant 0 : i32
      %get3A_479 = arith.constant 1 : i32
      %get3A_480 = arith.index_cast %get3A_478 : i32 to index
      %get3A_481 = arith.index_cast %get3A_479 : i32 to index
      %get3A_482 = arith.constant 48 : index
      %get3A_483 = tpu.vector_load %arg7[%get3A_480, %get3A_481, %get3A_482] {strides = array<i32>} : memref<2x8x128xi32, #tpu.memory_space<vmem>>, vector<1x1x16xi32>,
      %get3A_484 = vector.shape_cast %get3A_483 : vector<1x1x16xi32> to vector<16xi32>
      %get3A_485 = arith.constant 0 : i32
      %get3A_486 = arith.constant 1 : i32
      %get3A_487 = arith.index_cast %get3A_485 : i32 to index
      %get3A_488 = arith.index_cast %get3A_486 : i32 to index
      %get3A_489 = arith.constant 48 : index
      %get3A_490 = tpu.vector_load %arg8[%get3A_487, %get3A_488, %get3A_489] {strides = array<i32>} : memref<2x8x128xi32, #tpu.memory_space<vmem>>, vector<1x1x16xi32>,
      %get3A_491 = vector.shape_cast %get3A_490 : vector<1x1x16xi32> to vector<16xi32>
      %ge3A_492 = vector.broadcast %mul3A_9 : i32 to vector<16xi32>
      %ge3A_493 = arith.cmpi sge, %get3A_491, %ge3A_492 : vector<16xi32>
      %add3A_494 = arith.constant 25088 : i32
      %add3A_495 = arith.addi %mul3A_9, %add3A_494 : i32
      %lt3A_496 = vector.broadcast %add3A_495 : i32 to vector<16xi32>
      %lt3A_497 = arith.cmpi slt, %get3A_491, %lt3A_496 : vector<16xi32>
      %and3A_498 = arith.andi %ge3A_493, %lt3A_497 : vector<16xi1>
      %sub3A_499 = vector.broadcast %mul3A_9 : i32 to vector<16xi32>
      %sub3A_500 = arith.subi %get3A_491, %sub3A_499 : vector<16xi32>
      %iota3A_501 = tpu.iota {dimensions = array<i32: 0>} : vector<16xi32>
      %add3A_502 = arith.constant 25136 : i32
      %add3A_503 = vector.broadcast %add3A_502 : i32 to vector<16xi32>
      %add3A_504 = arith.addi %add3A_503, %iota3A_501 : vector<16xi32>
      %select_n3A_505 = arith.select %and3A_498, %sub3A_500, %add3A_504 : vector<16xi1>, vector<16xi32>
      %add3A_506 = vector.broadcast %mul3A_2 : i32 to vector<16xi32>
      %add3A_507 = arith.addi %get3A_484, %add3A_506 : vector<16xi32>
      %swap3A_508 = arith.constant 1 : i32
      %swap3A_509 = arith.index_cast %swap3A_508 : i32 to index
      %swap3A_510 = arith.constant 48 : index
      %swap3A_511 = tpu.vector_load %arg9[%swap3A_509, %swap3A_510] {strides = array<i32>} : memref<2x128xi32, #tpu.memory_space<vmem>>, vector<1x16xi32>,
      %swap3A_512 = vector.shape_cast %swap3A_511 : vector<1x16xi32> to vector<16xi32>
      %swap3A_513 = vector.shape_cast %add3A_507 : vector<16xi32> to vector<1x16xi32>
      tpu.vector_store %arg9[%swap3A_509, %swap3A_510], %swap3A_513 {strides = array<i32>} : memref<2x128xi32, #tpu.memory_space<vmem>>, vector<1x16xi32>,
      %swap3A_514 = arith.constant 1 : i32
      %swap3A_515 = arith.index_cast %swap3A_514 : i32 to index
      %swap3A_516 = arith.constant 48 : index
      %swap3A_517 = tpu.vector_load %arg10[%swap3A_515, %swap3A_516] {strides = array<i32>} : memref<2x128xi32, #tpu.memory_space<vmem>>, vector<1x16xi32>,
      %swap3A_518 = vector.shape_cast %swap3A_517 : vector<1x16xi32> to vector<16xi32>
      %swap3A_519 = vector.shape_cast %select_n3A_505 : vector<16xi32> to vector<1x16xi32>
      tpu.vector_store %arg10[%swap3A_515, %swap3A_516], %swap3A_519 {strides = array<i32>} : memref<2x128xi32, #tpu.memory_space<vmem>>, vector<1x16xi32>,
      %get3A_520 = arith.constant 0 : i32
      %get3A_521 = arith.constant 1 : i32
      %get3A_522 = arith.index_cast %get3A_520 : i32 to index
      %get3A_523 = arith.index_cast %get3A_521 : i32 to index
      %get3A_524 = arith.constant 64 : index
      %get3A_525 = tpu.vector_load %arg7[%get3A_522, %get3A_523, %get3A_524] {strides = array<i32>} : memref<2x8x128xi32, #tpu.memory_space<vmem>>, vector<1x1x16xi32>,
      %get3A_526 = vector.shape_cast %get3A_525 : vector<1x1x16xi32> to vector<16xi32>
      %get3A_527 = arith.constant 0 : i32
      %get3A_528 = arith.constant 1 : i32
      %get3A_529 = arith.index_cast %get3A_527 : i32 to index
      %get3A_530 = arith.index_cast %get3A_528 : i32 to index
      %get3A_531 = arith.constant 64 : index
      %get3A_532 = tpu.vector_load %arg8[%get3A_529, %get3A_530, %get3A_531] {strides = array<i32>} : memref<2x8x128xi32, #tpu.memory_space<vmem>>, vector<1x1x16xi32>,
      %get3A_533 = vector.shape_cast %get3A_532 : vector<1x1x16xi32> to vector<16xi32>
      %ge3A_534 = vector.broadcast %mul3A_9 : i32 to vector<16xi32>
      %ge3A_535 = arith.cmpi sge, %get3A_533, %ge3A_534 : vector<16xi32>
      %add3A_536 = arith.constant 25088 : i32
      %add3A_537 = arith.addi %mul3A_9, %add3A_536 : i32
      %lt3A_538 = vector.broadcast %add3A_537 : i32 to vector<16xi32>
      %lt3A_539 = arith.cmpi slt, %get3A_533, %lt3A_538 : vector<16xi32>
      %and3A_540 = arith.andi %ge3A_535, %lt3A_539 : vector<16xi1>
      %sub3A_541 = vector.broadcast %mul3A_9 : i32 to vector<16xi32>
      %sub3A_542 = arith.subi %get3A_533, %sub3A_541 : vector<16xi32>
      %iota3A_543 = tpu.iota {dimensions = array<i32: 0>} : vector<16xi32>
      %add3A_544 = arith.constant 25152 : i32
      %add3A_545 = vector.broadcast %add3A_544 : i32 to vector<16xi32>
      %add3A_546 = arith.addi %add3A_545, %iota3A_543 : vector<16xi32>
      %select_n3A_547 = arith.select %and3A_540, %sub3A_542, %add3A_546 : vector<16xi1>, vector<16xi32>
      %add3A_548 = vector.broadcast %mul3A_2 : i32 to vector<16xi32>
      %add3A_549 = arith.addi %get3A_526, %add3A_548 : vector<16xi32>
      %swap3A_550 = arith.constant 1 : i32
      %swap3A_551 = arith.index_cast %swap3A_550 : i32 to index
      %swap3A_552 = arith.constant 64 : index
      %swap3A_553 = tpu.vector_load %arg9[%swap3A_551, %swap3A_552] {strides = array<i32>} : memref<2x128xi32, #tpu.memory_space<vmem>>, vector<1x16xi32>,
      %swap3A_554 = vector.shape_cast %swap3A_553 : vector<1x16xi32> to vector<16xi32>
      %swap3A_555 = vector.shape_cast %add3A_549 : vector<16xi32> to vector<1x16xi32>
      tpu.vector_store %arg9[%swap3A_551, %swap3A_552], %swap3A_555 {strides = array<i32>} : memref<2x128xi32, #tpu.memory_space<vmem>>, vector<1x16xi32>,
      %swap3A_556 = arith.constant 1 : i32
      %swap3A_557 = arith.index_cast %swap3A_556 : i32 to index
      %swap3A_558 = arith.constant 64 : index
      %swap3A_559 = tpu.vector_load %arg10[%swap3A_557, %swap3A_558] {strides = array<i32>} : memref<2x128xi32, #tpu.memory_space<vmem>>, vector<1x16xi32>,
      %swap3A_560 = vector.shape_cast %swap3A_559 : vector<1x16xi32> to vector<16xi32>
      %swap3A_561 = vector.shape_cast %select_n3A_547 : vector<16xi32> to vector<1x16xi32>
      tpu.vector_store %arg10[%swap3A_557, %swap3A_558], %swap3A_561 {strides = array<i32>} : memref<2x128xi32, #tpu.memory_space<vmem>>, vector<1x16xi32>,
      %get3A_562 = arith.constant 0 : i32
      %get3A_563 = arith.constant 1 : i32
      %get3A_564 = arith.index_cast %get3A_562 : i32 to index
      %get3A_565 = arith.index_cast %get3A_563 : i32 to index
      %get3A_566 = arith.constant 80 : index
      %get3A_567 = tpu.vector_load %arg7[%get3A_564, %get3A_565, %get3A_566] {strides = array<i32>} : memref<2x8x128xi32, #tpu.memory_space<vmem>>, vector<1x1x16xi32>,
      %get3A_568 = vector.shape_cast %get3A_567 : vector<1x1x16xi32> to vector<16xi32>
      %get3A_569 = arith.constant 0 : i32
      %get3A_570 = arith.constant 1 : i32
      %get3A_571 = arith.index_cast %get3A_569 : i32 to index
      %get3A_572 = arith.index_cast %get3A_570 : i32 to index
      %get3A_573 = arith.constant 80 : index
      %get3A_574 = tpu.vector_load %arg8[%get3A_571, %get3A_572, %get3A_573] {strides = array<i32>} : memref<2x8x128xi32, #tpu.memory_space<vmem>>, vector<1x1x16xi32>,
      %get3A_575 = vector.shape_cast %get3A_574 : vector<1x1x16xi32> to vector<16xi32>
      %ge3A_576 = vector.broadcast %mul3A_9 : i32 to vector<16xi32>
      %ge3A_577 = arith.cmpi sge, %get3A_575, %ge3A_576 : vector<16xi32>
      %add3A_578 = arith.constant 25088 : i32
      %add3A_579 = arith.addi %mul3A_9, %add3A_578 : i32
      %lt3A_580 = vector.broadcast %add3A_579 : i32 to vector<16xi32>
      %lt3A_581 = arith.cmpi slt, %get3A_575, %lt3A_580 : vector<16xi32>
      %and3A_582 = arith.andi %ge3A_577, %lt3A_581 : vector<16xi1>
      %sub3A_583 = vector.broadcast %mul3A_9 : i32 to vector<16xi32>
      %sub3A_584 = arith.subi %get3A_575, %sub3A_583 : vector<16xi32>
      %iota3A_585 = tpu.iota {dimensions = array<i32: 0>} : vector<16xi32>
      %add3A_586 = arith.constant 25168 : i32
      %add3A_587 = vector.broadcast %add3A_586 : i32 to vector<16xi32>
      %add3A_588 = arith.addi %add3A_587, %iota3A_585 : vector<16xi32>
      %select_n3A_589 = arith.select %and3A_582, %sub3A_584, %add3A_588 : vector<16xi1>, vector<16xi32>
      %add3A_590 = vector.broadcast %mul3A_2 : i32 to vector<16xi32>
      %add3A_591 = arith.addi %get3A_568, %add3A_590 : vector<16xi32>
      %swap3A_592 = arith.constant 1 : i32
      %swap3A_593 = arith.index_cast %swap3A_592 : i32 to index
      %swap3A_594 = arith.constant 80 : index
      %swap3A_595 = tpu.vector_load %arg9[%swap3A_593, %swap3A_594] {strides = array<i32>} : memref<2x128xi32, #tpu.memory_space<vmem>>, vector<1x16xi32>,
      %swap3A_596 = vector.shape_cast %swap3A_595 : vector<1x16xi32> to vector<16xi32>
      %swap3A_597 = vector.shape_cast %add3A_591 : vector<16xi32> to vector<1x16xi32>
      tpu.vector_store %arg9[%swap3A_593, %swap3A_594], %swap3A_597 {strides = array<i32>} : memref<2x128xi32, #tpu.memory_space<vmem>>, vector<1x16xi32>,
      %swap3A_598 = arith.constant 1 : i32
      %swap3A_599 = arith.index_cast %swap3A_598 : i32 to index
      %swap3A_600 = arith.constant 80 : index
      %swap3A_601 = tpu.vector_load %arg10[%swap3A_599, %swap3A_600] {strides = array<i32>} : memref<2x128xi32, #tpu.memory_space<vmem>>, vector<1x16xi32>,
      %swap3A_602 = vector.shape_cast %swap3A_601 : vector<1x16xi32> to vector<16xi32>
      %swap3A_603 = vector.shape_cast %select_n3A_589 : vector<16xi32> to vector<1x16xi32>
      tpu.vector_store %arg10[%swap3A_599, %swap3A_600], %swap3A_603 {strides = array<i32>} : memref<2x128xi32, #tpu.memory_space<vmem>>, vector<1x16xi32>,
      %get3A_604 = arith.constant 0 : i32
      %get3A_605 = arith.constant 1 : i32
      %get3A_606 = arith.index_cast %get3A_604 : i32 to index
      %get3A_607 = arith.index_cast %get3A_605 : i32 to index
      %get3A_608 = arith.constant 96 : index
      %get3A_609 = tpu.vector_load %arg7[%get3A_606, %get3A_607, %get3A_608] {strides = array<i32>} : memref<2x8x128xi32, #tpu.memory_space<vmem>>, vector<1x1x16xi32>,
      %get3A_610 = vector.shape_cast %get3A_609 : vector<1x1x16xi32> to vector<16xi32>
      %get3A_611 = arith.constant 0 : i32
      %get3A_612 = arith.constant 1 : i32
      %get3A_613 = arith.index_cast %get3A_611 : i32 to index
      %get3A_614 = arith.index_cast %get3A_612 : i32 to index
      %get3A_615 = arith.constant 96 : index
      %get3A_616 = tpu.vector_load %arg8[%get3A_613, %get3A_614, %get3A_615] {strides = array<i32>} : memref<2x8x128xi32, #tpu.memory_space<vmem>>, vector<1x1x16xi32>,
      %get3A_617 = vector.shape_cast %get3A_616 : vector<1x1x16xi32> to vector<16xi32>
      %ge3A_618 = vector.broadcast %mul3A_9 : i32 to vector<16xi32>
      %ge3A_619 = arith.cmpi sge, %get3A_617, %ge3A_618 : vector<16xi32>
      %add3A_620 = arith.constant 25088 : i32
      %add3A_621 = arith.addi %mul3A_9, %add3A_620 : i32
      %lt3A_622 = vector.broadcast %add3A_621 : i32 to vector<16xi32>
      %lt3A_623 = arith.cmpi slt, %get3A_617, %lt3A_622 : vector<16xi32>
      %and3A_624 = arith.andi %ge3A_619, %lt3A_623 : vector<16xi1>
      %sub3A_625 = vector.broadcast %mul3A_9 : i32 to vector<16xi32>
      %sub3A_626 = arith.subi %get3A_617, %sub3A_625 : vector<16xi32>
      %iota3A_627 = tpu.iota {dimensions = array<i32: 0>} : vector<16xi32>
      %add3A_628 = arith.constant 25184 : i32
      %add3A_629 = vector.broadcast %add3A_628 : i32 to vector<16xi32>
      %add3A_630 = arith.addi %add3A_629, %iota3A_627 : vector<16xi32>
      %select_n3A_631 = arith.select %and3A_624, %sub3A_626, %add3A_630 : vector<16xi1>, vector<16xi32>
      %add3A_632 = vector.broadcast %mul3A_2 : i32 to vector<16xi32>
      %add3A_633 = arith.addi %get3A_610, %add3A_632 : vector<16xi32>
      %swap3A_634 = arith.constant 1 : i32
      %swap3A_635 = arith.index_cast %swap3A_634 : i32 to index
      %swap3A_636 = arith.constant 96 : index
      %swap3A_637 = tpu.vector_load %arg9[%swap3A_635, %swap3A_636] {strides = array<i32>} : memref<2x128xi32, #tpu.memory_space<vmem>>, vector<1x16xi32>,
      %swap3A_638 = vector.shape_cast %swap3A_637 : vector<1x16xi32> to vector<16xi32>
      %swap3A_639 = vector.shape_cast %add3A_633 : vector<16xi32> to vector<1x16xi32>
      tpu.vector_store %arg9[%swap3A_635, %swap3A_636], %swap3A_639 {strides = array<i32>} : memref<2x128xi32, #tpu.memory_space<vmem>>, vector<1x16xi32>,
      %swap3A_640 = arith.constant 1 : i32
      %swap3A_641 = arith.index_cast %swap3A_640 : i32 to index
      %swap3A_642 = arith.constant 96 : index
      %swap3A_643 = tpu.vector_load %arg10[%swap3A_641, %swap3A_642] {strides = array<i32>} : memref<2x128xi32, #tpu.memory_space<vmem>>, vector<1x16xi32>,
      %swap3A_644 = vector.shape_cast %swap3A_643 : vector<1x16xi32> to vector<16xi32>
      %swap3A_645 = vector.shape_cast %select_n3A_631 : vector<16xi32> to vector<1x16xi32>
      tpu.vector_store %arg10[%swap3A_641, %swap3A_642], %swap3A_645 {strides = array<i32>} : memref<2x128xi32, #tpu.memory_space<vmem>>, vector<1x16xi32>,
      %get3A_646 = arith.constant 0 : i32
      %get3A_647 = arith.constant 1 : i32
      %get3A_648 = arith.index_cast %get3A_646 : i32 to index
      %get3A_649 = arith.index_cast %get3A_647 : i32 to index
      %get3A_650 = arith.constant 112 : index
      %get3A_651 = tpu.vector_load %arg7[%get3A_648, %get3A_649, %get3A_650] {strides = array<i32>} : memref<2x8x128xi32, #tpu.memory_space<vmem>>, vector<1x1x16xi32>,
      %get3A_652 = vector.shape_cast %get3A_651 : vector<1x1x16xi32> to vector<16xi32>
      %get3A_653 = arith.constant 0 : i32
      %get3A_654 = arith.constant 1 : i32
      %get3A_655 = arith.index_cast %get3A_653 : i32 to index
      %get3A_656 = arith.index_cast %get3A_654 : i32 to index
      %get3A_657 = arith.constant 112 : index
      %get3A_658 = tpu.vector_load %arg8[%get3A_655, %get3A_656, %get3A_657] {strides = array<i32>} : memref<2x8x128xi32, #tpu.memory_space<vmem>>, vector<1x1x16xi32>,
      %get3A_659 = vector.shape_cast %get3A_658 : vector<1x1x16xi32> to vector<16xi32>
      %ge3A_660 = vector.broadcast %mul3A_9 : i32 to vector<16xi32>
      %ge3A_661 = arith.cmpi sge, %get3A_659, %ge3A_660 : vector<16xi32>
      %add3A_662 = arith.constant 25088 : i32
      %add3A_663 = arith.addi %mul3A_9, %add3A_662 : i32
      %lt3A_664 = vector.broadcast %add3A_663 : i32 to vector<16xi32>
      %lt3A_665 = arith.cmpi slt, %get3A_659, %lt3A_664 : vector<16xi32>
      %and3A_666 = arith.andi %ge3A_661, %lt3A_665 : vector<16xi1>
      %sub3A_667 = vector.broadcast %mul3A_9 : i32 to vector<16xi32>
      %sub3A_668 = arith.subi %get3A_659, %sub3A_667 : vector<16xi32>
      %iota3A_669 = tpu.iota {dimensions = array<i32: 0>} : vector<16xi32>
      %add3A_670 = arith.constant 25200 : i32
      %add3A_671 = vector.broadcast %add3A_670 : i32 to vector<16xi32>
      %add3A_672 = arith.addi %add3A_671, %iota3A_669 : vector<16xi32>
      %select_n3A_673 = arith.select %and3A_666, %sub3A_668, %add3A_672 : vector<16xi1>, vector<16xi32>
      %add3A_674 = vector.broadcast %mul3A_2 : i32 to vector<16xi32>
      %add3A_675 = arith.addi %get3A_652, %add3A_674 : vector<16xi32>
      %swap3A_676 = arith.constant 1 : i32
      %swap3A_677 = arith.index_cast %swap3A_676 : i32 to index
      %swap3A_678 = arith.constant 112 : index
      %swap3A_679 = tpu.vector_load %arg9[%swap3A_677, %swap3A_678] {strides = array<i32>} : memref<2x128xi32, #tpu.memory_space<vmem>>, vector<1x16xi32>,
      %swap3A_680 = vector.shape_cast %swap3A_679 : vector<1x16xi32> to vector<16xi32>
      %swap3A_681 = vector.shape_cast %add3A_675 : vector<16xi32> to vector<1x16xi32>
      tpu.vector_store %arg9[%swap3A_677, %swap3A_678], %swap3A_681 {strides = array<i32>} : memref<2x128xi32, #tpu.memory_space<vmem>>, vector<1x16xi32>,
      %swap3A_682 = arith.constant 1 : i32
      %swap3A_683 = arith.index_cast %swap3A_682 : i32 to index
      %swap3A_684 = arith.constant 112 : index
      %swap3A_685 = tpu.vector_load %arg10[%swap3A_683, %swap3A_684] {strides = array<i32>} : memref<2x128xi32, #tpu.memory_space<vmem>>, vector<1x16xi32>,
      %swap3A_686 = vector.shape_cast %swap3A_685 : vector<1x16xi32> to vector<16xi32>
      %swap3A_687 = vector.shape_cast %select_n3A_673 : vector<16xi32> to vector<1x16xi32>
      tpu.vector_store %arg10[%swap3A_683, %swap3A_684], %swap3A_687 {strides = array<i32>} : memref<2x128xi32, #tpu.memory_space<vmem>>, vector<1x16xi32>,
      %dma_start3A_688 = arith.constant 1 : i32
      %dma_start3A_689 = arith.constant 1 : i32
      %dma_start3A_690 = arith.constant 1 : i32
      %dma_start3A_691 = arith.constant 0 : i32
      %dma_start3A_692 = arith.constant 0 : i32
      %dma_start3A_693 = tpu.memref_slice %arg11[%dma_start3A_689, %dma_start3A_691, %dma_start3A_692] : memref<2x128x64xf32, #tpu.memory_space<vmem>> -> memref<1x128x64xf32, #tpu.memory_space<vmem>>
      %dma_start3A_694 = tpu.memref_squeeze %dma_start3A_693 : memref<1x128x64xf32, #tpu.memory_space<vmem>> -> memref<128x64xf32, #tpu.memory_space<vmem>>
      %dma_start3A_695 = arith.constant 0 : i32
      %dma_start3A_696 = tpu.memref_slice %arg9[%dma_start3A_688, %dma_start3A_695] : memref<2x128xi32, #tpu.memory_space<vmem>> -> memref<1x128xi32, #tpu.memory_space<vmem>>
      %dma_start3A_697 = tpu.memref_squeeze %dma_start3A_696 : memref<1x128xi32, #tpu.memory_space<vmem>> -> memref<128xi32, #tpu.memory_space<vmem>>
      %dma_start3A_698 = arith.constant 0 : i32
      %dma_start3A_699 = arith.constant 0 : i32
      %dma_start3A_700 = tpu.memref_slice %arg5[%dma_start3A_698, %dma_start3A_699] : memref<108000x64xf32, #tpu.memory_space<hbm>> -> memref<108000x64xf32, #tpu.memory_space<hbm>>
      %dma_start3A_701 = tpu.memref_slice %arg12[%dma_start3A_690] : memref<2x!tpu.dma_semaphore, #tpu.memory_space<semaphore_mem>> -> memref<1x!tpu.dma_semaphore, #tpu.memory_space<semaphore_mem>>
      %dma_start3A_702 = tpu.memref_squeeze %dma_start3A_701 : memref<1x!tpu.dma_semaphore, #tpu.memory_space<semaphore_mem>> -> memref<!tpu.dma_semaphore, #tpu.memory_space<semaphore_mem>>
      tpu.enqueue_indirect_dma source(%dma_start3A_700 : memref<108000x64xf32, #tpu.memory_space<hbm>>) target(%dma_start3A_694 : memref<128x64xf32, #tpu.memory_space<vmem>>) offsets(%dma_start3A_697 : memref<128xi32, #tpu.memory_space<vmem>>) semaphore(%dma_start3A_702 : memref<!tpu.dma_semaphore, #tpu.memory_space<semaphore_mem>>)
      %scan3A_703 = arith.constant 0 : i32
      %scan3A_704 = arith.constant 512 : i32
      %scan3A_705 = arith.addi %scan3A_703, %scan3A_704 : i32
      %scan3A_706 = arith.constant 1 : i32
      scf.for %scan3A_714 = %scan3A_703 to %scan3A_705 step %scan3A_706  : i32 {
        %jit3A = arith.constant 2 : i32
        %eq3A = arith.constant 0 : i32
        %eq3A_715 = arith.cmpi eq, %jit3A, %eq3A : i32
        %jit3A_716 = arith.constant 1 : i32
        %select_n3A_717 = arith.select %eq3A_715, %jit3A_716, %jit3A : i32
        %rem3A = arith.remsi %scan3A_714, %select_n3A_717 : i32
        %ne3A = arith.constant 0 : i32
        %ne3A_718 = arith.cmpi ne, %rem3A, %ne3A : i32
        %lt3A_719 = arith.constant 0 : i32
        %lt3A_720 = arith.cmpi slt, %rem3A, %lt3A_719 : i32
        %lt3A_721 = arith.constant 0 : i32
        %lt3A_722 = arith.cmpi slt, %select_n3A_717, %lt3A_721 : i32
        %ne3A_723 = arith.xori %lt3A_720, %lt3A_722 : i1
        %and3A_724 = arith.andi %ne3A_723, %ne3A_718 : i1
        %add3A_725 = arith.addi %rem3A, %select_n3A_717 : i32
        %select_n3A_726 = arith.select %and3A_724, %add3A_725, %rem3A : i32
        %dma_wait3A = arith.constant 0 : i32
        %dma_wait3A_727 = arith.constant 0 : i32
        %dma_wait3A_728 = tpu.memref_slice %arg11[%select_n3A_726, %dma_wait3A, %dma_wait3A_727] : memref<2x128x64xf32, #tpu.memory_space<vmem>> -> memref<1x128x64xf32, #tpu.memory_space<vmem>>
        %dma_wait3A_729 = tpu.memref_squeeze %dma_wait3A_728 : memref<1x128x64xf32, #tpu.memory_space<vmem>> -> memref<128x64xf32, #tpu.memory_space<vmem>>
        %dma_wait3A_730 = arith.constant 0 : i32
        %dma_wait3A_731 = tpu.memref_slice %arg9[%select_n3A_726, %dma_wait3A_730] : memref<2x128xi32, #tpu.memory_space<vmem>> -> memref<1x128xi32, #tpu.memory_space<vmem>>
        %dma_wait3A_732 = tpu.memref_squeeze %dma_wait3A_731 : memref<1x128xi32, #tpu.memory_space<vmem>> -> memref<128xi32, #tpu.memory_space<vmem>>
        %dma_wait3A_733 = arith.constant 0 : i32
        %dma_wait3A_734 = arith.constant 0 : i32
        %dma_wait3A_735 = tpu.memref_slice %arg5[%dma_wait3A_733, %dma_wait3A_734] : memref<108000x64xf32, #tpu.memory_space<hbm>> -> memref<108000x64xf32, #tpu.memory_space<hbm>>
        %dma_wait3A_736 = tpu.memref_slice %arg12[%select_n3A_726] : memref<2x!tpu.dma_semaphore, #tpu.memory_space<semaphore_mem>> -> memref<1x!tpu.dma_semaphore, #tpu.memory_space<semaphore_mem>>
        %dma_wait3A_737 = tpu.memref_squeeze %dma_wait3A_736 : memref<1x!tpu.dma_semaphore, #tpu.memory_space<semaphore_mem>> -> memref<!tpu.dma_semaphore, #tpu.memory_space<semaphore_mem>>
        tpu.wait_indirect_dma semaphore(%dma_wait3A_737 : memref<!tpu.dma_semaphore, #tpu.memory_space<semaphore_mem>>) src(%dma_wait3A_735 : memref<108000x64xf32, #tpu.memory_space<hbm>>) dst(%dma_wait3A_729 : memref<128x64xf32, #tpu.memory_space<vmem>>)
        %dma_start3A_738 = arith.constant 0 : i32
        %dma_start3A_739 = arith.constant 0 : i32
        %dma_start3A_740 = tpu.memref_slice %arg11[%select_n3A_726, %dma_start3A_738, %dma_start3A_739] : memref<2x128x64xf32, #tpu.memory_space<vmem>> -> memref<1x128x64xf32, #tpu.memory_space<vmem>>
        %dma_start3A_741 = tpu.memref_squeeze %dma_start3A_740 : memref<1x128x64xf32, #tpu.memory_space<vmem>> -> memref<128x64xf32, #tpu.memory_space<vmem>>
        %dma_start3A_742 = arith.constant 0 : i32
        %dma_start3A_743 = tpu.memref_slice %arg10[%select_n3A_726, %dma_start3A_742] : memref<2x128xi32, #tpu.memory_space<vmem>> -> memref<1x128xi32, #tpu.memory_space<vmem>>
        %dma_start3A_744 = tpu.memref_squeeze %dma_start3A_743 : memref<1x128xi32, #tpu.memory_space<vmem>> -> memref<128xi32, #tpu.memory_space<vmem>>
        %dma_start3A_745 = arith.constant 0 : i32
        %dma_start3A_746 = arith.constant 0 : i32
        %dma_start3A_747 = tpu.memref_slice %arg14[%dma_start3A_745, %dma_start3A_746] : memref<25216x64xf32, #tpu.memory_space<vmem_shared>> -> memref<25216x64xf32, #tpu.memory_space<vmem_shared>>
        %dma_start3A_748 = tpu.memref_slice %arg13[%select_n3A_726] : memref<2x!tpu.dma_semaphore, #tpu.memory_space<semaphore_mem>> -> memref<1x!tpu.dma_semaphore, #tpu.memory_space<semaphore_mem>>
        %dma_start3A_749 = tpu.memref_squeeze %dma_start3A_748 : memref<1x!tpu.dma_semaphore, #tpu.memory_space<semaphore_mem>> -> memref<!tpu.dma_semaphore, #tpu.memory_space<semaphore_mem>>
        tpu.enqueue_indirect_dma source(%dma_start3A_741 : memref<128x64xf32, #tpu.memory_space<vmem>>) target(%dma_start3A_747 : memref<25216x64xf32, #tpu.memory_space<vmem_shared>>) offsets(%dma_start3A_744 : memref<128xi32, #tpu.memory_space<vmem>>) semaphore(%dma_start3A_749 : memref<!tpu.dma_semaphore, #tpu.memory_space<semaphore_mem>>) {add = true}
        %dma_wait3A_750 = arith.constant 0 : i32
        %dma_wait3A_751 = arith.constant 0 : i32
        %dma_wait3A_752 = tpu.memref_slice %arg11[%select_n3A_726, %dma_wait3A_750, %dma_wait3A_751] : memref<2x128x64xf32, #tpu.memory_space<vmem>> -> memref<1x128x64xf32, #tpu.memory_space<vmem>>
        %dma_wait3A_753 = tpu.memref_squeeze %dma_wait3A_752 : memref<1x128x64xf32, #tpu.memory_space<vmem>> -> memref<128x64xf32, #tpu.memory_space<vmem>>
        %dma_wait3A_754 = arith.constant 0 : i32
        %dma_wait3A_755 = tpu.memref_slice %arg10[%select_n3A_726, %dma_wait3A_754] : memref<2x128xi32, #tpu.memory_space<vmem>> -> memref<1x128xi32, #tpu.memory_space<vmem>>
        %dma_wait3A_756 = tpu.memref_squeeze %dma_wait3A_755 : memref<1x128xi32, #tpu.memory_space<vmem>> -> memref<128xi32, #tpu.memory_space<vmem>>
        %dma_wait3A_757 = arith.constant 0 : i32
        %dma_wait3A_758 = arith.constant 0 : i32
        %dma_wait3A_759 = tpu.memref_slice %arg14[%dma_wait3A_757, %dma_wait3A_758] : memref<25216x64xf32, #tpu.memory_space<vmem_shared>> -> memref<25216x64xf32, #tpu.memory_space<vmem_shared>>
        %dma_wait3A_760 = tpu.memref_slice %arg13[%select_n3A_726] : memref<2x!tpu.dma_semaphore, #tpu.memory_space<semaphore_mem>> -> memref<1x!tpu.dma_semaphore, #tpu.memory_space<semaphore_mem>>
        %dma_wait3A_761 = tpu.memref_squeeze %dma_wait3A_760 : memref<1x!tpu.dma_semaphore, #tpu.memory_space<semaphore_mem>> -> memref<!tpu.dma_semaphore, #tpu.memory_space<semaphore_mem>>
        tpu.wait_indirect_dma semaphore(%dma_wait3A_761 : memref<!tpu.dma_semaphore, #tpu.memory_space<semaphore_mem>>) src(%dma_wait3A_753 : memref<128x64xf32, #tpu.memory_space<vmem>>) dst(%dma_wait3A_759 : memref<25216x64xf32, #tpu.memory_space<vmem_shared>>)
        %add3A_762 = arith.constant 2 : i32
        %add3A_763 = arith.addi %scan3A_714, %add3A_762 : i32
        %lt3A_764 = arith.constant 512 : i32
        %lt3A_765 = arith.cmpi slt, %add3A_763, %lt3A_764 : i32
        %convert_element_type3A = arith.extui %lt3A_765 : i1 to i32
        %cond3A = arith.constant 0 : i32
        %cond3A_766 = arith.cmpi ne, %convert_element_type3A, %cond3A : i32
        scf.if %cond3A_766 {
          %add3A_767 = arith.constant 2 : i32
          %add3A_768 = arith.addi %scan3A_714, %add3A_767 : i32
          %jit3A_769 = arith.constant 8 : i32
          %eq3A_770 = arith.constant 0 : i32
          %eq3A_771 = arith.cmpi eq, %jit3A_769, %eq3A_770 : i32
          %jit3A_772 = arith.constant 1 : i32
          %select_n3A_773 = arith.select %eq3A_771, %jit3A_772, %jit3A_769 : i32
          %rem3A_774 = arith.remsi %add3A_768, %select_n3A_773 : i32
          %ne3A_775 = arith.constant 0 : i32
          %ne3A_776 = arith.cmpi ne, %rem3A_774, %ne3A_775 : i32
          %lt3A_777 = arith.constant 0 : i32
          %lt3A_778 = arith.cmpi slt, %rem3A_774, %lt3A_777 : i32
          %lt3A_779 = arith.constant 0 : i32
          %lt3A_780 = arith.cmpi slt, %select_n3A_773, %lt3A_779 : i32
          %ne3A_781 = arith.xori %lt3A_778, %lt3A_780 : i1
          %and3A_782 = arith.andi %ne3A_781, %ne3A_776 : i1
          %add3A_783 = arith.addi %rem3A_774, %select_n3A_773 : i32
          %select_n3A_784 = arith.select %and3A_782, %add3A_783, %rem3A_774 : i32
          %eq3A_785 = arith.constant 0 : i32
          %eq3A_786 = arith.cmpi eq, %select_n3A_784, %eq3A_785 : i32
          %convert_element_type3A_787 = arith.extui %eq3A_786 : i1 to i32
          %cond3A_788 = arith.constant 0 : i32
          %cond3A_789 = arith.cmpi ne, %convert_element_type3A_787, %cond3A_788 : i32
          scf.if %cond3A_789 {
            %jit3A_1144 = arith.constant 8 : i32
            %div3A_1145 = arith.divsi %add3A_768, %jit3A_1144 : i32
            %sign3A_1146 = arith.constant 0 : i32
            %sign3A_1147 = arith.cmpi sgt, %add3A_768, %sign3A_1146 : i32
            %sign3A_1148 = arith.extui %sign3A_1147 : i1 to i32
            %sign3A_1149 = arith.constant 0 : i32
            %sign3A_1150 = arith.cmpi slt, %add3A_768, %sign3A_1149 : i32
            %sign3A_1151 = arith.extui %sign3A_1150 : i1 to i32
            %sign3A_1152 = arith.subi %sign3A_1148, %sign3A_1151 : i32
            %sign3A_1153 = arith.constant 0 : i32
            %sign3A_1154 = arith.cmpi sgt, %jit3A_1144, %sign3A_1153 : i32
            %sign3A_1155 = arith.extui %sign3A_1154 : i1 to i32
            %sign3A_1156 = arith.constant 0 : i32
            %sign3A_1157 = arith.cmpi slt, %jit3A_1144, %sign3A_1156 : i32
            %sign3A_1158 = arith.extui %sign3A_1157 : i1 to i32
            %sign3A_1159 = arith.subi %sign3A_1155, %sign3A_1158 : i32
            %ne3A_1160 = arith.cmpi ne, %sign3A_1152, %sign3A_1159 : i32
            %rem3A_1161 = arith.remsi %add3A_768, %jit3A_1144 : i32
            %ne3A_1162 = arith.constant 0 : i32
            %ne3A_1163 = arith.cmpi ne, %rem3A_1161, %ne3A_1162 : i32
            %and3A_1164 = arith.andi %ne3A_1160, %ne3A_1163 : i1
            %sub3A_1165 = arith.constant 1 : i32
            %sub3A_1166 = arith.subi %div3A_1145, %sub3A_1165 : i32
            %select_n3A_1167 = arith.select %and3A_1164, %sub3A_1166, %div3A_1145 : i32
            %mul3A_1168 = arith.constant 8 : i32
            %mul3A_1169 = arith.muli %select_n3A_1167, %mul3A_1168 : i32
            %jit3A_1170 = arith.constant 2 : i32
            %eq3A_1171 = arith.constant 0 : i32
            %eq3A_1172 = arith.cmpi eq, %jit3A_1170, %eq3A_1171 : i32
            %jit3A_1173 = arith.constant 1 : i32
            %select_n3A_1174 = arith.select %eq3A_1172, %jit3A_1173, %jit3A_1170 : i32
            %rem3A_1175 = arith.remsi %select_n3A_1167, %select_n3A_1174 : i32
            %ne3A_1176 = arith.constant 0 : i32
            %ne3A_1177 = arith.cmpi ne, %rem3A_1175, %ne3A_1176 : i32
            %lt3A_1178 = arith.constant 0 : i32
            %lt3A_1179 = arith.cmpi slt, %rem3A_1175, %lt3A_1178 : i32
            %lt3A_1180 = arith.constant 0 : i32
            %lt3A_1181 = arith.cmpi slt, %select_n3A_1174, %lt3A_1180 : i32
            %ne3A_1182 = arith.xori %lt3A_1179, %lt3A_1181 : i1
            %and3A_1183 = arith.andi %ne3A_1182, %ne3A_1177 : i1
            %add3A_1184 = arith.addi %rem3A_1175, %select_n3A_1174 : i32
            %select_n3A_1185 = arith.select %and3A_1183, %add3A_1184, %rem3A_1175 : i32
            "tpu.region"() ({
              %run_scoped3A_1204 = tpu.sem_alloc : memref<!tpu.dma_semaphore, #tpu.memory_space<semaphore_mem>>
              %dma_start3A_1205 = arith.constant 0 : i32
              %dma_start3A_1206 = arith.constant 0 : i32
              %dma_start3A_1207 = tpu.memref_slice %arg7[%select_n3A_1185, %dma_start3A_1205, %dma_start3A_1206] : memref<2x8x128xi32, #tpu.memory_space<vmem>> -> memref<1x8x128xi32, #tpu.memory_space<vmem>>
              %dma_start3A_1208 = tpu.memref_squeeze %dma_start3A_1207 : memref<1x8x128xi32, #tpu.memory_space<vmem>> -> memref<8x128xi32, #tpu.memory_space<vmem>>
              %dma_start3A_1209 = arith.constant 0 : i32
              %dma_start3A_1210 = tpu.memref_slice %arg2[%arg1, %mul3A_1169, %dma_start3A_1209] : memref<16x512x128xi32, #tpu.memory_space<hbm>> -> memref<1x8x128xi32, #tpu.memory_space<hbm>>
              %dma_start3A_1211 = tpu.memref_squeeze %dma_start3A_1210 : memref<1x8x128xi32, #tpu.memory_space<hbm>> -> memref<8x128xi32, #tpu.memory_space<hbm>>
              %dma_start3A_1212 = arith.constant 0 : i32
              %dma_start3A_1213 = arith.constant 0 : i32
              %dma_start3A_1214 = tpu.memref_slice %arg7[%select_n3A_1185, %dma_start3A_1212, %dma_start3A_1213] : memref<2x8x128xi32, #tpu.memory_space<vmem>> -> memref<1x8x128xi32, #tpu.memory_space<vmem>>
              %dma_start3A_1215 = tpu.memref_squeeze %dma_start3A_1214 : memref<1x8x128xi32, #tpu.memory_space<vmem>> -> memref<8x128xi32, #tpu.memory_space<vmem>>
              %dma_start3A_1216 = arith.constant 0 : i32
              %dma_start3A_1217 = tpu.memref_slice %arg2[%arg1, %mul3A_1169, %dma_start3A_1216] : memref<16x512x128xi32, #tpu.memory_space<hbm>> -> memref<1x8x128xi32, #tpu.memory_space<hbm>>
              %dma_start3A_1218 = tpu.memref_squeeze %dma_start3A_1217 : memref<1x8x128xi32, #tpu.memory_space<hbm>> -> memref<8x128xi32, #tpu.memory_space<hbm>>
              tpu.enqueue_dma source(%dma_start3A_1218 : memref<8x128xi32, #tpu.memory_space<hbm>>) target(%dma_start3A_1215 : memref<8x128xi32, #tpu.memory_space<vmem>>) target_semaphore(%run_scoped3A_1204 : memref<!tpu.dma_semaphore, #tpu.memory_space<semaphore_mem>>)
              %dma_wait3A_1219 = arith.constant 0 : i32
              %dma_wait3A_1220 = arith.constant 0 : i32
              %dma_wait3A_1221 = tpu.memref_slice %arg7[%select_n3A_1185, %dma_wait3A_1219, %dma_wait3A_1220] : memref<2x8x128xi32, #tpu.memory_space<vmem>> -> memref<1x8x128xi32, #tpu.memory_space<vmem>>
              %dma_wait3A_1222 = tpu.memref_squeeze %dma_wait3A_1221 : memref<1x8x128xi32, #tpu.memory_space<vmem>> -> memref<8x128xi32, #tpu.memory_space<vmem>>
              %dma_wait3A_1223 = arith.constant 0 : i32
              %dma_wait3A_1224 = tpu.memref_slice %arg2[%arg1, %mul3A_1169, %dma_wait3A_1223] : memref<16x512x128xi32, #tpu.memory_space<hbm>> -> memref<1x8x128xi32, #tpu.memory_space<hbm>>
              %dma_wait3A_1225 = tpu.memref_squeeze %dma_wait3A_1224 : memref<1x8x128xi32, #tpu.memory_space<hbm>> -> memref<8x128xi32, #tpu.memory_space<hbm>>
              %dma_wait3A_1226 = arith.constant 0 : i32
              %dma_wait3A_1227 = arith.constant 0 : i32
              %dma_wait3A_1228 = tpu.memref_slice %arg7[%select_n3A_1185, %dma_wait3A_1226, %dma_wait3A_1227] : memref<2x8x128xi32, #tpu.memory_space<vmem>> -> memref<1x8x128xi32, #tpu.memory_space<vmem>>
              %dma_wait3A_1229 = tpu.memref_squeeze %dma_wait3A_1228 : memref<1x8x128xi32, #tpu.memory_space<vmem>> -> memref<8x128xi32, #tpu.memory_space<vmem>>
              %dma_wait3A_1230 = arith.constant 0 : i32
              %dma_wait3A_1231 = tpu.memref_slice %arg2[%arg1, %mul3A_1169, %dma_wait3A_1230] : memref<16x512x128xi32, #tpu.memory_space<hbm>> -> memref<1x8x128xi32, #tpu.memory_space<hbm>>
              %dma_wait3A_1232 = tpu.memref_squeeze %dma_wait3A_1231 : memref<1x8x128xi32, #tpu.memory_space<hbm>> -> memref<8x128xi32, #tpu.memory_space<hbm>>
              tpu.wait_dma2 semaphore(%run_scoped3A_1204 : memref<!tpu.dma_semaphore, #tpu.memory_space<semaphore_mem>>) src(%dma_wait3A_1232 : memref<8x128xi32, #tpu.memory_space<hbm>>) dst(%dma_wait3A_1229 : memref<8x128xi32, #tpu.memory_space<vmem>>)
              tpu.yield
            }) : () -> ()
            %mul3A_1186 = arith.constant 8 : i32
            %mul3A_1187 = arith.muli %select_n3A_1167, %mul3A_1186 : i32
            %jit3A_1188 = arith.constant 2 : i32
            %eq3A_1189 = arith.constant 0 : i32
            %eq3A_1190 = arith.cmpi eq, %jit3A_1188, %eq3A_1189 : i32
            %jit3A_1191 = arith.constant 1 : i32
            %select_n3A_1192 = arith.select %eq3A_1190, %jit3A_1191, %jit3A_1188 : i32
            %rem3A_1193 = arith.remsi %select_n3A_1167, %select_n3A_1192 : i32
            %ne3A_1194 = arith.constant 0 : i32
            %ne3A_1195 = arith.cmpi ne, %rem3A_1193, %ne3A_1194 : i32
            %lt3A_1196 = arith.constant 0 : i32
            %lt3A_1197 = arith.cmpi slt, %rem3A_1193, %lt3A_1196 : i32
            %lt3A_1198 = arith.constant 0 : i32
            %lt3A_1199 = arith.cmpi slt, %select_n3A_1192, %lt3A_1198 : i32
            %ne3A_1200 = arith.xori %lt3A_1197, %lt3A_1199 : i1
            %and3A_1201 = arith.andi %ne3A_1200, %ne3A_1195 : i1
            %add3A_1202 = arith.addi %rem3A_1193, %select_n3A_1192 : i32
            %select_n3A_1203 = arith.select %and3A_1201, %add3A_1202, %rem3A_1193 : i32
            "tpu.region"() ({
              %run_scoped3A_1204 = tpu.sem_alloc : memref<!tpu.dma_semaphore, #tpu.memory_space<semaphore_mem>>
              %dma_start3A_1205 = arith.constant 0 : i32
              %dma_start3A_1206 = arith.constant 0 : i32
              %dma_start3A_1207 = tpu.memref_slice %arg8[%select_n3A_1203, %dma_start3A_1205, %dma_start3A_1206] : memref<2x8x128xi32, #tpu.memory_space<vmem>> -> memref<1x8x128xi32, #tpu.memory_space<vmem>>
              %dma_start3A_1208 = tpu.memref_squeeze %dma_start3A_1207 : memref<1x8x128xi32, #tpu.memory_space<vmem>> -> memref<8x128xi32, #tpu.memory_space<vmem>>
              %dma_start3A_1209 = arith.constant 0 : i32
              %dma_start3A_1210 = tpu.memref_slice %arg3[%arg1, %mul3A_1187, %dma_start3A_1209] : memref<16x512x128xi32, #tpu.memory_space<hbm>> -> memref<1x8x128xi32, #tpu.memory_space<hbm>>
              %dma_start3A_1211 = tpu.memref_squeeze %dma_start3A_1210 : memref<1x8x128xi32, #tpu.memory_space<hbm>> -> memref<8x128xi32, #tpu.memory_space<hbm>>
              %dma_start3A_1212 = arith.constant 0 : i32
              %dma_start3A_1213 = arith.constant 0 : i32
              %dma_start3A_1214 = tpu.memref_slice %arg8[%select_n3A_1203, %dma_start3A_1212, %dma_start3A_1213] : memref<2x8x128xi32, #tpu.memory_space<vmem>> -> memref<1x8x128xi32, #tpu.memory_space<vmem>>
              %dma_start3A_1215 = tpu.memref_squeeze %dma_start3A_1214 : memref<1x8x128xi32, #tpu.memory_space<vmem>> -> memref<8x128xi32, #tpu.memory_space<vmem>>
              %dma_start3A_1216 = arith.constant 0 : i32
              %dma_start3A_1217 = tpu.memref_slice %arg3[%arg1, %mul3A_1187, %dma_start3A_1216] : memref<16x512x128xi32, #tpu.memory_space<hbm>> -> memref<1x8x128xi32, #tpu.memory_space<hbm>>
              %dma_start3A_1218 = tpu.memref_squeeze %dma_start3A_1217 : memref<1x8x128xi32, #tpu.memory_space<hbm>> -> memref<8x128xi32, #tpu.memory_space<hbm>>
              tpu.enqueue_dma source(%dma_start3A_1218 : memref<8x128xi32, #tpu.memory_space<hbm>>) target(%dma_start3A_1215 : memref<8x128xi32, #tpu.memory_space<vmem>>) target_semaphore(%run_scoped3A_1204 : memref<!tpu.dma_semaphore, #tpu.memory_space<semaphore_mem>>)
              %dma_wait3A_1219 = arith.constant 0 : i32
              %dma_wait3A_1220 = arith.constant 0 : i32
              %dma_wait3A_1221 = tpu.memref_slice %arg8[%select_n3A_1203, %dma_wait3A_1219, %dma_wait3A_1220] : memref<2x8x128xi32, #tpu.memory_space<vmem>> -> memref<1x8x128xi32, #tpu.memory_space<vmem>>
              %dma_wait3A_1222 = tpu.memref_squeeze %dma_wait3A_1221 : memref<1x8x128xi32, #tpu.memory_space<vmem>> -> memref<8x128xi32, #tpu.memory_space<vmem>>
              %dma_wait3A_1223 = arith.constant 0 : i32
              %dma_wait3A_1224 = tpu.memref_slice %arg3[%arg1, %mul3A_1187, %dma_wait3A_1223] : memref<16x512x128xi32, #tpu.memory_space<hbm>> -> memref<1x8x128xi32, #tpu.memory_space<hbm>>
              %dma_wait3A_1225 = tpu.memref_squeeze %dma_wait3A_1224 : memref<1x8x128xi32, #tpu.memory_space<hbm>> -> memref<8x128xi32, #tpu.memory_space<hbm>>
              %dma_wait3A_1226 = arith.constant 0 : i32
              %dma_wait3A_1227 = arith.constant 0 : i32
              %dma_wait3A_1228 = tpu.memref_slice %arg8[%select_n3A_1203, %dma_wait3A_1226, %dma_wait3A_1227] : memref<2x8x128xi32, #tpu.memory_space<vmem>> -> memref<1x8x128xi32, #tpu.memory_space<vmem>>
              %dma_wait3A_1229 = tpu.memref_squeeze %dma_wait3A_1228 : memref<1x8x128xi32, #tpu.memory_space<vmem>> -> memref<8x128xi32, #tpu.memory_space<vmem>>
              %dma_wait3A_1230 = arith.constant 0 : i32
              %dma_wait3A_1231 = tpu.memref_slice %arg3[%arg1, %mul3A_1187, %dma_wait3A_1230] : memref<16x512x128xi32, #tpu.memory_space<hbm>> -> memref<1x8x128xi32, #tpu.memory_space<hbm>>
              %dma_wait3A_1232 = tpu.memref_squeeze %dma_wait3A_1231 : memref<1x8x128xi32, #tpu.memory_space<hbm>> -> memref<8x128xi32, #tpu.memory_space<hbm>>
              tpu.wait_dma2 semaphore(%run_scoped3A_1204 : memref<!tpu.dma_semaphore, #tpu.memory_space<semaphore_mem>>) src(%dma_wait3A_1232 : memref<8x128xi32, #tpu.memory_space<hbm>>) dst(%dma_wait3A_1229 : memref<8x128xi32, #tpu.memory_space<vmem>>)
              tpu.yield
            }) : () -> ()
          } else {
          }
          %jit3A_790 = arith.constant 8 : i32
          %div3A = arith.divsi %add3A_768, %jit3A_790 : i32
          %sign3A = arith.constant 0 : i32
          %sign3A_791 = arith.cmpi sgt, %add3A_768, %sign3A : i32
          %sign3A_792 = arith.extui %sign3A_791 : i1 to i32
          %sign3A_793 = arith.constant 0 : i32
          %sign3A_794 = arith.cmpi slt, %add3A_768, %sign3A_793 : i32
          %sign3A_795 = arith.extui %sign3A_794 : i1 to i32
          %sign3A_796 = arith.subi %sign3A_792, %sign3A_795 : i32
          %sign3A_797 = arith.constant 0 : i32
          %sign3A_798 = arith.cmpi sgt, %jit3A_790, %sign3A_797 : i32
          %sign3A_799 = arith.extui %sign3A_798 : i1 to i32
          %sign3A_800 = arith.constant 0 : i32
          %sign3A_801 = arith.cmpi slt, %jit3A_790, %sign3A_800 : i32
          %sign3A_802 = arith.extui %sign3A_801 : i1 to i32
          %sign3A_803 = arith.subi %sign3A_799, %sign3A_802 : i32
          %ne3A_804 = arith.cmpi ne, %sign3A_796, %sign3A_803 : i32
          %rem3A_805 = arith.remsi %add3A_768, %jit3A_790 : i32
          %ne3A_806 = arith.constant 0 : i32
          %ne3A_807 = arith.cmpi ne, %rem3A_805, %ne3A_806 : i32
          %and3A_808 = arith.andi %ne3A_804, %ne3A_807 : i1
          %sub3A_809 = arith.constant 1 : i32
          %sub3A_810 = arith.subi %div3A, %sub3A_809 : i32
          %select_n3A_811 = arith.select %and3A_808, %sub3A_810, %div3A : i32
          %jit3A_812 = arith.constant 2 : i32
          %eq3A_813 = arith.constant 0 : i32
          %eq3A_814 = arith.cmpi eq, %jit3A_812, %eq3A_813 : i32
          %jit3A_815 = arith.constant 1 : i32
          %select_n3A_816 = arith.select %eq3A_814, %jit3A_815, %jit3A_812 : i32
          %rem3A_817 = arith.remsi %select_n3A_811, %select_n3A_816 : i32
          %ne3A_818 = arith.constant 0 : i32
          %ne3A_819 = arith.cmpi ne, %rem3A_817, %ne3A_818 : i32
          %lt3A_820 = arith.constant 0 : i32
          %lt3A_821 = arith.cmpi slt, %rem3A_817, %lt3A_820 : i32
          %lt3A_822 = arith.constant 0 : i32
          %lt3A_823 = arith.cmpi slt, %select_n3A_816, %lt3A_822 : i32
          %ne3A_824 = arith.xori %lt3A_821, %lt3A_823 : i1
          %and3A_825 = arith.andi %ne3A_824, %ne3A_819 : i1
          %add3A_826 = arith.addi %rem3A_817, %select_n3A_816 : i32
          %select_n3A_827 = arith.select %and3A_825, %add3A_826, %rem3A_817 : i32
          %jit3A_828 = arith.constant 8 : i32
          %eq3A_829 = arith.constant 0 : i32
          %eq3A_830 = arith.cmpi eq, %jit3A_828, %eq3A_829 : i32
          %jit3A_831 = arith.constant 1 : i32
          %select_n3A_832 = arith.select %eq3A_830, %jit3A_831, %jit3A_828 : i32
          %rem3A_833 = arith.remsi %add3A_768, %select_n3A_832 : i32
          %ne3A_834 = arith.constant 0 : i32
          %ne3A_835 = arith.cmpi ne, %rem3A_833, %ne3A_834 : i32
          %lt3A_836 = arith.constant 0 : i32
          %lt3A_837 = arith.cmpi slt, %rem3A_833, %lt3A_836 : i32
          %lt3A_838 = arith.constant 0 : i32
          %lt3A_839 = arith.cmpi slt, %select_n3A_832, %lt3A_838 : i32
          %ne3A_840 = arith.xori %lt3A_837, %lt3A_839 : i1
          %and3A_841 = arith.andi %ne3A_840, %ne3A_835 : i1
          %add3A_842 = arith.addi %rem3A_833, %select_n3A_832 : i32
          %select_n3A_843 = arith.select %and3A_841, %add3A_842, %rem3A_833 : i32
          %get3A_844 = arith.index_cast %select_n3A_827 : i32 to index
          %get3A_845 = arith.index_cast %select_n3A_843 : i32 to index
          %get3A_846 = arith.constant 0 : index
          %get3A_847 = tpu.vector_load %arg7[%get3A_844, %get3A_845, %get3A_846] {strides = array<i32>} : memref<2x8x128xi32, #tpu.memory_space<vmem>>, vector<1x1x16xi32>,
          %get3A_848 = vector.shape_cast %get3A_847 : vector<1x1x16xi32> to vector<16xi32>
          %get3A_849 = arith.index_cast %select_n3A_827 : i32 to index
          %get3A_850 = arith.index_cast %select_n3A_843 : i32 to index
          %get3A_851 = arith.constant 0 : index
          %get3A_852 = tpu.vector_load %arg8[%get3A_849, %get3A_850, %get3A_851] {strides = array<i32>} : memref<2x8x128xi32, #tpu.memory_space<vmem>>, vector<1x1x16xi32>,
          %get3A_853 = vector.shape_cast %get3A_852 : vector<1x1x16xi32> to vector<16xi32>
          %ge3A_854 = vector.broadcast %mul3A_9 : i32 to vector<16xi32>
          %ge3A_855 = arith.cmpi sge, %get3A_853, %ge3A_854 : vector<16xi32>
          %add3A_856 = arith.constant 25088 : i32
          %add3A_857 = arith.addi %mul3A_9, %add3A_856 : i32
          %lt3A_858 = vector.broadcast %add3A_857 : i32 to vector<16xi32>
          %lt3A_859 = arith.cmpi slt, %get3A_853, %lt3A_858 : vector<16xi32>
          %and3A_860 = arith.andi %ge3A_855, %lt3A_859 : vector<16xi1>
          %sub3A_861 = vector.broadcast %mul3A_9 : i32 to vector<16xi32>
          %sub3A_862 = arith.subi %get3A_853, %sub3A_861 : vector<16xi32>
          %iota3A_863 = tpu.iota {dimensions = array<i32: 0>} : vector<16xi32>
          %add3A_864 = arith.constant 25088 : i32
          %add3A_865 = vector.broadcast %add3A_864 : i32 to vector<16xi32>
          %add3A_866 = arith.addi %add3A_865, %iota3A_863 : vector<16xi32>
          %select_n3A_867 = arith.select %and3A_860, %sub3A_862, %add3A_866 : vector<16xi1>, vector<16xi32>
          %add3A_868 = vector.broadcast %mul3A_2 : i32 to vector<16xi32>
          %add3A_869 = arith.addi %get3A_848, %add3A_868 : vector<16xi32>
          %swap3A_870 = arith.index_cast %select_n3A_726 : i32 to index
          %swap3A_871 = arith.constant 0 : index
          %swap3A_872 = tpu.vector_load %arg9[%swap3A_870, %swap3A_871] {strides = array<i32>} : memref<2x128xi32, #tpu.memory_space<vmem>>, vector<1x16xi32>,
          %swap3A_873 = vector.shape_cast %swap3A_872 : vector<1x16xi32> to vector<16xi32>
          %swap3A_874 = vector.shape_cast %add3A_869 : vector<16xi32> to vector<1x16xi32>
          tpu.vector_store %arg9[%swap3A_870, %swap3A_871], %swap3A_874 {strides = array<i32>} : memref<2x128xi32, #tpu.memory_space<vmem>>, vector<1x16xi32>,
          %swap3A_875 = arith.index_cast %select_n3A_726 : i32 to index
          %swap3A_876 = arith.constant 0 : index
          %swap3A_877 = tpu.vector_load %arg10[%swap3A_875, %swap3A_876] {strides = array<i32>} : memref<2x128xi32, #tpu.memory_space<vmem>>, vector<1x16xi32>,
          %swap3A_878 = vector.shape_cast %swap3A_877 : vector<1x16xi32> to vector<16xi32>
          %swap3A_879 = vector.shape_cast %select_n3A_867 : vector<16xi32> to vector<1x16xi32>
          tpu.vector_store %arg10[%swap3A_875, %swap3A_876], %swap3A_879 {strides = array<i32>} : memref<2x128xi32, #tpu.memory_space<vmem>>, vector<1x16xi32>,
          %get3A_880 = arith.index_cast %select_n3A_827 : i32 to index
          %get3A_881 = arith.index_cast %select_n3A_843 : i32 to index
          %get3A_882 = arith.constant 16 : index
          %get3A_883 = tpu.vector_load %arg7[%get3A_880, %get3A_881, %get3A_882] {strides = array<i32>} : memref<2x8x128xi32, #tpu.memory_space<vmem>>, vector<1x1x16xi32>,
          %get3A_884 = vector.shape_cast %get3A_883 : vector<1x1x16xi32> to vector<16xi32>
          %get3A_885 = arith.index_cast %select_n3A_827 : i32 to index
          %get3A_886 = arith.index_cast %select_n3A_843 : i32 to index
          %get3A_887 = arith.constant 16 : index
          %get3A_888 = tpu.vector_load %arg8[%get3A_885, %get3A_886, %get3A_887] {strides = array<i32>} : memref<2x8x128xi32, #tpu.memory_space<vmem>>, vector<1x1x16xi32>,
          %get3A_889 = vector.shape_cast %get3A_888 : vector<1x1x16xi32> to vector<16xi32>
          %ge3A_890 = vector.broadcast %mul3A_9 : i32 to vector<16xi32>
          %ge3A_891 = arith.cmpi sge, %get3A_889, %ge3A_890 : vector<16xi32>
          %add3A_892 = arith.constant 25088 : i32
          %add3A_893 = arith.addi %mul3A_9, %add3A_892 : i32
          %lt3A_894 = vector.broadcast %add3A_893 : i32 to vector<16xi32>
          %lt3A_895 = arith.cmpi slt, %get3A_889, %lt3A_894 : vector<16xi32>
          %and3A_896 = arith.andi %ge3A_891, %lt3A_895 : vector<16xi1>
          %sub3A_897 = vector.broadcast %mul3A_9 : i32 to vector<16xi32>
          %sub3A_898 = arith.subi %get3A_889, %sub3A_897 : vector<16xi32>
          %iota3A_899 = tpu.iota {dimensions = array<i32: 0>} : vector<16xi32>
          %add3A_900 = arith.constant 25104 : i32
          %add3A_901 = vector.broadcast %add3A_900 : i32 to vector<16xi32>
          %add3A_902 = arith.addi %add3A_901, %iota3A_899 : vector<16xi32>
          %select_n3A_903 = arith.select %and3A_896, %sub3A_898, %add3A_902 : vector<16xi1>, vector<16xi32>
          %add3A_904 = vector.broadcast %mul3A_2 : i32 to vector<16xi32>
          %add3A_905 = arith.addi %get3A_884, %add3A_904 : vector<16xi32>
          %swap3A_906 = arith.index_cast %select_n3A_726 : i32 to index
          %swap3A_907 = arith.constant 16 : index
          %swap3A_908 = tpu.vector_load %arg9[%swap3A_906, %swap3A_907] {strides = array<i32>} : memref<2x128xi32, #tpu.memory_space<vmem>>, vector<1x16xi32>,
          %swap3A_909 = vector.shape_cast %swap3A_908 : vector<1x16xi32> to vector<16xi32>
          %swap3A_910 = vector.shape_cast %add3A_905 : vector<16xi32> to vector<1x16xi32>
          tpu.vector_store %arg9[%swap3A_906, %swap3A_907], %swap3A_910 {strides = array<i32>} : memref<2x128xi32, #tpu.memory_space<vmem>>, vector<1x16xi32>,
          %swap3A_911 = arith.index_cast %select_n3A_726 : i32 to index
          %swap3A_912 = arith.constant 16 : index
          %swap3A_913 = tpu.vector_load %arg10[%swap3A_911, %swap3A_912] {strides = array<i32>} : memref<2x128xi32, #tpu.memory_space<vmem>>, vector<1x16xi32>,
          %swap3A_914 = vector.shape_cast %swap3A_913 : vector<1x16xi32> to vector<16xi32>
          %swap3A_915 = vector.shape_cast %select_n3A_903 : vector<16xi32> to vector<1x16xi32>
          tpu.vector_store %arg10[%swap3A_911, %swap3A_912], %swap3A_915 {strides = array<i32>} : memref<2x128xi32, #tpu.memory_space<vmem>>, vector<1x16xi32>,
          %get3A_916 = arith.index_cast %select_n3A_827 : i32 to index
          %get3A_917 = arith.index_cast %select_n3A_843 : i32 to index
          %get3A_918 = arith.constant 32 : index
          %get3A_919 = tpu.vector_load %arg7[%get3A_916, %get3A_917, %get3A_918] {strides = array<i32>} : memref<2x8x128xi32, #tpu.memory_space<vmem>>, vector<1x1x16xi32>,
          %get3A_920 = vector.shape_cast %get3A_919 : vector<1x1x16xi32> to vector<16xi32>
          %get3A_921 = arith.index_cast %select_n3A_827 : i32 to index
          %get3A_922 = arith.index_cast %select_n3A_843 : i32 to index
          %get3A_923 = arith.constant 32 : index
          %get3A_924 = tpu.vector_load %arg8[%get3A_921, %get3A_922, %get3A_923] {strides = array<i32>} : memref<2x8x128xi32, #tpu.memory_space<vmem>>, vector<1x1x16xi32>,
          %get3A_925 = vector.shape_cast %get3A_924 : vector<1x1x16xi32> to vector<16xi32>
          %ge3A_926 = vector.broadcast %mul3A_9 : i32 to vector<16xi32>
          %ge3A_927 = arith.cmpi sge, %get3A_925, %ge3A_926 : vector<16xi32>
          %add3A_928 = arith.constant 25088 : i32
          %add3A_929 = arith.addi %mul3A_9, %add3A_928 : i32
          %lt3A_930 = vector.broadcast %add3A_929 : i32 to vector<16xi32>
          %lt3A_931 = arith.cmpi slt, %get3A_925, %lt3A_930 : vector<16xi32>
          %and3A_932 = arith.andi %ge3A_927, %lt3A_931 : vector<16xi1>
          %sub3A_933 = vector.broadcast %mul3A_9 : i32 to vector<16xi32>
          %sub3A_934 = arith.subi %get3A_925, %sub3A_933 : vector<16xi32>
          %iota3A_935 = tpu.iota {dimensions = array<i32: 0>} : vector<16xi32>
          %add3A_936 = arith.constant 25120 : i32
          %add3A_937 = vector.broadcast %add3A_936 : i32 to vector<16xi32>
          %add3A_938 = arith.addi %add3A_937, %iota3A_935 : vector<16xi32>
          %select_n3A_939 = arith.select %and3A_932, %sub3A_934, %add3A_938 : vector<16xi1>, vector<16xi32>
          %add3A_940 = vector.broadcast %mul3A_2 : i32 to vector<16xi32>
          %add3A_941 = arith.addi %get3A_920, %add3A_940 : vector<16xi32>
          %swap3A_942 = arith.index_cast %select_n3A_726 : i32 to index
          %swap3A_943 = arith.constant 32 : index
          %swap3A_944 = tpu.vector_load %arg9[%swap3A_942, %swap3A_943] {strides = array<i32>} : memref<2x128xi32, #tpu.memory_space<vmem>>, vector<1x16xi32>,
          %swap3A_945 = vector.shape_cast %swap3A_944 : vector<1x16xi32> to vector<16xi32>
          %swap3A_946 = vector.shape_cast %add3A_941 : vector<16xi32> to vector<1x16xi32>
          tpu.vector_store %arg9[%swap3A_942, %swap3A_943], %swap3A_946 {strides = array<i32>} : memref<2x128xi32, #tpu.memory_space<vmem>>, vector<1x16xi32>,
          %swap3A_947 = arith.index_cast %select_n3A_726 : i32 to index
          %swap3A_948 = arith.constant 32 : index
          %swap3A_949 = tpu.vector_load %arg10[%swap3A_947, %swap3A_948] {strides = array<i32>} : memref<2x128xi32, #tpu.memory_space<vmem>>, vector<1x16xi32>,
          %swap3A_950 = vector.shape_cast %swap3A_949 : vector<1x16xi32> to vector<16xi32>
          %swap3A_951 = vector.shape_cast %select_n3A_939 : vector<16xi32> to vector<1x16xi32>
          tpu.vector_store %arg10[%swap3A_947, %swap3A_948], %swap3A_951 {strides = array<i32>} : memref<2x128xi32, #tpu.memory_space<vmem>>, vector<1x16xi32>,
          %get3A_952 = arith.index_cast %select_n3A_827 : i32 to index
          %get3A_953 = arith.index_cast %select_n3A_843 : i32 to index
          %get3A_954 = arith.constant 48 : index
          %get3A_955 = tpu.vector_load %arg7[%get3A_952, %get3A_953, %get3A_954] {strides = array<i32>} : memref<2x8x128xi32, #tpu.memory_space<vmem>>, vector<1x1x16xi32>,
          %get3A_956 = vector.shape_cast %get3A_955 : vector<1x1x16xi32> to vector<16xi32>
          %get3A_957 = arith.index_cast %select_n3A_827 : i32 to index
          %get3A_958 = arith.index_cast %select_n3A_843 : i32 to index
          %get3A_959 = arith.constant 48 : index
          %get3A_960 = tpu.vector_load %arg8[%get3A_957, %get3A_958, %get3A_959] {strides = array<i32>} : memref<2x8x128xi32, #tpu.memory_space<vmem>>, vector<1x1x16xi32>,
          %get3A_961 = vector.shape_cast %get3A_960 : vector<1x1x16xi32> to vector<16xi32>
          %ge3A_962 = vector.broadcast %mul3A_9 : i32 to vector<16xi32>
          %ge3A_963 = arith.cmpi sge, %get3A_961, %ge3A_962 : vector<16xi32>
          %add3A_964 = arith.constant 25088 : i32
          %add3A_965 = arith.addi %mul3A_9, %add3A_964 : i32
          %lt3A_966 = vector.broadcast %add3A_965 : i32 to vector<16xi32>
          %lt3A_967 = arith.cmpi slt, %get3A_961, %lt3A_966 : vector<16xi32>
          %and3A_968 = arith.andi %ge3A_963, %lt3A_967 : vector<16xi1>
          %sub3A_969 = vector.broadcast %mul3A_9 : i32 to vector<16xi32>
          %sub3A_970 = arith.subi %get3A_961, %sub3A_969 : vector<16xi32>
          %iota3A_971 = tpu.iota {dimensions = array<i32: 0>} : vector<16xi32>
          %add3A_972 = arith.constant 25136 : i32
          %add3A_973 = vector.broadcast %add3A_972 : i32 to vector<16xi32>
          %add3A_974 = arith.addi %add3A_973, %iota3A_971 : vector<16xi32>
          %select_n3A_975 = arith.select %and3A_968, %sub3A_970, %add3A_974 : vector<16xi1>, vector<16xi32>
          %add3A_976 = vector.broadcast %mul3A_2 : i32 to vector<16xi32>
          %add3A_977 = arith.addi %get3A_956, %add3A_976 : vector<16xi32>
          %swap3A_978 = arith.index_cast %select_n3A_726 : i32 to index
          %swap3A_979 = arith.constant 48 : index
          %swap3A_980 = tpu.vector_load %arg9[%swap3A_978, %swap3A_979] {strides = array<i32>} : memref<2x128xi32, #tpu.memory_space<vmem>>, vector<1x16xi32>,
          %swap3A_981 = vector.shape_cast %swap3A_980 : vector<1x16xi32> to vector<16xi32>
          %swap3A_982 = vector.shape_cast %add3A_977 : vector<16xi32> to vector<1x16xi32>
          tpu.vector_store %arg9[%swap3A_978, %swap3A_979], %swap3A_982 {strides = array<i32>} : memref<2x128xi32, #tpu.memory_space<vmem>>, vector<1x16xi32>,
          %swap3A_983 = arith.index_cast %select_n3A_726 : i32 to index
          %swap3A_984 = arith.constant 48 : index
          %swap3A_985 = tpu.vector_load %arg10[%swap3A_983, %swap3A_984] {strides = array<i32>} : memref<2x128xi32, #tpu.memory_space<vmem>>, vector<1x16xi32>,
          %swap3A_986 = vector.shape_cast %swap3A_985 : vector<1x16xi32> to vector<16xi32>
          %swap3A_987 = vector.shape_cast %select_n3A_975 : vector<16xi32> to vector<1x16xi32>
          tpu.vector_store %arg10[%swap3A_983, %swap3A_984], %swap3A_987 {strides = array<i32>} : memref<2x128xi32, #tpu.memory_space<vmem>>, vector<1x16xi32>,
          %get3A_988 = arith.index_cast %select_n3A_827 : i32 to index
          %get3A_989 = arith.index_cast %select_n3A_843 : i32 to index
          %get3A_990 = arith.constant 64 : index
          %get3A_991 = tpu.vector_load %arg7[%get3A_988, %get3A_989, %get3A_990] {strides = array<i32>} : memref<2x8x128xi32, #tpu.memory_space<vmem>>, vector<1x1x16xi32>,
          %get3A_992 = vector.shape_cast %get3A_991 : vector<1x1x16xi32> to vector<16xi32>
          %get3A_993 = arith.index_cast %select_n3A_827 : i32 to index
          %get3A_994 = arith.index_cast %select_n3A_843 : i32 to index
          %get3A_995 = arith.constant 64 : index
          %get3A_996 = tpu.vector_load %arg8[%get3A_993, %get3A_994, %get3A_995] {strides = array<i32>} : memref<2x8x128xi32, #tpu.memory_space<vmem>>, vector<1x1x16xi32>,
          %get3A_997 = vector.shape_cast %get3A_996 : vector<1x1x16xi32> to vector<16xi32>
          %ge3A_998 = vector.broadcast %mul3A_9 : i32 to vector<16xi32>
          %ge3A_999 = arith.cmpi sge, %get3A_997, %ge3A_998 : vector<16xi32>
          %add3A_1000 = arith.constant 25088 : i32
          %add3A_1001 = arith.addi %mul3A_9, %add3A_1000 : i32
          %lt3A_1002 = vector.broadcast %add3A_1001 : i32 to vector<16xi32>
          %lt3A_1003 = arith.cmpi slt, %get3A_997, %lt3A_1002 : vector<16xi32>
          %and3A_1004 = arith.andi %ge3A_999, %lt3A_1003 : vector<16xi1>
          %sub3A_1005 = vector.broadcast %mul3A_9 : i32 to vector<16xi32>
          %sub3A_1006 = arith.subi %get3A_997, %sub3A_1005 : vector<16xi32>
          %iota3A_1007 = tpu.iota {dimensions = array<i32: 0>} : vector<16xi32>
          %add3A_1008 = arith.constant 25152 : i32
          %add3A_1009 = vector.broadcast %add3A_1008 : i32 to vector<16xi32>
          %add3A_1010 = arith.addi %add3A_1009, %iota3A_1007 : vector<16xi32>
          %select_n3A_1011 = arith.select %and3A_1004, %sub3A_1006, %add3A_1010 : vector<16xi1>, vector<16xi32>
          %add3A_1012 = vector.broadcast %mul3A_2 : i32 to vector<16xi32>
          %add3A_1013 = arith.addi %get3A_992, %add3A_1012 : vector<16xi32>
          %swap3A_1014 = arith.index_cast %select_n3A_726 : i32 to index
          %swap3A_1015 = arith.constant 64 : index
          %swap3A_1016 = tpu.vector_load %arg9[%swap3A_1014, %swap3A_1015] {strides = array<i32>} : memref<2x128xi32, #tpu.memory_space<vmem>>, vector<1x16xi32>,
          %swap3A_1017 = vector.shape_cast %swap3A_1016 : vector<1x16xi32> to vector<16xi32>
          %swap3A_1018 = vector.shape_cast %add3A_1013 : vector<16xi32> to vector<1x16xi32>
          tpu.vector_store %arg9[%swap3A_1014, %swap3A_1015], %swap3A_1018 {strides = array<i32>} : memref<2x128xi32, #tpu.memory_space<vmem>>, vector<1x16xi32>,
          %swap3A_1019 = arith.index_cast %select_n3A_726 : i32 to index
          %swap3A_1020 = arith.constant 64 : index
          %swap3A_1021 = tpu.vector_load %arg10[%swap3A_1019, %swap3A_1020] {strides = array<i32>} : memref<2x128xi32, #tpu.memory_space<vmem>>, vector<1x16xi32>,
          %swap3A_1022 = vector.shape_cast %swap3A_1021 : vector<1x16xi32> to vector<16xi32>
          %swap3A_1023 = vector.shape_cast %select_n3A_1011 : vector<16xi32> to vector<1x16xi32>
          tpu.vector_store %arg10[%swap3A_1019, %swap3A_1020], %swap3A_1023 {strides = array<i32>} : memref<2x128xi32, #tpu.memory_space<vmem>>, vector<1x16xi32>,
          %get3A_1024 = arith.index_cast %select_n3A_827 : i32 to index
          %get3A_1025 = arith.index_cast %select_n3A_843 : i32 to index
          %get3A_1026 = arith.constant 80 : index
          %get3A_1027 = tpu.vector_load %arg7[%get3A_1024, %get3A_1025, %get3A_1026] {strides = array<i32>} : memref<2x8x128xi32, #tpu.memory_space<vmem>>, vector<1x1x16xi32>,
          %get3A_1028 = vector.shape_cast %get3A_1027 : vector<1x1x16xi32> to vector<16xi32>
          %get3A_1029 = arith.index_cast %select_n3A_827 : i32 to index
          %get3A_1030 = arith.index_cast %select_n3A_843 : i32 to index
          %get3A_1031 = arith.constant 80 : index
          %get3A_1032 = tpu.vector_load %arg8[%get3A_1029, %get3A_1030, %get3A_1031] {strides = array<i32>} : memref<2x8x128xi32, #tpu.memory_space<vmem>>, vector<1x1x16xi32>,
          %get3A_1033 = vector.shape_cast %get3A_1032 : vector<1x1x16xi32> to vector<16xi32>
          %ge3A_1034 = vector.broadcast %mul3A_9 : i32 to vector<16xi32>
          %ge3A_1035 = arith.cmpi sge, %get3A_1033, %ge3A_1034 : vector<16xi32>
          %add3A_1036 = arith.constant 25088 : i32
          %add3A_1037 = arith.addi %mul3A_9, %add3A_1036 : i32
          %lt3A_1038 = vector.broadcast %add3A_1037 : i32 to vector<16xi32>
          %lt3A_1039 = arith.cmpi slt, %get3A_1033, %lt3A_1038 : vector<16xi32>
          %and3A_1040 = arith.andi %ge3A_1035, %lt3A_1039 : vector<16xi1>
          %sub3A_1041 = vector.broadcast %mul3A_9 : i32 to vector<16xi32>
          %sub3A_1042 = arith.subi %get3A_1033, %sub3A_1041 : vector<16xi32>
          %iota3A_1043 = tpu.iota {dimensions = array<i32: 0>} : vector<16xi32>
          %add3A_1044 = arith.constant 25168 : i32
          %add3A_1045 = vector.broadcast %add3A_1044 : i32 to vector<16xi32>
          %add3A_1046 = arith.addi %add3A_1045, %iota3A_1043 : vector<16xi32>
          %select_n3A_1047 = arith.select %and3A_1040, %sub3A_1042, %add3A_1046 : vector<16xi1>, vector<16xi32>
          %add3A_1048 = vector.broadcast %mul3A_2 : i32 to vector<16xi32>
          %add3A_1049 = arith.addi %get3A_1028, %add3A_1048 : vector<16xi32>
          %swap3A_1050 = arith.index_cast %select_n3A_726 : i32 to index
          %swap3A_1051 = arith.constant 80 : index
          %swap3A_1052 = tpu.vector_load %arg9[%swap3A_1050, %swap3A_1051] {strides = array<i32>} : memref<2x128xi32, #tpu.memory_space<vmem>>, vector<1x16xi32>,
          %swap3A_1053 = vector.shape_cast %swap3A_1052 : vector<1x16xi32> to vector<16xi32>
          %swap3A_1054 = vector.shape_cast %add3A_1049 : vector<16xi32> to vector<1x16xi32>
          tpu.vector_store %arg9[%swap3A_1050, %swap3A_1051], %swap3A_1054 {strides = array<i32>} : memref<2x128xi32, #tpu.memory_space<vmem>>, vector<1x16xi32>,
          %swap3A_1055 = arith.index_cast %select_n3A_726 : i32 to index
          %swap3A_1056 = arith.constant 80 : index
          %swap3A_1057 = tpu.vector_load %arg10[%swap3A_1055, %swap3A_1056] {strides = array<i32>} : memref<2x128xi32, #tpu.memory_space<vmem>>, vector<1x16xi32>,
          %swap3A_1058 = vector.shape_cast %swap3A_1057 : vector<1x16xi32> to vector<16xi32>
          %swap3A_1059 = vector.shape_cast %select_n3A_1047 : vector<16xi32> to vector<1x16xi32>
          tpu.vector_store %arg10[%swap3A_1055, %swap3A_1056], %swap3A_1059 {strides = array<i32>} : memref<2x128xi32, #tpu.memory_space<vmem>>, vector<1x16xi32>,
          %get3A_1060 = arith.index_cast %select_n3A_827 : i32 to index
          %get3A_1061 = arith.index_cast %select_n3A_843 : i32 to index
          %get3A_1062 = arith.constant 96 : index
          %get3A_1063 = tpu.vector_load %arg7[%get3A_1060, %get3A_1061, %get3A_1062] {strides = array<i32>} : memref<2x8x128xi32, #tpu.memory_space<vmem>>, vector<1x1x16xi32>,
          %get3A_1064 = vector.shape_cast %get3A_1063 : vector<1x1x16xi32> to vector<16xi32>
          %get3A_1065 = arith.index_cast %select_n3A_827 : i32 to index
          %get3A_1066 = arith.index_cast %select_n3A_843 : i32 to index
          %get3A_1067 = arith.constant 96 : index
          %get3A_1068 = tpu.vector_load %arg8[%get3A_1065, %get3A_1066, %get3A_1067] {strides = array<i32>} : memref<2x8x128xi32, #tpu.memory_space<vmem>>, vector<1x1x16xi32>,
          %get3A_1069 = vector.shape_cast %get3A_1068 : vector<1x1x16xi32> to vector<16xi32>
          %ge3A_1070 = vector.broadcast %mul3A_9 : i32 to vector<16xi32>
          %ge3A_1071 = arith.cmpi sge, %get3A_1069, %ge3A_1070 : vector<16xi32>
          %add3A_1072 = arith.constant 25088 : i32
          %add3A_1073 = arith.addi %mul3A_9, %add3A_1072 : i32
          %lt3A_1074 = vector.broadcast %add3A_1073 : i32 to vector<16xi32>
          %lt3A_1075 = arith.cmpi slt, %get3A_1069, %lt3A_1074 : vector<16xi32>
          %and3A_1076 = arith.andi %ge3A_1071, %lt3A_1075 : vector<16xi1>
          %sub3A_1077 = vector.broadcast %mul3A_9 : i32 to vector<16xi32>
          %sub3A_1078 = arith.subi %get3A_1069, %sub3A_1077 : vector<16xi32>
          %iota3A_1079 = tpu.iota {dimensions = array<i32: 0>} : vector<16xi32>
          %add3A_1080 = arith.constant 25184 : i32
          %add3A_1081 = vector.broadcast %add3A_1080 : i32 to vector<16xi32>
          %add3A_1082 = arith.addi %add3A_1081, %iota3A_1079 : vector<16xi32>
          %select_n3A_1083 = arith.select %and3A_1076, %sub3A_1078, %add3A_1082 : vector<16xi1>, vector<16xi32>
          %add3A_1084 = vector.broadcast %mul3A_2 : i32 to vector<16xi32>
          %add3A_1085 = arith.addi %get3A_1064, %add3A_1084 : vector<16xi32>
          %swap3A_1086 = arith.index_cast %select_n3A_726 : i32 to index
          %swap3A_1087 = arith.constant 96 : index
          %swap3A_1088 = tpu.vector_load %arg9[%swap3A_1086, %swap3A_1087] {strides = array<i32>} : memref<2x128xi32, #tpu.memory_space<vmem>>, vector<1x16xi32>,
          %swap3A_1089 = vector.shape_cast %swap3A_1088 : vector<1x16xi32> to vector<16xi32>
          %swap3A_1090 = vector.shape_cast %add3A_1085 : vector<16xi32> to vector<1x16xi32>
          tpu.vector_store %arg9[%swap3A_1086, %swap3A_1087], %swap3A_1090 {strides = array<i32>} : memref<2x128xi32, #tpu.memory_space<vmem>>, vector<1x16xi32>,
          %swap3A_1091 = arith.index_cast %select_n3A_726 : i32 to index
          %swap3A_1092 = arith.constant 96 : index
          %swap3A_1093 = tpu.vector_load %arg10[%swap3A_1091, %swap3A_1092] {strides = array<i32>} : memref<2x128xi32, #tpu.memory_space<vmem>>, vector<1x16xi32>,
          %swap3A_1094 = vector.shape_cast %swap3A_1093 : vector<1x16xi32> to vector<16xi32>
          %swap3A_1095 = vector.shape_cast %select_n3A_1083 : vector<16xi32> to vector<1x16xi32>
          tpu.vector_store %arg10[%swap3A_1091, %swap3A_1092], %swap3A_1095 {strides = array<i32>} : memref<2x128xi32, #tpu.memory_space<vmem>>, vector<1x16xi32>,
          %get3A_1096 = arith.index_cast %select_n3A_827 : i32 to index
          %get3A_1097 = arith.index_cast %select_n3A_843 : i32 to index
          %get3A_1098 = arith.constant 112 : index
          %get3A_1099 = tpu.vector_load %arg7[%get3A_1096, %get3A_1097, %get3A_1098] {strides = array<i32>} : memref<2x8x128xi32, #tpu.memory_space<vmem>>, vector<1x1x16xi32>,
          %get3A_1100 = vector.shape_cast %get3A_1099 : vector<1x1x16xi32> to vector<16xi32>
          %get3A_1101 = arith.index_cast %select_n3A_827 : i32 to index
          %get3A_1102 = arith.index_cast %select_n3A_843 : i32 to index
          %get3A_1103 = arith.constant 112 : index
          %get3A_1104 = tpu.vector_load %arg8[%get3A_1101, %get3A_1102, %get3A_1103] {strides = array<i32>} : memref<2x8x128xi32, #tpu.memory_space<vmem>>, vector<1x1x16xi32>,
          %get3A_1105 = vector.shape_cast %get3A_1104 : vector<1x1x16xi32> to vector<16xi32>
          %ge3A_1106 = vector.broadcast %mul3A_9 : i32 to vector<16xi32>
          %ge3A_1107 = arith.cmpi sge, %get3A_1105, %ge3A_1106 : vector<16xi32>
          %add3A_1108 = arith.constant 25088 : i32
          %add3A_1109 = arith.addi %mul3A_9, %add3A_1108 : i32
          %lt3A_1110 = vector.broadcast %add3A_1109 : i32 to vector<16xi32>
          %lt3A_1111 = arith.cmpi slt, %get3A_1105, %lt3A_1110 : vector<16xi32>
          %and3A_1112 = arith.andi %ge3A_1107, %lt3A_1111 : vector<16xi1>
          %sub3A_1113 = vector.broadcast %mul3A_9 : i32 to vector<16xi32>
          %sub3A_1114 = arith.subi %get3A_1105, %sub3A_1113 : vector<16xi32>
          %iota3A_1115 = tpu.iota {dimensions = array<i32: 0>} : vector<16xi32>
          %add3A_1116 = arith.constant 25200 : i32
          %add3A_1117 = vector.broadcast %add3A_1116 : i32 to vector<16xi32>
          %add3A_1118 = arith.addi %add3A_1117, %iota3A_1115 : vector<16xi32>
          %select_n3A_1119 = arith.select %and3A_1112, %sub3A_1114, %add3A_1118 : vector<16xi1>, vector<16xi32>
          %add3A_1120 = vector.broadcast %mul3A_2 : i32 to vector<16xi32>
          %add3A_1121 = arith.addi %get3A_1100, %add3A_1120 : vector<16xi32>
          %swap3A_1122 = arith.index_cast %select_n3A_726 : i32 to index
          %swap3A_1123 = arith.constant 112 : index
          %swap3A_1124 = tpu.vector_load %arg9[%swap3A_1122, %swap3A_1123] {strides = array<i32>} : memref<2x128xi32, #tpu.memory_space<vmem>>, vector<1x16xi32>,
          %swap3A_1125 = vector.shape_cast %swap3A_1124 : vector<1x16xi32> to vector<16xi32>
          %swap3A_1126 = vector.shape_cast %add3A_1121 : vector<16xi32> to vector<1x16xi32>
          tpu.vector_store %arg9[%swap3A_1122, %swap3A_1123], %swap3A_1126 {strides = array<i32>} : memref<2x128xi32, #tpu.memory_space<vmem>>, vector<1x16xi32>,
          %swap3A_1127 = arith.index_cast %select_n3A_726 : i32 to index
          %swap3A_1128 = arith.constant 112 : index
          %swap3A_1129 = tpu.vector_load %arg10[%swap3A_1127, %swap3A_1128] {strides = array<i32>} : memref<2x128xi32, #tpu.memory_space<vmem>>, vector<1x16xi32>,
          %swap3A_1130 = vector.shape_cast %swap3A_1129 : vector<1x16xi32> to vector<16xi32>
          %swap3A_1131 = vector.shape_cast %select_n3A_1119 : vector<16xi32> to vector<1x16xi32>
          tpu.vector_store %arg10[%swap3A_1127, %swap3A_1128], %swap3A_1131 {strides = array<i32>} : memref<2x128xi32, #tpu.memory_space<vmem>>, vector<1x16xi32>,
          %dma_start3A_1132 = arith.constant 0 : i32
          %dma_start3A_1133 = arith.constant 0 : i32
          %dma_start3A_1134 = tpu.memref_slice %arg11[%select_n3A_726, %dma_start3A_1132, %dma_start3A_1133] : memref<2x128x64xf32, #tpu.memory_space<vmem>> -> memref<1x128x64xf32, #tpu.memory_space<vmem>>
          %dma_start3A_1135 = tpu.memref_squeeze %dma_start3A_1134 : memref<1x128x64xf32, #tpu.memory_space<vmem>> -> memref<128x64xf32, #tpu.memory_space<vmem>>
          %dma_start3A_1136 = arith.constant 0 : i32
          %dma_start3A_1137 = tpu.memref_slice %arg9[%select_n3A_726, %dma_start3A_1136] : memref<2x128xi32, #tpu.memory_space<vmem>> -> memref<1x128xi32, #tpu.memory_space<vmem>>
          %dma_start3A_1138 = tpu.memref_squeeze %dma_start3A_1137 : memref<1x128xi32, #tpu.memory_space<vmem>> -> memref<128xi32, #tpu.memory_space<vmem>>
          %dma_start3A_1139 = arith.constant 0 : i32
          %dma_start3A_1140 = arith.constant 0 : i32
          %dma_start3A_1141 = tpu.memref_slice %arg5[%dma_start3A_1139, %dma_start3A_1140] : memref<108000x64xf32, #tpu.memory_space<hbm>> -> memref<108000x64xf32, #tpu.memory_space<hbm>>
          %dma_start3A_1142 = tpu.memref_slice %arg12[%select_n3A_726] : memref<2x!tpu.dma_semaphore, #tpu.memory_space<semaphore_mem>> -> memref<1x!tpu.dma_semaphore, #tpu.memory_space<semaphore_mem>>
          %dma_start3A_1143 = tpu.memref_squeeze %dma_start3A_1142 : memref<1x!tpu.dma_semaphore, #tpu.memory_space<semaphore_mem>> -> memref<!tpu.dma_semaphore, #tpu.memory_space<semaphore_mem>>
          tpu.enqueue_indirect_dma source(%dma_start3A_1141 : memref<108000x64xf32, #tpu.memory_space<hbm>>) target(%dma_start3A_1135 : memref<128x64xf32, #tpu.memory_space<vmem>>) offsets(%dma_start3A_1138 : memref<128xi32, #tpu.memory_space<vmem>>) semaphore(%dma_start3A_1143 : memref<!tpu.dma_semaphore, #tpu.memory_space<semaphore_mem>>)
        } else {
        }
      }
      %scan3A_707 = arith.constant 512 : i32
      %barrier3A_708 = arith.constant 0 : index
      tpu.barrier barrier_id(%barrier3A_708)
      %mul3A_709 = arith.constant 1568 : i32
      %mul3A_710 = arith.muli %arg1, %mul3A_709 : i32
      %mul3A_711 = arith.constant 1568 : i32
      %mul3A_712 = arith.muli %arg1, %mul3A_711 : i32
      "tpu.region"() ({
        %run_scoped3A_714 = tpu.sem_alloc : memref<!tpu.dma_semaphore, #tpu.memory_space<semaphore_mem>>
        %dma_start3A_715 = arith.constant 0 : i32
        %dma_start3A_716 = tpu.memref_slice %arg6[%arg0, %scan3A_7, %mul3A_712, %dma_start3A_715] : memref<2x2x25088x64xf32, #tpu.memory_space<hbm>> -> memref<1x1x1568x64xf32, #tpu.memory_space<hbm>>
        %dma_start3A_717 = tpu.memref_squeeze %dma_start3A_716 : memref<1x1x1568x64xf32, #tpu.memory_space<hbm>> -> memref<1568x64xf32, #tpu.memory_space<hbm>>
        %dma_start3A_718 = arith.constant 0 : i32
        %dma_start3A_719 = tpu.memref_slice %arg14[%mul3A_710, %dma_start3A_718] : memref<25216x64xf32, #tpu.memory_space<vmem_shared>> -> memref<1568x64xf32, #tpu.memory_space<vmem_shared>>
        tpu.enqueue_dma source(%dma_start3A_719 : memref<1568x64xf32, #tpu.memory_space<vmem_shared>>) target(%dma_start3A_717 : memref<1568x64xf32, #tpu.memory_space<hbm>>) target_semaphore(%run_scoped3A_714 : memref<!tpu.dma_semaphore, #tpu.memory_space<semaphore_mem>>)
        %dma_wait3A = arith.constant 0 : i32
        %dma_wait3A_720 = tpu.memref_slice %arg6[%arg0, %scan3A_7, %mul3A_712, %dma_wait3A] : memref<2x2x25088x64xf32, #tpu.memory_space<hbm>> -> memref<1x1x1568x64xf32, #tpu.memory_space<hbm>>
        %dma_wait3A_721 = tpu.memref_squeeze %dma_wait3A_720 : memref<1x1x1568x64xf32, #tpu.memory_space<hbm>> -> memref<1568x64xf32, #tpu.memory_space<hbm>>
        %dma_wait3A_722 = arith.constant 0 : i32
        %dma_wait3A_723 = tpu.memref_slice %arg14[%mul3A_710, %dma_wait3A_722] : memref<25216x64xf32, #tpu.memory_space<vmem_shared>> -> memref<1568x64xf32, #tpu.memory_space<vmem_shared>>
        tpu.wait_dma2 semaphore(%run_scoped3A_714 : memref<!tpu.dma_semaphore, #tpu.memory_space<semaphore_mem>>) src(%dma_wait3A_723 : memref<1568x64xf32, #tpu.memory_space<vmem_shared>>) dst(%dma_wait3A_721 : memref<1568x64xf32, #tpu.memory_space<hbm>>)
        tpu.yield
      }) : () -> ()
      %barrier3A_713 = arith.constant 0 : index
      tpu.barrier barrier_id(%barrier3A_713)
    }
    %scan3A_6 = arith.constant 2 : i32
    return
  }
}

#map = affine_map<(d0, d1) -> (0, 0, 0)>
#map1 = affine_map<(d0, d1) -> (0, 0, 0, 0)>
#map2 = affine_map<(d0, d1) -> (0, 0)>
module attributes {stable_mosaic.version = 14 : i64} {
  func.func @_f_agg_kernel(%arg0: i32, %arg1: i32, %arg2: memref<16x512x128xi32, #tpu.memory_space<hbm>>, %arg3: memref<16x512x128xi32, #tpu.memory_space<hbm>>, %arg4: memref<2x2x25216x64xf32, #tpu.memory_space<hbm>>, %arg5: memref<108000x64xf32, #tpu.memory_space<hbm>>, %arg6: memref<2x2x25088x64xf32, #tpu.memory_space<hbm>>, %arg7: memref<2x8x128xi32, #tpu.memory_space<vmem>>, %arg8: memref<2x8x128xi32, #tpu.memory_space<vmem>>, %arg9: memref<2x128xi32, #tpu.memory_space<vmem>>, %arg10: memref<2x128xi32, #tpu.memory_space<vmem>>, %arg11: memref<2x128x64xf32, #tpu.memory_space<vmem>>, %arg12: memref<2x!tpu.dma_semaphore, #tpu.memory_space<semaphore_mem>>, %arg13: memref<2x!tpu.dma_semaphore, #tpu.memory_space<semaphore_mem>>, %arg14: memref<25216x64xf32, #tpu.memory_space<vmem_shared>>) attributes {dimension_semantics = [#tpu.dimension_semantics<core_parallel>, #tpu.dimension_semantics<subcore_parallel>], iteration_bounds = array<i64: 2, 16>, scalar_prefetch = 0 : i64, scratch_operands = 8 : i64, tpu.core_type = #tpu.core_type<sc_vector_subcore>, window_params = [{transform_indices = #map}, {transform_indices = #map}, {transform_indices = #map1}, {transform_indices = #map2}, {transform_indices = #map1}]} {
    %mul3A = arith.constant 1576 : i32
    %mul3A_0 = arith.muli %arg1, %mul3A : i32
    %mul3A_1 = arith.constant 54000 : i32
    %mul3A_2 = arith.muli %arg0, %mul3A_1 : i32
    %scan3A = arith.constant 0 : i32
    %scan3A_3 = arith.constant 2 : i32
    %scan3A_4 = arith.addi %scan3A, %scan3A_3 : i32
    %scan3A_5 = arith.constant 1 : i32
    scf.for %scan3A_7 = %scan3A to %scan3A_4 step %scan3A_5  : i32 {
      %mul3A_8 = arith.constant 25088 : i32
      %mul3A_9 = arith.muli %scan3A_7, %mul3A_8 : i32
      "tpu.region"() ({
        %run_scoped3A_714 = tpu.sem_alloc : memref<!tpu.dma_semaphore, #tpu.memory_space<semaphore_mem>>
        %dma_start3A_715 = arith.constant 0 : i32
        %dma_start3A_716 = tpu.memref_slice %arg14[%mul3A_0, %dma_start3A_715] : memref<25216x64xf32, #tpu.memory_space<vmem_shared>> -> memref<1576x64xf32, #tpu.memory_space<vmem_shared>>
        %dma_start3A_717 = arith.constant 0 : i32
        %dma_start3A_718 = tpu.memref_slice %arg4[%arg0, %scan3A_7, %mul3A_0, %dma_start3A_717] : memref<2x2x25216x64xf32, #tpu.memory_space<hbm>> -> memref<1x1x1576x64xf32, #tpu.memory_space<hbm>>
        %dma_start3A_719 = tpu.memref_squeeze %dma_start3A_718 : memref<1x1x1576x64xf32, #tpu.memory_space<hbm>> -> memref<1576x64xf32, #tpu.memory_space<hbm>>
        tpu.enqueue_dma source(%dma_start3A_719 : memref<1576x64xf32, #tpu.memory_space<hbm>>) target(%dma_start3A_716 : memref<1576x64xf32, #tpu.memory_space<vmem_shared>>) target_semaphore(%run_scoped3A_714 : memref<!tpu.dma_semaphore, #tpu.memory_space<semaphore_mem>>)
        %dma_wait3A = arith.constant 0 : i32
        %dma_wait3A_720 = tpu.memref_slice %arg14[%mul3A_0, %dma_wait3A] : memref<25216x64xf32, #tpu.memory_space<vmem_shared>> -> memref<1576x64xf32, #tpu.memory_space<vmem_shared>>
        %dma_wait3A_721 = arith.constant 0 : i32
        %dma_wait3A_722 = tpu.memref_slice %arg4[%arg0, %scan3A_7, %mul3A_0, %dma_wait3A_721] : memref<2x2x25216x64xf32, #tpu.memory_space<hbm>> -> memref<1x1x1576x64xf32, #tpu.memory_space<hbm>>
        %dma_wait3A_723 = tpu.memref_squeeze %dma_wait3A_722 : memref<1x1x1576x64xf32, #tpu.memory_space<hbm>> -> memref<1576x64xf32, #tpu.memory_space<hbm>>
        tpu.wait_dma2 semaphore(%run_scoped3A_714 : memref<!tpu.dma_semaphore, #tpu.memory_space<semaphore_mem>>) src(%dma_wait3A_723 : memref<1576x64xf32, #tpu.memory_space<hbm>>) dst(%dma_wait3A_720 : memref<1576x64xf32, #tpu.memory_space<vmem_shared>>)
        tpu.yield
      }) : () -> ()
      %barrier3A = arith.constant 0 : index
      tpu.barrier barrier_id(%barrier3A)
      %run_scoped3A = arith.constant 0 : i32
      "tpu.region"() ({
        %run_scoped3A_714 = tpu.sem_alloc : memref<!tpu.dma_semaphore, #tpu.memory_space<semaphore_mem>>
        %dma_start3A_715 = arith.constant 0 : i32
        %dma_start3A_716 = arith.constant 0 : i32
        %dma_start3A_717 = tpu.memref_slice %arg7[%run_scoped3A, %dma_start3A_715, %dma_start3A_716] : memref<2x8x128xi32, #tpu.memory_space<vmem>> -> memref<1x8x128xi32, #tpu.memory_space<vmem>>
        %dma_start3A_718 = tpu.memref_squeeze %dma_start3A_717 : memref<1x8x128xi32, #tpu.memory_space<vmem>> -> memref<8x128xi32, #tpu.memory_space<vmem>>
        %dma_start3A_719 = arith.constant 0 : i32
        %dma_start3A_720 = arith.constant 0 : i32
        %dma_start3A_721 = tpu.memref_slice %arg2[%arg1, %dma_start3A_719, %dma_start3A_720] : memref<16x512x128xi32, #tpu.memory_space<hbm>> -> memref<1x8x128xi32, #tpu.memory_space<hbm>>
        %dma_start3A_722 = tpu.memref_squeeze %dma_start3A_721 : memref<1x8x128xi32, #tpu.memory_space<hbm>> -> memref<8x128xi32, #tpu.memory_space<hbm>>
        %dma_start3A_723 = arith.constant 0 : i32
        %dma_start3A_724 = arith.constant 0 : i32
        %dma_start3A_725 = tpu.memref_slice %arg7[%run_scoped3A, %dma_start3A_723, %dma_start3A_724] : memref<2x8x128xi32, #tpu.memory_space<vmem>> -> memref<1x8x128xi32, #tpu.memory_space<vmem>>
        %dma_start3A_726 = tpu.memref_squeeze %dma_start3A_725 : memref<1x8x128xi32, #tpu.memory_space<vmem>> -> memref<8x128xi32, #tpu.memory_space<vmem>>
        %dma_start3A_727 = arith.constant 0 : i32
        %dma_start3A_728 = arith.constant 0 : i32
        %dma_start3A_729 = tpu.memref_slice %arg2[%arg1, %dma_start3A_727, %dma_start3A_728] : memref<16x512x128xi32, #tpu.memory_space<hbm>> -> memref<1x8x128xi32, #tpu.memory_space<hbm>>
        %dma_start3A_730 = tpu.memref_squeeze %dma_start3A_729 : memref<1x8x128xi32, #tpu.memory_space<hbm>> -> memref<8x128xi32, #tpu.memory_space<hbm>>
        tpu.enqueue_dma source(%dma_start3A_730 : memref<8x128xi32, #tpu.memory_space<hbm>>) target(%dma_start3A_726 : memref<8x128xi32, #tpu.memory_space<vmem>>) target_semaphore(%run_scoped3A_714 : memref<!tpu.dma_semaphore, #tpu.memory_space<semaphore_mem>>)
        %dma_wait3A = arith.constant 0 : i32
        %dma_wait3A_731 = arith.constant 0 : i32
        %dma_wait3A_732 = tpu.memref_slice %arg7[%run_scoped3A, %dma_wait3A, %dma_wait3A_731] : memref<2x8x128xi32, #tpu.memory_space<vmem>> -> memref<1x8x128xi32, #tpu.memory_space<vmem>>
        %dma_wait3A_733 = tpu.memref_squeeze %dma_wait3A_732 : memref<1x8x128xi32, #tpu.memory_space<vmem>> -> memref<8x128xi32, #tpu.memory_space<vmem>>
        %dma_wait3A_734 = arith.constant 0 : i32
        %dma_wait3A_735 = arith.constant 0 : i32
        %dma_wait3A_736 = tpu.memref_slice %arg2[%arg1, %dma_wait3A_734, %dma_wait3A_735] : memref<16x512x128xi32, #tpu.memory_space<hbm>> -> memref<1x8x128xi32, #tpu.memory_space<hbm>>
        %dma_wait3A_737 = tpu.memref_squeeze %dma_wait3A_736 : memref<1x8x128xi32, #tpu.memory_space<hbm>> -> memref<8x128xi32, #tpu.memory_space<hbm>>
        %dma_wait3A_738 = arith.constant 0 : i32
        %dma_wait3A_739 = arith.constant 0 : i32
        %dma_wait3A_740 = tpu.memref_slice %arg7[%run_scoped3A, %dma_wait3A_738, %dma_wait3A_739] : memref<2x8x128xi32, #tpu.memory_space<vmem>> -> memref<1x8x128xi32, #tpu.memory_space<vmem>>
        %dma_wait3A_741 = tpu.memref_squeeze %dma_wait3A_740 : memref<1x8x128xi32, #tpu.memory_space<vmem>> -> memref<8x128xi32, #tpu.memory_space<vmem>>
        %dma_wait3A_742 = arith.constant 0 : i32
        %dma_wait3A_743 = arith.constant 0 : i32
        %dma_wait3A_744 = tpu.memref_slice %arg2[%arg1, %dma_wait3A_742, %dma_wait3A_743] : memref<16x512x128xi32, #tpu.memory_space<hbm>> -> memref<1x8x128xi32, #tpu.memory_space<hbm>>
        %dma_wait3A_745 = tpu.memref_squeeze %dma_wait3A_744 : memref<1x8x128xi32, #tpu.memory_space<hbm>> -> memref<8x128xi32, #tpu.memory_space<hbm>>
        tpu.wait_dma2 semaphore(%run_scoped3A_714 : memref<!tpu.dma_semaphore, #tpu.memory_space<semaphore_mem>>) src(%dma_wait3A_745 : memref<8x128xi32, #tpu.memory_space<hbm>>) dst(%dma_wait3A_741 : memref<8x128xi32, #tpu.memory_space<vmem>>)
        tpu.yield
      }) : () -> ()
      %run_scoped3A_10 = arith.constant 0 : i32
      "tpu.region"() ({
        %run_scoped3A_714 = tpu.sem_alloc : memref<!tpu.dma_semaphore, #tpu.memory_space<semaphore_mem>>
        %dma_start3A_715 = arith.constant 0 : i32
        %dma_start3A_716 = arith.constant 0 : i32
        %dma_start3A_717 = tpu.memref_slice %arg8[%run_scoped3A_10, %dma_start3A_715, %dma_start3A_716] : memref<2x8x128xi32, #tpu.memory_space<vmem>> -> memref<1x8x128xi32, #tpu.memory_space<vmem>>
        %dma_start3A_718 = tpu.memref_squeeze %dma_start3A_717 : memref<1x8x128xi32, #tpu.memory_space<vmem>> -> memref<8x128xi32, #tpu.memory_space<vmem>>
        %dma_start3A_719 = arith.constant 0 : i32
        %dma_start3A_720 = arith.constant 0 : i32
        %dma_start3A_721 = tpu.memref_slice %arg3[%arg1, %dma_start3A_719, %dma_start3A_720] : memref<16x512x128xi32, #tpu.memory_space<hbm>> -> memref<1x8x128xi32, #tpu.memory_space<hbm>>
        %dma_start3A_722 = tpu.memref_squeeze %dma_start3A_721 : memref<1x8x128xi32, #tpu.memory_space<hbm>> -> memref<8x128xi32, #tpu.memory_space<hbm>>
        %dma_start3A_723 = arith.constant 0 : i32
        %dma_start3A_724 = arith.constant 0 : i32
        %dma_start3A_725 = tpu.memref_slice %arg8[%run_scoped3A_10, %dma_start3A_723, %dma_start3A_724] : memref<2x8x128xi32, #tpu.memory_space<vmem>> -> memref<1x8x128xi32, #tpu.memory_space<vmem>>
        %dma_start3A_726 = tpu.memref_squeeze %dma_start3A_725 : memref<1x8x128xi32, #tpu.memory_space<vmem>> -> memref<8x128xi32, #tpu.memory_space<vmem>>
        %dma_start3A_727 = arith.constant 0 : i32
        %dma_start3A_728 = arith.constant 0 : i32
        %dma_start3A_729 = tpu.memref_slice %arg3[%arg1, %dma_start3A_727, %dma_start3A_728] : memref<16x512x128xi32, #tpu.memory_space<hbm>> -> memref<1x8x128xi32, #tpu.memory_space<hbm>>
        %dma_start3A_730 = tpu.memref_squeeze %dma_start3A_729 : memref<1x8x128xi32, #tpu.memory_space<hbm>> -> memref<8x128xi32, #tpu.memory_space<hbm>>
        tpu.enqueue_dma source(%dma_start3A_730 : memref<8x128xi32, #tpu.memory_space<hbm>>) target(%dma_start3A_726 : memref<8x128xi32, #tpu.memory_space<vmem>>) target_semaphore(%run_scoped3A_714 : memref<!tpu.dma_semaphore, #tpu.memory_space<semaphore_mem>>)
        %dma_wait3A = arith.constant 0 : i32
        %dma_wait3A_731 = arith.constant 0 : i32
        %dma_wait3A_732 = tpu.memref_slice %arg8[%run_scoped3A_10, %dma_wait3A, %dma_wait3A_731] : memref<2x8x128xi32, #tpu.memory_space<vmem>> -> memref<1x8x128xi32, #tpu.memory_space<vmem>>
        %dma_wait3A_733 = tpu.memref_squeeze %dma_wait3A_732 : memref<1x8x128xi32, #tpu.memory_space<vmem>> -> memref<8x128xi32, #tpu.memory_space<vmem>>
        %dma_wait3A_734 = arith.constant 0 : i32
        %dma_wait3A_735 = arith.constant 0 : i32
        %dma_wait3A_736 = tpu.memref_slice %arg3[%arg1, %dma_wait3A_734, %dma_wait3A_735] : memref<16x512x128xi32, #tpu.memory_space<hbm>> -> memref<1x8x128xi32, #tpu.memory_space<hbm>>
        %dma_wait3A_737 = tpu.memref_squeeze %dma_wait3A_736 : memref<1x8x128xi32, #tpu.memory_space<hbm>> -> memref<8x128xi32, #tpu.memory_space<hbm>>
        %dma_wait3A_738 = arith.constant 0 : i32
        %dma_wait3A_739 = arith.constant 0 : i32
        %dma_wait3A_740 = tpu.memref_slice %arg8[%run_scoped3A_10, %dma_wait3A_738, %dma_wait3A_739] : memref<2x8x128xi32, #tpu.memory_space<vmem>> -> memref<1x8x128xi32, #tpu.memory_space<vmem>>
        %dma_wait3A_741 = tpu.memref_squeeze %dma_wait3A_740 : memref<1x8x128xi32, #tpu.memory_space<vmem>> -> memref<8x128xi32, #tpu.memory_space<vmem>>
        %dma_wait3A_742 = arith.constant 0 : i32
        %dma_wait3A_743 = arith.constant 0 : i32
        %dma_wait3A_744 = tpu.memref_slice %arg3[%arg1, %dma_wait3A_742, %dma_wait3A_743] : memref<16x512x128xi32, #tpu.memory_space<hbm>> -> memref<1x8x128xi32, #tpu.memory_space<hbm>>
        %dma_wait3A_745 = tpu.memref_squeeze %dma_wait3A_744 : memref<1x8x128xi32, #tpu.memory_space<hbm>> -> memref<8x128xi32, #tpu.memory_space<hbm>>
        tpu.wait_dma2 semaphore(%run_scoped3A_714 : memref<!tpu.dma_semaphore, #tpu.memory_space<semaphore_mem>>) src(%dma_wait3A_745 : memref<8x128xi32, #tpu.memory_space<hbm>>) dst(%dma_wait3A_741 : memref<8x128xi32, #tpu.memory_space<vmem>>)
        tpu.yield
      }) : () -> ()
      %get3A = arith.constant 0 : i32
      %get3A_11 = arith.constant 0 : i32
      %get3A_12 = arith.index_cast %get3A : i32 to index
      %get3A_13 = arith.index_cast %get3A_11 : i32 to index
      %get3A_14 = arith.constant 0 : index
      %get3A_15 = tpu.vector_load %arg7[%get3A_12, %get3A_13, %get3A_14] {strides = array<i32>} : memref<2x8x128xi32, #tpu.memory_space<vmem>>, vector<1x1x16xi32>,
      %get3A_16 = vector.shape_cast %get3A_15 : vector<1x1x16xi32> to vector<16xi32>
      %get3A_17 = arith.constant 0 : i32
      %get3A_18 = arith.constant 0 : i32
      %get3A_19 = arith.index_cast %get3A_17 : i32 to index
      %get3A_20 = arith.index_cast %get3A_18 : i32 to index
      %get3A_21 = arith.constant 0 : index
      %get3A_22 = tpu.vector_load %arg8[%get3A_19, %get3A_20, %get3A_21] {strides = array<i32>} : memref<2x8x128xi32, #tpu.memory_space<vmem>>, vector<1x1x16xi32>,
      %get3A_23 = vector.shape_cast %get3A_22 : vector<1x1x16xi32> to vector<16xi32>
      %ge3A = vector.broadcast %mul3A_9 : i32 to vector<16xi32>
      %ge3A_24 = arith.cmpi sge, %get3A_23, %ge3A : vector<16xi32>
      %add3A = arith.constant 25088 : i32
      %add3A_25 = arith.addi %mul3A_9, %add3A : i32
      %lt3A = vector.broadcast %add3A_25 : i32 to vector<16xi32>
      %lt3A_26 = arith.cmpi slt, %get3A_23, %lt3A : vector<16xi32>
      %and3A = arith.andi %ge3A_24, %lt3A_26 : vector<16xi1>
      %sub3A = vector.broadcast %mul3A_9 : i32 to vector<16xi32>
      %sub3A_27 = arith.subi %get3A_23, %sub3A : vector<16xi32>
      %iota3A = tpu.iota {dimensions = array<i32: 0>} : vector<16xi32>
      %add3A_28 = arith.constant 25088 : i32
      %add3A_29 = vector.broadcast %add3A_28 : i32 to vector<16xi32>
      %add3A_30 = arith.addi %add3A_29, %iota3A : vector<16xi32>
      %select_n3A = arith.select %and3A, %sub3A_27, %add3A_30 : vector<16xi1>, vector<16xi32>
      %add3A_31 = vector.broadcast %mul3A_2 : i32 to vector<16xi32>
      %add3A_32 = arith.addi %get3A_16, %add3A_31 : vector<16xi32>
      %swap3A = arith.constant 0 : i32
      %swap3A_33 = arith.index_cast %swap3A : i32 to index
      %swap3A_34 = arith.constant 0 : index
      %swap3A_35 = tpu.vector_load %arg9[%swap3A_33, %swap3A_34] {strides = array<i32>} : memref<2x128xi32, #tpu.memory_space<vmem>>, vector<1x16xi32>,
      %swap3A_36 = vector.shape_cast %swap3A_35 : vector<1x16xi32> to vector<16xi32>
      %swap3A_37 = vector.shape_cast %add3A_32 : vector<16xi32> to vector<1x16xi32>
      tpu.vector_store %arg9[%swap3A_33, %swap3A_34], %swap3A_37 {strides = array<i32>} : memref<2x128xi32, #tpu.memory_space<vmem>>, vector<1x16xi32>,
      %swap3A_38 = arith.constant 0 : i32
      %swap3A_39 = arith.index_cast %swap3A_38 : i32 to index
      %swap3A_40 = arith.constant 0 : index
      %swap3A_41 = tpu.vector_load %arg10[%swap3A_39, %swap3A_40] {strides = array<i32>} : memref<2x128xi32, #tpu.memory_space<vmem>>, vector<1x16xi32>,
      %swap3A_42 = vector.shape_cast %swap3A_41 : vector<1x16xi32> to vector<16xi32>
      %swap3A_43 = vector.shape_cast %select_n3A : vector<16xi32> to vector<1x16xi32>
      tpu.vector_store %arg10[%swap3A_39, %swap3A_40], %swap3A_43 {strides = array<i32>} : memref<2x128xi32, #tpu.memory_space<vmem>>, vector<1x16xi32>,
      %get3A_44 = arith.constant 0 : i32
      %get3A_45 = arith.constant 0 : i32
      %get3A_46 = arith.index_cast %get3A_44 : i32 to index
      %get3A_47 = arith.index_cast %get3A_45 : i32 to index
      %get3A_48 = arith.constant 16 : index
      %get3A_49 = tpu.vector_load %arg7[%get3A_46, %get3A_47, %get3A_48] {strides = array<i32>} : memref<2x8x128xi32, #tpu.memory_space<vmem>>, vector<1x1x16xi32>,
      %get3A_50 = vector.shape_cast %get3A_49 : vector<1x1x16xi32> to vector<16xi32>
      %get3A_51 = arith.constant 0 : i32
      %get3A_52 = arith.constant 0 : i32
      %get3A_53 = arith.index_cast %get3A_51 : i32 to index
      %get3A_54 = arith.index_cast %get3A_52 : i32 to index
      %get3A_55 = arith.constant 16 : index
      %get3A_56 = tpu.vector_load %arg8[%get3A_53, %get3A_54, %get3A_55] {strides = array<i32>} : memref<2x8x128xi32, #tpu.memory_space<vmem>>, vector<1x1x16xi32>,
      %get3A_57 = vector.shape_cast %get3A_56 : vector<1x1x16xi32> to vector<16xi32>
      %ge3A_58 = vector.broadcast %mul3A_9 : i32 to vector<16xi32>
      %ge3A_59 = arith.cmpi sge, %get3A_57, %ge3A_58 : vector<16xi32>
      %add3A_60 = arith.constant 25088 : i32
      %add3A_61 = arith.addi %mul3A_9, %add3A_60 : i32
      %lt3A_62 = vector.broadcast %add3A_61 : i32 to vector<16xi32>
      %lt3A_63 = arith.cmpi slt, %get3A_57, %lt3A_62 : vector<16xi32>
      %and3A_64 = arith.andi %ge3A_59, %lt3A_63 : vector<16xi1>
      %sub3A_65 = vector.broadcast %mul3A_9 : i32 to vector<16xi32>
      %sub3A_66 = arith.subi %get3A_57, %sub3A_65 : vector<16xi32>
      %iota3A_67 = tpu.iota {dimensions = array<i32: 0>} : vector<16xi32>
      %add3A_68 = arith.constant 25104 : i32
      %add3A_69 = vector.broadcast %add3A_68 : i32 to vector<16xi32>
      %add3A_70 = arith.addi %add3A_69, %iota3A_67 : vector<16xi32>
      %select_n3A_71 = arith.select %and3A_64, %sub3A_66, %add3A_70 : vector<16xi1>, vector<16xi32>
      %add3A_72 = vector.broadcast %mul3A_2 : i32 to vector<16xi32>
      %add3A_73 = arith.addi %get3A_50, %add3A_72 : vector<16xi32>
      %swap3A_74 = arith.constant 0 : i32
      %swap3A_75 = arith.index_cast %swap3A_74 : i32 to index
      %swap3A_76 = arith.constant 16 : index
      %swap3A_77 = tpu.vector_load %arg9[%swap3A_75, %swap3A_76] {strides = array<i32>} : memref<2x128xi32, #tpu.memory_space<vmem>>, vector<1x16xi32>,
      %swap3A_78 = vector.shape_cast %swap3A_77 : vector<1x16xi32> to vector<16xi32>
      %swap3A_79 = vector.shape_cast %add3A_73 : vector<16xi32> to vector<1x16xi32>
      tpu.vector_store %arg9[%swap3A_75, %swap3A_76], %swap3A_79 {strides = array<i32>} : memref<2x128xi32, #tpu.memory_space<vmem>>, vector<1x16xi32>,
      %swap3A_80 = arith.constant 0 : i32
      %swap3A_81 = arith.index_cast %swap3A_80 : i32 to index
      %swap3A_82 = arith.constant 16 : index
      %swap3A_83 = tpu.vector_load %arg10[%swap3A_81, %swap3A_82] {strides = array<i32>} : memref<2x128xi32, #tpu.memory_space<vmem>>, vector<1x16xi32>,
      %swap3A_84 = vector.shape_cast %swap3A_83 : vector<1x16xi32> to vector<16xi32>
      %swap3A_85 = vector.shape_cast %select_n3A_71 : vector<16xi32> to vector<1x16xi32>
      tpu.vector_store %arg10[%swap3A_81, %swap3A_82], %swap3A_85 {strides = array<i32>} : memref<2x128xi32, #tpu.memory_space<vmem>>, vector<1x16xi32>,
      %get3A_86 = arith.constant 0 : i32
      %get3A_87 = arith.constant 0 : i32
      %get3A_88 = arith.index_cast %get3A_86 : i32 to index
      %get3A_89 = arith.index_cast %get3A_87 : i32 to index
      %get3A_90 = arith.constant 32 : index
      %get3A_91 = tpu.vector_load %arg7[%get3A_88, %get3A_89, %get3A_90] {strides = array<i32>} : memref<2x8x128xi32, #tpu.memory_space<vmem>>, vector<1x1x16xi32>,
      %get3A_92 = vector.shape_cast %get3A_91 : vector<1x1x16xi32> to vector<16xi32>
      %get3A_93 = arith.constant 0 : i32
      %get3A_94 = arith.constant 0 : i32
      %get3A_95 = arith.index_cast %get3A_93 : i32 to index
      %get3A_96 = arith.index_cast %get3A_94 : i32 to index
      %get3A_97 = arith.constant 32 : index
      %get3A_98 = tpu.vector_load %arg8[%get3A_95, %get3A_96, %get3A_97] {strides = array<i32>} : memref<2x8x128xi32, #tpu.memory_space<vmem>>, vector<1x1x16xi32>,
      %get3A_99 = vector.shape_cast %get3A_98 : vector<1x1x16xi32> to vector<16xi32>
      %ge3A_100 = vector.broadcast %mul3A_9 : i32 to vector<16xi32>
      %ge3A_101 = arith.cmpi sge, %get3A_99, %ge3A_100 : vector<16xi32>
      %add3A_102 = arith.constant 25088 : i32
      %add3A_103 = arith.addi %mul3A_9, %add3A_102 : i32
      %lt3A_104 = vector.broadcast %add3A_103 : i32 to vector<16xi32>
      %lt3A_105 = arith.cmpi slt, %get3A_99, %lt3A_104 : vector<16xi32>
      %and3A_106 = arith.andi %ge3A_101, %lt3A_105 : vector<16xi1>
      %sub3A_107 = vector.broadcast %mul3A_9 : i32 to vector<16xi32>
      %sub3A_108 = arith.subi %get3A_99, %sub3A_107 : vector<16xi32>
      %iota3A_109 = tpu.iota {dimensions = array<i32: 0>} : vector<16xi32>
      %add3A_110 = arith.constant 25120 : i32
      %add3A_111 = vector.broadcast %add3A_110 : i32 to vector<16xi32>
      %add3A_112 = arith.addi %add3A_111, %iota3A_109 : vector<16xi32>
      %select_n3A_113 = arith.select %and3A_106, %sub3A_108, %add3A_112 : vector<16xi1>, vector<16xi32>
      %add3A_114 = vector.broadcast %mul3A_2 : i32 to vector<16xi32>
      %add3A_115 = arith.addi %get3A_92, %add3A_114 : vector<16xi32>
      %swap3A_116 = arith.constant 0 : i32
      %swap3A_117 = arith.index_cast %swap3A_116 : i32 to index
      %swap3A_118 = arith.constant 32 : index
      %swap3A_119 = tpu.vector_load %arg9[%swap3A_117, %swap3A_118] {strides = array<i32>} : memref<2x128xi32, #tpu.memory_space<vmem>>, vector<1x16xi32>,
      %swap3A_120 = vector.shape_cast %swap3A_119 : vector<1x16xi32> to vector<16xi32>
      %swap3A_121 = vector.shape_cast %add3A_115 : vector<16xi32> to vector<1x16xi32>
      tpu.vector_store %arg9[%swap3A_117, %swap3A_118], %swap3A_121 {strides = array<i32>} : memref<2x128xi32, #tpu.memory_space<vmem>>, vector<1x16xi32>,
      %swap3A_122 = arith.constant 0 : i32
      %swap3A_123 = arith.index_cast %swap3A_122 : i32 to index
      %swap3A_124 = arith.constant 32 : index
      %swap3A_125 = tpu.vector_load %arg10[%swap3A_123, %swap3A_124] {strides = array<i32>} : memref<2x128xi32, #tpu.memory_space<vmem>>, vector<1x16xi32>,
      %swap3A_126 = vector.shape_cast %swap3A_125 : vector<1x16xi32> to vector<16xi32>
      %swap3A_127 = vector.shape_cast %select_n3A_113 : vector<16xi32> to vector<1x16xi32>
      tpu.vector_store %arg10[%swap3A_123, %swap3A_124], %swap3A_127 {strides = array<i32>} : memref<2x128xi32, #tpu.memory_space<vmem>>, vector<1x16xi32>,
      %get3A_128 = arith.constant 0 : i32
      %get3A_129 = arith.constant 0 : i32
      %get3A_130 = arith.index_cast %get3A_128 : i32 to index
      %get3A_131 = arith.index_cast %get3A_129 : i32 to index
      %get3A_132 = arith.constant 48 : index
      %get3A_133 = tpu.vector_load %arg7[%get3A_130, %get3A_131, %get3A_132] {strides = array<i32>} : memref<2x8x128xi32, #tpu.memory_space<vmem>>, vector<1x1x16xi32>,
      %get3A_134 = vector.shape_cast %get3A_133 : vector<1x1x16xi32> to vector<16xi32>
      %get3A_135 = arith.constant 0 : i32
      %get3A_136 = arith.constant 0 : i32
      %get3A_137 = arith.index_cast %get3A_135 : i32 to index
      %get3A_138 = arith.index_cast %get3A_136 : i32 to index
      %get3A_139 = arith.constant 48 : index
      %get3A_140 = tpu.vector_load %arg8[%get3A_137, %get3A_138, %get3A_139] {strides = array<i32>} : memref<2x8x128xi32, #tpu.memory_space<vmem>>, vector<1x1x16xi32>,
      %get3A_141 = vector.shape_cast %get3A_140 : vector<1x1x16xi32> to vector<16xi32>
      %ge3A_142 = vector.broadcast %mul3A_9 : i32 to vector<16xi32>
      %ge3A_143 = arith.cmpi sge, %get3A_141, %ge3A_142 : vector<16xi32>
      %add3A_144 = arith.constant 25088 : i32
      %add3A_145 = arith.addi %mul3A_9, %add3A_144 : i32
      %lt3A_146 = vector.broadcast %add3A_145 : i32 to vector<16xi32>
      %lt3A_147 = arith.cmpi slt, %get3A_141, %lt3A_146 : vector<16xi32>
      %and3A_148 = arith.andi %ge3A_143, %lt3A_147 : vector<16xi1>
      %sub3A_149 = vector.broadcast %mul3A_9 : i32 to vector<16xi32>
      %sub3A_150 = arith.subi %get3A_141, %sub3A_149 : vector<16xi32>
      %iota3A_151 = tpu.iota {dimensions = array<i32: 0>} : vector<16xi32>
      %add3A_152 = arith.constant 25136 : i32
      %add3A_153 = vector.broadcast %add3A_152 : i32 to vector<16xi32>
      %add3A_154 = arith.addi %add3A_153, %iota3A_151 : vector<16xi32>
      %select_n3A_155 = arith.select %and3A_148, %sub3A_150, %add3A_154 : vector<16xi1>, vector<16xi32>
      %add3A_156 = vector.broadcast %mul3A_2 : i32 to vector<16xi32>
      %add3A_157 = arith.addi %get3A_134, %add3A_156 : vector<16xi32>
      %swap3A_158 = arith.constant 0 : i32
      %swap3A_159 = arith.index_cast %swap3A_158 : i32 to index
      %swap3A_160 = arith.constant 48 : index
      %swap3A_161 = tpu.vector_load %arg9[%swap3A_159, %swap3A_160] {strides = array<i32>} : memref<2x128xi32, #tpu.memory_space<vmem>>, vector<1x16xi32>,
      %swap3A_162 = vector.shape_cast %swap3A_161 : vector<1x16xi32> to vector<16xi32>
      %swap3A_163 = vector.shape_cast %add3A_157 : vector<16xi32> to vector<1x16xi32>
      tpu.vector_store %arg9[%swap3A_159, %swap3A_160], %swap3A_163 {strides = array<i32>} : memref<2x128xi32, #tpu.memory_space<vmem>>, vector<1x16xi32>,
      %swap3A_164 = arith.constant 0 : i32
      %swap3A_165 = arith.index_cast %swap3A_164 : i32 to index
      %swap3A_166 = arith.constant 48 : index
      %swap3A_167 = tpu.vector_load %arg10[%swap3A_165, %swap3A_166] {strides = array<i32>} : memref<2x128xi32, #tpu.memory_space<vmem>>, vector<1x16xi32>,
      %swap3A_168 = vector.shape_cast %swap3A_167 : vector<1x16xi32> to vector<16xi32>
      %swap3A_169 = vector.shape_cast %select_n3A_155 : vector<16xi32> to vector<1x16xi32>
      tpu.vector_store %arg10[%swap3A_165, %swap3A_166], %swap3A_169 {strides = array<i32>} : memref<2x128xi32, #tpu.memory_space<vmem>>, vector<1x16xi32>,
      %get3A_170 = arith.constant 0 : i32
      %get3A_171 = arith.constant 0 : i32
      %get3A_172 = arith.index_cast %get3A_170 : i32 to index
      %get3A_173 = arith.index_cast %get3A_171 : i32 to index
      %get3A_174 = arith.constant 64 : index
      %get3A_175 = tpu.vector_load %arg7[%get3A_172, %get3A_173, %get3A_174] {strides = array<i32>} : memref<2x8x128xi32, #tpu.memory_space<vmem>>, vector<1x1x16xi32>,
      %get3A_176 = vector.shape_cast %get3A_175 : vector<1x1x16xi32> to vector<16xi32>
      %get3A_177 = arith.constant 0 : i32
      %get3A_178 = arith.constant 0 : i32
      %get3A_179 = arith.index_cast %get3A_177 : i32 to index
      %get3A_180 = arith.index_cast %get3A_178 : i32 to index
      %get3A_181 = arith.constant 64 : index
      %get3A_182 = tpu.vector_load %arg8[%get3A_179, %get3A_180, %get3A_181] {strides = array<i32>} : memref<2x8x128xi32, #tpu.memory_space<vmem>>, vector<1x1x16xi32>,
      %get3A_183 = vector.shape_cast %get3A_182 : vector<1x1x16xi32> to vector<16xi32>
      %ge3A_184 = vector.broadcast %mul3A_9 : i32 to vector<16xi32>
      %ge3A_185 = arith.cmpi sge, %get3A_183, %ge3A_184 : vector<16xi32>
      %add3A_186 = arith.constant 25088 : i32
      %add3A_187 = arith.addi %mul3A_9, %add3A_186 : i32
      %lt3A_188 = vector.broadcast %add3A_187 : i32 to vector<16xi32>
      %lt3A_189 = arith.cmpi slt, %get3A_183, %lt3A_188 : vector<16xi32>
      %and3A_190 = arith.andi %ge3A_185, %lt3A_189 : vector<16xi1>
      %sub3A_191 = vector.broadcast %mul3A_9 : i32 to vector<16xi32>
      %sub3A_192 = arith.subi %get3A_183, %sub3A_191 : vector<16xi32>
      %iota3A_193 = tpu.iota {dimensions = array<i32: 0>} : vector<16xi32>
      %add3A_194 = arith.constant 25152 : i32
      %add3A_195 = vector.broadcast %add3A_194 : i32 to vector<16xi32>
      %add3A_196 = arith.addi %add3A_195, %iota3A_193 : vector<16xi32>
      %select_n3A_197 = arith.select %and3A_190, %sub3A_192, %add3A_196 : vector<16xi1>, vector<16xi32>
      %add3A_198 = vector.broadcast %mul3A_2 : i32 to vector<16xi32>
      %add3A_199 = arith.addi %get3A_176, %add3A_198 : vector<16xi32>
      %swap3A_200 = arith.constant 0 : i32
      %swap3A_201 = arith.index_cast %swap3A_200 : i32 to index
      %swap3A_202 = arith.constant 64 : index
      %swap3A_203 = tpu.vector_load %arg9[%swap3A_201, %swap3A_202] {strides = array<i32>} : memref<2x128xi32, #tpu.memory_space<vmem>>, vector<1x16xi32>,
      %swap3A_204 = vector.shape_cast %swap3A_203 : vector<1x16xi32> to vector<16xi32>
      %swap3A_205 = vector.shape_cast %add3A_199 : vector<16xi32> to vector<1x16xi32>
      tpu.vector_store %arg9[%swap3A_201, %swap3A_202], %swap3A_205 {strides = array<i32>} : memref<2x128xi32, #tpu.memory_space<vmem>>, vector<1x16xi32>,
      %swap3A_206 = arith.constant 0 : i32
      %swap3A_207 = arith.index_cast %swap3A_206 : i32 to index
      %swap3A_208 = arith.constant 64 : index
      %swap3A_209 = tpu.vector_load %arg10[%swap3A_207, %swap3A_208] {strides = array<i32>} : memref<2x128xi32, #tpu.memory_space<vmem>>, vector<1x16xi32>,
      %swap3A_210 = vector.shape_cast %swap3A_209 : vector<1x16xi32> to vector<16xi32>
      %swap3A_211 = vector.shape_cast %select_n3A_197 : vector<16xi32> to vector<1x16xi32>
      tpu.vector_store %arg10[%swap3A_207, %swap3A_208], %swap3A_211 {strides = array<i32>} : memref<2x128xi32, #tpu.memory_space<vmem>>, vector<1x16xi32>,
      %get3A_212 = arith.constant 0 : i32
      %get3A_213 = arith.constant 0 : i32
      %get3A_214 = arith.index_cast %get3A_212 : i32 to index
      %get3A_215 = arith.index_cast %get3A_213 : i32 to index
      %get3A_216 = arith.constant 80 : index
      %get3A_217 = tpu.vector_load %arg7[%get3A_214, %get3A_215, %get3A_216] {strides = array<i32>} : memref<2x8x128xi32, #tpu.memory_space<vmem>>, vector<1x1x16xi32>,
      %get3A_218 = vector.shape_cast %get3A_217 : vector<1x1x16xi32> to vector<16xi32>
      %get3A_219 = arith.constant 0 : i32
      %get3A_220 = arith.constant 0 : i32
      %get3A_221 = arith.index_cast %get3A_219 : i32 to index
      %get3A_222 = arith.index_cast %get3A_220 : i32 to index
      %get3A_223 = arith.constant 80 : index
      %get3A_224 = tpu.vector_load %arg8[%get3A_221, %get3A_222, %get3A_223] {strides = array<i32>} : memref<2x8x128xi32, #tpu.memory_space<vmem>>, vector<1x1x16xi32>,
      %get3A_225 = vector.shape_cast %get3A_224 : vector<1x1x16xi32> to vector<16xi32>
      %ge3A_226 = vector.broadcast %mul3A_9 : i32 to vector<16xi32>
      %ge3A_227 = arith.cmpi sge, %get3A_225, %ge3A_226 : vector<16xi32>
      %add3A_228 = arith.constant 25088 : i32
      %add3A_229 = arith.addi %mul3A_9, %add3A_228 : i32
      %lt3A_230 = vector.broadcast %add3A_229 : i32 to vector<16xi32>
      %lt3A_231 = arith.cmpi slt, %get3A_225, %lt3A_230 : vector<16xi32>
      %and3A_232 = arith.andi %ge3A_227, %lt3A_231 : vector<16xi1>
      %sub3A_233 = vector.broadcast %mul3A_9 : i32 to vector<16xi32>
      %sub3A_234 = arith.subi %get3A_225, %sub3A_233 : vector<16xi32>
      %iota3A_235 = tpu.iota {dimensions = array<i32: 0>} : vector<16xi32>
      %add3A_236 = arith.constant 25168 : i32
      %add3A_237 = vector.broadcast %add3A_236 : i32 to vector<16xi32>
      %add3A_238 = arith.addi %add3A_237, %iota3A_235 : vector<16xi32>
      %select_n3A_239 = arith.select %and3A_232, %sub3A_234, %add3A_238 : vector<16xi1>, vector<16xi32>
      %add3A_240 = vector.broadcast %mul3A_2 : i32 to vector<16xi32>
      %add3A_241 = arith.addi %get3A_218, %add3A_240 : vector<16xi32>
      %swap3A_242 = arith.constant 0 : i32
      %swap3A_243 = arith.index_cast %swap3A_242 : i32 to index
      %swap3A_244 = arith.constant 80 : index
      %swap3A_245 = tpu.vector_load %arg9[%swap3A_243, %swap3A_244] {strides = array<i32>} : memref<2x128xi32, #tpu.memory_space<vmem>>, vector<1x16xi32>,
      %swap3A_246 = vector.shape_cast %swap3A_245 : vector<1x16xi32> to vector<16xi32>
      %swap3A_247 = vector.shape_cast %add3A_241 : vector<16xi32> to vector<1x16xi32>
      tpu.vector_store %arg9[%swap3A_243, %swap3A_244], %swap3A_247 {strides = array<i32>} : memref<2x128xi32, #tpu.memory_space<vmem>>, vector<1x16xi32>,
      %swap3A_248 = arith.constant 0 : i32
      %swap3A_249 = arith.index_cast %swap3A_248 : i32 to index
      %swap3A_250 = arith.constant 80 : index
      %swap3A_251 = tpu.vector_load %arg10[%swap3A_249, %swap3A_250] {strides = array<i32>} : memref<2x128xi32, #tpu.memory_space<vmem>>, vector<1x16xi32>,
      %swap3A_252 = vector.shape_cast %swap3A_251 : vector<1x16xi32> to vector<16xi32>
      %swap3A_253 = vector.shape_cast %select_n3A_239 : vector<16xi32> to vector<1x16xi32>
      tpu.vector_store %arg10[%swap3A_249, %swap3A_250], %swap3A_253 {strides = array<i32>} : memref<2x128xi32, #tpu.memory_space<vmem>>, vector<1x16xi32>,
      %get3A_254 = arith.constant 0 : i32
      %get3A_255 = arith.constant 0 : i32
      %get3A_256 = arith.index_cast %get3A_254 : i32 to index
      %get3A_257 = arith.index_cast %get3A_255 : i32 to index
      %get3A_258 = arith.constant 96 : index
      %get3A_259 = tpu.vector_load %arg7[%get3A_256, %get3A_257, %get3A_258] {strides = array<i32>} : memref<2x8x128xi32, #tpu.memory_space<vmem>>, vector<1x1x16xi32>,
      %get3A_260 = vector.shape_cast %get3A_259 : vector<1x1x16xi32> to vector<16xi32>
      %get3A_261 = arith.constant 0 : i32
      %get3A_262 = arith.constant 0 : i32
      %get3A_263 = arith.index_cast %get3A_261 : i32 to index
      %get3A_264 = arith.index_cast %get3A_262 : i32 to index
      %get3A_265 = arith.constant 96 : index
      %get3A_266 = tpu.vector_load %arg8[%get3A_263, %get3A_264, %get3A_265] {strides = array<i32>} : memref<2x8x128xi32, #tpu.memory_space<vmem>>, vector<1x1x16xi32>,
      %get3A_267 = vector.shape_cast %get3A_266 : vector<1x1x16xi32> to vector<16xi32>
      %ge3A_268 = vector.broadcast %mul3A_9 : i32 to vector<16xi32>
      %ge3A_269 = arith.cmpi sge, %get3A_267, %ge3A_268 : vector<16xi32>
      %add3A_270 = arith.constant 25088 : i32
      %add3A_271 = arith.addi %mul3A_9, %add3A_270 : i32
      %lt3A_272 = vector.broadcast %add3A_271 : i32 to vector<16xi32>
      %lt3A_273 = arith.cmpi slt, %get3A_267, %lt3A_272 : vector<16xi32>
      %and3A_274 = arith.andi %ge3A_269, %lt3A_273 : vector<16xi1>
      %sub3A_275 = vector.broadcast %mul3A_9 : i32 to vector<16xi32>
      %sub3A_276 = arith.subi %get3A_267, %sub3A_275 : vector<16xi32>
      %iota3A_277 = tpu.iota {dimensions = array<i32: 0>} : vector<16xi32>
      %add3A_278 = arith.constant 25184 : i32
      %add3A_279 = vector.broadcast %add3A_278 : i32 to vector<16xi32>
      %add3A_280 = arith.addi %add3A_279, %iota3A_277 : vector<16xi32>
      %select_n3A_281 = arith.select %and3A_274, %sub3A_276, %add3A_280 : vector<16xi1>, vector<16xi32>
      %add3A_282 = vector.broadcast %mul3A_2 : i32 to vector<16xi32>
      %add3A_283 = arith.addi %get3A_260, %add3A_282 : vector<16xi32>
      %swap3A_284 = arith.constant 0 : i32
      %swap3A_285 = arith.index_cast %swap3A_284 : i32 to index
      %swap3A_286 = arith.constant 96 : index
      %swap3A_287 = tpu.vector_load %arg9[%swap3A_285, %swap3A_286] {strides = array<i32>} : memref<2x128xi32, #tpu.memory_space<vmem>>, vector<1x16xi32>,
      %swap3A_288 = vector.shape_cast %swap3A_287 : vector<1x16xi32> to vector<16xi32>
      %swap3A_289 = vector.shape_cast %add3A_283 : vector<16xi32> to vector<1x16xi32>
      tpu.vector_store %arg9[%swap3A_285, %swap3A_286], %swap3A_289 {strides = array<i32>} : memref<2x128xi32, #tpu.memory_space<vmem>>, vector<1x16xi32>,
      %swap3A_290 = arith.constant 0 : i32
      %swap3A_291 = arith.index_cast %swap3A_290 : i32 to index
      %swap3A_292 = arith.constant 96 : index
      %swap3A_293 = tpu.vector_load %arg10[%swap3A_291, %swap3A_292] {strides = array<i32>} : memref<2x128xi32, #tpu.memory_space<vmem>>, vector<1x16xi32>,
      %swap3A_294 = vector.shape_cast %swap3A_293 : vector<1x16xi32> to vector<16xi32>
      %swap3A_295 = vector.shape_cast %select_n3A_281 : vector<16xi32> to vector<1x16xi32>
      tpu.vector_store %arg10[%swap3A_291, %swap3A_292], %swap3A_295 {strides = array<i32>} : memref<2x128xi32, #tpu.memory_space<vmem>>, vector<1x16xi32>,
      %get3A_296 = arith.constant 0 : i32
      %get3A_297 = arith.constant 0 : i32
      %get3A_298 = arith.index_cast %get3A_296 : i32 to index
      %get3A_299 = arith.index_cast %get3A_297 : i32 to index
      %get3A_300 = arith.constant 112 : index
      %get3A_301 = tpu.vector_load %arg7[%get3A_298, %get3A_299, %get3A_300] {strides = array<i32>} : memref<2x8x128xi32, #tpu.memory_space<vmem>>, vector<1x1x16xi32>,
      %get3A_302 = vector.shape_cast %get3A_301 : vector<1x1x16xi32> to vector<16xi32>
      %get3A_303 = arith.constant 0 : i32
      %get3A_304 = arith.constant 0 : i32
      %get3A_305 = arith.index_cast %get3A_303 : i32 to index
      %get3A_306 = arith.index_cast %get3A_304 : i32 to index
      %get3A_307 = arith.constant 112 : index
      %get3A_308 = tpu.vector_load %arg8[%get3A_305, %get3A_306, %get3A_307] {strides = array<i32>} : memref<2x8x128xi32, #tpu.memory_space<vmem>>, vector<1x1x16xi32>,
      %get3A_309 = vector.shape_cast %get3A_308 : vector<1x1x16xi32> to vector<16xi32>
      %ge3A_310 = vector.broadcast %mul3A_9 : i32 to vector<16xi32>
      %ge3A_311 = arith.cmpi sge, %get3A_309, %ge3A_310 : vector<16xi32>
      %add3A_312 = arith.constant 25088 : i32
      %add3A_313 = arith.addi %mul3A_9, %add3A_312 : i32
      %lt3A_314 = vector.broadcast %add3A_313 : i32 to vector<16xi32>
      %lt3A_315 = arith.cmpi slt, %get3A_309, %lt3A_314 : vector<16xi32>
      %and3A_316 = arith.andi %ge3A_311, %lt3A_315 : vector<16xi1>
      %sub3A_317 = vector.broadcast %mul3A_9 : i32 to vector<16xi32>
      %sub3A_318 = arith.subi %get3A_309, %sub3A_317 : vector<16xi32>
      %iota3A_319 = tpu.iota {dimensions = array<i32: 0>} : vector<16xi32>
      %add3A_320 = arith.constant 25200 : i32
      %add3A_321 = vector.broadcast %add3A_320 : i32 to vector<16xi32>
      %add3A_322 = arith.addi %add3A_321, %iota3A_319 : vector<16xi32>
      %select_n3A_323 = arith.select %and3A_316, %sub3A_318, %add3A_322 : vector<16xi1>, vector<16xi32>
      %add3A_324 = vector.broadcast %mul3A_2 : i32 to vector<16xi32>
      %add3A_325 = arith.addi %get3A_302, %add3A_324 : vector<16xi32>
      %swap3A_326 = arith.constant 0 : i32
      %swap3A_327 = arith.index_cast %swap3A_326 : i32 to index
      %swap3A_328 = arith.constant 112 : index
      %swap3A_329 = tpu.vector_load %arg9[%swap3A_327, %swap3A_328] {strides = array<i32>} : memref<2x128xi32, #tpu.memory_space<vmem>>, vector<1x16xi32>,
      %swap3A_330 = vector.shape_cast %swap3A_329 : vector<1x16xi32> to vector<16xi32>
      %swap3A_331 = vector.shape_cast %add3A_325 : vector<16xi32> to vector<1x16xi32>
      tpu.vector_store %arg9[%swap3A_327, %swap3A_328], %swap3A_331 {strides = array<i32>} : memref<2x128xi32, #tpu.memory_space<vmem>>, vector<1x16xi32>,
      %swap3A_332 = arith.constant 0 : i32
      %swap3A_333 = arith.index_cast %swap3A_332 : i32 to index
      %swap3A_334 = arith.constant 112 : index
      %swap3A_335 = tpu.vector_load %arg10[%swap3A_333, %swap3A_334] {strides = array<i32>} : memref<2x128xi32, #tpu.memory_space<vmem>>, vector<1x16xi32>,
      %swap3A_336 = vector.shape_cast %swap3A_335 : vector<1x16xi32> to vector<16xi32>
      %swap3A_337 = vector.shape_cast %select_n3A_323 : vector<16xi32> to vector<1x16xi32>
      tpu.vector_store %arg10[%swap3A_333, %swap3A_334], %swap3A_337 {strides = array<i32>} : memref<2x128xi32, #tpu.memory_space<vmem>>, vector<1x16xi32>,
      %dma_start3A = arith.constant 0 : i32
      %dma_start3A_338 = arith.constant 0 : i32
      %dma_start3A_339 = arith.constant 0 : i32
      %dma_start3A_340 = arith.constant 0 : i32
      %dma_start3A_341 = arith.constant 0 : i32
      %dma_start3A_342 = tpu.memref_slice %arg11[%dma_start3A_338, %dma_start3A_340, %dma_start3A_341] : memref<2x128x64xf32, #tpu.memory_space<vmem>> -> memref<1x128x64xf32, #tpu.memory_space<vmem>>
      %dma_start3A_343 = tpu.memref_squeeze %dma_start3A_342 : memref<1x128x64xf32, #tpu.memory_space<vmem>> -> memref<128x64xf32, #tpu.memory_space<vmem>>
      %dma_start3A_344 = arith.constant 0 : i32
      %dma_start3A_345 = tpu.memref_slice %arg9[%dma_start3A, %dma_start3A_344] : memref<2x128xi32, #tpu.memory_space<vmem>> -> memref<1x128xi32, #tpu.memory_space<vmem>>
      %dma_start3A_346 = tpu.memref_squeeze %dma_start3A_345 : memref<1x128xi32, #tpu.memory_space<vmem>> -> memref<128xi32, #tpu.memory_space<vmem>>
      %dma_start3A_347 = arith.constant 0 : i32
      %dma_start3A_348 = arith.constant 0 : i32
      %dma_start3A_349 = tpu.memref_slice %arg5[%dma_start3A_347, %dma_start3A_348] : memref<108000x64xf32, #tpu.memory_space<hbm>> -> memref<108000x64xf32, #tpu.memory_space<hbm>>
      %dma_start3A_350 = tpu.memref_slice %arg12[%dma_start3A_339] : memref<2x!tpu.dma_semaphore, #tpu.memory_space<semaphore_mem>> -> memref<1x!tpu.dma_semaphore, #tpu.memory_space<semaphore_mem>>
      %dma_start3A_351 = tpu.memref_squeeze %dma_start3A_350 : memref<1x!tpu.dma_semaphore, #tpu.memory_space<semaphore_mem>> -> memref<!tpu.dma_semaphore, #tpu.memory_space<semaphore_mem>>
      tpu.enqueue_indirect_dma source(%dma_start3A_349 : memref<108000x64xf32, #tpu.memory_space<hbm>>) target(%dma_start3A_343 : memref<128x64xf32, #tpu.memory_space<vmem>>) offsets(%dma_start3A_346 : memref<128xi32, #tpu.memory_space<vmem>>) semaphore(%dma_start3A_351 : memref<!tpu.dma_semaphore, #tpu.memory_space<semaphore_mem>>)
      %get3A_352 = arith.constant 0 : i32
      %get3A_353 = arith.constant 1 : i32
      %get3A_354 = arith.index_cast %get3A_352 : i32 to index
      %get3A_355 = arith.index_cast %get3A_353 : i32 to index
      %get3A_356 = arith.constant 0 : index
      %get3A_357 = tpu.vector_load %arg7[%get3A_354, %get3A_355, %get3A_356] {strides = array<i32>} : memref<2x8x128xi32, #tpu.memory_space<vmem>>, vector<1x1x16xi32>,
      %get3A_358 = vector.shape_cast %get3A_357 : vector<1x1x16xi32> to vector<16xi32>
      %get3A_359 = arith.constant 0 : i32
      %get3A_360 = arith.constant 1 : i32
      %get3A_361 = arith.index_cast %get3A_359 : i32 to index
      %get3A_362 = arith.index_cast %get3A_360 : i32 to index
      %get3A_363 = arith.constant 0 : index
      %get3A_364 = tpu.vector_load %arg8[%get3A_361, %get3A_362, %get3A_363] {strides = array<i32>} : memref<2x8x128xi32, #tpu.memory_space<vmem>>, vector<1x1x16xi32>,
      %get3A_365 = vector.shape_cast %get3A_364 : vector<1x1x16xi32> to vector<16xi32>
      %ge3A_366 = vector.broadcast %mul3A_9 : i32 to vector<16xi32>
      %ge3A_367 = arith.cmpi sge, %get3A_365, %ge3A_366 : vector<16xi32>
      %add3A_368 = arith.constant 25088 : i32
      %add3A_369 = arith.addi %mul3A_9, %add3A_368 : i32
      %lt3A_370 = vector.broadcast %add3A_369 : i32 to vector<16xi32>
      %lt3A_371 = arith.cmpi slt, %get3A_365, %lt3A_370 : vector<16xi32>
      %and3A_372 = arith.andi %ge3A_367, %lt3A_371 : vector<16xi1>
      %sub3A_373 = vector.broadcast %mul3A_9 : i32 to vector<16xi32>
      %sub3A_374 = arith.subi %get3A_365, %sub3A_373 : vector<16xi32>
      %iota3A_375 = tpu.iota {dimensions = array<i32: 0>} : vector<16xi32>
      %add3A_376 = arith.constant 25088 : i32
      %add3A_377 = vector.broadcast %add3A_376 : i32 to vector<16xi32>
      %add3A_378 = arith.addi %add3A_377, %iota3A_375 : vector<16xi32>
      %select_n3A_379 = arith.select %and3A_372, %sub3A_374, %add3A_378 : vector<16xi1>, vector<16xi32>
      %add3A_380 = vector.broadcast %mul3A_2 : i32 to vector<16xi32>
      %add3A_381 = arith.addi %get3A_358, %add3A_380 : vector<16xi32>
      %swap3A_382 = arith.constant 1 : i32
      %swap3A_383 = arith.index_cast %swap3A_382 : i32 to index
      %swap3A_384 = arith.constant 0 : index
      %swap3A_385 = tpu.vector_load %arg9[%swap3A_383, %swap3A_384] {strides = array<i32>} : memref<2x128xi32, #tpu.memory_space<vmem>>, vector<1x16xi32>,
      %swap3A_386 = vector.shape_cast %swap3A_385 : vector<1x16xi32> to vector<16xi32>
      %swap3A_387 = vector.shape_cast %add3A_381 : vector<16xi32> to vector<1x16xi32>
      tpu.vector_store %arg9[%swap3A_383, %swap3A_384], %swap3A_387 {strides = array<i32>} : memref<2x128xi32, #tpu.memory_space<vmem>>, vector<1x16xi32>,
      %swap3A_388 = arith.constant 1 : i32
      %swap3A_389 = arith.index_cast %swap3A_388 : i32 to index
      %swap3A_390 = arith.constant 0 : index
      %swap3A_391 = tpu.vector_load %arg10[%swap3A_389, %swap3A_390] {strides = array<i32>} : memref<2x128xi32, #tpu.memory_space<vmem>>, vector<1x16xi32>,
      %swap3A_392 = vector.shape_cast %swap3A_391 : vector<1x16xi32> to vector<16xi32>
      %swap3A_393 = vector.shape_cast %select_n3A_379 : vector<16xi32> to vector<1x16xi32>
      tpu.vector_store %arg10[%swap3A_389, %swap3A_390], %swap3A_393 {strides = array<i32>} : memref<2x128xi32, #tpu.memory_space<vmem>>, vector<1x16xi32>,
      %get3A_394 = arith.constant 0 : i32
      %get3A_395 = arith.constant 1 : i32
      %get3A_396 = arith.index_cast %get3A_394 : i32 to index
      %get3A_397 = arith.index_cast %get3A_395 : i32 to index
      %get3A_398 = arith.constant 16 : index
      %get3A_399 = tpu.vector_load %arg7[%get3A_396, %get3A_397, %get3A_398] {strides = array<i32>} : memref<2x8x128xi32, #tpu.memory_space<vmem>>, vector<1x1x16xi32>,
      %get3A_400 = vector.shape_cast %get3A_399 : vector<1x1x16xi32> to vector<16xi32>
      %get3A_401 = arith.constant 0 : i32
      %get3A_402 = arith.constant 1 : i32
      %get3A_403 = arith.index_cast %get3A_401 : i32 to index
      %get3A_404 = arith.index_cast %get3A_402 : i32 to index
      %get3A_405 = arith.constant 16 : index
      %get3A_406 = tpu.vector_load %arg8[%get3A_403, %get3A_404, %get3A_405] {strides = array<i32>} : memref<2x8x128xi32, #tpu.memory_space<vmem>>, vector<1x1x16xi32>,
      %get3A_407 = vector.shape_cast %get3A_406 : vector<1x1x16xi32> to vector<16xi32>
      %ge3A_408 = vector.broadcast %mul3A_9 : i32 to vector<16xi32>
      %ge3A_409 = arith.cmpi sge, %get3A_407, %ge3A_408 : vector<16xi32>
      %add3A_410 = arith.constant 25088 : i32
      %add3A_411 = arith.addi %mul3A_9, %add3A_410 : i32
      %lt3A_412 = vector.broadcast %add3A_411 : i32 to vector<16xi32>
      %lt3A_413 = arith.cmpi slt, %get3A_407, %lt3A_412 : vector<16xi32>
      %and3A_414 = arith.andi %ge3A_409, %lt3A_413 : vector<16xi1>
      %sub3A_415 = vector.broadcast %mul3A_9 : i32 to vector<16xi32>
      %sub3A_416 = arith.subi %get3A_407, %sub3A_415 : vector<16xi32>
      %iota3A_417 = tpu.iota {dimensions = array<i32: 0>} : vector<16xi32>
      %add3A_418 = arith.constant 25104 : i32
      %add3A_419 = vector.broadcast %add3A_418 : i32 to vector<16xi32>
      %add3A_420 = arith.addi %add3A_419, %iota3A_417 : vector<16xi32>
      %select_n3A_421 = arith.select %and3A_414, %sub3A_416, %add3A_420 : vector<16xi1>, vector<16xi32>
      %add3A_422 = vector.broadcast %mul3A_2 : i32 to vector<16xi32>
      %add3A_423 = arith.addi %get3A_400, %add3A_422 : vector<16xi32>
      %swap3A_424 = arith.constant 1 : i32
      %swap3A_425 = arith.index_cast %swap3A_424 : i32 to index
      %swap3A_426 = arith.constant 16 : index
      %swap3A_427 = tpu.vector_load %arg9[%swap3A_425, %swap3A_426] {strides = array<i32>} : memref<2x128xi32, #tpu.memory_space<vmem>>, vector<1x16xi32>,
      %swap3A_428 = vector.shape_cast %swap3A_427 : vector<1x16xi32> to vector<16xi32>
      %swap3A_429 = vector.shape_cast %add3A_423 : vector<16xi32> to vector<1x16xi32>
      tpu.vector_store %arg9[%swap3A_425, %swap3A_426], %swap3A_429 {strides = array<i32>} : memref<2x128xi32, #tpu.memory_space<vmem>>, vector<1x16xi32>,
      %swap3A_430 = arith.constant 1 : i32
      %swap3A_431 = arith.index_cast %swap3A_430 : i32 to index
      %swap3A_432 = arith.constant 16 : index
      %swap3A_433 = tpu.vector_load %arg10[%swap3A_431, %swap3A_432] {strides = array<i32>} : memref<2x128xi32, #tpu.memory_space<vmem>>, vector<1x16xi32>,
      %swap3A_434 = vector.shape_cast %swap3A_433 : vector<1x16xi32> to vector<16xi32>
      %swap3A_435 = vector.shape_cast %select_n3A_421 : vector<16xi32> to vector<1x16xi32>
      tpu.vector_store %arg10[%swap3A_431, %swap3A_432], %swap3A_435 {strides = array<i32>} : memref<2x128xi32, #tpu.memory_space<vmem>>, vector<1x16xi32>,
      %get3A_436 = arith.constant 0 : i32
      %get3A_437 = arith.constant 1 : i32
      %get3A_438 = arith.index_cast %get3A_436 : i32 to index
      %get3A_439 = arith.index_cast %get3A_437 : i32 to index
      %get3A_440 = arith.constant 32 : index
      %get3A_441 = tpu.vector_load %arg7[%get3A_438, %get3A_439, %get3A_440] {strides = array<i32>} : memref<2x8x128xi32, #tpu.memory_space<vmem>>, vector<1x1x16xi32>,
      %get3A_442 = vector.shape_cast %get3A_441 : vector<1x1x16xi32> to vector<16xi32>
      %get3A_443 = arith.constant 0 : i32
      %get3A_444 = arith.constant 1 : i32
      %get3A_445 = arith.index_cast %get3A_443 : i32 to index
      %get3A_446 = arith.index_cast %get3A_444 : i32 to index
      %get3A_447 = arith.constant 32 : index
      %get3A_448 = tpu.vector_load %arg8[%get3A_445, %get3A_446, %get3A_447] {strides = array<i32>} : memref<2x8x128xi32, #tpu.memory_space<vmem>>, vector<1x1x16xi32>,
      %get3A_449 = vector.shape_cast %get3A_448 : vector<1x1x16xi32> to vector<16xi32>
      %ge3A_450 = vector.broadcast %mul3A_9 : i32 to vector<16xi32>
      %ge3A_451 = arith.cmpi sge, %get3A_449, %ge3A_450 : vector<16xi32>
      %add3A_452 = arith.constant 25088 : i32
      %add3A_453 = arith.addi %mul3A_9, %add3A_452 : i32
      %lt3A_454 = vector.broadcast %add3A_453 : i32 to vector<16xi32>
      %lt3A_455 = arith.cmpi slt, %get3A_449, %lt3A_454 : vector<16xi32>
      %and3A_456 = arith.andi %ge3A_451, %lt3A_455 : vector<16xi1>
      %sub3A_457 = vector.broadcast %mul3A_9 : i32 to vector<16xi32>
      %sub3A_458 = arith.subi %get3A_449, %sub3A_457 : vector<16xi32>
      %iota3A_459 = tpu.iota {dimensions = array<i32: 0>} : vector<16xi32>
      %add3A_460 = arith.constant 25120 : i32
      %add3A_461 = vector.broadcast %add3A_460 : i32 to vector<16xi32>
      %add3A_462 = arith.addi %add3A_461, %iota3A_459 : vector<16xi32>
      %select_n3A_463 = arith.select %and3A_456, %sub3A_458, %add3A_462 : vector<16xi1>, vector<16xi32>
      %add3A_464 = vector.broadcast %mul3A_2 : i32 to vector<16xi32>
      %add3A_465 = arith.addi %get3A_442, %add3A_464 : vector<16xi32>
      %swap3A_466 = arith.constant 1 : i32
      %swap3A_467 = arith.index_cast %swap3A_466 : i32 to index
      %swap3A_468 = arith.constant 32 : index
      %swap3A_469 = tpu.vector_load %arg9[%swap3A_467, %swap3A_468] {strides = array<i32>} : memref<2x128xi32, #tpu.memory_space<vmem>>, vector<1x16xi32>,
      %swap3A_470 = vector.shape_cast %swap3A_469 : vector<1x16xi32> to vector<16xi32>
      %swap3A_471 = vector.shape_cast %add3A_465 : vector<16xi32> to vector<1x16xi32>
      tpu.vector_store %arg9[%swap3A_467, %swap3A_468], %swap3A_471 {strides = array<i32>} : memref<2x128xi32, #tpu.memory_space<vmem>>, vector<1x16xi32>,
      %swap3A_472 = arith.constant 1 : i32
      %swap3A_473 = arith.index_cast %swap3A_472 : i32 to index
      %swap3A_474 = arith.constant 32 : index
      %swap3A_475 = tpu.vector_load %arg10[%swap3A_473, %swap3A_474] {strides = array<i32>} : memref<2x128xi32, #tpu.memory_space<vmem>>, vector<1x16xi32>,
      %swap3A_476 = vector.shape_cast %swap3A_475 : vector<1x16xi32> to vector<16xi32>
      %swap3A_477 = vector.shape_cast %select_n3A_463 : vector<16xi32> to vector<1x16xi32>
      tpu.vector_store %arg10[%swap3A_473, %swap3A_474], %swap3A_477 {strides = array<i32>} : memref<2x128xi32, #tpu.memory_space<vmem>>, vector<1x16xi32>,
      %get3A_478 = arith.constant 0 : i32
      %get3A_479 = arith.constant 1 : i32
      %get3A_480 = arith.index_cast %get3A_478 : i32 to index
      %get3A_481 = arith.index_cast %get3A_479 : i32 to index
      %get3A_482 = arith.constant 48 : index
      %get3A_483 = tpu.vector_load %arg7[%get3A_480, %get3A_481, %get3A_482] {strides = array<i32>} : memref<2x8x128xi32, #tpu.memory_space<vmem>>, vector<1x1x16xi32>,
      %get3A_484 = vector.shape_cast %get3A_483 : vector<1x1x16xi32> to vector<16xi32>
      %get3A_485 = arith.constant 0 : i32
      %get3A_486 = arith.constant 1 : i32
      %get3A_487 = arith.index_cast %get3A_485 : i32 to index
      %get3A_488 = arith.index_cast %get3A_486 : i32 to index
      %get3A_489 = arith.constant 48 : index
      %get3A_490 = tpu.vector_load %arg8[%get3A_487, %get3A_488, %get3A_489] {strides = array<i32>} : memref<2x8x128xi32, #tpu.memory_space<vmem>>, vector<1x1x16xi32>,
      %get3A_491 = vector.shape_cast %get3A_490 : vector<1x1x16xi32> to vector<16xi32>
      %ge3A_492 = vector.broadcast %mul3A_9 : i32 to vector<16xi32>
      %ge3A_493 = arith.cmpi sge, %get3A_491, %ge3A_492 : vector<16xi32>
      %add3A_494 = arith.constant 25088 : i32
      %add3A_495 = arith.addi %mul3A_9, %add3A_494 : i32
      %lt3A_496 = vector.broadcast %add3A_495 : i32 to vector<16xi32>
      %lt3A_497 = arith.cmpi slt, %get3A_491, %lt3A_496 : vector<16xi32>
      %and3A_498 = arith.andi %ge3A_493, %lt3A_497 : vector<16xi1>
      %sub3A_499 = vector.broadcast %mul3A_9 : i32 to vector<16xi32>
      %sub3A_500 = arith.subi %get3A_491, %sub3A_499 : vector<16xi32>
      %iota3A_501 = tpu.iota {dimensions = array<i32: 0>} : vector<16xi32>
      %add3A_502 = arith.constant 25136 : i32
      %add3A_503 = vector.broadcast %add3A_502 : i32 to vector<16xi32>
      %add3A_504 = arith.addi %add3A_503, %iota3A_501 : vector<16xi32>
      %select_n3A_505 = arith.select %and3A_498, %sub3A_500, %add3A_504 : vector<16xi1>, vector<16xi32>
      %add3A_506 = vector.broadcast %mul3A_2 : i32 to vector<16xi32>
      %add3A_507 = arith.addi %get3A_484, %add3A_506 : vector<16xi32>
      %swap3A_508 = arith.constant 1 : i32
      %swap3A_509 = arith.index_cast %swap3A_508 : i32 to index
      %swap3A_510 = arith.constant 48 : index
      %swap3A_511 = tpu.vector_load %arg9[%swap3A_509, %swap3A_510] {strides = array<i32>} : memref<2x128xi32, #tpu.memory_space<vmem>>, vector<1x16xi32>,
      %swap3A_512 = vector.shape_cast %swap3A_511 : vector<1x16xi32> to vector<16xi32>
      %swap3A_513 = vector.shape_cast %add3A_507 : vector<16xi32> to vector<1x16xi32>
      tpu.vector_store %arg9[%swap3A_509, %swap3A_510], %swap3A_513 {strides = array<i32>} : memref<2x128xi32, #tpu.memory_space<vmem>>, vector<1x16xi32>,
      %swap3A_514 = arith.constant 1 : i32
      %swap3A_515 = arith.index_cast %swap3A_514 : i32 to index
      %swap3A_516 = arith.constant 48 : index
      %swap3A_517 = tpu.vector_load %arg10[%swap3A_515, %swap3A_516] {strides = array<i32>} : memref<2x128xi32, #tpu.memory_space<vmem>>, vector<1x16xi32>,
      %swap3A_518 = vector.shape_cast %swap3A_517 : vector<1x16xi32> to vector<16xi32>
      %swap3A_519 = vector.shape_cast %select_n3A_505 : vector<16xi32> to vector<1x16xi32>
      tpu.vector_store %arg10[%swap3A_515, %swap3A_516], %swap3A_519 {strides = array<i32>} : memref<2x128xi32, #tpu.memory_space<vmem>>, vector<1x16xi32>,
      %get3A_520 = arith.constant 0 : i32
      %get3A_521 = arith.constant 1 : i32
      %get3A_522 = arith.index_cast %get3A_520 : i32 to index
      %get3A_523 = arith.index_cast %get3A_521 : i32 to index
      %get3A_524 = arith.constant 64 : index
      %get3A_525 = tpu.vector_load %arg7[%get3A_522, %get3A_523, %get3A_524] {strides = array<i32>} : memref<2x8x128xi32, #tpu.memory_space<vmem>>, vector<1x1x16xi32>,
      %get3A_526 = vector.shape_cast %get3A_525 : vector<1x1x16xi32> to vector<16xi32>
      %get3A_527 = arith.constant 0 : i32
      %get3A_528 = arith.constant 1 : i32
      %get3A_529 = arith.index_cast %get3A_527 : i32 to index
      %get3A_530 = arith.index_cast %get3A_528 : i32 to index
      %get3A_531 = arith.constant 64 : index
      %get3A_532 = tpu.vector_load %arg8[%get3A_529, %get3A_530, %get3A_531] {strides = array<i32>} : memref<2x8x128xi32, #tpu.memory_space<vmem>>, vector<1x1x16xi32>,
      %get3A_533 = vector.shape_cast %get3A_532 : vector<1x1x16xi32> to vector<16xi32>
      %ge3A_534 = vector.broadcast %mul3A_9 : i32 to vector<16xi32>
      %ge3A_535 = arith.cmpi sge, %get3A_533, %ge3A_534 : vector<16xi32>
      %add3A_536 = arith.constant 25088 : i32
      %add3A_537 = arith.addi %mul3A_9, %add3A_536 : i32
      %lt3A_538 = vector.broadcast %add3A_537 : i32 to vector<16xi32>
      %lt3A_539 = arith.cmpi slt, %get3A_533, %lt3A_538 : vector<16xi32>
      %and3A_540 = arith.andi %ge3A_535, %lt3A_539 : vector<16xi1>
      %sub3A_541 = vector.broadcast %mul3A_9 : i32 to vector<16xi32>
      %sub3A_542 = arith.subi %get3A_533, %sub3A_541 : vector<16xi32>
      %iota3A_543 = tpu.iota {dimensions = array<i32: 0>} : vector<16xi32>
      %add3A_544 = arith.constant 25152 : i32
      %add3A_545 = vector.broadcast %add3A_544 : i32 to vector<16xi32>
      %add3A_546 = arith.addi %add3A_545, %iota3A_543 : vector<16xi32>
      %select_n3A_547 = arith.select %and3A_540, %sub3A_542, %add3A_546 : vector<16xi1>, vector<16xi32>
      %add3A_548 = vector.broadcast %mul3A_2 : i32 to vector<16xi32>
      %add3A_549 = arith.addi %get3A_526, %add3A_548 : vector<16xi32>
      %swap3A_550 = arith.constant 1 : i32
      %swap3A_551 = arith.index_cast %swap3A_550 : i32 to index
      %swap3A_552 = arith.constant 64 : index
      %swap3A_553 = tpu.vector_load %arg9[%swap3A_551, %swap3A_552] {strides = array<i32>} : memref<2x128xi32, #tpu.memory_space<vmem>>, vector<1x16xi32>,
      %swap3A_554 = vector.shape_cast %swap3A_553 : vector<1x16xi32> to vector<16xi32>
      %swap3A_555 = vector.shape_cast %add3A_549 : vector<16xi32> to vector<1x16xi32>
      tpu.vector_store %arg9[%swap3A_551, %swap3A_552], %swap3A_555 {strides = array<i32>} : memref<2x128xi32, #tpu.memory_space<vmem>>, vector<1x16xi32>,
      %swap3A_556 = arith.constant 1 : i32
      %swap3A_557 = arith.index_cast %swap3A_556 : i32 to index
      %swap3A_558 = arith.constant 64 : index
      %swap3A_559 = tpu.vector_load %arg10[%swap3A_557, %swap3A_558] {strides = array<i32>} : memref<2x128xi32, #tpu.memory_space<vmem>>, vector<1x16xi32>,
      %swap3A_560 = vector.shape_cast %swap3A_559 : vector<1x16xi32> to vector<16xi32>
      %swap3A_561 = vector.shape_cast %select_n3A_547 : vector<16xi32> to vector<1x16xi32>
      tpu.vector_store %arg10[%swap3A_557, %swap3A_558], %swap3A_561 {strides = array<i32>} : memref<2x128xi32, #tpu.memory_space<vmem>>, vector<1x16xi32>,
      %get3A_562 = arith.constant 0 : i32
      %get3A_563 = arith.constant 1 : i32
      %get3A_564 = arith.index_cast %get3A_562 : i32 to index
      %get3A_565 = arith.index_cast %get3A_563 : i32 to index
      %get3A_566 = arith.constant 80 : index
      %get3A_567 = tpu.vector_load %arg7[%get3A_564, %get3A_565, %get3A_566] {strides = array<i32>} : memref<2x8x128xi32, #tpu.memory_space<vmem>>, vector<1x1x16xi32>,
      %get3A_568 = vector.shape_cast %get3A_567 : vector<1x1x16xi32> to vector<16xi32>
      %get3A_569 = arith.constant 0 : i32
      %get3A_570 = arith.constant 1 : i32
      %get3A_571 = arith.index_cast %get3A_569 : i32 to index
      %get3A_572 = arith.index_cast %get3A_570 : i32 to index
      %get3A_573 = arith.constant 80 : index
      %get3A_574 = tpu.vector_load %arg8[%get3A_571, %get3A_572, %get3A_573] {strides = array<i32>} : memref<2x8x128xi32, #tpu.memory_space<vmem>>, vector<1x1x16xi32>,
      %get3A_575 = vector.shape_cast %get3A_574 : vector<1x1x16xi32> to vector<16xi32>
      %ge3A_576 = vector.broadcast %mul3A_9 : i32 to vector<16xi32>
      %ge3A_577 = arith.cmpi sge, %get3A_575, %ge3A_576 : vector<16xi32>
      %add3A_578 = arith.constant 25088 : i32
      %add3A_579 = arith.addi %mul3A_9, %add3A_578 : i32
      %lt3A_580 = vector.broadcast %add3A_579 : i32 to vector<16xi32>
      %lt3A_581 = arith.cmpi slt, %get3A_575, %lt3A_580 : vector<16xi32>
      %and3A_582 = arith.andi %ge3A_577, %lt3A_581 : vector<16xi1>
      %sub3A_583 = vector.broadcast %mul3A_9 : i32 to vector<16xi32>
      %sub3A_584 = arith.subi %get3A_575, %sub3A_583 : vector<16xi32>
      %iota3A_585 = tpu.iota {dimensions = array<i32: 0>} : vector<16xi32>
      %add3A_586 = arith.constant 25168 : i32
      %add3A_587 = vector.broadcast %add3A_586 : i32 to vector<16xi32>
      %add3A_588 = arith.addi %add3A_587, %iota3A_585 : vector<16xi32>
      %select_n3A_589 = arith.select %and3A_582, %sub3A_584, %add3A_588 : vector<16xi1>, vector<16xi32>
      %add3A_590 = vector.broadcast %mul3A_2 : i32 to vector<16xi32>
      %add3A_591 = arith.addi %get3A_568, %add3A_590 : vector<16xi32>
      %swap3A_592 = arith.constant 1 : i32
      %swap3A_593 = arith.index_cast %swap3A_592 : i32 to index
      %swap3A_594 = arith.constant 80 : index
      %swap3A_595 = tpu.vector_load %arg9[%swap3A_593, %swap3A_594] {strides = array<i32>} : memref<2x128xi32, #tpu.memory_space<vmem>>, vector<1x16xi32>,
      %swap3A_596 = vector.shape_cast %swap3A_595 : vector<1x16xi32> to vector<16xi32>
      %swap3A_597 = vector.shape_cast %add3A_591 : vector<16xi32> to vector<1x16xi32>
      tpu.vector_store %arg9[%swap3A_593, %swap3A_594], %swap3A_597 {strides = array<i32>} : memref<2x128xi32, #tpu.memory_space<vmem>>, vector<1x16xi32>,
      %swap3A_598 = arith.constant 1 : i32
      %swap3A_599 = arith.index_cast %swap3A_598 : i32 to index
      %swap3A_600 = arith.constant 80 : index
      %swap3A_601 = tpu.vector_load %arg10[%swap3A_599, %swap3A_600] {strides = array<i32>} : memref<2x128xi32, #tpu.memory_space<vmem>>, vector<1x16xi32>,
      %swap3A_602 = vector.shape_cast %swap3A_601 : vector<1x16xi32> to vector<16xi32>
      %swap3A_603 = vector.shape_cast %select_n3A_589 : vector<16xi32> to vector<1x16xi32>
      tpu.vector_store %arg10[%swap3A_599, %swap3A_600], %swap3A_603 {strides = array<i32>} : memref<2x128xi32, #tpu.memory_space<vmem>>, vector<1x16xi32>,
      %get3A_604 = arith.constant 0 : i32
      %get3A_605 = arith.constant 1 : i32
      %get3A_606 = arith.index_cast %get3A_604 : i32 to index
      %get3A_607 = arith.index_cast %get3A_605 : i32 to index
      %get3A_608 = arith.constant 96 : index
      %get3A_609 = tpu.vector_load %arg7[%get3A_606, %get3A_607, %get3A_608] {strides = array<i32>} : memref<2x8x128xi32, #tpu.memory_space<vmem>>, vector<1x1x16xi32>,
      %get3A_610 = vector.shape_cast %get3A_609 : vector<1x1x16xi32> to vector<16xi32>
      %get3A_611 = arith.constant 0 : i32
      %get3A_612 = arith.constant 1 : i32
      %get3A_613 = arith.index_cast %get3A_611 : i32 to index
      %get3A_614 = arith.index_cast %get3A_612 : i32 to index
      %get3A_615 = arith.constant 96 : index
      %get3A_616 = tpu.vector_load %arg8[%get3A_613, %get3A_614, %get3A_615] {strides = array<i32>} : memref<2x8x128xi32, #tpu.memory_space<vmem>>, vector<1x1x16xi32>,
      %get3A_617 = vector.shape_cast %get3A_616 : vector<1x1x16xi32> to vector<16xi32>
      %ge3A_618 = vector.broadcast %mul3A_9 : i32 to vector<16xi32>
      %ge3A_619 = arith.cmpi sge, %get3A_617, %ge3A_618 : vector<16xi32>
      %add3A_620 = arith.constant 25088 : i32
      %add3A_621 = arith.addi %mul3A_9, %add3A_620 : i32
      %lt3A_622 = vector.broadcast %add3A_621 : i32 to vector<16xi32>
      %lt3A_623 = arith.cmpi slt, %get3A_617, %lt3A_622 : vector<16xi32>
      %and3A_624 = arith.andi %ge3A_619, %lt3A_623 : vector<16xi1>
      %sub3A_625 = vector.broadcast %mul3A_9 : i32 to vector<16xi32>
      %sub3A_626 = arith.subi %get3A_617, %sub3A_625 : vector<16xi32>
      %iota3A_627 = tpu.iota {dimensions = array<i32: 0>} : vector<16xi32>
      %add3A_628 = arith.constant 25184 : i32
      %add3A_629 = vector.broadcast %add3A_628 : i32 to vector<16xi32>
      %add3A_630 = arith.addi %add3A_629, %iota3A_627 : vector<16xi32>
      %select_n3A_631 = arith.select %and3A_624, %sub3A_626, %add3A_630 : vector<16xi1>, vector<16xi32>
      %add3A_632 = vector.broadcast %mul3A_2 : i32 to vector<16xi32>
      %add3A_633 = arith.addi %get3A_610, %add3A_632 : vector<16xi32>
      %swap3A_634 = arith.constant 1 : i32
      %swap3A_635 = arith.index_cast %swap3A_634 : i32 to index
      %swap3A_636 = arith.constant 96 : index
      %swap3A_637 = tpu.vector_load %arg9[%swap3A_635, %swap3A_636] {strides = array<i32>} : memref<2x128xi32, #tpu.memory_space<vmem>>, vector<1x16xi32>,
      %swap3A_638 = vector.shape_cast %swap3A_637 : vector<1x16xi32> to vector<16xi32>
      %swap3A_639 = vector.shape_cast %add3A_633 : vector<16xi32> to vector<1x16xi32>
      tpu.vector_store %arg9[%swap3A_635, %swap3A_636], %swap3A_639 {strides = array<i32>} : memref<2x128xi32, #tpu.memory_space<vmem>>, vector<1x16xi32>,
      %swap3A_640 = arith.constant 1 : i32
      %swap3A_641 = arith.index_cast %swap3A_640 : i32 to index
      %swap3A_642 = arith.constant 96 : index
      %swap3A_643 = tpu.vector_load %arg10[%swap3A_641, %swap3A_642] {strides = array<i32>} : memref<2x128xi32, #tpu.memory_space<vmem>>, vector<1x16xi32>,
      %swap3A_644 = vector.shape_cast %swap3A_643 : vector<1x16xi32> to vector<16xi32>
      %swap3A_645 = vector.shape_cast %select_n3A_631 : vector<16xi32> to vector<1x16xi32>
      tpu.vector_store %arg10[%swap3A_641, %swap3A_642], %swap3A_645 {strides = array<i32>} : memref<2x128xi32, #tpu.memory_space<vmem>>, vector<1x16xi32>,
      %get3A_646 = arith.constant 0 : i32
      %get3A_647 = arith.constant 1 : i32
      %get3A_648 = arith.index_cast %get3A_646 : i32 to index
      %get3A_649 = arith.index_cast %get3A_647 : i32 to index
      %get3A_650 = arith.constant 112 : index
      %get3A_651 = tpu.vector_load %arg7[%get3A_648, %get3A_649, %get3A_650] {strides = array<i32>} : memref<2x8x128xi32, #tpu.memory_space<vmem>>, vector<1x1x16xi32>,
      %get3A_652 = vector.shape_cast %get3A_651 : vector<1x1x16xi32> to vector<16xi32>
      %get3A_653 = arith.constant 0 : i32
      %get3A_654 = arith.constant 1 : i32
      %get3A_655 = arith.index_cast %get3A_653 : i32 to index
      %get3A_656 = arith.index_cast %get3A_654 : i32 to index
      %get3A_657 = arith.constant 112 : index
      %get3A_658 = tpu.vector_load %arg8[%get3A_655, %get3A_656, %get3A_657] {strides = array<i32>} : memref<2x8x128xi32, #tpu.memory_space<vmem>>, vector<1x1x16xi32>,
      %get3A_659 = vector.shape_cast %get3A_658 : vector<1x1x16xi32> to vector<16xi32>
      %ge3A_660 = vector.broadcast %mul3A_9 : i32 to vector<16xi32>
      %ge3A_661 = arith.cmpi sge, %get3A_659, %ge3A_660 : vector<16xi32>
      %add3A_662 = arith.constant 25088 : i32
      %add3A_663 = arith.addi %mul3A_9, %add3A_662 : i32
      %lt3A_664 = vector.broadcast %add3A_663 : i32 to vector<16xi32>
      %lt3A_665 = arith.cmpi slt, %get3A_659, %lt3A_664 : vector<16xi32>
      %and3A_666 = arith.andi %ge3A_661, %lt3A_665 : vector<16xi1>
      %sub3A_667 = vector.broadcast %mul3A_9 : i32 to vector<16xi32>
      %sub3A_668 = arith.subi %get3A_659, %sub3A_667 : vector<16xi32>
      %iota3A_669 = tpu.iota {dimensions = array<i32: 0>} : vector<16xi32>
      %add3A_670 = arith.constant 25200 : i32
      %add3A_671 = vector.broadcast %add3A_670 : i32 to vector<16xi32>
      %add3A_672 = arith.addi %add3A_671, %iota3A_669 : vector<16xi32>
      %select_n3A_673 = arith.select %and3A_666, %sub3A_668, %add3A_672 : vector<16xi1>, vector<16xi32>
      %add3A_674 = vector.broadcast %mul3A_2 : i32 to vector<16xi32>
      %add3A_675 = arith.addi %get3A_652, %add3A_674 : vector<16xi32>
      %swap3A_676 = arith.constant 1 : i32
      %swap3A_677 = arith.index_cast %swap3A_676 : i32 to index
      %swap3A_678 = arith.constant 112 : index
      %swap3A_679 = tpu.vector_load %arg9[%swap3A_677, %swap3A_678] {strides = array<i32>} : memref<2x128xi32, #tpu.memory_space<vmem>>, vector<1x16xi32>,
      %swap3A_680 = vector.shape_cast %swap3A_679 : vector<1x16xi32> to vector<16xi32>
      %swap3A_681 = vector.shape_cast %add3A_675 : vector<16xi32> to vector<1x16xi32>
      tpu.vector_store %arg9[%swap3A_677, %swap3A_678], %swap3A_681 {strides = array<i32>} : memref<2x128xi32, #tpu.memory_space<vmem>>, vector<1x16xi32>,
      %swap3A_682 = arith.constant 1 : i32
      %swap3A_683 = arith.index_cast %swap3A_682 : i32 to index
      %swap3A_684 = arith.constant 112 : index
      %swap3A_685 = tpu.vector_load %arg10[%swap3A_683, %swap3A_684] {strides = array<i32>} : memref<2x128xi32, #tpu.memory_space<vmem>>, vector<1x16xi32>,
      %swap3A_686 = vector.shape_cast %swap3A_685 : vector<1x16xi32> to vector<16xi32>
      %swap3A_687 = vector.shape_cast %select_n3A_673 : vector<16xi32> to vector<1x16xi32>
      tpu.vector_store %arg10[%swap3A_683, %swap3A_684], %swap3A_687 {strides = array<i32>} : memref<2x128xi32, #tpu.memory_space<vmem>>, vector<1x16xi32>,
      %dma_start3A_688 = arith.constant 1 : i32
      %dma_start3A_689 = arith.constant 1 : i32
      %dma_start3A_690 = arith.constant 1 : i32
      %dma_start3A_691 = arith.constant 0 : i32
      %dma_start3A_692 = arith.constant 0 : i32
      %dma_start3A_693 = tpu.memref_slice %arg11[%dma_start3A_689, %dma_start3A_691, %dma_start3A_692] : memref<2x128x64xf32, #tpu.memory_space<vmem>> -> memref<1x128x64xf32, #tpu.memory_space<vmem>>
      %dma_start3A_694 = tpu.memref_squeeze %dma_start3A_693 : memref<1x128x64xf32, #tpu.memory_space<vmem>> -> memref<128x64xf32, #tpu.memory_space<vmem>>
      %dma_start3A_695 = arith.constant 0 : i32
      %dma_start3A_696 = tpu.memref_slice %arg9[%dma_start3A_688, %dma_start3A_695] : memref<2x128xi32, #tpu.memory_space<vmem>> -> memref<1x128xi32, #tpu.memory_space<vmem>>
      %dma_start3A_697 = tpu.memref_squeeze %dma_start3A_696 : memref<1x128xi32, #tpu.memory_space<vmem>> -> memref<128xi32, #tpu.memory_space<vmem>>
      %dma_start3A_698 = arith.constant 0 : i32
      %dma_start3A_699 = arith.constant 0 : i32
      %dma_start3A_700 = tpu.memref_slice %arg5[%dma_start3A_698, %dma_start3A_699] : memref<108000x64xf32, #tpu.memory_space<hbm>> -> memref<108000x64xf32, #tpu.memory_space<hbm>>
      %dma_start3A_701 = tpu.memref_slice %arg12[%dma_start3A_690] : memref<2x!tpu.dma_semaphore, #tpu.memory_space<semaphore_mem>> -> memref<1x!tpu.dma_semaphore, #tpu.memory_space<semaphore_mem>>
      %dma_start3A_702 = tpu.memref_squeeze %dma_start3A_701 : memref<1x!tpu.dma_semaphore, #tpu.memory_space<semaphore_mem>> -> memref<!tpu.dma_semaphore, #tpu.memory_space<semaphore_mem>>
      tpu.enqueue_indirect_dma source(%dma_start3A_700 : memref<108000x64xf32, #tpu.memory_space<hbm>>) target(%dma_start3A_694 : memref<128x64xf32, #tpu.memory_space<vmem>>) offsets(%dma_start3A_697 : memref<128xi32, #tpu.memory_space<vmem>>) semaphore(%dma_start3A_702 : memref<!tpu.dma_semaphore, #tpu.memory_space<semaphore_mem>>)
      %scan3A_703 = arith.constant 0 : i32
      %scan3A_704 = arith.constant 512 : i32
      %scan3A_705 = arith.addi %scan3A_703, %scan3A_704 : i32
      %scan3A_706 = arith.constant 1 : i32
      scf.for %scan3A_714 = %scan3A_703 to %scan3A_705 step %scan3A_706  : i32 {
        %jit3A = arith.constant 2 : i32
        %eq3A = arith.constant 0 : i32
        %eq3A_715 = arith.cmpi eq, %jit3A, %eq3A : i32
        %jit3A_716 = arith.constant 1 : i32
        %select_n3A_717 = arith.select %eq3A_715, %jit3A_716, %jit3A : i32
        %rem3A = arith.remsi %scan3A_714, %select_n3A_717 : i32
        %ne3A = arith.constant 0 : i32
        %ne3A_718 = arith.cmpi ne, %rem3A, %ne3A : i32
        %lt3A_719 = arith.constant 0 : i32
        %lt3A_720 = arith.cmpi slt, %rem3A, %lt3A_719 : i32
        %lt3A_721 = arith.constant 0 : i32
        %lt3A_722 = arith.cmpi slt, %select_n3A_717, %lt3A_721 : i32
        %ne3A_723 = arith.xori %lt3A_720, %lt3A_722 : i1
        %and3A_724 = arith.andi %ne3A_723, %ne3A_718 : i1
        %add3A_725 = arith.addi %rem3A, %select_n3A_717 : i32
        %select_n3A_726 = arith.select %and3A_724, %add3A_725, %rem3A : i32
        %dma_wait3A = arith.constant 0 : i32
        %dma_wait3A_727 = arith.constant 0 : i32
        %dma_wait3A_728 = tpu.memref_slice %arg11[%select_n3A_726, %dma_wait3A, %dma_wait3A_727] : memref<2x128x64xf32, #tpu.memory_space<vmem>> -> memref<1x128x64xf32, #tpu.memory_space<vmem>>
        %dma_wait3A_729 = tpu.memref_squeeze %dma_wait3A_728 : memref<1x128x64xf32, #tpu.memory_space<vmem>> -> memref<128x64xf32, #tpu.memory_space<vmem>>
        %dma_wait3A_730 = arith.constant 0 : i32
        %dma_wait3A_731 = tpu.memref_slice %arg9[%select_n3A_726, %dma_wait3A_730] : memref<2x128xi32, #tpu.memory_space<vmem>> -> memref<1x128xi32, #tpu.memory_space<vmem>>
        %dma_wait3A_732 = tpu.memref_squeeze %dma_wait3A_731 : memref<1x128xi32, #tpu.memory_space<vmem>> -> memref<128xi32, #tpu.memory_space<vmem>>
        %dma_wait3A_733 = arith.constant 0 : i32
        %dma_wait3A_734 = arith.constant 0 : i32
        %dma_wait3A_735 = tpu.memref_slice %arg5[%dma_wait3A_733, %dma_wait3A_734] : memref<108000x64xf32, #tpu.memory_space<hbm>> -> memref<108000x64xf32, #tpu.memory_space<hbm>>
        %dma_wait3A_736 = tpu.memref_slice %arg12[%select_n3A_726] : memref<2x!tpu.dma_semaphore, #tpu.memory_space<semaphore_mem>> -> memref<1x!tpu.dma_semaphore, #tpu.memory_space<semaphore_mem>>
        %dma_wait3A_737 = tpu.memref_squeeze %dma_wait3A_736 : memref<1x!tpu.dma_semaphore, #tpu.memory_space<semaphore_mem>> -> memref<!tpu.dma_semaphore, #tpu.memory_space<semaphore_mem>>
        tpu.wait_indirect_dma semaphore(%dma_wait3A_737 : memref<!tpu.dma_semaphore, #tpu.memory_space<semaphore_mem>>) src(%dma_wait3A_735 : memref<108000x64xf32, #tpu.memory_space<hbm>>) dst(%dma_wait3A_729 : memref<128x64xf32, #tpu.memory_space<vmem>>)
        %dma_start3A_738 = arith.constant 0 : i32
        %dma_start3A_739 = arith.constant 0 : i32
        %dma_start3A_740 = tpu.memref_slice %arg11[%select_n3A_726, %dma_start3A_738, %dma_start3A_739] : memref<2x128x64xf32, #tpu.memory_space<vmem>> -> memref<1x128x64xf32, #tpu.memory_space<vmem>>
        %dma_start3A_741 = tpu.memref_squeeze %dma_start3A_740 : memref<1x128x64xf32, #tpu.memory_space<vmem>> -> memref<128x64xf32, #tpu.memory_space<vmem>>
        %dma_start3A_742 = arith.constant 0 : i32
        %dma_start3A_743 = tpu.memref_slice %arg10[%select_n3A_726, %dma_start3A_742] : memref<2x128xi32, #tpu.memory_space<vmem>> -> memref<1x128xi32, #tpu.memory_space<vmem>>
        %dma_start3A_744 = tpu.memref_squeeze %dma_start3A_743 : memref<1x128xi32, #tpu.memory_space<vmem>> -> memref<128xi32, #tpu.memory_space<vmem>>
        %dma_start3A_745 = arith.constant 0 : i32
        %dma_start3A_746 = arith.constant 0 : i32
        %dma_start3A_747 = tpu.memref_slice %arg14[%dma_start3A_745, %dma_start3A_746] : memref<25216x64xf32, #tpu.memory_space<vmem_shared>> -> memref<25216x64xf32, #tpu.memory_space<vmem_shared>>
        %dma_start3A_748 = tpu.memref_slice %arg13[%select_n3A_726] : memref<2x!tpu.dma_semaphore, #tpu.memory_space<semaphore_mem>> -> memref<1x!tpu.dma_semaphore, #tpu.memory_space<semaphore_mem>>
        %dma_start3A_749 = tpu.memref_squeeze %dma_start3A_748 : memref<1x!tpu.dma_semaphore, #tpu.memory_space<semaphore_mem>> -> memref<!tpu.dma_semaphore, #tpu.memory_space<semaphore_mem>>
        tpu.enqueue_indirect_dma source(%dma_start3A_741 : memref<128x64xf32, #tpu.memory_space<vmem>>) target(%dma_start3A_747 : memref<25216x64xf32, #tpu.memory_space<vmem_shared>>) offsets(%dma_start3A_744 : memref<128xi32, #tpu.memory_space<vmem>>) semaphore(%dma_start3A_749 : memref<!tpu.dma_semaphore, #tpu.memory_space<semaphore_mem>>) {add = true}
        %dma_wait3A_750 = arith.constant 0 : i32
        %dma_wait3A_751 = arith.constant 0 : i32
        %dma_wait3A_752 = tpu.memref_slice %arg11[%select_n3A_726, %dma_wait3A_750, %dma_wait3A_751] : memref<2x128x64xf32, #tpu.memory_space<vmem>> -> memref<1x128x64xf32, #tpu.memory_space<vmem>>
        %dma_wait3A_753 = tpu.memref_squeeze %dma_wait3A_752 : memref<1x128x64xf32, #tpu.memory_space<vmem>> -> memref<128x64xf32, #tpu.memory_space<vmem>>
        %dma_wait3A_754 = arith.constant 0 : i32
        %dma_wait3A_755 = tpu.memref_slice %arg10[%select_n3A_726, %dma_wait3A_754] : memref<2x128xi32, #tpu.memory_space<vmem>> -> memref<1x128xi32, #tpu.memory_space<vmem>>
        %dma_wait3A_756 = tpu.memref_squeeze %dma_wait3A_755 : memref<1x128xi32, #tpu.memory_space<vmem>> -> memref<128xi32, #tpu.memory_space<vmem>>
        %dma_wait3A_757 = arith.constant 0 : i32
        %dma_wait3A_758 = arith.constant 0 : i32
        %dma_wait3A_759 = tpu.memref_slice %arg14[%dma_wait3A_757, %dma_wait3A_758] : memref<25216x64xf32, #tpu.memory_space<vmem_shared>> -> memref<25216x64xf32, #tpu.memory_space<vmem_shared>>
        %dma_wait3A_760 = tpu.memref_slice %arg13[%select_n3A_726] : memref<2x!tpu.dma_semaphore, #tpu.memory_space<semaphore_mem>> -> memref<1x!tpu.dma_semaphore, #tpu.memory_space<semaphore_mem>>
        %dma_wait3A_761 = tpu.memref_squeeze %dma_wait3A_760 : memref<1x!tpu.dma_semaphore, #tpu.memory_space<semaphore_mem>> -> memref<!tpu.dma_semaphore, #tpu.memory_space<semaphore_mem>>
        tpu.wait_indirect_dma semaphore(%dma_wait3A_761 : memref<!tpu.dma_semaphore, #tpu.memory_space<semaphore_mem>>) src(%dma_wait3A_753 : memref<128x64xf32, #tpu.memory_space<vmem>>) dst(%dma_wait3A_759 : memref<25216x64xf32, #tpu.memory_space<vmem_shared>>)
        %add3A_762 = arith.constant 2 : i32
        %add3A_763 = arith.addi %scan3A_714, %add3A_762 : i32
        %lt3A_764 = arith.constant 512 : i32
        %lt3A_765 = arith.cmpi slt, %add3A_763, %lt3A_764 : i32
        %convert_element_type3A = arith.extui %lt3A_765 : i1 to i32
        %cond3A = arith.constant 0 : i32
        %cond3A_766 = arith.cmpi ne, %convert_element_type3A, %cond3A : i32
        scf.if %cond3A_766 {
          %add3A_767 = arith.constant 2 : i32
          %add3A_768 = arith.addi %scan3A_714, %add3A_767 : i32
          %jit3A_769 = arith.constant 8 : i32
          %eq3A_770 = arith.constant 0 : i32
          %eq3A_771 = arith.cmpi eq, %jit3A_769, %eq3A_770 : i32
          %jit3A_772 = arith.constant 1 : i32
          %select_n3A_773 = arith.select %eq3A_771, %jit3A_772, %jit3A_769 : i32
          %rem3A_774 = arith.remsi %add3A_768, %select_n3A_773 : i32
          %ne3A_775 = arith.constant 0 : i32
          %ne3A_776 = arith.cmpi ne, %rem3A_774, %ne3A_775 : i32
          %lt3A_777 = arith.constant 0 : i32
          %lt3A_778 = arith.cmpi slt, %rem3A_774, %lt3A_777 : i32
          %lt3A_779 = arith.constant 0 : i32
          %lt3A_780 = arith.cmpi slt, %select_n3A_773, %lt3A_779 : i32
          %ne3A_781 = arith.xori %lt3A_778, %lt3A_780 : i1
          %and3A_782 = arith.andi %ne3A_781, %ne3A_776 : i1
          %add3A_783 = arith.addi %rem3A_774, %select_n3A_773 : i32
          %select_n3A_784 = arith.select %and3A_782, %add3A_783, %rem3A_774 : i32
          %eq3A_785 = arith.constant 0 : i32
          %eq3A_786 = arith.cmpi eq, %select_n3A_784, %eq3A_785 : i32
          %convert_element_type3A_787 = arith.extui %eq3A_786 : i1 to i32
          %cond3A_788 = arith.constant 0 : i32
          %cond3A_789 = arith.cmpi ne, %convert_element_type3A_787, %cond3A_788 : i32
          scf.if %cond3A_789 {
            %jit3A_1144 = arith.constant 8 : i32
            %div3A_1145 = arith.divsi %add3A_768, %jit3A_1144 : i32
            %sign3A_1146 = arith.constant 0 : i32
            %sign3A_1147 = arith.cmpi sgt, %add3A_768, %sign3A_1146 : i32
            %sign3A_1148 = arith.extui %sign3A_1147 : i1 to i32
            %sign3A_1149 = arith.constant 0 : i32
            %sign3A_1150 = arith.cmpi slt, %add3A_768, %sign3A_1149 : i32
            %sign3A_1151 = arith.extui %sign3A_1150 : i1 to i32
            %sign3A_1152 = arith.subi %sign3A_1148, %sign3A_1151 : i32
            %sign3A_1153 = arith.constant 0 : i32
            %sign3A_1154 = arith.cmpi sgt, %jit3A_1144, %sign3A_1153 : i32
            %sign3A_1155 = arith.extui %sign3A_1154 : i1 to i32
            %sign3A_1156 = arith.constant 0 : i32
            %sign3A_1157 = arith.cmpi slt, %jit3A_1144, %sign3A_1156 : i32
            %sign3A_1158 = arith.extui %sign3A_1157 : i1 to i32
            %sign3A_1159 = arith.subi %sign3A_1155, %sign3A_1158 : i32
            %ne3A_1160 = arith.cmpi ne, %sign3A_1152, %sign3A_1159 : i32
            %rem3A_1161 = arith.remsi %add3A_768, %jit3A_1144 : i32
            %ne3A_1162 = arith.constant 0 : i32
            %ne3A_1163 = arith.cmpi ne, %rem3A_1161, %ne3A_1162 : i32
            %and3A_1164 = arith.andi %ne3A_1160, %ne3A_1163 : i1
            %sub3A_1165 = arith.constant 1 : i32
            %sub3A_1166 = arith.subi %div3A_1145, %sub3A_1165 : i32
            %select_n3A_1167 = arith.select %and3A_1164, %sub3A_1166, %div3A_1145 : i32
            %mul3A_1168 = arith.constant 8 : i32
            %mul3A_1169 = arith.muli %select_n3A_1167, %mul3A_1168 : i32
            %jit3A_1170 = arith.constant 2 : i32
            %eq3A_1171 = arith.constant 0 : i32
            %eq3A_1172 = arith.cmpi eq, %jit3A_1170, %eq3A_1171 : i32
            %jit3A_1173 = arith.constant 1 : i32
            %select_n3A_1174 = arith.select %eq3A_1172, %jit3A_1173, %jit3A_1170 : i32
            %rem3A_1175 = arith.remsi %select_n3A_1167, %select_n3A_1174 : i32
            %ne3A_1176 = arith.constant 0 : i32
            %ne3A_1177 = arith.cmpi ne, %rem3A_1175, %ne3A_1176 : i32
            %lt3A_1178 = arith.constant 0 : i32
            %lt3A_1179 = arith.cmpi slt, %rem3A_1175, %lt3A_1178 : i32
            %lt3A_1180 = arith.constant 0 : i32
            %lt3A_1181 = arith.cmpi slt, %select_n3A_1174, %lt3A_1180 : i32
            %ne3A_1182 = arith.xori %lt3A_1179, %lt3A_1181 : i1
            %and3A_1183 = arith.andi %ne3A_1182, %ne3A_1177 : i1
            %add3A_1184 = arith.addi %rem3A_1175, %select_n3A_1174 : i32
            %select_n3A_1185 = arith.select %and3A_1183, %add3A_1184, %rem3A_1175 : i32
            "tpu.region"() ({
              %run_scoped3A_1204 = tpu.sem_alloc : memref<!tpu.dma_semaphore, #tpu.memory_space<semaphore_mem>>
              %dma_start3A_1205 = arith.constant 0 : i32
              %dma_start3A_1206 = arith.constant 0 : i32
              %dma_start3A_1207 = tpu.memref_slice %arg7[%select_n3A_1185, %dma_start3A_1205, %dma_start3A_1206] : memref<2x8x128xi32, #tpu.memory_space<vmem>> -> memref<1x8x128xi32, #tpu.memory_space<vmem>>
              %dma_start3A_1208 = tpu.memref_squeeze %dma_start3A_1207 : memref<1x8x128xi32, #tpu.memory_space<vmem>> -> memref<8x128xi32, #tpu.memory_space<vmem>>
              %dma_start3A_1209 = arith.constant 0 : i32
              %dma_start3A_1210 = tpu.memref_slice %arg2[%arg1, %mul3A_1169, %dma_start3A_1209] : memref<16x512x128xi32, #tpu.memory_space<hbm>> -> memref<1x8x128xi32, #tpu.memory_space<hbm>>
              %dma_start3A_1211 = tpu.memref_squeeze %dma_start3A_1210 : memref<1x8x128xi32, #tpu.memory_space<hbm>> -> memref<8x128xi32, #tpu.memory_space<hbm>>
              %dma_start3A_1212 = arith.constant 0 : i32
              %dma_start3A_1213 = arith.constant 0 : i32
              %dma_start3A_1214 = tpu.memref_slice %arg7[%select_n3A_1185, %dma_start3A_1212, %dma_start3A_1213] : memref<2x8x128xi32, #tpu.memory_space<vmem>> -> memref<1x8x128xi32, #tpu.memory_space<vmem>>
              %dma_start3A_1215 = tpu.memref_squeeze %dma_start3A_1214 : memref<1x8x128xi32, #tpu.memory_space<vmem>> -> memref<8x128xi32, #tpu.memory_space<vmem>>
              %dma_start3A_1216 = arith.constant 0 : i32
              %dma_start3A_1217 = tpu.memref_slice %arg2[%arg1, %mul3A_1169, %dma_start3A_1216] : memref<16x512x128xi32, #tpu.memory_space<hbm>> -> memref<1x8x128xi32, #tpu.memory_space<hbm>>
              %dma_start3A_1218 = tpu.memref_squeeze %dma_start3A_1217 : memref<1x8x128xi32, #tpu.memory_space<hbm>> -> memref<8x128xi32, #tpu.memory_space<hbm>>
              tpu.enqueue_dma source(%dma_start3A_1218 : memref<8x128xi32, #tpu.memory_space<hbm>>) target(%dma_start3A_1215 : memref<8x128xi32, #tpu.memory_space<vmem>>) target_semaphore(%run_scoped3A_1204 : memref<!tpu.dma_semaphore, #tpu.memory_space<semaphore_mem>>)
              %dma_wait3A_1219 = arith.constant 0 : i32
              %dma_wait3A_1220 = arith.constant 0 : i32
              %dma_wait3A_1221 = tpu.memref_slice %arg7[%select_n3A_1185, %dma_wait3A_1219, %dma_wait3A_1220] : memref<2x8x128xi32, #tpu.memory_space<vmem>> -> memref<1x8x128xi32, #tpu.memory_space<vmem>>
              %dma_wait3A_1222 = tpu.memref_squeeze %dma_wait3A_1221 : memref<1x8x128xi32, #tpu.memory_space<vmem>> -> memref<8x128xi32, #tpu.memory_space<vmem>>
              %dma_wait3A_1223 = arith.constant 0 : i32
              %dma_wait3A_1224 = tpu.memref_slice %arg2[%arg1, %mul3A_1169, %dma_wait3A_1223] : memref<16x512x128xi32, #tpu.memory_space<hbm>> -> memref<1x8x128xi32, #tpu.memory_space<hbm>>
              %dma_wait3A_1225 = tpu.memref_squeeze %dma_wait3A_1224 : memref<1x8x128xi32, #tpu.memory_space<hbm>> -> memref<8x128xi32, #tpu.memory_space<hbm>>
              %dma_wait3A_1226 = arith.constant 0 : i32
              %dma_wait3A_1227 = arith.constant 0 : i32
              %dma_wait3A_1228 = tpu.memref_slice %arg7[%select_n3A_1185, %dma_wait3A_1226, %dma_wait3A_1227] : memref<2x8x128xi32, #tpu.memory_space<vmem>> -> memref<1x8x128xi32, #tpu.memory_space<vmem>>
              %dma_wait3A_1229 = tpu.memref_squeeze %dma_wait3A_1228 : memref<1x8x128xi32, #tpu.memory_space<vmem>> -> memref<8x128xi32, #tpu.memory_space<vmem>>
              %dma_wait3A_1230 = arith.constant 0 : i32
              %dma_wait3A_1231 = tpu.memref_slice %arg2[%arg1, %mul3A_1169, %dma_wait3A_1230] : memref<16x512x128xi32, #tpu.memory_space<hbm>> -> memref<1x8x128xi32, #tpu.memory_space<hbm>>
              %dma_wait3A_1232 = tpu.memref_squeeze %dma_wait3A_1231 : memref<1x8x128xi32, #tpu.memory_space<hbm>> -> memref<8x128xi32, #tpu.memory_space<hbm>>
              tpu.wait_dma2 semaphore(%run_scoped3A_1204 : memref<!tpu.dma_semaphore, #tpu.memory_space<semaphore_mem>>) src(%dma_wait3A_1232 : memref<8x128xi32, #tpu.memory_space<hbm>>) dst(%dma_wait3A_1229 : memref<8x128xi32, #tpu.memory_space<vmem>>)
              tpu.yield
            }) : () -> ()
            %mul3A_1186 = arith.constant 8 : i32
            %mul3A_1187 = arith.muli %select_n3A_1167, %mul3A_1186 : i32
            %jit3A_1188 = arith.constant 2 : i32
            %eq3A_1189 = arith.constant 0 : i32
            %eq3A_1190 = arith.cmpi eq, %jit3A_1188, %eq3A_1189 : i32
            %jit3A_1191 = arith.constant 1 : i32
            %select_n3A_1192 = arith.select %eq3A_1190, %jit3A_1191, %jit3A_1188 : i32
            %rem3A_1193 = arith.remsi %select_n3A_1167, %select_n3A_1192 : i32
            %ne3A_1194 = arith.constant 0 : i32
            %ne3A_1195 = arith.cmpi ne, %rem3A_1193, %ne3A_1194 : i32
            %lt3A_1196 = arith.constant 0 : i32
            %lt3A_1197 = arith.cmpi slt, %rem3A_1193, %lt3A_1196 : i32
            %lt3A_1198 = arith.constant 0 : i32
            %lt3A_1199 = arith.cmpi slt, %select_n3A_1192, %lt3A_1198 : i32
            %ne3A_1200 = arith.xori %lt3A_1197, %lt3A_1199 : i1
            %and3A_1201 = arith.andi %ne3A_1200, %ne3A_1195 : i1
            %add3A_1202 = arith.addi %rem3A_1193, %select_n3A_1192 : i32
            %select_n3A_1203 = arith.select %and3A_1201, %add3A_1202, %rem3A_1193 : i32
            "tpu.region"() ({
              %run_scoped3A_1204 = tpu.sem_alloc : memref<!tpu.dma_semaphore, #tpu.memory_space<semaphore_mem>>
              %dma_start3A_1205 = arith.constant 0 : i32
              %dma_start3A_1206 = arith.constant 0 : i32
              %dma_start3A_1207 = tpu.memref_slice %arg8[%select_n3A_1203, %dma_start3A_1205, %dma_start3A_1206] : memref<2x8x128xi32, #tpu.memory_space<vmem>> -> memref<1x8x128xi32, #tpu.memory_space<vmem>>
              %dma_start3A_1208 = tpu.memref_squeeze %dma_start3A_1207 : memref<1x8x128xi32, #tpu.memory_space<vmem>> -> memref<8x128xi32, #tpu.memory_space<vmem>>
              %dma_start3A_1209 = arith.constant 0 : i32
              %dma_start3A_1210 = tpu.memref_slice %arg3[%arg1, %mul3A_1187, %dma_start3A_1209] : memref<16x512x128xi32, #tpu.memory_space<hbm>> -> memref<1x8x128xi32, #tpu.memory_space<hbm>>
              %dma_start3A_1211 = tpu.memref_squeeze %dma_start3A_1210 : memref<1x8x128xi32, #tpu.memory_space<hbm>> -> memref<8x128xi32, #tpu.memory_space<hbm>>
              %dma_start3A_1212 = arith.constant 0 : i32
              %dma_start3A_1213 = arith.constant 0 : i32
              %dma_start3A_1214 = tpu.memref_slice %arg8[%select_n3A_1203, %dma_start3A_1212, %dma_start3A_1213] : memref<2x8x128xi32, #tpu.memory_space<vmem>> -> memref<1x8x128xi32, #tpu.memory_space<vmem>>
              %dma_start3A_1215 = tpu.memref_squeeze %dma_start3A_1214 : memref<1x8x128xi32, #tpu.memory_space<vmem>> -> memref<8x128xi32, #tpu.memory_space<vmem>>
              %dma_start3A_1216 = arith.constant 0 : i32
              %dma_start3A_1217 = tpu.memref_slice %arg3[%arg1, %mul3A_1187, %dma_start3A_1216] : memref<16x512x128xi32, #tpu.memory_space<hbm>> -> memref<1x8x128xi32, #tpu.memory_space<hbm>>
              %dma_start3A_1218 = tpu.memref_squeeze %dma_start3A_1217 : memref<1x8x128xi32, #tpu.memory_space<hbm>> -> memref<8x128xi32, #tpu.memory_space<hbm>>
              tpu.enqueue_dma source(%dma_start3A_1218 : memref<8x128xi32, #tpu.memory_space<hbm>>) target(%dma_start3A_1215 : memref<8x128xi32, #tpu.memory_space<vmem>>) target_semaphore(%run_scoped3A_1204 : memref<!tpu.dma_semaphore, #tpu.memory_space<semaphore_mem>>)
              %dma_wait3A_1219 = arith.constant 0 : i32
              %dma_wait3A_1220 = arith.constant 0 : i32
              %dma_wait3A_1221 = tpu.memref_slice %arg8[%select_n3A_1203, %dma_wait3A_1219, %dma_wait3A_1220] : memref<2x8x128xi32, #tpu.memory_space<vmem>> -> memref<1x8x128xi32, #tpu.memory_space<vmem>>
              %dma_wait3A_1222 = tpu.memref_squeeze %dma_wait3A_1221 : memref<1x8x128xi32, #tpu.memory_space<vmem>> -> memref<8x128xi32, #tpu.memory_space<vmem>>
              %dma_wait3A_1223 = arith.constant 0 : i32
              %dma_wait3A_1224 = tpu.memref_slice %arg3[%arg1, %mul3A_1187, %dma_wait3A_1223] : memref<16x512x128xi32, #tpu.memory_space<hbm>> -> memref<1x8x128xi32, #tpu.memory_space<hbm>>
              %dma_wait3A_1225 = tpu.memref_squeeze %dma_wait3A_1224 : memref<1x8x128xi32, #tpu.memory_space<hbm>> -> memref<8x128xi32, #tpu.memory_space<hbm>>
              %dma_wait3A_1226 = arith.constant 0 : i32
              %dma_wait3A_1227 = arith.constant 0 : i32
              %dma_wait3A_1228 = tpu.memref_slice %arg8[%select_n3A_1203, %dma_wait3A_1226, %dma_wait3A_1227] : memref<2x8x128xi32, #tpu.memory_space<vmem>> -> memref<1x8x128xi32, #tpu.memory_space<vmem>>
              %dma_wait3A_1229 = tpu.memref_squeeze %dma_wait3A_1228 : memref<1x8x128xi32, #tpu.memory_space<vmem>> -> memref<8x128xi32, #tpu.memory_space<vmem>>
              %dma_wait3A_1230 = arith.constant 0 : i32
              %dma_wait3A_1231 = tpu.memref_slice %arg3[%arg1, %mul3A_1187, %dma_wait3A_1230] : memref<16x512x128xi32, #tpu.memory_space<hbm>> -> memref<1x8x128xi32, #tpu.memory_space<hbm>>
              %dma_wait3A_1232 = tpu.memref_squeeze %dma_wait3A_1231 : memref<1x8x128xi32, #tpu.memory_space<hbm>> -> memref<8x128xi32, #tpu.memory_space<hbm>>
              tpu.wait_dma2 semaphore(%run_scoped3A_1204 : memref<!tpu.dma_semaphore, #tpu.memory_space<semaphore_mem>>) src(%dma_wait3A_1232 : memref<8x128xi32, #tpu.memory_space<hbm>>) dst(%dma_wait3A_1229 : memref<8x128xi32, #tpu.memory_space<vmem>>)
              tpu.yield
            }) : () -> ()
          } else {
          }
          %jit3A_790 = arith.constant 8 : i32
          %div3A = arith.divsi %add3A_768, %jit3A_790 : i32
          %sign3A = arith.constant 0 : i32
          %sign3A_791 = arith.cmpi sgt, %add3A_768, %sign3A : i32
          %sign3A_792 = arith.extui %sign3A_791 : i1 to i32
          %sign3A_793 = arith.constant 0 : i32
          %sign3A_794 = arith.cmpi slt, %add3A_768, %sign3A_793 : i32
          %sign3A_795 = arith.extui %sign3A_794 : i1 to i32
          %sign3A_796 = arith.subi %sign3A_792, %sign3A_795 : i32
          %sign3A_797 = arith.constant 0 : i32
          %sign3A_798 = arith.cmpi sgt, %jit3A_790, %sign3A_797 : i32
          %sign3A_799 = arith.extui %sign3A_798 : i1 to i32
          %sign3A_800 = arith.constant 0 : i32
          %sign3A_801 = arith.cmpi slt, %jit3A_790, %sign3A_800 : i32
          %sign3A_802 = arith.extui %sign3A_801 : i1 to i32
          %sign3A_803 = arith.subi %sign3A_799, %sign3A_802 : i32
          %ne3A_804 = arith.cmpi ne, %sign3A_796, %sign3A_803 : i32
          %rem3A_805 = arith.remsi %add3A_768, %jit3A_790 : i32
          %ne3A_806 = arith.constant 0 : i32
          %ne3A_807 = arith.cmpi ne, %rem3A_805, %ne3A_806 : i32
          %and3A_808 = arith.andi %ne3A_804, %ne3A_807 : i1
          %sub3A_809 = arith.constant 1 : i32
          %sub3A_810 = arith.subi %div3A, %sub3A_809 : i32
          %select_n3A_811 = arith.select %and3A_808, %sub3A_810, %div3A : i32
          %jit3A_812 = arith.constant 2 : i32
          %eq3A_813 = arith.constant 0 : i32
          %eq3A_814 = arith.cmpi eq, %jit3A_812, %eq3A_813 : i32
          %jit3A_815 = arith.constant 1 : i32
          %select_n3A_816 = arith.select %eq3A_814, %jit3A_815, %jit3A_812 : i32
          %rem3A_817 = arith.remsi %select_n3A_811, %select_n3A_816 : i32
          %ne3A_818 = arith.constant 0 : i32
          %ne3A_819 = arith.cmpi ne, %rem3A_817, %ne3A_818 : i32
          %lt3A_820 = arith.constant 0 : i32
          %lt3A_821 = arith.cmpi slt, %rem3A_817, %lt3A_820 : i32
          %lt3A_822 = arith.constant 0 : i32
          %lt3A_823 = arith.cmpi slt, %select_n3A_816, %lt3A_822 : i32
          %ne3A_824 = arith.xori %lt3A_821, %lt3A_823 : i1
          %and3A_825 = arith.andi %ne3A_824, %ne3A_819 : i1
          %add3A_826 = arith.addi %rem3A_817, %select_n3A_816 : i32
          %select_n3A_827 = arith.select %and3A_825, %add3A_826, %rem3A_817 : i32
          %jit3A_828 = arith.constant 8 : i32
          %eq3A_829 = arith.constant 0 : i32
          %eq3A_830 = arith.cmpi eq, %jit3A_828, %eq3A_829 : i32
          %jit3A_831 = arith.constant 1 : i32
          %select_n3A_832 = arith.select %eq3A_830, %jit3A_831, %jit3A_828 : i32
          %rem3A_833 = arith.remsi %add3A_768, %select_n3A_832 : i32
          %ne3A_834 = arith.constant 0 : i32
          %ne3A_835 = arith.cmpi ne, %rem3A_833, %ne3A_834 : i32
          %lt3A_836 = arith.constant 0 : i32
          %lt3A_837 = arith.cmpi slt, %rem3A_833, %lt3A_836 : i32
          %lt3A_838 = arith.constant 0 : i32
          %lt3A_839 = arith.cmpi slt, %select_n3A_832, %lt3A_838 : i32
          %ne3A_840 = arith.xori %lt3A_837, %lt3A_839 : i1
          %and3A_841 = arith.andi %ne3A_840, %ne3A_835 : i1
          %add3A_842 = arith.addi %rem3A_833, %select_n3A_832 : i32
          %select_n3A_843 = arith.select %and3A_841, %add3A_842, %rem3A_833 : i32
          %get3A_844 = arith.index_cast %select_n3A_827 : i32 to index
          %get3A_845 = arith.index_cast %select_n3A_843 : i32 to index
          %get3A_846 = arith.constant 0 : index
          %get3A_847 = tpu.vector_load %arg7[%get3A_844, %get3A_845, %get3A_846] {strides = array<i32>} : memref<2x8x128xi32, #tpu.memory_space<vmem>>, vector<1x1x16xi32>,
          %get3A_848 = vector.shape_cast %get3A_847 : vector<1x1x16xi32> to vector<16xi32>
          %get3A_849 = arith.index_cast %select_n3A_827 : i32 to index
          %get3A_850 = arith.index_cast %select_n3A_843 : i32 to index
          %get3A_851 = arith.constant 0 : index
          %get3A_852 = tpu.vector_load %arg8[%get3A_849, %get3A_850, %get3A_851] {strides = array<i32>} : memref<2x8x128xi32, #tpu.memory_space<vmem>>, vector<1x1x16xi32>,
          %get3A_853 = vector.shape_cast %get3A_852 : vector<1x1x16xi32> to vector<16xi32>
          %ge3A_854 = vector.broadcast %mul3A_9 : i32 to vector<16xi32>
          %ge3A_855 = arith.cmpi sge, %get3A_853, %ge3A_854 : vector<16xi32>
          %add3A_856 = arith.constant 25088 : i32
          %add3A_857 = arith.addi %mul3A_9, %add3A_856 : i32
          %lt3A_858 = vector.broadcast %add3A_857 : i32 to vector<16xi32>
          %lt3A_859 = arith.cmpi slt, %get3A_853, %lt3A_858 : vector<16xi32>
          %and3A_860 = arith.andi %ge3A_855, %lt3A_859 : vector<16xi1>
          %sub3A_861 = vector.broadcast %mul3A_9 : i32 to vector<16xi32>
          %sub3A_862 = arith.subi %get3A_853, %sub3A_861 : vector<16xi32>
          %iota3A_863 = tpu.iota {dimensions = array<i32: 0>} : vector<16xi32>
          %add3A_864 = arith.constant 25088 : i32
          %add3A_865 = vector.broadcast %add3A_864 : i32 to vector<16xi32>
          %add3A_866 = arith.addi %add3A_865, %iota3A_863 : vector<16xi32>
          %select_n3A_867 = arith.select %and3A_860, %sub3A_862, %add3A_866 : vector<16xi1>, vector<16xi32>
          %add3A_868 = vector.broadcast %mul3A_2 : i32 to vector<16xi32>
          %add3A_869 = arith.addi %get3A_848, %add3A_868 : vector<16xi32>
          %swap3A_870 = arith.index_cast %select_n3A_726 : i32 to index
          %swap3A_871 = arith.constant 0 : index
          %swap3A_872 = tpu.vector_load %arg9[%swap3A_870, %swap3A_871] {strides = array<i32>} : memref<2x128xi32, #tpu.memory_space<vmem>>, vector<1x16xi32>,
          %swap3A_873 = vector.shape_cast %swap3A_872 : vector<1x16xi32> to vector<16xi32>
          %swap3A_874 = vector.shape_cast %add3A_869 : vector<16xi32> to vector<1x16xi32>
          tpu.vector_store %arg9[%swap3A_870, %swap3A_871], %swap3A_874 {strides = array<i32>} : memref<2x128xi32, #tpu.memory_space<vmem>>, vector<1x16xi32>,
          %swap3A_875 = arith.index_cast %select_n3A_726 : i32 to index
          %swap3A_876 = arith.constant 0 : index
          %swap3A_877 = tpu.vector_load %arg10[%swap3A_875, %swap3A_876] {strides = array<i32>} : memref<2x128xi32, #tpu.memory_space<vmem>>, vector<1x16xi32>,
          %swap3A_878 = vector.shape_cast %swap3A_877 : vector<1x16xi32> to vector<16xi32>
          %swap3A_879 = vector.shape_cast %select_n3A_867 : vector<16xi32> to vector<1x16xi32>
          tpu.vector_store %arg10[%swap3A_875, %swap3A_876], %swap3A_879 {strides = array<i32>} : memref<2x128xi32, #tpu.memory_space<vmem>>, vector<1x16xi32>,
          %get3A_880 = arith.index_cast %select_n3A_827 : i32 to index
          %get3A_881 = arith.index_cast %select_n3A_843 : i32 to index
          %get3A_882 = arith.constant 16 : index
          %get3A_883 = tpu.vector_load %arg7[%get3A_880, %get3A_881, %get3A_882] {strides = array<i32>} : memref<2x8x128xi32, #tpu.memory_space<vmem>>, vector<1x1x16xi32>,
          %get3A_884 = vector.shape_cast %get3A_883 : vector<1x1x16xi32> to vector<16xi32>
          %get3A_885 = arith.index_cast %select_n3A_827 : i32 to index
          %get3A_886 = arith.index_cast %select_n3A_843 : i32 to index
          %get3A_887 = arith.constant 16 : index
          %get3A_888 = tpu.vector_load %arg8[%get3A_885, %get3A_886, %get3A_887] {strides = array<i32>} : memref<2x8x128xi32, #tpu.memory_space<vmem>>, vector<1x1x16xi32>,
          %get3A_889 = vector.shape_cast %get3A_888 : vector<1x1x16xi32> to vector<16xi32>
          %ge3A_890 = vector.broadcast %mul3A_9 : i32 to vector<16xi32>
          %ge3A_891 = arith.cmpi sge, %get3A_889, %ge3A_890 : vector<16xi32>
          %add3A_892 = arith.constant 25088 : i32
          %add3A_893 = arith.addi %mul3A_9, %add3A_892 : i32
          %lt3A_894 = vector.broadcast %add3A_893 : i32 to vector<16xi32>
          %lt3A_895 = arith.cmpi slt, %get3A_889, %lt3A_894 : vector<16xi32>
          %and3A_896 = arith.andi %ge3A_891, %lt3A_895 : vector<16xi1>
          %sub3A_897 = vector.broadcast %mul3A_9 : i32 to vector<16xi32>
          %sub3A_898 = arith.subi %get3A_889, %sub3A_897 : vector<16xi32>
          %iota3A_899 = tpu.iota {dimensions = array<i32: 0>} : vector<16xi32>
          %add3A_900 = arith.constant 25104 : i32
          %add3A_901 = vector.broadcast %add3A_900 : i32 to vector<16xi32>
          %add3A_902 = arith.addi %add3A_901, %iota3A_899 : vector<16xi32>
          %select_n3A_903 = arith.select %and3A_896, %sub3A_898, %add3A_902 : vector<16xi1>, vector<16xi32>
          %add3A_904 = vector.broadcast %mul3A_2 : i32 to vector<16xi32>
          %add3A_905 = arith.addi %get3A_884, %add3A_904 : vector<16xi32>
          %swap3A_906 = arith.index_cast %select_n3A_726 : i32 to index
          %swap3A_907 = arith.constant 16 : index
          %swap3A_908 = tpu.vector_load %arg9[%swap3A_906, %swap3A_907] {strides = array<i32>} : memref<2x128xi32, #tpu.memory_space<vmem>>, vector<1x16xi32>,
          %swap3A_909 = vector.shape_cast %swap3A_908 : vector<1x16xi32> to vector<16xi32>
          %swap3A_910 = vector.shape_cast %add3A_905 : vector<16xi32> to vector<1x16xi32>
          tpu.vector_store %arg9[%swap3A_906, %swap3A_907], %swap3A_910 {strides = array<i32>} : memref<2x128xi32, #tpu.memory_space<vmem>>, vector<1x16xi32>,
          %swap3A_911 = arith.index_cast %select_n3A_726 : i32 to index
          %swap3A_912 = arith.constant 16 : index
          %swap3A_913 = tpu.vector_load %arg10[%swap3A_911, %swap3A_912] {strides = array<i32>} : memref<2x128xi32, #tpu.memory_space<vmem>>, vector<1x16xi32>,
          %swap3A_914 = vector.shape_cast %swap3A_913 : vector<1x16xi32> to vector<16xi32>
          %swap3A_915 = vector.shape_cast %select_n3A_903 : vector<16xi32> to vector<1x16xi32>
          tpu.vector_store %arg10[%swap3A_911, %swap3A_912], %swap3A_915 {strides = array<i32>} : memref<2x128xi32, #tpu.memory_space<vmem>>, vector<1x16xi32>,
          %get3A_916 = arith.index_cast %select_n3A_827 : i32 to index
          %get3A_917 = arith.index_cast %select_n3A_843 : i32 to index
          %get3A_918 = arith.constant 32 : index
          %get3A_919 = tpu.vector_load %arg7[%get3A_916, %get3A_917, %get3A_918] {strides = array<i32>} : memref<2x8x128xi32, #tpu.memory_space<vmem>>, vector<1x1x16xi32>,
          %get3A_920 = vector.shape_cast %get3A_919 : vector<1x1x16xi32> to vector<16xi32>
          %get3A_921 = arith.index_cast %select_n3A_827 : i32 to index
          %get3A_922 = arith.index_cast %select_n3A_843 : i32 to index
          %get3A_923 = arith.constant 32 : index
          %get3A_924 = tpu.vector_load %arg8[%get3A_921, %get3A_922, %get3A_923] {strides = array<i32>} : memref<2x8x128xi32, #tpu.memory_space<vmem>>, vector<1x1x16xi32>,
          %get3A_925 = vector.shape_cast %get3A_924 : vector<1x1x16xi32> to vector<16xi32>
          %ge3A_926 = vector.broadcast %mul3A_9 : i32 to vector<16xi32>
          %ge3A_927 = arith.cmpi sge, %get3A_925, %ge3A_926 : vector<16xi32>
          %add3A_928 = arith.constant 25088 : i32
          %add3A_929 = arith.addi %mul3A_9, %add3A_928 : i32
          %lt3A_930 = vector.broadcast %add3A_929 : i32 to vector<16xi32>
          %lt3A_931 = arith.cmpi slt, %get3A_925, %lt3A_930 : vector<16xi32>
          %and3A_932 = arith.andi %ge3A_927, %lt3A_931 : vector<16xi1>
          %sub3A_933 = vector.broadcast %mul3A_9 : i32 to vector<16xi32>
          %sub3A_934 = arith.subi %get3A_925, %sub3A_933 : vector<16xi32>
          %iota3A_935 = tpu.iota {dimensions = array<i32: 0>} : vector<16xi32>
          %add3A_936 = arith.constant 25120 : i32
          %add3A_937 = vector.broadcast %add3A_936 : i32 to vector<16xi32>
          %add3A_938 = arith.addi %add3A_937, %iota3A_935 : vector<16xi32>
          %select_n3A_939 = arith.select %and3A_932, %sub3A_934, %add3A_938 : vector<16xi1>, vector<16xi32>
          %add3A_940 = vector.broadcast %mul3A_2 : i32 to vector<16xi32>
          %add3A_941 = arith.addi %get3A_920, %add3A_940 : vector<16xi32>
          %swap3A_942 = arith.index_cast %select_n3A_726 : i32 to index
          %swap3A_943 = arith.constant 32 : index
          %swap3A_944 = tpu.vector_load %arg9[%swap3A_942, %swap3A_943] {strides = array<i32>} : memref<2x128xi32, #tpu.memory_space<vmem>>, vector<1x16xi32>,
          %swap3A_945 = vector.shape_cast %swap3A_944 : vector<1x16xi32> to vector<16xi32>
          %swap3A_946 = vector.shape_cast %add3A_941 : vector<16xi32> to vector<1x16xi32>
          tpu.vector_store %arg9[%swap3A_942, %swap3A_943], %swap3A_946 {strides = array<i32>} : memref<2x128xi32, #tpu.memory_space<vmem>>, vector<1x16xi32>,
          %swap3A_947 = arith.index_cast %select_n3A_726 : i32 to index
          %swap3A_948 = arith.constant 32 : index
          %swap3A_949 = tpu.vector_load %arg10[%swap3A_947, %swap3A_948] {strides = array<i32>} : memref<2x128xi32, #tpu.memory_space<vmem>>, vector<1x16xi32>,
          %swap3A_950 = vector.shape_cast %swap3A_949 : vector<1x16xi32> to vector<16xi32>
          %swap3A_951 = vector.shape_cast %select_n3A_939 : vector<16xi32> to vector<1x16xi32>
          tpu.vector_store %arg10[%swap3A_947, %swap3A_948], %swap3A_951 {strides = array<i32>} : memref<2x128xi32, #tpu.memory_space<vmem>>, vector<1x16xi32>,
          %get3A_952 = arith.index_cast %select_n3A_827 : i32 to index
          %get3A_953 = arith.index_cast %select_n3A_843 : i32 to index
          %get3A_954 = arith.constant 48 : index
          %get3A_955 = tpu.vector_load %arg7[%get3A_952, %get3A_953, %get3A_954] {strides = array<i32>} : memref<2x8x128xi32, #tpu.memory_space<vmem>>, vector<1x1x16xi32>,
          %get3A_956 = vector.shape_cast %get3A_955 : vector<1x1x16xi32> to vector<16xi32>
          %get3A_957 = arith.index_cast %select_n3A_827 : i32 to index
          %get3A_958 = arith.index_cast %select_n3A_843 : i32 to index
          %get3A_959 = arith.constant 48 : index
          %get3A_960 = tpu.vector_load %arg8[%get3A_957, %get3A_958, %get3A_959] {strides = array<i32>} : memref<2x8x128xi32, #tpu.memory_space<vmem>>, vector<1x1x16xi32>,
          %get3A_961 = vector.shape_cast %get3A_960 : vector<1x1x16xi32> to vector<16xi32>
          %ge3A_962 = vector.broadcast %mul3A_9 : i32 to vector<16xi32>
          %ge3A_963 = arith.cmpi sge, %get3A_961, %ge3A_962 : vector<16xi32>
          %add3A_964 = arith.constant 25088 : i32
          %add3A_965 = arith.addi %mul3A_9, %add3A_964 : i32
          %lt3A_966 = vector.broadcast %add3A_965 : i32 to vector<16xi32>
          %lt3A_967 = arith.cmpi slt, %get3A_961, %lt3A_966 : vector<16xi32>
          %and3A_968 = arith.andi %ge3A_963, %lt3A_967 : vector<16xi1>
          %sub3A_969 = vector.broadcast %mul3A_9 : i32 to vector<16xi32>
          %sub3A_970 = arith.subi %get3A_961, %sub3A_969 : vector<16xi32>
          %iota3A_971 = tpu.iota {dimensions = array<i32: 0>} : vector<16xi32>
          %add3A_972 = arith.constant 25136 : i32
          %add3A_973 = vector.broadcast %add3A_972 : i32 to vector<16xi32>
          %add3A_974 = arith.addi %add3A_973, %iota3A_971 : vector<16xi32>
          %select_n3A_975 = arith.select %and3A_968, %sub3A_970, %add3A_974 : vector<16xi1>, vector<16xi32>
          %add3A_976 = vector.broadcast %mul3A_2 : i32 to vector<16xi32>
          %add3A_977 = arith.addi %get3A_956, %add3A_976 : vector<16xi32>
          %swap3A_978 = arith.index_cast %select_n3A_726 : i32 to index
          %swap3A_979 = arith.constant 48 : index
          %swap3A_980 = tpu.vector_load %arg9[%swap3A_978, %swap3A_979] {strides = array<i32>} : memref<2x128xi32, #tpu.memory_space<vmem>>, vector<1x16xi32>,
          %swap3A_981 = vector.shape_cast %swap3A_980 : vector<1x16xi32> to vector<16xi32>
          %swap3A_982 = vector.shape_cast %add3A_977 : vector<16xi32> to vector<1x16xi32>
          tpu.vector_store %arg9[%swap3A_978, %swap3A_979], %swap3A_982 {strides = array<i32>} : memref<2x128xi32, #tpu.memory_space<vmem>>, vector<1x16xi32>,
          %swap3A_983 = arith.index_cast %select_n3A_726 : i32 to index
          %swap3A_984 = arith.constant 48 : index
          %swap3A_985 = tpu.vector_load %arg10[%swap3A_983, %swap3A_984] {strides = array<i32>} : memref<2x128xi32, #tpu.memory_space<vmem>>, vector<1x16xi32>,
          %swap3A_986 = vector.shape_cast %swap3A_985 : vector<1x16xi32> to vector<16xi32>
          %swap3A_987 = vector.shape_cast %select_n3A_975 : vector<16xi32> to vector<1x16xi32>
          tpu.vector_store %arg10[%swap3A_983, %swap3A_984], %swap3A_987 {strides = array<i32>} : memref<2x128xi32, #tpu.memory_space<vmem>>, vector<1x16xi32>,
          %get3A_988 = arith.index_cast %select_n3A_827 : i32 to index
          %get3A_989 = arith.index_cast %select_n3A_843 : i32 to index
          %get3A_990 = arith.constant 64 : index
          %get3A_991 = tpu.vector_load %arg7[%get3A_988, %get3A_989, %get3A_990] {strides = array<i32>} : memref<2x8x128xi32, #tpu.memory_space<vmem>>, vector<1x1x16xi32>,
          %get3A_992 = vector.shape_cast %get3A_991 : vector<1x1x16xi32> to vector<16xi32>
          %get3A_993 = arith.index_cast %select_n3A_827 : i32 to index
          %get3A_994 = arith.index_cast %select_n3A_843 : i32 to index
          %get3A_995 = arith.constant 64 : index
          %get3A_996 = tpu.vector_load %arg8[%get3A_993, %get3A_994, %get3A_995] {strides = array<i32>} : memref<2x8x128xi32, #tpu.memory_space<vmem>>, vector<1x1x16xi32>,
          %get3A_997 = vector.shape_cast %get3A_996 : vector<1x1x16xi32> to vector<16xi32>
          %ge3A_998 = vector.broadcast %mul3A_9 : i32 to vector<16xi32>
          %ge3A_999 = arith.cmpi sge, %get3A_997, %ge3A_998 : vector<16xi32>
          %add3A_1000 = arith.constant 25088 : i32
          %add3A_1001 = arith.addi %mul3A_9, %add3A_1000 : i32
          %lt3A_1002 = vector.broadcast %add3A_1001 : i32 to vector<16xi32>
          %lt3A_1003 = arith.cmpi slt, %get3A_997, %lt3A_1002 : vector<16xi32>
          %and3A_1004 = arith.andi %ge3A_999, %lt3A_1003 : vector<16xi1>
          %sub3A_1005 = vector.broadcast %mul3A_9 : i32 to vector<16xi32>
          %sub3A_1006 = arith.subi %get3A_997, %sub3A_1005 : vector<16xi32>
          %iota3A_1007 = tpu.iota {dimensions = array<i32: 0>} : vector<16xi32>
          %add3A_1008 = arith.constant 25152 : i32
          %add3A_1009 = vector.broadcast %add3A_1008 : i32 to vector<16xi32>
          %add3A_1010 = arith.addi %add3A_1009, %iota3A_1007 : vector<16xi32>
          %select_n3A_1011 = arith.select %and3A_1004, %sub3A_1006, %add3A_1010 : vector<16xi1>, vector<16xi32>
          %add3A_1012 = vector.broadcast %mul3A_2 : i32 to vector<16xi32>
          %add3A_1013 = arith.addi %get3A_992, %add3A_1012 : vector<16xi32>
          %swap3A_1014 = arith.index_cast %select_n3A_726 : i32 to index
          %swap3A_1015 = arith.constant 64 : index
          %swap3A_1016 = tpu.vector_load %arg9[%swap3A_1014, %swap3A_1015] {strides = array<i32>} : memref<2x128xi32, #tpu.memory_space<vmem>>, vector<1x16xi32>,
          %swap3A_1017 = vector.shape_cast %swap3A_1016 : vector<1x16xi32> to vector<16xi32>
          %swap3A_1018 = vector.shape_cast %add3A_1013 : vector<16xi32> to vector<1x16xi32>
          tpu.vector_store %arg9[%swap3A_1014, %swap3A_1015], %swap3A_1018 {strides = array<i32>} : memref<2x128xi32, #tpu.memory_space<vmem>>, vector<1x16xi32>,
          %swap3A_1019 = arith.index_cast %select_n3A_726 : i32 to index
          %swap3A_1020 = arith.constant 64 : index
          %swap3A_1021 = tpu.vector_load %arg10[%swap3A_1019, %swap3A_1020] {strides = array<i32>} : memref<2x128xi32, #tpu.memory_space<vmem>>, vector<1x16xi32>,
          %swap3A_1022 = vector.shape_cast %swap3A_1021 : vector<1x16xi32> to vector<16xi32>
          %swap3A_1023 = vector.shape_cast %select_n3A_1011 : vector<16xi32> to vector<1x16xi32>
          tpu.vector_store %arg10[%swap3A_1019, %swap3A_1020], %swap3A_1023 {strides = array<i32>} : memref<2x128xi32, #tpu.memory_space<vmem>>, vector<1x16xi32>,
          %get3A_1024 = arith.index_cast %select_n3A_827 : i32 to index
          %get3A_1025 = arith.index_cast %select_n3A_843 : i32 to index
          %get3A_1026 = arith.constant 80 : index
          %get3A_1027 = tpu.vector_load %arg7[%get3A_1024, %get3A_1025, %get3A_1026] {strides = array<i32>} : memref<2x8x128xi32, #tpu.memory_space<vmem>>, vector<1x1x16xi32>,
          %get3A_1028 = vector.shape_cast %get3A_1027 : vector<1x1x16xi32> to vector<16xi32>
          %get3A_1029 = arith.index_cast %select_n3A_827 : i32 to index
          %get3A_1030 = arith.index_cast %select_n3A_843 : i32 to index
          %get3A_1031 = arith.constant 80 : index
          %get3A_1032 = tpu.vector_load %arg8[%get3A_1029, %get3A_1030, %get3A_1031] {strides = array<i32>} : memref<2x8x128xi32, #tpu.memory_space<vmem>>, vector<1x1x16xi32>,
          %get3A_1033 = vector.shape_cast %get3A_1032 : vector<1x1x16xi32> to vector<16xi32>
          %ge3A_1034 = vector.broadcast %mul3A_9 : i32 to vector<16xi32>
          %ge3A_1035 = arith.cmpi sge, %get3A_1033, %ge3A_1034 : vector<16xi32>
          %add3A_1036 = arith.constant 25088 : i32
          %add3A_1037 = arith.addi %mul3A_9, %add3A_1036 : i32
          %lt3A_1038 = vector.broadcast %add3A_1037 : i32 to vector<16xi32>
          %lt3A_1039 = arith.cmpi slt, %get3A_1033, %lt3A_1038 : vector<16xi32>
          %and3A_1040 = arith.andi %ge3A_1035, %lt3A_1039 : vector<16xi1>
          %sub3A_1041 = vector.broadcast %mul3A_9 : i32 to vector<16xi32>
          %sub3A_1042 = arith.subi %get3A_1033, %sub3A_1041 : vector<16xi32>
          %iota3A_1043 = tpu.iota {dimensions = array<i32: 0>} : vector<16xi32>
          %add3A_1044 = arith.constant 25168 : i32
          %add3A_1045 = vector.broadcast %add3A_1044 : i32 to vector<16xi32>
          %add3A_1046 = arith.addi %add3A_1045, %iota3A_1043 : vector<16xi32>
          %select_n3A_1047 = arith.select %and3A_1040, %sub3A_1042, %add3A_1046 : vector<16xi1>, vector<16xi32>
          %add3A_1048 = vector.broadcast %mul3A_2 : i32 to vector<16xi32>
          %add3A_1049 = arith.addi %get3A_1028, %add3A_1048 : vector<16xi32>
          %swap3A_1050 = arith.index_cast %select_n3A_726 : i32 to index
          %swap3A_1051 = arith.constant 80 : index
          %swap3A_1052 = tpu.vector_load %arg9[%swap3A_1050, %swap3A_1051] {strides = array<i32>} : memref<2x128xi32, #tpu.memory_space<vmem>>, vector<1x16xi32>,
          %swap3A_1053 = vector.shape_cast %swap3A_1052 : vector<1x16xi32> to vector<16xi32>
          %swap3A_1054 = vector.shape_cast %add3A_1049 : vector<16xi32> to vector<1x16xi32>
          tpu.vector_store %arg9[%swap3A_1050, %swap3A_1051], %swap3A_1054 {strides = array<i32>} : memref<2x128xi32, #tpu.memory_space<vmem>>, vector<1x16xi32>,
          %swap3A_1055 = arith.index_cast %select_n3A_726 : i32 to index
          %swap3A_1056 = arith.constant 80 : index
          %swap3A_1057 = tpu.vector_load %arg10[%swap3A_1055, %swap3A_1056] {strides = array<i32>} : memref<2x128xi32, #tpu.memory_space<vmem>>, vector<1x16xi32>,
          %swap3A_1058 = vector.shape_cast %swap3A_1057 : vector<1x16xi32> to vector<16xi32>
          %swap3A_1059 = vector.shape_cast %select_n3A_1047 : vector<16xi32> to vector<1x16xi32>
          tpu.vector_store %arg10[%swap3A_1055, %swap3A_1056], %swap3A_1059 {strides = array<i32>} : memref<2x128xi32, #tpu.memory_space<vmem>>, vector<1x16xi32>,
          %get3A_1060 = arith.index_cast %select_n3A_827 : i32 to index
          %get3A_1061 = arith.index_cast %select_n3A_843 : i32 to index
          %get3A_1062 = arith.constant 96 : index
          %get3A_1063 = tpu.vector_load %arg7[%get3A_1060, %get3A_1061, %get3A_1062] {strides = array<i32>} : memref<2x8x128xi32, #tpu.memory_space<vmem>>, vector<1x1x16xi32>,
          %get3A_1064 = vector.shape_cast %get3A_1063 : vector<1x1x16xi32> to vector<16xi32>
          %get3A_1065 = arith.index_cast %select_n3A_827 : i32 to index
          %get3A_1066 = arith.index_cast %select_n3A_843 : i32 to index
          %get3A_1067 = arith.constant 96 : index
          %get3A_1068 = tpu.vector_load %arg8[%get3A_1065, %get3A_1066, %get3A_1067] {strides = array<i32>} : memref<2x8x128xi32, #tpu.memory_space<vmem>>, vector<1x1x16xi32>,
          %get3A_1069 = vector.shape_cast %get3A_1068 : vector<1x1x16xi32> to vector<16xi32>
          %ge3A_1070 = vector.broadcast %mul3A_9 : i32 to vector<16xi32>
          %ge3A_1071 = arith.cmpi sge, %get3A_1069, %ge3A_1070 : vector<16xi32>
          %add3A_1072 = arith.constant 25088 : i32
          %add3A_1073 = arith.addi %mul3A_9, %add3A_1072 : i32
          %lt3A_1074 = vector.broadcast %add3A_1073 : i32 to vector<16xi32>
          %lt3A_1075 = arith.cmpi slt, %get3A_1069, %lt3A_1074 : vector<16xi32>
          %and3A_1076 = arith.andi %ge3A_1071, %lt3A_1075 : vector<16xi1>
          %sub3A_1077 = vector.broadcast %mul3A_9 : i32 to vector<16xi32>
          %sub3A_1078 = arith.subi %get3A_1069, %sub3A_1077 : vector<16xi32>
          %iota3A_1079 = tpu.iota {dimensions = array<i32: 0>} : vector<16xi32>
          %add3A_1080 = arith.constant 25184 : i32
          %add3A_1081 = vector.broadcast %add3A_1080 : i32 to vector<16xi32>
          %add3A_1082 = arith.addi %add3A_1081, %iota3A_1079 : vector<16xi32>
          %select_n3A_1083 = arith.select %and3A_1076, %sub3A_1078, %add3A_1082 : vector<16xi1>, vector<16xi32>
          %add3A_1084 = vector.broadcast %mul3A_2 : i32 to vector<16xi32>
          %add3A_1085 = arith.addi %get3A_1064, %add3A_1084 : vector<16xi32>
          %swap3A_1086 = arith.index_cast %select_n3A_726 : i32 to index
          %swap3A_1087 = arith.constant 96 : index
          %swap3A_1088 = tpu.vector_load %arg9[%swap3A_1086, %swap3A_1087] {strides = array<i32>} : memref<2x128xi32, #tpu.memory_space<vmem>>, vector<1x16xi32>,
          %swap3A_1089 = vector.shape_cast %swap3A_1088 : vector<1x16xi32> to vector<16xi32>
          %swap3A_1090 = vector.shape_cast %add3A_1085 : vector<16xi32> to vector<1x16xi32>
          tpu.vector_store %arg9[%swap3A_1086, %swap3A_1087], %swap3A_1090 {strides = array<i32>} : memref<2x128xi32, #tpu.memory_space<vmem>>, vector<1x16xi32>,
          %swap3A_1091 = arith.index_cast %select_n3A_726 : i32 to index
          %swap3A_1092 = arith.constant 96 : index
          %swap3A_1093 = tpu.vector_load %arg10[%swap3A_1091, %swap3A_1092] {strides = array<i32>} : memref<2x128xi32, #tpu.memory_space<vmem>>, vector<1x16xi32>,
          %swap3A_1094 = vector.shape_cast %swap3A_1093 : vector<1x16xi32> to vector<16xi32>
          %swap3A_1095 = vector.shape_cast %select_n3A_1083 : vector<16xi32> to vector<1x16xi32>
          tpu.vector_store %arg10[%swap3A_1091, %swap3A_1092], %swap3A_1095 {strides = array<i32>} : memref<2x128xi32, #tpu.memory_space<vmem>>, vector<1x16xi32>,
          %get3A_1096 = arith.index_cast %select_n3A_827 : i32 to index
          %get3A_1097 = arith.index_cast %select_n3A_843 : i32 to index
          %get3A_1098 = arith.constant 112 : index
          %get3A_1099 = tpu.vector_load %arg7[%get3A_1096, %get3A_1097, %get3A_1098] {strides = array<i32>} : memref<2x8x128xi32, #tpu.memory_space<vmem>>, vector<1x1x16xi32>,
          %get3A_1100 = vector.shape_cast %get3A_1099 : vector<1x1x16xi32> to vector<16xi32>
          %get3A_1101 = arith.index_cast %select_n3A_827 : i32 to index
          %get3A_1102 = arith.index_cast %select_n3A_843 : i32 to index
          %get3A_1103 = arith.constant 112 : index
          %get3A_1104 = tpu.vector_load %arg8[%get3A_1101, %get3A_1102, %get3A_1103] {strides = array<i32>} : memref<2x8x128xi32, #tpu.memory_space<vmem>>, vector<1x1x16xi32>,
          %get3A_1105 = vector.shape_cast %get3A_1104 : vector<1x1x16xi32> to vector<16xi32>
          %ge3A_1106 = vector.broadcast %mul3A_9 : i32 to vector<16xi32>
          %ge3A_1107 = arith.cmpi sge, %get3A_1105, %ge3A_1106 : vector<16xi32>
          %add3A_1108 = arith.constant 25088 : i32
          %add3A_1109 = arith.addi %mul3A_9, %add3A_1108 : i32
          %lt3A_1110 = vector.broadcast %add3A_1109 : i32 to vector<16xi32>
          %lt3A_1111 = arith.cmpi slt, %get3A_1105, %lt3A_1110 : vector<16xi32>
          %and3A_1112 = arith.andi %ge3A_1107, %lt3A_1111 : vector<16xi1>
          %sub3A_1113 = vector.broadcast %mul3A_9 : i32 to vector<16xi32>
          %sub3A_1114 = arith.subi %get3A_1105, %sub3A_1113 : vector<16xi32>
          %iota3A_1115 = tpu.iota {dimensions = array<i32: 0>} : vector<16xi32>
          %add3A_1116 = arith.constant 25200 : i32
          %add3A_1117 = vector.broadcast %add3A_1116 : i32 to vector<16xi32>
          %add3A_1118 = arith.addi %add3A_1117, %iota3A_1115 : vector<16xi32>
          %select_n3A_1119 = arith.select %and3A_1112, %sub3A_1114, %add3A_1118 : vector<16xi1>, vector<16xi32>
          %add3A_1120 = vector.broadcast %mul3A_2 : i32 to vector<16xi32>
          %add3A_1121 = arith.addi %get3A_1100, %add3A_1120 : vector<16xi32>
          %swap3A_1122 = arith.index_cast %select_n3A_726 : i32 to index
          %swap3A_1123 = arith.constant 112 : index
          %swap3A_1124 = tpu.vector_load %arg9[%swap3A_1122, %swap3A_1123] {strides = array<i32>} : memref<2x128xi32, #tpu.memory_space<vmem>>, vector<1x16xi32>,
          %swap3A_1125 = vector.shape_cast %swap3A_1124 : vector<1x16xi32> to vector<16xi32>
          %swap3A_1126 = vector.shape_cast %add3A_1121 : vector<16xi32> to vector<1x16xi32>
          tpu.vector_store %arg9[%swap3A_1122, %swap3A_1123], %swap3A_1126 {strides = array<i32>} : memref<2x128xi32, #tpu.memory_space<vmem>>, vector<1x16xi32>,
          %swap3A_1127 = arith.index_cast %select_n3A_726 : i32 to index
          %swap3A_1128 = arith.constant 112 : index
          %swap3A_1129 = tpu.vector_load %arg10[%swap3A_1127, %swap3A_1128] {strides = array<i32>} : memref<2x128xi32, #tpu.memory_space<vmem>>, vector<1x16xi32>,
          %swap3A_1130 = vector.shape_cast %swap3A_1129 : vector<1x16xi32> to vector<16xi32>
          %swap3A_1131 = vector.shape_cast %select_n3A_1119 : vector<16xi32> to vector<1x16xi32>
          tpu.vector_store %arg10[%swap3A_1127, %swap3A_1128], %swap3A_1131 {strides = array<i32>} : memref<2x128xi32, #tpu.memory_space<vmem>>, vector<1x16xi32>,
          %dma_start3A_1132 = arith.constant 0 : i32
          %dma_start3A_1133 = arith.constant 0 : i32
          %dma_start3A_1134 = tpu.memref_slice %arg11[%select_n3A_726, %dma_start3A_1132, %dma_start3A_1133] : memref<2x128x64xf32, #tpu.memory_space<vmem>> -> memref<1x128x64xf32, #tpu.memory_space<vmem>>
          %dma_start3A_1135 = tpu.memref_squeeze %dma_start3A_1134 : memref<1x128x64xf32, #tpu.memory_space<vmem>> -> memref<128x64xf32, #tpu.memory_space<vmem>>
          %dma_start3A_1136 = arith.constant 0 : i32
          %dma_start3A_1137 = tpu.memref_slice %arg9[%select_n3A_726, %dma_start3A_1136] : memref<2x128xi32, #tpu.memory_space<vmem>> -> memref<1x128xi32, #tpu.memory_space<vmem>>
          %dma_start3A_1138 = tpu.memref_squeeze %dma_start3A_1137 : memref<1x128xi32, #tpu.memory_space<vmem>> -> memref<128xi32, #tpu.memory_space<vmem>>
          %dma_start3A_1139 = arith.constant 0 : i32
          %dma_start3A_1140 = arith.constant 0 : i32
          %dma_start3A_1141 = tpu.memref_slice %arg5[%dma_start3A_1139, %dma_start3A_1140] : memref<108000x64xf32, #tpu.memory_space<hbm>> -> memref<108000x64xf32, #tpu.memory_space<hbm>>
          %dma_start3A_1142 = tpu.memref_slice %arg12[%select_n3A_726] : memref<2x!tpu.dma_semaphore, #tpu.memory_space<semaphore_mem>> -> memref<1x!tpu.dma_semaphore, #tpu.memory_space<semaphore_mem>>
          %dma_start3A_1143 = tpu.memref_squeeze %dma_start3A_1142 : memref<1x!tpu.dma_semaphore, #tpu.memory_space<semaphore_mem>> -> memref<!tpu.dma_semaphore, #tpu.memory_space<semaphore_mem>>
          tpu.enqueue_indirect_dma source(%dma_start3A_1141 : memref<108000x64xf32, #tpu.memory_space<hbm>>) target(%dma_start3A_1135 : memref<128x64xf32, #tpu.memory_space<vmem>>) offsets(%dma_start3A_1138 : memref<128xi32, #tpu.memory_space<vmem>>) semaphore(%dma_start3A_1143 : memref<!tpu.dma_semaphore, #tpu.memory_space<semaphore_mem>>)
        } else {
        }
      }
      %scan3A_707 = arith.constant 512 : i32
      %barrier3A_708 = arith.constant 0 : index
      tpu.barrier barrier_id(%barrier3A_708)
      %mul3A_709 = arith.constant 1568 : i32
      %mul3A_710 = arith.muli %arg1, %mul3A_709 : i32
      %mul3A_711 = arith.constant 1568 : i32
      %mul3A_712 = arith.muli %arg1, %mul3A_711 : i32
      "tpu.region"() ({
        %run_scoped3A_714 = tpu.sem_alloc : memref<!tpu.dma_semaphore, #tpu.memory_space<semaphore_mem>>
        %dma_start3A_715 = arith.constant 0 : i32
        %dma_start3A_716 = tpu.memref_slice %arg6[%arg0, %scan3A_7, %mul3A_712, %dma_start3A_715] : memref<2x2x25088x64xf32, #tpu.memory_space<hbm>> -> memref<1x1x1568x64xf32, #tpu.memory_space<hbm>>
        %dma_start3A_717 = tpu.memref_squeeze %dma_start3A_716 : memref<1x1x1568x64xf32, #tpu.memory_space<hbm>> -> memref<1568x64xf32, #tpu.memory_space<hbm>>
        %dma_start3A_718 = arith.constant 0 : i32
        %dma_start3A_719 = tpu.memref_slice %arg14[%mul3A_710, %dma_start3A_718] : memref<25216x64xf32, #tpu.memory_space<vmem_shared>> -> memref<1568x64xf32, #tpu.memory_space<vmem_shared>>
        tpu.enqueue_dma source(%dma_start3A_719 : memref<1568x64xf32, #tpu.memory_space<vmem_shared>>) target(%dma_start3A_717 : memref<1568x64xf32, #tpu.memory_space<hbm>>) target_semaphore(%run_scoped3A_714 : memref<!tpu.dma_semaphore, #tpu.memory_space<semaphore_mem>>)
        %dma_wait3A = arith.constant 0 : i32
        %dma_wait3A_720 = tpu.memref_slice %arg6[%arg0, %scan3A_7, %mul3A_712, %dma_wait3A] : memref<2x2x25088x64xf32, #tpu.memory_space<hbm>> -> memref<1x1x1568x64xf32, #tpu.memory_space<hbm>>
        %dma_wait3A_721 = tpu.memref_squeeze %dma_wait3A_720 : memref<1x1x1568x64xf32, #tpu.memory_space<hbm>> -> memref<1568x64xf32, #tpu.memory_space<hbm>>
        %dma_wait3A_722 = arith.constant 0 : i32
        %dma_wait3A_723 = tpu.memref_slice %arg14[%mul3A_710, %dma_wait3A_722] : memref<25216x64xf32, #tpu.memory_space<vmem_shared>> -> memref<1568x64xf32, #tpu.memory_space<vmem_shared>>
        tpu.wait_dma2 semaphore(%run_scoped3A_714 : memref<!tpu.dma_semaphore, #tpu.memory_space<semaphore_mem>>) src(%dma_wait3A_723 : memref<1568x64xf32, #tpu.memory_space<vmem_shared>>) dst(%dma_wait3A_721 : memref<1568x64xf32, #tpu.memory_space<hbm>>)
        tpu.yield
      }) : () -> ()
      %barrier3A_713 = arith.constant 0 : index
      tpu.barrier barrier_id(%barrier3A_713)
    }
    %scan3A_6 = arith.constant 2 : i32
    return
  }
}

#map = affine_map<(d0, d1) -> (0, 0, 0)>
#map1 = affine_map<(d0, d1) -> (0, 0)>
module attributes {stable_mosaic.version = 14 : i64} {
  func.func @_f2h_agg_kernel(%arg0: i32, %arg1: i32, %arg2: memref<32x123x128xi32, #tpu.memory_space<hbm>>, %arg3: memref<32x123x128xi32, #tpu.memory_space<hbm>>, %arg4: memref<2x4096x128xf32, #tpu.memory_space<hbm>>, %arg5: memref<50000x128xf32, #tpu.memory_space<hbm>>, %arg6: memref<2x4096x128xf32, #tpu.memory_space<hbm>>, %arg7: memref<123x128xi32, #tpu.memory_space<vmem>>, %arg8: memref<123x128xi32, #tpu.memory_space<vmem>>, %arg9: memref<2x128x128xf32, #tpu.memory_space<vmem>>, %arg10: memref<2x!tpu.dma_semaphore, #tpu.memory_space<semaphore_mem>>, %arg11: memref<2x!tpu.dma_semaphore, #tpu.memory_space<semaphore_mem>>, %arg12: memref<4096x128xf32, #tpu.memory_space<vmem_shared>>) attributes {dimension_semantics = [#tpu.dimension_semantics<core_parallel>, #tpu.dimension_semantics<subcore_parallel>], iteration_bounds = array<i64: 2, 16>, scalar_prefetch = 0 : i64, scratch_operands = 6 : i64, tpu.core_type = #tpu.core_type<sc_vector_subcore>, window_params = [{transform_indices = #map}, {transform_indices = #map}, {transform_indices = #map}, {transform_indices = #map1}, {transform_indices = #map}]} {
    %mul3A = arith.constant 16 : i32
    %mul3A_0 = arith.muli %arg0, %mul3A : i32
    %add3A = arith.addi %mul3A_0, %arg1 : i32
    %mul3A_1 = arith.constant 256 : i32
    %mul3A_2 = arith.muli %arg1, %mul3A_1 : i32
    "tpu.region"() ({
      %run_scoped3A = tpu.sem_alloc : memref<!tpu.dma_semaphore, #tpu.memory_space<semaphore_mem>>
      %dma_start3A_37 = arith.constant 0 : i32
      %dma_start3A_38 = arith.constant 0 : i32
      %dma_start3A_39 = tpu.memref_slice %arg2[%add3A, %dma_start3A_37, %dma_start3A_38] : memref<32x123x128xi32, #tpu.memory_space<hbm>> -> memref<1x123x128xi32, #tpu.memory_space<hbm>>
      %dma_start3A_40 = tpu.memref_squeeze %dma_start3A_39 : memref<1x123x128xi32, #tpu.memory_space<hbm>> -> memref<123x128xi32, #tpu.memory_space<hbm>>
      %dma_start3A_41 = arith.constant 0 : i32
      %dma_start3A_42 = arith.constant 0 : i32
      %dma_start3A_43 = tpu.memref_slice %arg2[%add3A, %dma_start3A_41, %dma_start3A_42] : memref<32x123x128xi32, #tpu.memory_space<hbm>> -> memref<1x123x128xi32, #tpu.memory_space<hbm>>
      %dma_start3A_44 = tpu.memref_squeeze %dma_start3A_43 : memref<1x123x128xi32, #tpu.memory_space<hbm>> -> memref<123x128xi32, #tpu.memory_space<hbm>>
      tpu.enqueue_dma source(%dma_start3A_44 : memref<123x128xi32, #tpu.memory_space<hbm>>) target(%arg7 : memref<123x128xi32, #tpu.memory_space<vmem>>) target_semaphore(%run_scoped3A : memref<!tpu.dma_semaphore, #tpu.memory_space<semaphore_mem>>)
      %dma_wait3A = arith.constant 0 : i32
      %dma_wait3A_45 = arith.constant 0 : i32
      %dma_wait3A_46 = tpu.memref_slice %arg2[%add3A, %dma_wait3A, %dma_wait3A_45] : memref<32x123x128xi32, #tpu.memory_space<hbm>> -> memref<1x123x128xi32, #tpu.memory_space<hbm>>
      %dma_wait3A_47 = tpu.memref_squeeze %dma_wait3A_46 : memref<1x123x128xi32, #tpu.memory_space<hbm>> -> memref<123x128xi32, #tpu.memory_space<hbm>>
      %dma_wait3A_48 = arith.constant 0 : i32
      %dma_wait3A_49 = arith.constant 0 : i32
      %dma_wait3A_50 = tpu.memref_slice %arg2[%add3A, %dma_wait3A_48, %dma_wait3A_49] : memref<32x123x128xi32, #tpu.memory_space<hbm>> -> memref<1x123x128xi32, #tpu.memory_space<hbm>>
      %dma_wait3A_51 = tpu.memref_squeeze %dma_wait3A_50 : memref<1x123x128xi32, #tpu.memory_space<hbm>> -> memref<123x128xi32, #tpu.memory_space<hbm>>
      tpu.wait_dma2 semaphore(%run_scoped3A : memref<!tpu.dma_semaphore, #tpu.memory_space<semaphore_mem>>) src(%dma_wait3A_51 : memref<123x128xi32, #tpu.memory_space<hbm>>) dst(%arg7 : memref<123x128xi32, #tpu.memory_space<vmem>>)
      tpu.yield
    }) : () -> ()
    "tpu.region"() ({
      %run_scoped3A = tpu.sem_alloc : memref<!tpu.dma_semaphore, #tpu.memory_space<semaphore_mem>>
      %dma_start3A_37 = arith.constant 0 : i32
      %dma_start3A_38 = arith.constant 0 : i32
      %dma_start3A_39 = tpu.memref_slice %arg3[%add3A, %dma_start3A_37, %dma_start3A_38] : memref<32x123x128xi32, #tpu.memory_space<hbm>> -> memref<1x123x128xi32, #tpu.memory_space<hbm>>
      %dma_start3A_40 = tpu.memref_squeeze %dma_start3A_39 : memref<1x123x128xi32, #tpu.memory_space<hbm>> -> memref<123x128xi32, #tpu.memory_space<hbm>>
      %dma_start3A_41 = arith.constant 0 : i32
      %dma_start3A_42 = arith.constant 0 : i32
      %dma_start3A_43 = tpu.memref_slice %arg3[%add3A, %dma_start3A_41, %dma_start3A_42] : memref<32x123x128xi32, #tpu.memory_space<hbm>> -> memref<1x123x128xi32, #tpu.memory_space<hbm>>
      %dma_start3A_44 = tpu.memref_squeeze %dma_start3A_43 : memref<1x123x128xi32, #tpu.memory_space<hbm>> -> memref<123x128xi32, #tpu.memory_space<hbm>>
      tpu.enqueue_dma source(%dma_start3A_44 : memref<123x128xi32, #tpu.memory_space<hbm>>) target(%arg8 : memref<123x128xi32, #tpu.memory_space<vmem>>) target_semaphore(%run_scoped3A : memref<!tpu.dma_semaphore, #tpu.memory_space<semaphore_mem>>)
      %dma_wait3A = arith.constant 0 : i32
      %dma_wait3A_45 = arith.constant 0 : i32
      %dma_wait3A_46 = tpu.memref_slice %arg3[%add3A, %dma_wait3A, %dma_wait3A_45] : memref<32x123x128xi32, #tpu.memory_space<hbm>> -> memref<1x123x128xi32, #tpu.memory_space<hbm>>
      %dma_wait3A_47 = tpu.memref_squeeze %dma_wait3A_46 : memref<1x123x128xi32, #tpu.memory_space<hbm>> -> memref<123x128xi32, #tpu.memory_space<hbm>>
      %dma_wait3A_48 = arith.constant 0 : i32
      %dma_wait3A_49 = arith.constant 0 : i32
      %dma_wait3A_50 = tpu.memref_slice %arg3[%add3A, %dma_wait3A_48, %dma_wait3A_49] : memref<32x123x128xi32, #tpu.memory_space<hbm>> -> memref<1x123x128xi32, #tpu.memory_space<hbm>>
      %dma_wait3A_51 = tpu.memref_squeeze %dma_wait3A_50 : memref<1x123x128xi32, #tpu.memory_space<hbm>> -> memref<123x128xi32, #tpu.memory_space<hbm>>
      tpu.wait_dma2 semaphore(%run_scoped3A : memref<!tpu.dma_semaphore, #tpu.memory_space<semaphore_mem>>) src(%dma_wait3A_51 : memref<123x128xi32, #tpu.memory_space<hbm>>) dst(%arg8 : memref<123x128xi32, #tpu.memory_space<vmem>>)
      tpu.yield
    }) : () -> ()
    "tpu.region"() ({
      %run_scoped3A = tpu.sem_alloc : memref<!tpu.dma_semaphore, #tpu.memory_space<semaphore_mem>>
      %dma_start3A_37 = arith.constant 0 : i32
      %dma_start3A_38 = tpu.memref_slice %arg12[%mul3A_2, %dma_start3A_37] : memref<4096x128xf32, #tpu.memory_space<vmem_shared>> -> memref<256x128xf32, #tpu.memory_space<vmem_shared>>
      %dma_start3A_39 = arith.constant 0 : i32
      %dma_start3A_40 = tpu.memref_slice %arg4[%arg0, %mul3A_2, %dma_start3A_39] : memref<2x4096x128xf32, #tpu.memory_space<hbm>> -> memref<1x256x128xf32, #tpu.memory_space<hbm>>
      %dma_start3A_41 = tpu.memref_squeeze %dma_start3A_40 : memref<1x256x128xf32, #tpu.memory_space<hbm>> -> memref<256x128xf32, #tpu.memory_space<hbm>>
      tpu.enqueue_dma source(%dma_start3A_41 : memref<256x128xf32, #tpu.memory_space<hbm>>) target(%dma_start3A_38 : memref<256x128xf32, #tpu.memory_space<vmem_shared>>) target_semaphore(%run_scoped3A : memref<!tpu.dma_semaphore, #tpu.memory_space<semaphore_mem>>)
      %dma_wait3A = arith.constant 0 : i32
      %dma_wait3A_42 = tpu.memref_slice %arg12[%mul3A_2, %dma_wait3A] : memref<4096x128xf32, #tpu.memory_space<vmem_shared>> -> memref<256x128xf32, #tpu.memory_space<vmem_shared>>
      %dma_wait3A_43 = arith.constant 0 : i32
      %dma_wait3A_44 = tpu.memref_slice %arg4[%arg0, %mul3A_2, %dma_wait3A_43] : memref<2x4096x128xf32, #tpu.memory_space<hbm>> -> memref<1x256x128xf32, #tpu.memory_space<hbm>>
      %dma_wait3A_45 = tpu.memref_squeeze %dma_wait3A_44 : memref<1x256x128xf32, #tpu.memory_space<hbm>> -> memref<256x128xf32, #tpu.memory_space<hbm>>
      tpu.wait_dma2 semaphore(%run_scoped3A : memref<!tpu.dma_semaphore, #tpu.memory_space<semaphore_mem>>) src(%dma_wait3A_45 : memref<256x128xf32, #tpu.memory_space<hbm>>) dst(%dma_wait3A_42 : memref<256x128xf32, #tpu.memory_space<vmem_shared>>)
      tpu.yield
    }) : () -> ()
    %barrier3A = arith.constant 0 : index
    tpu.barrier barrier_id(%barrier3A)
    %dma_start3A = arith.constant 0 : i32
    %dma_start3A_3 = arith.constant 0 : i32
    %dma_start3A_4 = arith.constant 0 : i32
    %dma_start3A_5 = arith.constant 0 : i32
    %dma_start3A_6 = arith.constant 0 : i32
    %dma_start3A_7 = tpu.memref_slice %arg9[%dma_start3A_3, %dma_start3A_5, %dma_start3A_6] : memref<2x128x128xf32, #tpu.memory_space<vmem>> -> memref<1x128x128xf32, #tpu.memory_space<vmem>>
    %dma_start3A_8 = tpu.memref_squeeze %dma_start3A_7 : memref<1x128x128xf32, #tpu.memory_space<vmem>> -> memref<128x128xf32, #tpu.memory_space<vmem>>
    %dma_start3A_9 = arith.constant 0 : i32
    %dma_start3A_10 = tpu.memref_slice %arg7[%dma_start3A, %dma_start3A_9] : memref<123x128xi32, #tpu.memory_space<vmem>> -> memref<1x128xi32, #tpu.memory_space<vmem>>
    %dma_start3A_11 = tpu.memref_squeeze %dma_start3A_10 : memref<1x128xi32, #tpu.memory_space<vmem>> -> memref<128xi32, #tpu.memory_space<vmem>>
    %dma_start3A_12 = arith.constant 0 : i32
    %dma_start3A_13 = arith.constant 0 : i32
    %dma_start3A_14 = tpu.memref_slice %arg5[%dma_start3A_12, %dma_start3A_13] : memref<50000x128xf32, #tpu.memory_space<hbm>> -> memref<50000x128xf32, #tpu.memory_space<hbm>>
    %dma_start3A_15 = tpu.memref_slice %arg10[%dma_start3A_4] : memref<2x!tpu.dma_semaphore, #tpu.memory_space<semaphore_mem>> -> memref<1x!tpu.dma_semaphore, #tpu.memory_space<semaphore_mem>>
    %dma_start3A_16 = tpu.memref_squeeze %dma_start3A_15 : memref<1x!tpu.dma_semaphore, #tpu.memory_space<semaphore_mem>> -> memref<!tpu.dma_semaphore, #tpu.memory_space<semaphore_mem>>
    tpu.enqueue_indirect_dma source(%dma_start3A_14 : memref<50000x128xf32, #tpu.memory_space<hbm>>) target(%dma_start3A_8 : memref<128x128xf32, #tpu.memory_space<vmem>>) offsets(%dma_start3A_11 : memref<128xi32, #tpu.memory_space<vmem>>) semaphore(%dma_start3A_16 : memref<!tpu.dma_semaphore, #tpu.memory_space<semaphore_mem>>)
    %dma_start3A_17 = arith.constant 1 : i32
    %dma_start3A_18 = arith.constant 1 : i32
    %dma_start3A_19 = arith.constant 1 : i32
    %dma_start3A_20 = arith.constant 0 : i32
    %dma_start3A_21 = arith.constant 0 : i32
    %dma_start3A_22 = tpu.memref_slice %arg9[%dma_start3A_18, %dma_start3A_20, %dma_start3A_21] : memref<2x128x128xf32, #tpu.memory_space<vmem>> -> memref<1x128x128xf32, #tpu.memory_space<vmem>>
    %dma_start3A_23 = tpu.memref_squeeze %dma_start3A_22 : memref<1x128x128xf32, #tpu.memory_space<vmem>> -> memref<128x128xf32, #tpu.memory_space<vmem>>
    %dma_start3A_24 = arith.constant 0 : i32
    %dma_start3A_25 = tpu.memref_slice %arg7[%dma_start3A_17, %dma_start3A_24] : memref<123x128xi32, #tpu.memory_space<vmem>> -> memref<1x128xi32, #tpu.memory_space<vmem>>
    %dma_start3A_26 = tpu.memref_squeeze %dma_start3A_25 : memref<1x128xi32, #tpu.memory_space<vmem>> -> memref<128xi32, #tpu.memory_space<vmem>>
    %dma_start3A_27 = arith.constant 0 : i32
    %dma_start3A_28 = arith.constant 0 : i32
    %dma_start3A_29 = tpu.memref_slice %arg5[%dma_start3A_27, %dma_start3A_28] : memref<50000x128xf32, #tpu.memory_space<hbm>> -> memref<50000x128xf32, #tpu.memory_space<hbm>>
    %dma_start3A_30 = tpu.memref_slice %arg10[%dma_start3A_19] : memref<2x!tpu.dma_semaphore, #tpu.memory_space<semaphore_mem>> -> memref<1x!tpu.dma_semaphore, #tpu.memory_space<semaphore_mem>>
    %dma_start3A_31 = tpu.memref_squeeze %dma_start3A_30 : memref<1x!tpu.dma_semaphore, #tpu.memory_space<semaphore_mem>> -> memref<!tpu.dma_semaphore, #tpu.memory_space<semaphore_mem>>
    tpu.enqueue_indirect_dma source(%dma_start3A_29 : memref<50000x128xf32, #tpu.memory_space<hbm>>) target(%dma_start3A_23 : memref<128x128xf32, #tpu.memory_space<vmem>>) offsets(%dma_start3A_26 : memref<128xi32, #tpu.memory_space<vmem>>) semaphore(%dma_start3A_31 : memref<!tpu.dma_semaphore, #tpu.memory_space<semaphore_mem>>)
    %scan3A = arith.constant 0 : i32
    %scan3A_32 = arith.constant 123 : i32
    %scan3A_33 = arith.addi %scan3A, %scan3A_32 : i32
    %scan3A_34 = arith.constant 1 : i32
    scf.for %scan3A_37 = %scan3A to %scan3A_33 step %scan3A_34  : i32 {
      %jit3A = arith.constant 2 : i32
      %eq3A = arith.constant 0 : i32
      %eq3A_38 = arith.cmpi eq, %jit3A, %eq3A : i32
      %jit3A_39 = arith.constant 1 : i32
      %select_n3A = arith.select %eq3A_38, %jit3A_39, %jit3A : i32
      %rem3A = arith.remsi %scan3A_37, %select_n3A : i32
      %ne3A = arith.constant 0 : i32
      %ne3A_40 = arith.cmpi ne, %rem3A, %ne3A : i32
      %lt3A = arith.constant 0 : i32
      %lt3A_41 = arith.cmpi slt, %rem3A, %lt3A : i32
      %lt3A_42 = arith.constant 0 : i32
      %lt3A_43 = arith.cmpi slt, %select_n3A, %lt3A_42 : i32
      %ne3A_44 = arith.xori %lt3A_41, %lt3A_43 : i1
      %and3A = arith.andi %ne3A_44, %ne3A_40 : i1
      %add3A_45 = arith.addi %rem3A, %select_n3A : i32
      %select_n3A_46 = arith.select %and3A, %add3A_45, %rem3A : i32
      %dma_wait3A = arith.constant 0 : i32
      %dma_wait3A_47 = arith.constant 0 : i32
      %dma_wait3A_48 = tpu.memref_slice %arg9[%select_n3A_46, %dma_wait3A, %dma_wait3A_47] : memref<2x128x128xf32, #tpu.memory_space<vmem>> -> memref<1x128x128xf32, #tpu.memory_space<vmem>>
      %dma_wait3A_49 = tpu.memref_squeeze %dma_wait3A_48 : memref<1x128x128xf32, #tpu.memory_space<vmem>> -> memref<128x128xf32, #tpu.memory_space<vmem>>
      %dma_wait3A_50 = arith.constant 0 : i32
      %dma_wait3A_51 = tpu.memref_slice %arg7[%scan3A_37, %dma_wait3A_50] : memref<123x128xi32, #tpu.memory_space<vmem>> -> memref<1x128xi32, #tpu.memory_space<vmem>>
      %dma_wait3A_52 = tpu.memref_squeeze %dma_wait3A_51 : memref<1x128xi32, #tpu.memory_space<vmem>> -> memref<128xi32, #tpu.memory_space<vmem>>
      %dma_wait3A_53 = arith.constant 0 : i32
      %dma_wait3A_54 = arith.constant 0 : i32
      %dma_wait3A_55 = tpu.memref_slice %arg5[%dma_wait3A_53, %dma_wait3A_54] : memref<50000x128xf32, #tpu.memory_space<hbm>> -> memref<50000x128xf32, #tpu.memory_space<hbm>>
      %dma_wait3A_56 = tpu.memref_slice %arg10[%select_n3A_46] : memref<2x!tpu.dma_semaphore, #tpu.memory_space<semaphore_mem>> -> memref<1x!tpu.dma_semaphore, #tpu.memory_space<semaphore_mem>>
      %dma_wait3A_57 = tpu.memref_squeeze %dma_wait3A_56 : memref<1x!tpu.dma_semaphore, #tpu.memory_space<semaphore_mem>> -> memref<!tpu.dma_semaphore, #tpu.memory_space<semaphore_mem>>
      tpu.wait_indirect_dma semaphore(%dma_wait3A_57 : memref<!tpu.dma_semaphore, #tpu.memory_space<semaphore_mem>>) src(%dma_wait3A_55 : memref<50000x128xf32, #tpu.memory_space<hbm>>) dst(%dma_wait3A_49 : memref<128x128xf32, #tpu.memory_space<vmem>>)
      %dma_start3A_58 = arith.constant 0 : i32
      %dma_start3A_59 = arith.constant 0 : i32
      %dma_start3A_60 = tpu.memref_slice %arg9[%select_n3A_46, %dma_start3A_58, %dma_start3A_59] : memref<2x128x128xf32, #tpu.memory_space<vmem>> -> memref<1x128x128xf32, #tpu.memory_space<vmem>>
      %dma_start3A_61 = tpu.memref_squeeze %dma_start3A_60 : memref<1x128x128xf32, #tpu.memory_space<vmem>> -> memref<128x128xf32, #tpu.memory_space<vmem>>
      %dma_start3A_62 = arith.constant 0 : i32
      %dma_start3A_63 = tpu.memref_slice %arg8[%scan3A_37, %dma_start3A_62] : memref<123x128xi32, #tpu.memory_space<vmem>> -> memref<1x128xi32, #tpu.memory_space<vmem>>
      %dma_start3A_64 = tpu.memref_squeeze %dma_start3A_63 : memref<1x128xi32, #tpu.memory_space<vmem>> -> memref<128xi32, #tpu.memory_space<vmem>>
      %dma_start3A_65 = arith.constant 0 : i32
      %dma_start3A_66 = arith.constant 0 : i32
      %dma_start3A_67 = tpu.memref_slice %arg12[%dma_start3A_65, %dma_start3A_66] : memref<4096x128xf32, #tpu.memory_space<vmem_shared>> -> memref<4096x128xf32, #tpu.memory_space<vmem_shared>>
      %dma_start3A_68 = tpu.memref_slice %arg11[%select_n3A_46] : memref<2x!tpu.dma_semaphore, #tpu.memory_space<semaphore_mem>> -> memref<1x!tpu.dma_semaphore, #tpu.memory_space<semaphore_mem>>
      %dma_start3A_69 = tpu.memref_squeeze %dma_start3A_68 : memref<1x!tpu.dma_semaphore, #tpu.memory_space<semaphore_mem>> -> memref<!tpu.dma_semaphore, #tpu.memory_space<semaphore_mem>>
      tpu.enqueue_indirect_dma source(%dma_start3A_61 : memref<128x128xf32, #tpu.memory_space<vmem>>) target(%dma_start3A_67 : memref<4096x128xf32, #tpu.memory_space<vmem_shared>>) offsets(%dma_start3A_64 : memref<128xi32, #tpu.memory_space<vmem>>) semaphore(%dma_start3A_69 : memref<!tpu.dma_semaphore, #tpu.memory_space<semaphore_mem>>) {add = true}
      %dma_wait3A_70 = arith.constant 0 : i32
      %dma_wait3A_71 = arith.constant 0 : i32
      %dma_wait3A_72 = tpu.memref_slice %arg9[%select_n3A_46, %dma_wait3A_70, %dma_wait3A_71] : memref<2x128x128xf32, #tpu.memory_space<vmem>> -> memref<1x128x128xf32, #tpu.memory_space<vmem>>
      %dma_wait3A_73 = tpu.memref_squeeze %dma_wait3A_72 : memref<1x128x128xf32, #tpu.memory_space<vmem>> -> memref<128x128xf32, #tpu.memory_space<vmem>>
      %dma_wait3A_74 = arith.constant 0 : i32
      %dma_wait3A_75 = tpu.memref_slice %arg8[%scan3A_37, %dma_wait3A_74] : memref<123x128xi32, #tpu.memory_space<vmem>> -> memref<1x128xi32, #tpu.memory_space<vmem>>
      %dma_wait3A_76 = tpu.memref_squeeze %dma_wait3A_75 : memref<1x128xi32, #tpu.memory_space<vmem>> -> memref<128xi32, #tpu.memory_space<vmem>>
      %dma_wait3A_77 = arith.constant 0 : i32
      %dma_wait3A_78 = arith.constant 0 : i32
      %dma_wait3A_79 = tpu.memref_slice %arg12[%dma_wait3A_77, %dma_wait3A_78] : memref<4096x128xf32, #tpu.memory_space<vmem_shared>> -> memref<4096x128xf32, #tpu.memory_space<vmem_shared>>
      %dma_wait3A_80 = tpu.memref_slice %arg11[%select_n3A_46] : memref<2x!tpu.dma_semaphore, #tpu.memory_space<semaphore_mem>> -> memref<1x!tpu.dma_semaphore, #tpu.memory_space<semaphore_mem>>
      %dma_wait3A_81 = tpu.memref_squeeze %dma_wait3A_80 : memref<1x!tpu.dma_semaphore, #tpu.memory_space<semaphore_mem>> -> memref<!tpu.dma_semaphore, #tpu.memory_space<semaphore_mem>>
      tpu.wait_indirect_dma semaphore(%dma_wait3A_81 : memref<!tpu.dma_semaphore, #tpu.memory_space<semaphore_mem>>) src(%dma_wait3A_73 : memref<128x128xf32, #tpu.memory_space<vmem>>) dst(%dma_wait3A_79 : memref<4096x128xf32, #tpu.memory_space<vmem_shared>>)
      %add3A_82 = arith.constant 2 : i32
      %add3A_83 = arith.addi %scan3A_37, %add3A_82 : i32
      %lt3A_84 = arith.constant 123 : i32
      %lt3A_85 = arith.cmpi slt, %add3A_83, %lt3A_84 : i32
      %convert_element_type3A = arith.extui %lt3A_85 : i1 to i32
      %cond3A = arith.constant 0 : i32
      %cond3A_86 = arith.cmpi ne, %convert_element_type3A, %cond3A : i32
      scf.if %cond3A_86 {
        %add3A_87 = arith.constant 2 : i32
        %add3A_88 = arith.addi %scan3A_37, %add3A_87 : i32
        %dma_start3A_89 = arith.constant 0 : i32
        %dma_start3A_90 = arith.constant 0 : i32
        %dma_start3A_91 = tpu.memref_slice %arg9[%select_n3A_46, %dma_start3A_89, %dma_start3A_90] : memref<2x128x128xf32, #tpu.memory_space<vmem>> -> memref<1x128x128xf32, #tpu.memory_space<vmem>>
        %dma_start3A_92 = tpu.memref_squeeze %dma_start3A_91 : memref<1x128x128xf32, #tpu.memory_space<vmem>> -> memref<128x128xf32, #tpu.memory_space<vmem>>
        %dma_start3A_93 = arith.constant 0 : i32
        %dma_start3A_94 = tpu.memref_slice %arg7[%add3A_88, %dma_start3A_93] : memref<123x128xi32, #tpu.memory_space<vmem>> -> memref<1x128xi32, #tpu.memory_space<vmem>>
        %dma_start3A_95 = tpu.memref_squeeze %dma_start3A_94 : memref<1x128xi32, #tpu.memory_space<vmem>> -> memref<128xi32, #tpu.memory_space<vmem>>
        %dma_start3A_96 = arith.constant 0 : i32
        %dma_start3A_97 = arith.constant 0 : i32
        %dma_start3A_98 = tpu.memref_slice %arg5[%dma_start3A_96, %dma_start3A_97] : memref<50000x128xf32, #tpu.memory_space<hbm>> -> memref<50000x128xf32, #tpu.memory_space<hbm>>
        %dma_start3A_99 = tpu.memref_slice %arg10[%select_n3A_46] : memref<2x!tpu.dma_semaphore, #tpu.memory_space<semaphore_mem>> -> memref<1x!tpu.dma_semaphore, #tpu.memory_space<semaphore_mem>>
        %dma_start3A_100 = tpu.memref_squeeze %dma_start3A_99 : memref<1x!tpu.dma_semaphore, #tpu.memory_space<semaphore_mem>> -> memref<!tpu.dma_semaphore, #tpu.memory_space<semaphore_mem>>
        tpu.enqueue_indirect_dma source(%dma_start3A_98 : memref<50000x128xf32, #tpu.memory_space<hbm>>) target(%dma_start3A_92 : memref<128x128xf32, #tpu.memory_space<vmem>>) offsets(%dma_start3A_95 : memref<128xi32, #tpu.memory_space<vmem>>) semaphore(%dma_start3A_100 : memref<!tpu.dma_semaphore, #tpu.memory_space<semaphore_mem>>)
      } else {
      }
    }
    %scan3A_35 = arith.constant 123 : i32
    %barrier3A_36 = arith.constant 0 : index
    tpu.barrier barrier_id(%barrier3A_36)
    "tpu.region"() ({
      %run_scoped3A = tpu.sem_alloc : memref<!tpu.dma_semaphore, #tpu.memory_space<semaphore_mem>>
      %dma_start3A_37 = arith.constant 0 : i32
      %dma_start3A_38 = tpu.memref_slice %arg6[%arg0, %mul3A_2, %dma_start3A_37] : memref<2x4096x128xf32, #tpu.memory_space<hbm>> -> memref<1x256x128xf32, #tpu.memory_space<hbm>>
      %dma_start3A_39 = tpu.memref_squeeze %dma_start3A_38 : memref<1x256x128xf32, #tpu.memory_space<hbm>> -> memref<256x128xf32, #tpu.memory_space<hbm>>
      %dma_start3A_40 = arith.constant 0 : i32
      %dma_start3A_41 = tpu.memref_slice %arg12[%mul3A_2, %dma_start3A_40] : memref<4096x128xf32, #tpu.memory_space<vmem_shared>> -> memref<256x128xf32, #tpu.memory_space<vmem_shared>>
      tpu.enqueue_dma source(%dma_start3A_41 : memref<256x128xf32, #tpu.memory_space<vmem_shared>>) target(%dma_start3A_39 : memref<256x128xf32, #tpu.memory_space<hbm>>) target_semaphore(%run_scoped3A : memref<!tpu.dma_semaphore, #tpu.memory_space<semaphore_mem>>)
      %dma_wait3A = arith.constant 0 : i32
      %dma_wait3A_42 = tpu.memref_slice %arg6[%arg0, %mul3A_2, %dma_wait3A] : memref<2x4096x128xf32, #tpu.memory_space<hbm>> -> memref<1x256x128xf32, #tpu.memory_space<hbm>>
      %dma_wait3A_43 = tpu.memref_squeeze %dma_wait3A_42 : memref<1x256x128xf32, #tpu.memory_space<hbm>> -> memref<256x128xf32, #tpu.memory_space<hbm>>
      %dma_wait3A_44 = arith.constant 0 : i32
      %dma_wait3A_45 = tpu.memref_slice %arg12[%mul3A_2, %dma_wait3A_44] : memref<4096x128xf32, #tpu.memory_space<vmem_shared>> -> memref<256x128xf32, #tpu.memory_space<vmem_shared>>
      tpu.wait_dma2 semaphore(%run_scoped3A : memref<!tpu.dma_semaphore, #tpu.memory_space<semaphore_mem>>) src(%dma_wait3A_45 : memref<256x128xf32, #tpu.memory_space<vmem_shared>>) dst(%dma_wait3A_43 : memref<256x128xf32, #tpu.memory_space<hbm>>)
      tpu.yield
    }) : () -> ()
    return
  }
}

module attributes {stable_mosaic.version = 14 : i64} {
  func.func @_mm_kernel(%arg0: i32, %arg1: memref<2000x97xf32, #tpu.memory_space<vmem>>, %arg2: memref<97x384xf32, #tpu.memory_space<vmem>>, %arg3: memref<1x384xf32, #tpu.memory_space<vmem>>, %arg4: memref<2000x384xf32, #tpu.memory_space<vmem>>) attributes {dimension_semantics = [#tpu.dimension_semantics<arbitrary>], iteration_bounds = array<i64: 25>, scalar_prefetch = 0 : i64, scratch_operands = 0 : i64, tpu.core_type = #tpu.core_type<tc>, window_params = [{transform_indices = @transform_0, window_bounds = array<i64: 2000, 97>}, {pipeline_mode = #tpu.pipeline_mode<synchronous>, transform_indices = @transform_1, window_bounds = array<i64: 97, 384>}, {pipeline_mode = #tpu.pipeline_mode<synchronous>, transform_indices = @transform_2, window_bounds = array<i64: 1, 384>}, {transform_indices = @transform_3, window_bounds = array<i64: 2000, 384>}]} {
    %get3A = arith.constant 0 : index
    %get3A_0 = arith.constant 0 : index
    %get3A_1 = vector.load %arg1[%get3A, %get3A_0] : memref<2000x97xf32, #tpu.memory_space<vmem>>, vector<2000x97xf32>
    %get3A_2 = arith.constant 0 : index
    %get3A_3 = arith.constant 0 : index
    %get3A_4 = vector.load %arg2[%get3A_2, %get3A_3] : memref<97x384xf32, #tpu.memory_space<vmem>>, vector<97x384xf32>
    %dot_general3A = arith.constant dense<0.000000e+00> : vector<2000x384xf32>
    %dot_general3A_5 = tpu.matmul %get3A_1, %get3A_4, %dot_general3A {dimension_numbers = #tpu.dot_dimension_numbers<[1], [0], [0], [1], [0, 0, 1, 1], [], []>, transpose_lhs_hint = false} : vector<2000x97xf32>, vector<97x384xf32>, vector<2000x384xf32> -> vector<2000x384xf32>
    %get3A_6 = arith.constant 0 : index
    %get3A_7 = arith.constant 0 : index
    %get3A_8 = vector.load %arg3[%get3A_6, %get3A_7] : memref<1x384xf32, #tpu.memory_space<vmem>>, vector<1x384xf32>
    %add3A = vector.broadcast %get3A_8 : vector<1x384xf32> to vector<2000x384xf32>
    %add3A_9 = arith.addf %dot_general3A_5, %add3A : vector<2000x384xf32>
    %swap3A = arith.constant 0 : index
    %swap3A_10 = arith.constant 0 : index
    %swap3A_11 = vector.load %arg4[%swap3A, %swap3A_10] : memref<2000x384xf32, #tpu.memory_space<vmem>>, vector<2000x384xf32>
    tpu.vector_store %arg4[%swap3A, %swap3A_10], %add3A_9 {strides = array<i32>} : memref<2000x384xf32, #tpu.memory_space<vmem>>, vector<2000x384xf32>,
    return
  }
  func.func @transform_0(%arg0: i32) -> (i32, i32) {
    %c0_i32 = arith.constant 0 : i32
    %c0_i32_0 = arith.constant 0 : i32
    return %arg0, %c0_i32 : i32, i32
  }
  func.func @transform_1(%arg0: i32) -> (i32, i32) {
    %c0_i32 = arith.constant 0 : i32
    %c0_i32_0 = arith.constant 0 : i32
    %c0_i32_1 = arith.constant 0 : i32
    return %c0_i32, %c0_i32_0 : i32, i32
  }
  func.func @transform_2(%arg0: i32) -> (i32, i32) {
    %c0_i32 = arith.constant 0 : i32
    %c0_i32_0 = arith.constant 0 : i32
    %c0_i32_1 = arith.constant 0 : i32
    return %c0_i32, %c0_i32_0 : i32, i32
  }
  func.func @transform_3(%arg0: i32) -> (i32, i32) {
    %c0_i32 = arith.constant 0 : i32
    %c0_i32_0 = arith.constant 0 : i32
    return %arg0, %c0_i32 : i32, i32
  }
}

module attributes {stable_mosaic.version = 14 : i64} {
  func.func @_mm_kernel(%arg0: i32, %arg1: memref<4000x128xf32, #tpu.memory_space<vmem>>, %arg2: memref<128x256xf32, #tpu.memory_space<vmem>>, %arg3: memref<1x256xf32, #tpu.memory_space<vmem>>, %arg4: memref<4000x256xf32, #tpu.memory_space<vmem>>) attributes {dimension_semantics = [#tpu.dimension_semantics<arbitrary>], iteration_bounds = array<i64: 1>, scalar_prefetch = 0 : i64, scratch_operands = 0 : i64, tpu.core_type = #tpu.core_type<tc>, window_params = [{transform_indices = @transform_0, window_bounds = array<i64: 4000, 128>}, {pipeline_mode = #tpu.pipeline_mode<synchronous>, transform_indices = @transform_1, window_bounds = array<i64: 128, 256>}, {pipeline_mode = #tpu.pipeline_mode<synchronous>, transform_indices = @transform_2, window_bounds = array<i64: 1, 256>}, {transform_indices = @transform_3, window_bounds = array<i64: 4000, 256>}]} {
    %get3A = arith.constant 0 : index
    %get3A_0 = arith.constant 0 : index
    %get3A_1 = vector.load %arg1[%get3A, %get3A_0] : memref<4000x128xf32, #tpu.memory_space<vmem>>, vector<4000x128xf32>
    %get3A_2 = arith.constant 0 : index
    %get3A_3 = arith.constant 0 : index
    %get3A_4 = vector.load %arg2[%get3A_2, %get3A_3] : memref<128x256xf32, #tpu.memory_space<vmem>>, vector<128x256xf32>
    %dot_general3A = arith.constant dense<0.000000e+00> : vector<4000x256xf32>
    %dot_general3A_5 = tpu.matmul %get3A_1, %get3A_4, %dot_general3A {dimension_numbers = #tpu.dot_dimension_numbers<[1], [0], [0], [1], [0, 0, 1, 1], [], []>, transpose_lhs_hint = false} : vector<4000x128xf32>, vector<128x256xf32>, vector<4000x256xf32> -> vector<4000x256xf32>
    %get3A_6 = arith.constant 0 : index
    %get3A_7 = arith.constant 0 : index
    %get3A_8 = vector.load %arg3[%get3A_6, %get3A_7] : memref<1x256xf32, #tpu.memory_space<vmem>>, vector<1x256xf32>
    %add3A = vector.broadcast %get3A_8 : vector<1x256xf32> to vector<4000x256xf32>
    %add3A_9 = arith.addf %dot_general3A_5, %add3A : vector<4000x256xf32>
    %swap3A = arith.constant 0 : index
    %swap3A_10 = arith.constant 0 : index
    %swap3A_11 = vector.load %arg4[%swap3A, %swap3A_10] : memref<4000x256xf32, #tpu.memory_space<vmem>>, vector<4000x256xf32>
    tpu.vector_store %arg4[%swap3A, %swap3A_10], %add3A_9 {strides = array<i32>} : memref<4000x256xf32, #tpu.memory_space<vmem>>, vector<4000x256xf32>,
    return
  }
  func.func @transform_0(%arg0: i32) -> (i32, i32) {
    %c0_i32 = arith.constant 0 : i32
    %c0_i32_0 = arith.constant 0 : i32
    return %arg0, %c0_i32 : i32, i32
  }
  func.func @transform_1(%arg0: i32) -> (i32, i32) {
    %c0_i32 = arith.constant 0 : i32
    %c0_i32_0 = arith.constant 0 : i32
    %c0_i32_1 = arith.constant 0 : i32
    return %c0_i32, %c0_i32_0 : i32, i32
  }
  func.func @transform_2(%arg0: i32) -> (i32, i32) {
    %c0_i32 = arith.constant 0 : i32
    %c0_i32_0 = arith.constant 0 : i32
    %c0_i32_1 = arith.constant 0 : i32
    return %c0_i32, %c0_i32_0 : i32, i32
  }
  func.func @transform_3(%arg0: i32) -> (i32, i32) {
    %c0_i32 = arith.constant 0 : i32
    %c0_i32_0 = arith.constant 0 : i32
    return %arg0, %c0_i32 : i32, i32
  }
}

module attributes {stable_mosaic.version = 14 : i64} {
  func.func @_mm_kernel(%arg0: i32, %arg1: memref<2000x128xf32, #tpu.memory_space<vmem>>, %arg2: memref<128x256xf32, #tpu.memory_space<vmem>>, %arg3: memref<1x256xf32, #tpu.memory_space<vmem>>, %arg4: memref<2000x256xf32, #tpu.memory_space<vmem>>) attributes {dimension_semantics = [#tpu.dimension_semantics<arbitrary>], iteration_bounds = array<i64: 25>, scalar_prefetch = 0 : i64, scratch_operands = 0 : i64, tpu.core_type = #tpu.core_type<tc>, window_params = [{transform_indices = @transform_0, window_bounds = array<i64: 2000, 128>}, {pipeline_mode = #tpu.pipeline_mode<synchronous>, transform_indices = @transform_1, window_bounds = array<i64: 128, 256>}, {pipeline_mode = #tpu.pipeline_mode<synchronous>, transform_indices = @transform_2, window_bounds = array<i64: 1, 256>}, {transform_indices = @transform_3, window_bounds = array<i64: 2000, 256>}]} {
    %get3A = arith.constant 0 : index
    %get3A_0 = arith.constant 0 : index
    %get3A_1 = vector.load %arg1[%get3A, %get3A_0] : memref<2000x128xf32, #tpu.memory_space<vmem>>, vector<2000x128xf32>
    %max3A = arith.constant 0.000000e+00 : f32
    %max3A_2 = vector.broadcast %max3A : f32 to vector<2000x128xf32>
    %max3A_3 = arith.maximumf %get3A_1, %max3A_2 : vector<2000x128xf32>
    %get3A_4 = arith.constant 0 : index
    %get3A_5 = arith.constant 0 : index
    %get3A_6 = vector.load %arg2[%get3A_4, %get3A_5] : memref<128x256xf32, #tpu.memory_space<vmem>>, vector<128x256xf32>
    %dot_general3A = arith.constant dense<0.000000e+00> : vector<2000x256xf32>
    %dot_general3A_7 = tpu.matmul %max3A_3, %get3A_6, %dot_general3A {dimension_numbers = #tpu.dot_dimension_numbers<[1], [0], [0], [1], [0, 0, 1, 1], [], []>, transpose_lhs_hint = false} : vector<2000x128xf32>, vector<128x256xf32>, vector<2000x256xf32> -> vector<2000x256xf32>
    %get3A_8 = arith.constant 0 : index
    %get3A_9 = arith.constant 0 : index
    %get3A_10 = vector.load %arg3[%get3A_8, %get3A_9] : memref<1x256xf32, #tpu.memory_space<vmem>>, vector<1x256xf32>
    %add3A = vector.broadcast %get3A_10 : vector<1x256xf32> to vector<2000x256xf32>
    %add3A_11 = arith.addf %dot_general3A_7, %add3A : vector<2000x256xf32>
    %swap3A = arith.constant 0 : index
    %swap3A_12 = arith.constant 0 : index
    %swap3A_13 = vector.load %arg4[%swap3A, %swap3A_12] : memref<2000x256xf32, #tpu.memory_space<vmem>>, vector<2000x256xf32>
    tpu.vector_store %arg4[%swap3A, %swap3A_12], %add3A_11 {strides = array<i32>} : memref<2000x256xf32, #tpu.memory_space<vmem>>, vector<2000x256xf32>,
    return
  }
  func.func @transform_0(%arg0: i32) -> (i32, i32) {
    %c0_i32 = arith.constant 0 : i32
    %c0_i32_0 = arith.constant 0 : i32
    return %arg0, %c0_i32 : i32, i32
  }
  func.func @transform_1(%arg0: i32) -> (i32, i32) {
    %c0_i32 = arith.constant 0 : i32
    %c0_i32_0 = arith.constant 0 : i32
    %c0_i32_1 = arith.constant 0 : i32
    return %c0_i32, %c0_i32_0 : i32, i32
  }
  func.func @transform_2(%arg0: i32) -> (i32, i32) {
    %c0_i32 = arith.constant 0 : i32
    %c0_i32_0 = arith.constant 0 : i32
    %c0_i32_1 = arith.constant 0 : i32
    return %c0_i32, %c0_i32_0 : i32, i32
  }
  func.func @transform_3(%arg0: i32) -> (i32, i32) {
    %c0_i32 = arith.constant 0 : i32
    %c0_i32_0 = arith.constant 0 : i32
    return %arg0, %c0_i32 : i32, i32
  }
}

module attributes {stable_mosaic.version = 14 : i64} {
  func.func @_h1_kernel(%arg0: memref<2x4000x128xf32, #tpu.memory_space<vmem>>, %arg1: memref<128x128xf32, #tpu.memory_space<vmem>>, %arg2: memref<4000x128xf32, #tpu.memory_space<vmem>>) attributes {dimension_semantics = [], scalar_prefetch = 0 : i64, scratch_operands = 0 : i64, tpu.core_type = #tpu.core_type<tc>} {
    %get3A = arith.constant 0 : index
    %get3A_0 = arith.constant 0 : index
    %get3A_1 = arith.constant 0 : index
    %get3A_2 = vector.load %arg0[%get3A, %get3A_0, %get3A_1] : memref<2x4000x128xf32, #tpu.memory_space<vmem>>, vector<1x4000x128xf32>
    %get3A_3 = vector.shape_cast %get3A_2 : vector<1x4000x128xf32> to vector<4000x128xf32>
    %get3A_4 = arith.constant 1 : index
    %get3A_5 = arith.constant 0 : index
    %get3A_6 = arith.constant 0 : index
    %get3A_7 = vector.load %arg0[%get3A_4, %get3A_5, %get3A_6] : memref<2x4000x128xf32, #tpu.memory_space<vmem>>, vector<1x4000x128xf32>
    %get3A_8 = vector.shape_cast %get3A_7 : vector<1x4000x128xf32> to vector<4000x128xf32>
    %add3A = arith.addf %get3A_3, %get3A_8 : vector<4000x128xf32>
    %max3A = arith.constant 0.000000e+00 : f32
    %max3A_9 = vector.broadcast %max3A : f32 to vector<4000x128xf32>
    %max3A_10 = arith.maximumf %add3A, %max3A_9 : vector<4000x128xf32>
    %get3A_11 = arith.constant 0 : index
    %get3A_12 = arith.constant 0 : index
    %get3A_13 = vector.load %arg1[%get3A_11, %get3A_12] : memref<128x128xf32, #tpu.memory_space<vmem>>, vector<128x128xf32>
    %dot_general3A = arith.constant dense<0.000000e+00> : vector<4000x128xf32>
    %dot_general3A_14 = tpu.matmul %max3A_10, %get3A_13, %dot_general3A {dimension_numbers = #tpu.dot_dimension_numbers<[1], [0], [0], [1], [0, 0, 1, 1], [], []>, transpose_lhs_hint = false} : vector<4000x128xf32>, vector<128x128xf32>, vector<4000x128xf32> -> vector<4000x128xf32>
    %swap3A = arith.constant 0 : index
    %swap3A_15 = arith.constant 0 : index
    %swap3A_16 = vector.load %arg2[%swap3A, %swap3A_15] : memref<4000x128xf32, #tpu.memory_space<vmem>>, vector<4000x128xf32>
    tpu.vector_store %arg2[%swap3A, %swap3A_15], %dot_general3A_14 {strides = array<i32>} : memref<4000x128xf32, #tpu.memory_space<vmem>>, vector<4000x128xf32>,
    return
  }
}

module attributes {stable_mosaic.version = 14 : i64} {
  func.func @_final_kernel(%arg0: i32, %arg1: memref<2048x128xf32, #tpu.memory_space<vmem>>, %arg2: memref<2048x128xf32, #tpu.memory_space<vmem>>, %arg3: memref<128x64xf32, #tpu.memory_space<vmem>>, %arg4: memref<1x64xf32, #tpu.memory_space<vmem>>, %arg5: memref<64x128xf32, #tpu.memory_space<vmem>>, %arg6: memref<1x128xf32, #tpu.memory_space<vmem>>, %arg7: memref<128x10xf32, #tpu.memory_space<vmem>>, %arg8: memref<1x10xf32, #tpu.memory_space<vmem>>, %arg9: memref<64x10xf32, #tpu.memory_space<vmem>>, %arg10: memref<64x128xf32, #tpu.memory_space<vmem>>) attributes {dimension_semantics = [#tpu.dimension_semantics<arbitrary>], iteration_bounds = array<i64: 25>, scalar_prefetch = 0 : i64, scratch_operands = 1 : i64, tpu.core_type = #tpu.core_type<tc>, window_params = [{transform_indices = @transform_0, window_bounds = array<i64: 2048, 128>}, {transform_indices = @transform_1, window_bounds = array<i64: 2048, 128>}, {pipeline_mode = #tpu.pipeline_mode<synchronous>, transform_indices = @transform_2, window_bounds = array<i64: 128, 64>}, {pipeline_mode = #tpu.pipeline_mode<synchronous>, transform_indices = @transform_3, window_bounds = array<i64: 1, 64>}, {pipeline_mode = #tpu.pipeline_mode<synchronous>, transform_indices = @transform_4, window_bounds = array<i64: 64, 128>}, {pipeline_mode = #tpu.pipeline_mode<synchronous>, transform_indices = @transform_5, window_bounds = array<i64: 1, 128>}, {pipeline_mode = #tpu.pipeline_mode<synchronous>, transform_indices = @transform_6, window_bounds = array<i64: 128, 10>}, {pipeline_mode = #tpu.pipeline_mode<synchronous>, transform_indices = @transform_7, window_bounds = array<i64: 1, 10>}, {pipeline_mode = #tpu.pipeline_mode<synchronous>, transform_indices = @transform_8, window_bounds = array<i64: 64, 10>}]} {
    %eq3A = arith.constant 0 : i32
    %eq3A_0 = arith.cmpi eq, %arg0, %eq3A : i32
    %convert_element_type3A = arith.extui %eq3A_0 : i1 to i32
    %cond3A = arith.constant 0 : i32
    %cond3A_1 = arith.cmpi ne, %convert_element_type3A, %cond3A : i32
    scf.if %cond3A_1 {
      %broadcast_in_dim3A = arith.constant 0xFF800000 : f32
      %broadcast_in_dim3A_529 = vector.broadcast %broadcast_in_dim3A : f32 to vector<64x128xf32>
      %swap3A = arith.constant 0 : index
      %swap3A_530 = arith.constant 0 : index
      %swap3A_531 = vector.load %arg10[%swap3A, %swap3A_530] : memref<64x128xf32, #tpu.memory_space<vmem>>, vector<64x128xf32>
      tpu.vector_store %arg10[%swap3A, %swap3A_530], %broadcast_in_dim3A_529 {strides = array<i32>} : memref<64x128xf32, #tpu.memory_space<vmem>>, vector<64x128xf32>,
    } else {
    }
    %get3A = arith.constant 0 : index
    %get3A_2 = arith.constant 0 : index
    %get3A_3 = vector.load %arg1[%get3A, %get3A_2] : memref<2048x128xf32, #tpu.memory_space<vmem>>, vector<2048x128xf32>
    %get3A_4 = arith.constant 0 : index
    %get3A_5 = arith.constant 0 : index
    %get3A_6 = vector.load %arg2[%get3A_4, %get3A_5] : memref<2048x128xf32, #tpu.memory_space<vmem>>, vector<2048x128xf32>
    %reduce_min3A = vector.shape_cast %get3A_6 : vector<2048x128xf32> to vector<1x2048x128xf32>
    %reduce_min3A_7 = arith.constant dense<0x7F800000> : vector<1xf32>
    %reduce_min3A_8 = vector.multi_reduction <minimumf>, %reduce_min3A, %reduce_min3A_7 [1, 2] : vector<1x2048x128xf32> to vector<1xf32>
    %reduce_min3A_9 = vector.shape_cast %reduce_min3A_8 : vector<1xf32> to vector<1x1x1xf32>
    %reduce_min3A_10 = vector.extract %reduce_min3A_9[0, 0, 0] : f32 from vector<1x1x1xf32>
    %reduce_max3A = vector.shape_cast %get3A_6 : vector<2048x128xf32> to vector<1x2048x128xf32>
    %reduce_max3A_11 = arith.constant dense<0xFF800000> : vector<1xf32>
    %reduce_max3A_12 = vector.multi_reduction <maximumf>, %reduce_max3A, %reduce_max3A_11 [1, 2] : vector<1x2048x128xf32> to vector<1xf32>
    %reduce_max3A_13 = vector.shape_cast %reduce_max3A_12 : vector<1xf32> to vector<1x1x1xf32>
    %reduce_max3A_14 = vector.extract %reduce_max3A_13[0, 0, 0] : f32 from vector<1x1x1xf32>
    %le3A = arith.constant 0.000000e+00 : f32
    %le3A_15 = arith.cmpf ole, %reduce_min3A_10, %le3A : f32
    %ge3A = arith.constant 0.000000e+00 : f32
    %ge3A_16 = arith.cmpf oge, %reduce_max3A_14, %ge3A : f32
    %and3A = arith.andi %le3A_15, %ge3A_16 : i1
    %convert_element_type3A_17 = arith.extui %and3A : i1 to i32
    %cond3A_18 = arith.constant 0 : i32
    %cond3A_19 = arith.cmpi ne, %convert_element_type3A_17, %cond3A_18 : i32
    scf.if %cond3A_19 {
      %eq3A_529 = arith.constant 0.000000e+00 : f32
      %eq3A_530 = vector.broadcast %eq3A_529 : f32 to vector<2048x128xf32>
      %eq3A_531 = arith.cmpf oeq, %get3A_6, %eq3A_530 : vector<2048x128xf32>
      %jit3A = arith.constant 0xFF800000 : f32
      %broadcast_in_dim3A = vector.broadcast %jit3A : f32 to vector<2048x128xf32>
      %select_n3A = arith.select %eq3A_531, %get3A_3, %broadcast_in_dim3A : vector<2048x128xi1>, vector<2048x128xf32>
      %reduce_max3A_532 = arith.constant dense<0xFF800000> : vector<128xf32>
      %reduce_max3A_533 = vector.multi_reduction <maximumf>, %select_n3A, %reduce_max3A_532 [0] : vector<2048x128xf32> to vector<128xf32>
      %get3A_534 = arith.constant 0 : index
      %get3A_535 = arith.constant 0 : index
      %get3A_536 = vector.load %arg10[%get3A_534, %get3A_535] : memref<64x128xf32, #tpu.memory_space<vmem>>, vector<1x128xf32>
      %get3A_537 = vector.shape_cast %get3A_536 : vector<1x128xf32> to vector<128xf32>
      %max3A = arith.maximumf %get3A_537, %reduce_max3A_533 : vector<128xf32>
      %swap3A = arith.constant 0 : index
      %swap3A_538 = arith.constant 0 : index
      %swap3A_539 = vector.load %arg10[%swap3A, %swap3A_538] : memref<64x128xf32, #tpu.memory_space<vmem>>, vector<1x128xf32>
      %swap3A_540 = vector.shape_cast %swap3A_539 : vector<1x128xf32> to vector<128xf32>
      %swap3A_541 = vector.shape_cast %max3A : vector<128xf32> to vector<1x128xf32>
      tpu.vector_store %arg10[%swap3A, %swap3A_538], %swap3A_541 {strides = array<i32>} : memref<64x128xf32, #tpu.memory_space<vmem>>, vector<1x128xf32>,
    } else {
    }
    %le3A_20 = arith.constant 1.000000e+00 : f32
    %le3A_21 = arith.cmpf ole, %reduce_min3A_10, %le3A_20 : f32
    %ge3A_22 = arith.constant 1.000000e+00 : f32
    %ge3A_23 = arith.cmpf oge, %reduce_max3A_14, %ge3A_22 : f32
    %and3A_24 = arith.andi %le3A_21, %ge3A_23 : i1
    %convert_element_type3A_25 = arith.extui %and3A_24 : i1 to i32
    %cond3A_26 = arith.constant 0 : i32
    %cond3A_27 = arith.cmpi ne, %convert_element_type3A_25, %cond3A_26 : i32
    scf.if %cond3A_27 {
      %eq3A_529 = arith.constant 1.000000e+00 : f32
      %eq3A_530 = vector.broadcast %eq3A_529 : f32 to vector<2048x128xf32>
      %eq3A_531 = arith.cmpf oeq, %get3A_6, %eq3A_530 : vector<2048x128xf32>
      %jit3A = arith.constant 0xFF800000 : f32
      %broadcast_in_dim3A = vector.broadcast %jit3A : f32 to vector<2048x128xf32>
      %select_n3A = arith.select %eq3A_531, %get3A_3, %broadcast_in_dim3A : vector<2048x128xi1>, vector<2048x128xf32>
      %reduce_max3A_532 = arith.constant dense<0xFF800000> : vector<128xf32>
      %reduce_max3A_533 = vector.multi_reduction <maximumf>, %select_n3A, %reduce_max3A_532 [0] : vector<2048x128xf32> to vector<128xf32>
      %get3A_534 = arith.constant 1 : index
      %get3A_535 = arith.constant 0 : index
      %get3A_536 = vector.load %arg10[%get3A_534, %get3A_535] : memref<64x128xf32, #tpu.memory_space<vmem>>, vector<1x128xf32>
      %get3A_537 = vector.shape_cast %get3A_536 : vector<1x128xf32> to vector<128xf32>
      %max3A = arith.maximumf %get3A_537, %reduce_max3A_533 : vector<128xf32>
      %swap3A = arith.constant 1 : index
      %swap3A_538 = arith.constant 0 : index
      %swap3A_539 = vector.load %arg10[%swap3A, %swap3A_538] : memref<64x128xf32, #tpu.memory_space<vmem>>, vector<1x128xf32>
      %swap3A_540 = vector.shape_cast %swap3A_539 : vector<1x128xf32> to vector<128xf32>
      %swap3A_541 = vector.shape_cast %max3A : vector<128xf32> to vector<1x128xf32>
      tpu.vector_store %arg10[%swap3A, %swap3A_538], %swap3A_541 {strides = array<i32>} : memref<64x128xf32, #tpu.memory_space<vmem>>, vector<1x128xf32>,
    } else {
    }
    %le3A_28 = arith.constant 2.000000e+00 : f32
    %le3A_29 = arith.cmpf ole, %reduce_min3A_10, %le3A_28 : f32
    %ge3A_30 = arith.constant 2.000000e+00 : f32
    %ge3A_31 = arith.cmpf oge, %reduce_max3A_14, %ge3A_30 : f32
    %and3A_32 = arith.andi %le3A_29, %ge3A_31 : i1
    %convert_element_type3A_33 = arith.extui %and3A_32 : i1 to i32
    %cond3A_34 = arith.constant 0 : i32
    %cond3A_35 = arith.cmpi ne, %convert_element_type3A_33, %cond3A_34 : i32
    scf.if %cond3A_35 {
      %eq3A_529 = arith.constant 2.000000e+00 : f32
      %eq3A_530 = vector.broadcast %eq3A_529 : f32 to vector<2048x128xf32>
      %eq3A_531 = arith.cmpf oeq, %get3A_6, %eq3A_530 : vector<2048x128xf32>
      %jit3A = arith.constant 0xFF800000 : f32
      %broadcast_in_dim3A = vector.broadcast %jit3A : f32 to vector<2048x128xf32>
      %select_n3A = arith.select %eq3A_531, %get3A_3, %broadcast_in_dim3A : vector<2048x128xi1>, vector<2048x128xf32>
      %reduce_max3A_532 = arith.constant dense<0xFF800000> : vector<128xf32>
      %reduce_max3A_533 = vector.multi_reduction <maximumf>, %select_n3A, %reduce_max3A_532 [0] : vector<2048x128xf32> to vector<128xf32>
      %get3A_534 = arith.constant 2 : index
      %get3A_535 = arith.constant 0 : index
      %get3A_536 = vector.load %arg10[%get3A_534, %get3A_535] : memref<64x128xf32, #tpu.memory_space<vmem>>, vector<1x128xf32>
      %get3A_537 = vector.shape_cast %get3A_536 : vector<1x128xf32> to vector<128xf32>
      %max3A = arith.maximumf %get3A_537, %reduce_max3A_533 : vector<128xf32>
      %swap3A = arith.constant 2 : index
      %swap3A_538 = arith.constant 0 : index
      %swap3A_539 = vector.load %arg10[%swap3A, %swap3A_538] : memref<64x128xf32, #tpu.memory_space<vmem>>, vector<1x128xf32>
      %swap3A_540 = vector.shape_cast %swap3A_539 : vector<1x128xf32> to vector<128xf32>
      %swap3A_541 = vector.shape_cast %max3A : vector<128xf32> to vector<1x128xf32>
      tpu.vector_store %arg10[%swap3A, %swap3A_538], %swap3A_541 {strides = array<i32>} : memref<64x128xf32, #tpu.memory_space<vmem>>, vector<1x128xf32>,
    } else {
    }
    %le3A_36 = arith.constant 3.000000e+00 : f32
    %le3A_37 = arith.cmpf ole, %reduce_min3A_10, %le3A_36 : f32
    %ge3A_38 = arith.constant 3.000000e+00 : f32
    %ge3A_39 = arith.cmpf oge, %reduce_max3A_14, %ge3A_38 : f32
    %and3A_40 = arith.andi %le3A_37, %ge3A_39 : i1
    %convert_element_type3A_41 = arith.extui %and3A_40 : i1 to i32
    %cond3A_42 = arith.constant 0 : i32
    %cond3A_43 = arith.cmpi ne, %convert_element_type3A_41, %cond3A_42 : i32
    scf.if %cond3A_43 {
      %eq3A_529 = arith.constant 3.000000e+00 : f32
      %eq3A_530 = vector.broadcast %eq3A_529 : f32 to vector<2048x128xf32>
      %eq3A_531 = arith.cmpf oeq, %get3A_6, %eq3A_530 : vector<2048x128xf32>
      %jit3A = arith.constant 0xFF800000 : f32
      %broadcast_in_dim3A = vector.broadcast %jit3A : f32 to vector<2048x128xf32>
      %select_n3A = arith.select %eq3A_531, %get3A_3, %broadcast_in_dim3A : vector<2048x128xi1>, vector<2048x128xf32>
      %reduce_max3A_532 = arith.constant dense<0xFF800000> : vector<128xf32>
      %reduce_max3A_533 = vector.multi_reduction <maximumf>, %select_n3A, %reduce_max3A_532 [0] : vector<2048x128xf32> to vector<128xf32>
      %get3A_534 = arith.constant 3 : index
      %get3A_535 = arith.constant 0 : index
      %get3A_536 = vector.load %arg10[%get3A_534, %get3A_535] : memref<64x128xf32, #tpu.memory_space<vmem>>, vector<1x128xf32>
      %get3A_537 = vector.shape_cast %get3A_536 : vector<1x128xf32> to vector<128xf32>
      %max3A = arith.maximumf %get3A_537, %reduce_max3A_533 : vector<128xf32>
      %swap3A = arith.constant 3 : index
      %swap3A_538 = arith.constant 0 : index
      %swap3A_539 = vector.load %arg10[%swap3A, %swap3A_538] : memref<64x128xf32, #tpu.memory_space<vmem>>, vector<1x128xf32>
      %swap3A_540 = vector.shape_cast %swap3A_539 : vector<1x128xf32> to vector<128xf32>
      %swap3A_541 = vector.shape_cast %max3A : vector<128xf32> to vector<1x128xf32>
      tpu.vector_store %arg10[%swap3A, %swap3A_538], %swap3A_541 {strides = array<i32>} : memref<64x128xf32, #tpu.memory_space<vmem>>, vector<1x128xf32>,
    } else {
    }
    %le3A_44 = arith.constant 4.000000e+00 : f32
    %le3A_45 = arith.cmpf ole, %reduce_min3A_10, %le3A_44 : f32
    %ge3A_46 = arith.constant 4.000000e+00 : f32
    %ge3A_47 = arith.cmpf oge, %reduce_max3A_14, %ge3A_46 : f32
    %and3A_48 = arith.andi %le3A_45, %ge3A_47 : i1
    %convert_element_type3A_49 = arith.extui %and3A_48 : i1 to i32
    %cond3A_50 = arith.constant 0 : i32
    %cond3A_51 = arith.cmpi ne, %convert_element_type3A_49, %cond3A_50 : i32
    scf.if %cond3A_51 {
      %eq3A_529 = arith.constant 4.000000e+00 : f32
      %eq3A_530 = vector.broadcast %eq3A_529 : f32 to vector<2048x128xf32>
      %eq3A_531 = arith.cmpf oeq, %get3A_6, %eq3A_530 : vector<2048x128xf32>
      %jit3A = arith.constant 0xFF800000 : f32
      %broadcast_in_dim3A = vector.broadcast %jit3A : f32 to vector<2048x128xf32>
      %select_n3A = arith.select %eq3A_531, %get3A_3, %broadcast_in_dim3A : vector<2048x128xi1>, vector<2048x128xf32>
      %reduce_max3A_532 = arith.constant dense<0xFF800000> : vector<128xf32>
      %reduce_max3A_533 = vector.multi_reduction <maximumf>, %select_n3A, %reduce_max3A_532 [0] : vector<2048x128xf32> to vector<128xf32>
      %get3A_534 = arith.constant 4 : index
      %get3A_535 = arith.constant 0 : index
      %get3A_536 = vector.load %arg10[%get3A_534, %get3A_535] : memref<64x128xf32, #tpu.memory_space<vmem>>, vector<1x128xf32>
      %get3A_537 = vector.shape_cast %get3A_536 : vector<1x128xf32> to vector<128xf32>
      %max3A = arith.maximumf %get3A_537, %reduce_max3A_533 : vector<128xf32>
      %swap3A = arith.constant 4 : index
      %swap3A_538 = arith.constant 0 : index
      %swap3A_539 = vector.load %arg10[%swap3A, %swap3A_538] : memref<64x128xf32, #tpu.memory_space<vmem>>, vector<1x128xf32>
      %swap3A_540 = vector.shape_cast %swap3A_539 : vector<1x128xf32> to vector<128xf32>
      %swap3A_541 = vector.shape_cast %max3A : vector<128xf32> to vector<1x128xf32>
      tpu.vector_store %arg10[%swap3A, %swap3A_538], %swap3A_541 {strides = array<i32>} : memref<64x128xf32, #tpu.memory_space<vmem>>, vector<1x128xf32>,
    } else {
    }
    %le3A_52 = arith.constant 5.000000e+00 : f32
    %le3A_53 = arith.cmpf ole, %reduce_min3A_10, %le3A_52 : f32
    %ge3A_54 = arith.constant 5.000000e+00 : f32
    %ge3A_55 = arith.cmpf oge, %reduce_max3A_14, %ge3A_54 : f32
    %and3A_56 = arith.andi %le3A_53, %ge3A_55 : i1
    %convert_element_type3A_57 = arith.extui %and3A_56 : i1 to i32
    %cond3A_58 = arith.constant 0 : i32
    %cond3A_59 = arith.cmpi ne, %convert_element_type3A_57, %cond3A_58 : i32
    scf.if %cond3A_59 {
      %eq3A_529 = arith.constant 5.000000e+00 : f32
      %eq3A_530 = vector.broadcast %eq3A_529 : f32 to vector<2048x128xf32>
      %eq3A_531 = arith.cmpf oeq, %get3A_6, %eq3A_530 : vector<2048x128xf32>
      %jit3A = arith.constant 0xFF800000 : f32
      %broadcast_in_dim3A = vector.broadcast %jit3A : f32 to vector<2048x128xf32>
      %select_n3A = arith.select %eq3A_531, %get3A_3, %broadcast_in_dim3A : vector<2048x128xi1>, vector<2048x128xf32>
      %reduce_max3A_532 = arith.constant dense<0xFF800000> : vector<128xf32>
      %reduce_max3A_533 = vector.multi_reduction <maximumf>, %select_n3A, %reduce_max3A_532 [0] : vector<2048x128xf32> to vector<128xf32>
      %get3A_534 = arith.constant 5 : index
      %get3A_535 = arith.constant 0 : index
      %get3A_536 = vector.load %arg10[%get3A_534, %get3A_535] : memref<64x128xf32, #tpu.memory_space<vmem>>, vector<1x128xf32>
      %get3A_537 = vector.shape_cast %get3A_536 : vector<1x128xf32> to vector<128xf32>
      %max3A = arith.maximumf %get3A_537, %reduce_max3A_533 : vector<128xf32>
      %swap3A = arith.constant 5 : index
      %swap3A_538 = arith.constant 0 : index
      %swap3A_539 = vector.load %arg10[%swap3A, %swap3A_538] : memref<64x128xf32, #tpu.memory_space<vmem>>, vector<1x128xf32>
      %swap3A_540 = vector.shape_cast %swap3A_539 : vector<1x128xf32> to vector<128xf32>
      %swap3A_541 = vector.shape_cast %max3A : vector<128xf32> to vector<1x128xf32>
      tpu.vector_store %arg10[%swap3A, %swap3A_538], %swap3A_541 {strides = array<i32>} : memref<64x128xf32, #tpu.memory_space<vmem>>, vector<1x128xf32>,
    } else {
    }
    %le3A_60 = arith.constant 6.000000e+00 : f32
    %le3A_61 = arith.cmpf ole, %reduce_min3A_10, %le3A_60 : f32
    %ge3A_62 = arith.constant 6.000000e+00 : f32
    %ge3A_63 = arith.cmpf oge, %reduce_max3A_14, %ge3A_62 : f32
    %and3A_64 = arith.andi %le3A_61, %ge3A_63 : i1
    %convert_element_type3A_65 = arith.extui %and3A_64 : i1 to i32
    %cond3A_66 = arith.constant 0 : i32
    %cond3A_67 = arith.cmpi ne, %convert_element_type3A_65, %cond3A_66 : i32
    scf.if %cond3A_67 {
      %eq3A_529 = arith.constant 6.000000e+00 : f32
      %eq3A_530 = vector.broadcast %eq3A_529 : f32 to vector<2048x128xf32>
      %eq3A_531 = arith.cmpf oeq, %get3A_6, %eq3A_530 : vector<2048x128xf32>
      %jit3A = arith.constant 0xFF800000 : f32
      %broadcast_in_dim3A = vector.broadcast %jit3A : f32 to vector<2048x128xf32>
      %select_n3A = arith.select %eq3A_531, %get3A_3, %broadcast_in_dim3A : vector<2048x128xi1>, vector<2048x128xf32>
      %reduce_max3A_532 = arith.constant dense<0xFF800000> : vector<128xf32>
      %reduce_max3A_533 = vector.multi_reduction <maximumf>, %select_n3A, %reduce_max3A_532 [0] : vector<2048x128xf32> to vector<128xf32>
      %get3A_534 = arith.constant 6 : index
      %get3A_535 = arith.constant 0 : index
      %get3A_536 = vector.load %arg10[%get3A_534, %get3A_535] : memref<64x128xf32, #tpu.memory_space<vmem>>, vector<1x128xf32>
      %get3A_537 = vector.shape_cast %get3A_536 : vector<1x128xf32> to vector<128xf32>
      %max3A = arith.maximumf %get3A_537, %reduce_max3A_533 : vector<128xf32>
      %swap3A = arith.constant 6 : index
      %swap3A_538 = arith.constant 0 : index
      %swap3A_539 = vector.load %arg10[%swap3A, %swap3A_538] : memref<64x128xf32, #tpu.memory_space<vmem>>, vector<1x128xf32>
      %swap3A_540 = vector.shape_cast %swap3A_539 : vector<1x128xf32> to vector<128xf32>
      %swap3A_541 = vector.shape_cast %max3A : vector<128xf32> to vector<1x128xf32>
      tpu.vector_store %arg10[%swap3A, %swap3A_538], %swap3A_541 {strides = array<i32>} : memref<64x128xf32, #tpu.memory_space<vmem>>, vector<1x128xf32>,
    } else {
    }
    %le3A_68 = arith.constant 7.000000e+00 : f32
    %le3A_69 = arith.cmpf ole, %reduce_min3A_10, %le3A_68 : f32
    %ge3A_70 = arith.constant 7.000000e+00 : f32
    %ge3A_71 = arith.cmpf oge, %reduce_max3A_14, %ge3A_70 : f32
    %and3A_72 = arith.andi %le3A_69, %ge3A_71 : i1
    %convert_element_type3A_73 = arith.extui %and3A_72 : i1 to i32
    %cond3A_74 = arith.constant 0 : i32
    %cond3A_75 = arith.cmpi ne, %convert_element_type3A_73, %cond3A_74 : i32
    scf.if %cond3A_75 {
      %eq3A_529 = arith.constant 7.000000e+00 : f32
      %eq3A_530 = vector.broadcast %eq3A_529 : f32 to vector<2048x128xf32>
      %eq3A_531 = arith.cmpf oeq, %get3A_6, %eq3A_530 : vector<2048x128xf32>
      %jit3A = arith.constant 0xFF800000 : f32
      %broadcast_in_dim3A = vector.broadcast %jit3A : f32 to vector<2048x128xf32>
      %select_n3A = arith.select %eq3A_531, %get3A_3, %broadcast_in_dim3A : vector<2048x128xi1>, vector<2048x128xf32>
      %reduce_max3A_532 = arith.constant dense<0xFF800000> : vector<128xf32>
      %reduce_max3A_533 = vector.multi_reduction <maximumf>, %select_n3A, %reduce_max3A_532 [0] : vector<2048x128xf32> to vector<128xf32>
      %get3A_534 = arith.constant 7 : index
      %get3A_535 = arith.constant 0 : index
      %get3A_536 = vector.load %arg10[%get3A_534, %get3A_535] : memref<64x128xf32, #tpu.memory_space<vmem>>, vector<1x128xf32>
      %get3A_537 = vector.shape_cast %get3A_536 : vector<1x128xf32> to vector<128xf32>
      %max3A = arith.maximumf %get3A_537, %reduce_max3A_533 : vector<128xf32>
      %swap3A = arith.constant 7 : index
      %swap3A_538 = arith.constant 0 : index
      %swap3A_539 = vector.load %arg10[%swap3A, %swap3A_538] : memref<64x128xf32, #tpu.memory_space<vmem>>, vector<1x128xf32>
      %swap3A_540 = vector.shape_cast %swap3A_539 : vector<1x128xf32> to vector<128xf32>
      %swap3A_541 = vector.shape_cast %max3A : vector<128xf32> to vector<1x128xf32>
      tpu.vector_store %arg10[%swap3A, %swap3A_538], %swap3A_541 {strides = array<i32>} : memref<64x128xf32, #tpu.memory_space<vmem>>, vector<1x128xf32>,
    } else {
    }
    %le3A_76 = arith.constant 8.000000e+00 : f32
    %le3A_77 = arith.cmpf ole, %reduce_min3A_10, %le3A_76 : f32
    %ge3A_78 = arith.constant 8.000000e+00 : f32
    %ge3A_79 = arith.cmpf oge, %reduce_max3A_14, %ge3A_78 : f32
    %and3A_80 = arith.andi %le3A_77, %ge3A_79 : i1
    %convert_element_type3A_81 = arith.extui %and3A_80 : i1 to i32
    %cond3A_82 = arith.constant 0 : i32
    %cond3A_83 = arith.cmpi ne, %convert_element_type3A_81, %cond3A_82 : i32
    scf.if %cond3A_83 {
      %eq3A_529 = arith.constant 8.000000e+00 : f32
      %eq3A_530 = vector.broadcast %eq3A_529 : f32 to vector<2048x128xf32>
      %eq3A_531 = arith.cmpf oeq, %get3A_6, %eq3A_530 : vector<2048x128xf32>
      %jit3A = arith.constant 0xFF800000 : f32
      %broadcast_in_dim3A = vector.broadcast %jit3A : f32 to vector<2048x128xf32>
      %select_n3A = arith.select %eq3A_531, %get3A_3, %broadcast_in_dim3A : vector<2048x128xi1>, vector<2048x128xf32>
      %reduce_max3A_532 = arith.constant dense<0xFF800000> : vector<128xf32>
      %reduce_max3A_533 = vector.multi_reduction <maximumf>, %select_n3A, %reduce_max3A_532 [0] : vector<2048x128xf32> to vector<128xf32>
      %get3A_534 = arith.constant 8 : index
      %get3A_535 = arith.constant 0 : index
      %get3A_536 = vector.load %arg10[%get3A_534, %get3A_535] : memref<64x128xf32, #tpu.memory_space<vmem>>, vector<1x128xf32>
      %get3A_537 = vector.shape_cast %get3A_536 : vector<1x128xf32> to vector<128xf32>
      %max3A = arith.maximumf %get3A_537, %reduce_max3A_533 : vector<128xf32>
      %swap3A = arith.constant 8 : index
      %swap3A_538 = arith.constant 0 : index
      %swap3A_539 = vector.load %arg10[%swap3A, %swap3A_538] : memref<64x128xf32, #tpu.memory_space<vmem>>, vector<1x128xf32>
      %swap3A_540 = vector.shape_cast %swap3A_539 : vector<1x128xf32> to vector<128xf32>
      %swap3A_541 = vector.shape_cast %max3A : vector<128xf32> to vector<1x128xf32>
      tpu.vector_store %arg10[%swap3A, %swap3A_538], %swap3A_541 {strides = array<i32>} : memref<64x128xf32, #tpu.memory_space<vmem>>, vector<1x128xf32>,
    } else {
    }
    %le3A_84 = arith.constant 9.000000e+00 : f32
    %le3A_85 = arith.cmpf ole, %reduce_min3A_10, %le3A_84 : f32
    %ge3A_86 = arith.constant 9.000000e+00 : f32
    %ge3A_87 = arith.cmpf oge, %reduce_max3A_14, %ge3A_86 : f32
    %and3A_88 = arith.andi %le3A_85, %ge3A_87 : i1
    %convert_element_type3A_89 = arith.extui %and3A_88 : i1 to i32
    %cond3A_90 = arith.constant 0 : i32
    %cond3A_91 = arith.cmpi ne, %convert_element_type3A_89, %cond3A_90 : i32
    scf.if %cond3A_91 {
      %eq3A_529 = arith.constant 9.000000e+00 : f32
      %eq3A_530 = vector.broadcast %eq3A_529 : f32 to vector<2048x128xf32>
      %eq3A_531 = arith.cmpf oeq, %get3A_6, %eq3A_530 : vector<2048x128xf32>
      %jit3A = arith.constant 0xFF800000 : f32
      %broadcast_in_dim3A = vector.broadcast %jit3A : f32 to vector<2048x128xf32>
      %select_n3A = arith.select %eq3A_531, %get3A_3, %broadcast_in_dim3A : vector<2048x128xi1>, vector<2048x128xf32>
      %reduce_max3A_532 = arith.constant dense<0xFF800000> : vector<128xf32>
      %reduce_max3A_533 = vector.multi_reduction <maximumf>, %select_n3A, %reduce_max3A_532 [0] : vector<2048x128xf32> to vector<128xf32>
      %get3A_534 = arith.constant 9 : index
      %get3A_535 = arith.constant 0 : index
      %get3A_536 = vector.load %arg10[%get3A_534, %get3A_535] : memref<64x128xf32, #tpu.memory_space<vmem>>, vector<1x128xf32>
      %get3A_537 = vector.shape_cast %get3A_536 : vector<1x128xf32> to vector<128xf32>
      %max3A = arith.maximumf %get3A_537, %reduce_max3A_533 : vector<128xf32>
      %swap3A = arith.constant 9 : index
      %swap3A_538 = arith.constant 0 : index
      %swap3A_539 = vector.load %arg10[%swap3A, %swap3A_538] : memref<64x128xf32, #tpu.memory_space<vmem>>, vector<1x128xf32>
      %swap3A_540 = vector.shape_cast %swap3A_539 : vector<1x128xf32> to vector<128xf32>
      %swap3A_541 = vector.shape_cast %max3A : vector<128xf32> to vector<1x128xf32>
      tpu.vector_store %arg10[%swap3A, %swap3A_538], %swap3A_541 {strides = array<i32>} : memref<64x128xf32, #tpu.memory_space<vmem>>, vector<1x128xf32>,
    } else {
    }
    %le3A_92 = arith.constant 1.000000e+01 : f32
    %le3A_93 = arith.cmpf ole, %reduce_min3A_10, %le3A_92 : f32
    %ge3A_94 = arith.constant 1.000000e+01 : f32
    %ge3A_95 = arith.cmpf oge, %reduce_max3A_14, %ge3A_94 : f32
    %and3A_96 = arith.andi %le3A_93, %ge3A_95 : i1
    %convert_element_type3A_97 = arith.extui %and3A_96 : i1 to i32
    %cond3A_98 = arith.constant 0 : i32
    %cond3A_99 = arith.cmpi ne, %convert_element_type3A_97, %cond3A_98 : i32
    scf.if %cond3A_99 {
      %eq3A_529 = arith.constant 1.000000e+01 : f32
      %eq3A_530 = vector.broadcast %eq3A_529 : f32 to vector<2048x128xf32>
      %eq3A_531 = arith.cmpf oeq, %get3A_6, %eq3A_530 : vector<2048x128xf32>
      %jit3A = arith.constant 0xFF800000 : f32
      %broadcast_in_dim3A = vector.broadcast %jit3A : f32 to vector<2048x128xf32>
      %select_n3A = arith.select %eq3A_531, %get3A_3, %broadcast_in_dim3A : vector<2048x128xi1>, vector<2048x128xf32>
      %reduce_max3A_532 = arith.constant dense<0xFF800000> : vector<128xf32>
      %reduce_max3A_533 = vector.multi_reduction <maximumf>, %select_n3A, %reduce_max3A_532 [0] : vector<2048x128xf32> to vector<128xf32>
      %get3A_534 = arith.constant 10 : index
      %get3A_535 = arith.constant 0 : index
      %get3A_536 = vector.load %arg10[%get3A_534, %get3A_535] : memref<64x128xf32, #tpu.memory_space<vmem>>, vector<1x128xf32>
      %get3A_537 = vector.shape_cast %get3A_536 : vector<1x128xf32> to vector<128xf32>
      %max3A = arith.maximumf %get3A_537, %reduce_max3A_533 : vector<128xf32>
      %swap3A = arith.constant 10 : index
      %swap3A_538 = arith.constant 0 : index
      %swap3A_539 = vector.load %arg10[%swap3A, %swap3A_538] : memref<64x128xf32, #tpu.memory_space<vmem>>, vector<1x128xf32>
      %swap3A_540 = vector.shape_cast %swap3A_539 : vector<1x128xf32> to vector<128xf32>
      %swap3A_541 = vector.shape_cast %max3A : vector<128xf32> to vector<1x128xf32>
      tpu.vector_store %arg10[%swap3A, %swap3A_538], %swap3A_541 {strides = array<i32>} : memref<64x128xf32, #tpu.memory_space<vmem>>, vector<1x128xf32>,
    } else {
    }
    %le3A_100 = arith.constant 1.100000e+01 : f32
    %le3A_101 = arith.cmpf ole, %reduce_min3A_10, %le3A_100 : f32
    %ge3A_102 = arith.constant 1.100000e+01 : f32
    %ge3A_103 = arith.cmpf oge, %reduce_max3A_14, %ge3A_102 : f32
    %and3A_104 = arith.andi %le3A_101, %ge3A_103 : i1
    %convert_element_type3A_105 = arith.extui %and3A_104 : i1 to i32
    %cond3A_106 = arith.constant 0 : i32
    %cond3A_107 = arith.cmpi ne, %convert_element_type3A_105, %cond3A_106 : i32
    scf.if %cond3A_107 {
      %eq3A_529 = arith.constant 1.100000e+01 : f32
      %eq3A_530 = vector.broadcast %eq3A_529 : f32 to vector<2048x128xf32>
      %eq3A_531 = arith.cmpf oeq, %get3A_6, %eq3A_530 : vector<2048x128xf32>
      %jit3A = arith.constant 0xFF800000 : f32
      %broadcast_in_dim3A = vector.broadcast %jit3A : f32 to vector<2048x128xf32>
      %select_n3A = arith.select %eq3A_531, %get3A_3, %broadcast_in_dim3A : vector<2048x128xi1>, vector<2048x128xf32>
      %reduce_max3A_532 = arith.constant dense<0xFF800000> : vector<128xf32>
      %reduce_max3A_533 = vector.multi_reduction <maximumf>, %select_n3A, %reduce_max3A_532 [0] : vector<2048x128xf32> to vector<128xf32>
      %get3A_534 = arith.constant 11 : index
      %get3A_535 = arith.constant 0 : index
      %get3A_536 = vector.load %arg10[%get3A_534, %get3A_535] : memref<64x128xf32, #tpu.memory_space<vmem>>, vector<1x128xf32>
      %get3A_537 = vector.shape_cast %get3A_536 : vector<1x128xf32> to vector<128xf32>
      %max3A = arith.maximumf %get3A_537, %reduce_max3A_533 : vector<128xf32>
      %swap3A = arith.constant 11 : index
      %swap3A_538 = arith.constant 0 : index
      %swap3A_539 = vector.load %arg10[%swap3A, %swap3A_538] : memref<64x128xf32, #tpu.memory_space<vmem>>, vector<1x128xf32>
      %swap3A_540 = vector.shape_cast %swap3A_539 : vector<1x128xf32> to vector<128xf32>
      %swap3A_541 = vector.shape_cast %max3A : vector<128xf32> to vector<1x128xf32>
      tpu.vector_store %arg10[%swap3A, %swap3A_538], %swap3A_541 {strides = array<i32>} : memref<64x128xf32, #tpu.memory_space<vmem>>, vector<1x128xf32>,
    } else {
    }
    %le3A_108 = arith.constant 1.200000e+01 : f32
    %le3A_109 = arith.cmpf ole, %reduce_min3A_10, %le3A_108 : f32
    %ge3A_110 = arith.constant 1.200000e+01 : f32
    %ge3A_111 = arith.cmpf oge, %reduce_max3A_14, %ge3A_110 : f32
    %and3A_112 = arith.andi %le3A_109, %ge3A_111 : i1
    %convert_element_type3A_113 = arith.extui %and3A_112 : i1 to i32
    %cond3A_114 = arith.constant 0 : i32
    %cond3A_115 = arith.cmpi ne, %convert_element_type3A_113, %cond3A_114 : i32
    scf.if %cond3A_115 {
      %eq3A_529 = arith.constant 1.200000e+01 : f32
      %eq3A_530 = vector.broadcast %eq3A_529 : f32 to vector<2048x128xf32>
      %eq3A_531 = arith.cmpf oeq, %get3A_6, %eq3A_530 : vector<2048x128xf32>
      %jit3A = arith.constant 0xFF800000 : f32
      %broadcast_in_dim3A = vector.broadcast %jit3A : f32 to vector<2048x128xf32>
      %select_n3A = arith.select %eq3A_531, %get3A_3, %broadcast_in_dim3A : vector<2048x128xi1>, vector<2048x128xf32>
      %reduce_max3A_532 = arith.constant dense<0xFF800000> : vector<128xf32>
      %reduce_max3A_533 = vector.multi_reduction <maximumf>, %select_n3A, %reduce_max3A_532 [0] : vector<2048x128xf32> to vector<128xf32>
      %get3A_534 = arith.constant 12 : index
      %get3A_535 = arith.constant 0 : index
      %get3A_536 = vector.load %arg10[%get3A_534, %get3A_535] : memref<64x128xf32, #tpu.memory_space<vmem>>, vector<1x128xf32>
      %get3A_537 = vector.shape_cast %get3A_536 : vector<1x128xf32> to vector<128xf32>
      %max3A = arith.maximumf %get3A_537, %reduce_max3A_533 : vector<128xf32>
      %swap3A = arith.constant 12 : index
      %swap3A_538 = arith.constant 0 : index
      %swap3A_539 = vector.load %arg10[%swap3A, %swap3A_538] : memref<64x128xf32, #tpu.memory_space<vmem>>, vector<1x128xf32>
      %swap3A_540 = vector.shape_cast %swap3A_539 : vector<1x128xf32> to vector<128xf32>
      %swap3A_541 = vector.shape_cast %max3A : vector<128xf32> to vector<1x128xf32>
      tpu.vector_store %arg10[%swap3A, %swap3A_538], %swap3A_541 {strides = array<i32>} : memref<64x128xf32, #tpu.memory_space<vmem>>, vector<1x128xf32>,
    } else {
    }
    %le3A_116 = arith.constant 1.300000e+01 : f32
    %le3A_117 = arith.cmpf ole, %reduce_min3A_10, %le3A_116 : f32
    %ge3A_118 = arith.constant 1.300000e+01 : f32
    %ge3A_119 = arith.cmpf oge, %reduce_max3A_14, %ge3A_118 : f32
    %and3A_120 = arith.andi %le3A_117, %ge3A_119 : i1
    %convert_element_type3A_121 = arith.extui %and3A_120 : i1 to i32
    %cond3A_122 = arith.constant 0 : i32
    %cond3A_123 = arith.cmpi ne, %convert_element_type3A_121, %cond3A_122 : i32
    scf.if %cond3A_123 {
      %eq3A_529 = arith.constant 1.300000e+01 : f32
      %eq3A_530 = vector.broadcast %eq3A_529 : f32 to vector<2048x128xf32>
      %eq3A_531 = arith.cmpf oeq, %get3A_6, %eq3A_530 : vector<2048x128xf32>
      %jit3A = arith.constant 0xFF800000 : f32
      %broadcast_in_dim3A = vector.broadcast %jit3A : f32 to vector<2048x128xf32>
      %select_n3A = arith.select %eq3A_531, %get3A_3, %broadcast_in_dim3A : vector<2048x128xi1>, vector<2048x128xf32>
      %reduce_max3A_532 = arith.constant dense<0xFF800000> : vector<128xf32>
      %reduce_max3A_533 = vector.multi_reduction <maximumf>, %select_n3A, %reduce_max3A_532 [0] : vector<2048x128xf32> to vector<128xf32>
      %get3A_534 = arith.constant 13 : index
      %get3A_535 = arith.constant 0 : index
      %get3A_536 = vector.load %arg10[%get3A_534, %get3A_535] : memref<64x128xf32, #tpu.memory_space<vmem>>, vector<1x128xf32>
      %get3A_537 = vector.shape_cast %get3A_536 : vector<1x128xf32> to vector<128xf32>
      %max3A = arith.maximumf %get3A_537, %reduce_max3A_533 : vector<128xf32>
      %swap3A = arith.constant 13 : index
      %swap3A_538 = arith.constant 0 : index
      %swap3A_539 = vector.load %arg10[%swap3A, %swap3A_538] : memref<64x128xf32, #tpu.memory_space<vmem>>, vector<1x128xf32>
      %swap3A_540 = vector.shape_cast %swap3A_539 : vector<1x128xf32> to vector<128xf32>
      %swap3A_541 = vector.shape_cast %max3A : vector<128xf32> to vector<1x128xf32>
      tpu.vector_store %arg10[%swap3A, %swap3A_538], %swap3A_541 {strides = array<i32>} : memref<64x128xf32, #tpu.memory_space<vmem>>, vector<1x128xf32>,
    } else {
    }
    %le3A_124 = arith.constant 1.400000e+01 : f32
    %le3A_125 = arith.cmpf ole, %reduce_min3A_10, %le3A_124 : f32
    %ge3A_126 = arith.constant 1.400000e+01 : f32
    %ge3A_127 = arith.cmpf oge, %reduce_max3A_14, %ge3A_126 : f32
    %and3A_128 = arith.andi %le3A_125, %ge3A_127 : i1
    %convert_element_type3A_129 = arith.extui %and3A_128 : i1 to i32
    %cond3A_130 = arith.constant 0 : i32
    %cond3A_131 = arith.cmpi ne, %convert_element_type3A_129, %cond3A_130 : i32
    scf.if %cond3A_131 {
      %eq3A_529 = arith.constant 1.400000e+01 : f32
      %eq3A_530 = vector.broadcast %eq3A_529 : f32 to vector<2048x128xf32>
      %eq3A_531 = arith.cmpf oeq, %get3A_6, %eq3A_530 : vector<2048x128xf32>
      %jit3A = arith.constant 0xFF800000 : f32
      %broadcast_in_dim3A = vector.broadcast %jit3A : f32 to vector<2048x128xf32>
      %select_n3A = arith.select %eq3A_531, %get3A_3, %broadcast_in_dim3A : vector<2048x128xi1>, vector<2048x128xf32>
      %reduce_max3A_532 = arith.constant dense<0xFF800000> : vector<128xf32>
      %reduce_max3A_533 = vector.multi_reduction <maximumf>, %select_n3A, %reduce_max3A_532 [0] : vector<2048x128xf32> to vector<128xf32>
      %get3A_534 = arith.constant 14 : index
      %get3A_535 = arith.constant 0 : index
      %get3A_536 = vector.load %arg10[%get3A_534, %get3A_535] : memref<64x128xf32, #tpu.memory_space<vmem>>, vector<1x128xf32>
      %get3A_537 = vector.shape_cast %get3A_536 : vector<1x128xf32> to vector<128xf32>
      %max3A = arith.maximumf %get3A_537, %reduce_max3A_533 : vector<128xf32>
      %swap3A = arith.constant 14 : index
      %swap3A_538 = arith.constant 0 : index
      %swap3A_539 = vector.load %arg10[%swap3A, %swap3A_538] : memref<64x128xf32, #tpu.memory_space<vmem>>, vector<1x128xf32>
      %swap3A_540 = vector.shape_cast %swap3A_539 : vector<1x128xf32> to vector<128xf32>
      %swap3A_541 = vector.shape_cast %max3A : vector<128xf32> to vector<1x128xf32>
      tpu.vector_store %arg10[%swap3A, %swap3A_538], %swap3A_541 {strides = array<i32>} : memref<64x128xf32, #tpu.memory_space<vmem>>, vector<1x128xf32>,
    } else {
    }
    %le3A_132 = arith.constant 1.500000e+01 : f32
    %le3A_133 = arith.cmpf ole, %reduce_min3A_10, %le3A_132 : f32
    %ge3A_134 = arith.constant 1.500000e+01 : f32
    %ge3A_135 = arith.cmpf oge, %reduce_max3A_14, %ge3A_134 : f32
    %and3A_136 = arith.andi %le3A_133, %ge3A_135 : i1
    %convert_element_type3A_137 = arith.extui %and3A_136 : i1 to i32
    %cond3A_138 = arith.constant 0 : i32
    %cond3A_139 = arith.cmpi ne, %convert_element_type3A_137, %cond3A_138 : i32
    scf.if %cond3A_139 {
      %eq3A_529 = arith.constant 1.500000e+01 : f32
      %eq3A_530 = vector.broadcast %eq3A_529 : f32 to vector<2048x128xf32>
      %eq3A_531 = arith.cmpf oeq, %get3A_6, %eq3A_530 : vector<2048x128xf32>
      %jit3A = arith.constant 0xFF800000 : f32
      %broadcast_in_dim3A = vector.broadcast %jit3A : f32 to vector<2048x128xf32>
      %select_n3A = arith.select %eq3A_531, %get3A_3, %broadcast_in_dim3A : vector<2048x128xi1>, vector<2048x128xf32>
      %reduce_max3A_532 = arith.constant dense<0xFF800000> : vector<128xf32>
      %reduce_max3A_533 = vector.multi_reduction <maximumf>, %select_n3A, %reduce_max3A_532 [0] : vector<2048x128xf32> to vector<128xf32>
      %get3A_534 = arith.constant 15 : index
      %get3A_535 = arith.constant 0 : index
      %get3A_536 = vector.load %arg10[%get3A_534, %get3A_535] : memref<64x128xf32, #tpu.memory_space<vmem>>, vector<1x128xf32>
      %get3A_537 = vector.shape_cast %get3A_536 : vector<1x128xf32> to vector<128xf32>
      %max3A = arith.maximumf %get3A_537, %reduce_max3A_533 : vector<128xf32>
      %swap3A = arith.constant 15 : index
      %swap3A_538 = arith.constant 0 : index
      %swap3A_539 = vector.load %arg10[%swap3A, %swap3A_538] : memref<64x128xf32, #tpu.memory_space<vmem>>, vector<1x128xf32>
      %swap3A_540 = vector.shape_cast %swap3A_539 : vector<1x128xf32> to vector<128xf32>
      %swap3A_541 = vector.shape_cast %max3A : vector<128xf32> to vector<1x128xf32>
      tpu.vector_store %arg10[%swap3A, %swap3A_538], %swap3A_541 {strides = array<i32>} : memref<64x128xf32, #tpu.memory_space<vmem>>, vector<1x128xf32>,
    } else {
    }
    %le3A_140 = arith.constant 1.600000e+01 : f32
    %le3A_141 = arith.cmpf ole, %reduce_min3A_10, %le3A_140 : f32
    %ge3A_142 = arith.constant 1.600000e+01 : f32
    %ge3A_143 = arith.cmpf oge, %reduce_max3A_14, %ge3A_142 : f32
    %and3A_144 = arith.andi %le3A_141, %ge3A_143 : i1
    %convert_element_type3A_145 = arith.extui %and3A_144 : i1 to i32
    %cond3A_146 = arith.constant 0 : i32
    %cond3A_147 = arith.cmpi ne, %convert_element_type3A_145, %cond3A_146 : i32
    scf.if %cond3A_147 {
      %eq3A_529 = arith.constant 1.600000e+01 : f32
      %eq3A_530 = vector.broadcast %eq3A_529 : f32 to vector<2048x128xf32>
      %eq3A_531 = arith.cmpf oeq, %get3A_6, %eq3A_530 : vector<2048x128xf32>
      %jit3A = arith.constant 0xFF800000 : f32
      %broadcast_in_dim3A = vector.broadcast %jit3A : f32 to vector<2048x128xf32>
      %select_n3A = arith.select %eq3A_531, %get3A_3, %broadcast_in_dim3A : vector<2048x128xi1>, vector<2048x128xf32>
      %reduce_max3A_532 = arith.constant dense<0xFF800000> : vector<128xf32>
      %reduce_max3A_533 = vector.multi_reduction <maximumf>, %select_n3A, %reduce_max3A_532 [0] : vector<2048x128xf32> to vector<128xf32>
      %get3A_534 = arith.constant 16 : index
      %get3A_535 = arith.constant 0 : index
      %get3A_536 = vector.load %arg10[%get3A_534, %get3A_535] : memref<64x128xf32, #tpu.memory_space<vmem>>, vector<1x128xf32>
      %get3A_537 = vector.shape_cast %get3A_536 : vector<1x128xf32> to vector<128xf32>
      %max3A = arith.maximumf %get3A_537, %reduce_max3A_533 : vector<128xf32>
      %swap3A = arith.constant 16 : index
      %swap3A_538 = arith.constant 0 : index
      %swap3A_539 = vector.load %arg10[%swap3A, %swap3A_538] : memref<64x128xf32, #tpu.memory_space<vmem>>, vector<1x128xf32>
      %swap3A_540 = vector.shape_cast %swap3A_539 : vector<1x128xf32> to vector<128xf32>
      %swap3A_541 = vector.shape_cast %max3A : vector<128xf32> to vector<1x128xf32>
      tpu.vector_store %arg10[%swap3A, %swap3A_538], %swap3A_541 {strides = array<i32>} : memref<64x128xf32, #tpu.memory_space<vmem>>, vector<1x128xf32>,
    } else {
    }
    %le3A_148 = arith.constant 1.700000e+01 : f32
    %le3A_149 = arith.cmpf ole, %reduce_min3A_10, %le3A_148 : f32
    %ge3A_150 = arith.constant 1.700000e+01 : f32
    %ge3A_151 = arith.cmpf oge, %reduce_max3A_14, %ge3A_150 : f32
    %and3A_152 = arith.andi %le3A_149, %ge3A_151 : i1
    %convert_element_type3A_153 = arith.extui %and3A_152 : i1 to i32
    %cond3A_154 = arith.constant 0 : i32
    %cond3A_155 = arith.cmpi ne, %convert_element_type3A_153, %cond3A_154 : i32
    scf.if %cond3A_155 {
      %eq3A_529 = arith.constant 1.700000e+01 : f32
      %eq3A_530 = vector.broadcast %eq3A_529 : f32 to vector<2048x128xf32>
      %eq3A_531 = arith.cmpf oeq, %get3A_6, %eq3A_530 : vector<2048x128xf32>
      %jit3A = arith.constant 0xFF800000 : f32
      %broadcast_in_dim3A = vector.broadcast %jit3A : f32 to vector<2048x128xf32>
      %select_n3A = arith.select %eq3A_531, %get3A_3, %broadcast_in_dim3A : vector<2048x128xi1>, vector<2048x128xf32>
      %reduce_max3A_532 = arith.constant dense<0xFF800000> : vector<128xf32>
      %reduce_max3A_533 = vector.multi_reduction <maximumf>, %select_n3A, %reduce_max3A_532 [0] : vector<2048x128xf32> to vector<128xf32>
      %get3A_534 = arith.constant 17 : index
      %get3A_535 = arith.constant 0 : index
      %get3A_536 = vector.load %arg10[%get3A_534, %get3A_535] : memref<64x128xf32, #tpu.memory_space<vmem>>, vector<1x128xf32>
      %get3A_537 = vector.shape_cast %get3A_536 : vector<1x128xf32> to vector<128xf32>
      %max3A = arith.maximumf %get3A_537, %reduce_max3A_533 : vector<128xf32>
      %swap3A = arith.constant 17 : index
      %swap3A_538 = arith.constant 0 : index
      %swap3A_539 = vector.load %arg10[%swap3A, %swap3A_538] : memref<64x128xf32, #tpu.memory_space<vmem>>, vector<1x128xf32>
      %swap3A_540 = vector.shape_cast %swap3A_539 : vector<1x128xf32> to vector<128xf32>
      %swap3A_541 = vector.shape_cast %max3A : vector<128xf32> to vector<1x128xf32>
      tpu.vector_store %arg10[%swap3A, %swap3A_538], %swap3A_541 {strides = array<i32>} : memref<64x128xf32, #tpu.memory_space<vmem>>, vector<1x128xf32>,
    } else {
    }
    %le3A_156 = arith.constant 1.800000e+01 : f32
    %le3A_157 = arith.cmpf ole, %reduce_min3A_10, %le3A_156 : f32
    %ge3A_158 = arith.constant 1.800000e+01 : f32
    %ge3A_159 = arith.cmpf oge, %reduce_max3A_14, %ge3A_158 : f32
    %and3A_160 = arith.andi %le3A_157, %ge3A_159 : i1
    %convert_element_type3A_161 = arith.extui %and3A_160 : i1 to i32
    %cond3A_162 = arith.constant 0 : i32
    %cond3A_163 = arith.cmpi ne, %convert_element_type3A_161, %cond3A_162 : i32
    scf.if %cond3A_163 {
      %eq3A_529 = arith.constant 1.800000e+01 : f32
      %eq3A_530 = vector.broadcast %eq3A_529 : f32 to vector<2048x128xf32>
      %eq3A_531 = arith.cmpf oeq, %get3A_6, %eq3A_530 : vector<2048x128xf32>
      %jit3A = arith.constant 0xFF800000 : f32
      %broadcast_in_dim3A = vector.broadcast %jit3A : f32 to vector<2048x128xf32>
      %select_n3A = arith.select %eq3A_531, %get3A_3, %broadcast_in_dim3A : vector<2048x128xi1>, vector<2048x128xf32>
      %reduce_max3A_532 = arith.constant dense<0xFF800000> : vector<128xf32>
      %reduce_max3A_533 = vector.multi_reduction <maximumf>, %select_n3A, %reduce_max3A_532 [0] : vector<2048x128xf32> to vector<128xf32>
      %get3A_534 = arith.constant 18 : index
      %get3A_535 = arith.constant 0 : index
      %get3A_536 = vector.load %arg10[%get3A_534, %get3A_535] : memref<64x128xf32, #tpu.memory_space<vmem>>, vector<1x128xf32>
      %get3A_537 = vector.shape_cast %get3A_536 : vector<1x128xf32> to vector<128xf32>
      %max3A = arith.maximumf %get3A_537, %reduce_max3A_533 : vector<128xf32>
      %swap3A = arith.constant 18 : index
      %swap3A_538 = arith.constant 0 : index
      %swap3A_539 = vector.load %arg10[%swap3A, %swap3A_538] : memref<64x128xf32, #tpu.memory_space<vmem>>, vector<1x128xf32>
      %swap3A_540 = vector.shape_cast %swap3A_539 : vector<1x128xf32> to vector<128xf32>
      %swap3A_541 = vector.shape_cast %max3A : vector<128xf32> to vector<1x128xf32>
      tpu.vector_store %arg10[%swap3A, %swap3A_538], %swap3A_541 {strides = array<i32>} : memref<64x128xf32, #tpu.memory_space<vmem>>, vector<1x128xf32>,
    } else {
    }
    %le3A_164 = arith.constant 1.900000e+01 : f32
    %le3A_165 = arith.cmpf ole, %reduce_min3A_10, %le3A_164 : f32
    %ge3A_166 = arith.constant 1.900000e+01 : f32
    %ge3A_167 = arith.cmpf oge, %reduce_max3A_14, %ge3A_166 : f32
    %and3A_168 = arith.andi %le3A_165, %ge3A_167 : i1
    %convert_element_type3A_169 = arith.extui %and3A_168 : i1 to i32
    %cond3A_170 = arith.constant 0 : i32
    %cond3A_171 = arith.cmpi ne, %convert_element_type3A_169, %cond3A_170 : i32
    scf.if %cond3A_171 {
      %eq3A_529 = arith.constant 1.900000e+01 : f32
      %eq3A_530 = vector.broadcast %eq3A_529 : f32 to vector<2048x128xf32>
      %eq3A_531 = arith.cmpf oeq, %get3A_6, %eq3A_530 : vector<2048x128xf32>
      %jit3A = arith.constant 0xFF800000 : f32
      %broadcast_in_dim3A = vector.broadcast %jit3A : f32 to vector<2048x128xf32>
      %select_n3A = arith.select %eq3A_531, %get3A_3, %broadcast_in_dim3A : vector<2048x128xi1>, vector<2048x128xf32>
      %reduce_max3A_532 = arith.constant dense<0xFF800000> : vector<128xf32>
      %reduce_max3A_533 = vector.multi_reduction <maximumf>, %select_n3A, %reduce_max3A_532 [0] : vector<2048x128xf32> to vector<128xf32>
      %get3A_534 = arith.constant 19 : index
      %get3A_535 = arith.constant 0 : index
      %get3A_536 = vector.load %arg10[%get3A_534, %get3A_535] : memref<64x128xf32, #tpu.memory_space<vmem>>, vector<1x128xf32>
      %get3A_537 = vector.shape_cast %get3A_536 : vector<1x128xf32> to vector<128xf32>
      %max3A = arith.maximumf %get3A_537, %reduce_max3A_533 : vector<128xf32>
      %swap3A = arith.constant 19 : index
      %swap3A_538 = arith.constant 0 : index
      %swap3A_539 = vector.load %arg10[%swap3A, %swap3A_538] : memref<64x128xf32, #tpu.memory_space<vmem>>, vector<1x128xf32>
      %swap3A_540 = vector.shape_cast %swap3A_539 : vector<1x128xf32> to vector<128xf32>
      %swap3A_541 = vector.shape_cast %max3A : vector<128xf32> to vector<1x128xf32>
      tpu.vector_store %arg10[%swap3A, %swap3A_538], %swap3A_541 {strides = array<i32>} : memref<64x128xf32, #tpu.memory_space<vmem>>, vector<1x128xf32>,
    } else {
    }
    %le3A_172 = arith.constant 2.000000e+01 : f32
    %le3A_173 = arith.cmpf ole, %reduce_min3A_10, %le3A_172 : f32
    %ge3A_174 = arith.constant 2.000000e+01 : f32
    %ge3A_175 = arith.cmpf oge, %reduce_max3A_14, %ge3A_174 : f32
    %and3A_176 = arith.andi %le3A_173, %ge3A_175 : i1
    %convert_element_type3A_177 = arith.extui %and3A_176 : i1 to i32
    %cond3A_178 = arith.constant 0 : i32
    %cond3A_179 = arith.cmpi ne, %convert_element_type3A_177, %cond3A_178 : i32
    scf.if %cond3A_179 {
      %eq3A_529 = arith.constant 2.000000e+01 : f32
      %eq3A_530 = vector.broadcast %eq3A_529 : f32 to vector<2048x128xf32>
      %eq3A_531 = arith.cmpf oeq, %get3A_6, %eq3A_530 : vector<2048x128xf32>
      %jit3A = arith.constant 0xFF800000 : f32
      %broadcast_in_dim3A = vector.broadcast %jit3A : f32 to vector<2048x128xf32>
      %select_n3A = arith.select %eq3A_531, %get3A_3, %broadcast_in_dim3A : vector<2048x128xi1>, vector<2048x128xf32>
      %reduce_max3A_532 = arith.constant dense<0xFF800000> : vector<128xf32>
      %reduce_max3A_533 = vector.multi_reduction <maximumf>, %select_n3A, %reduce_max3A_532 [0] : vector<2048x128xf32> to vector<128xf32>
      %get3A_534 = arith.constant 20 : index
      %get3A_535 = arith.constant 0 : index
      %get3A_536 = vector.load %arg10[%get3A_534, %get3A_535] : memref<64x128xf32, #tpu.memory_space<vmem>>, vector<1x128xf32>
      %get3A_537 = vector.shape_cast %get3A_536 : vector<1x128xf32> to vector<128xf32>
      %max3A = arith.maximumf %get3A_537, %reduce_max3A_533 : vector<128xf32>
      %swap3A = arith.constant 20 : index
      %swap3A_538 = arith.constant 0 : index
      %swap3A_539 = vector.load %arg10[%swap3A, %swap3A_538] : memref<64x128xf32, #tpu.memory_space<vmem>>, vector<1x128xf32>
      %swap3A_540 = vector.shape_cast %swap3A_539 : vector<1x128xf32> to vector<128xf32>
      %swap3A_541 = vector.shape_cast %max3A : vector<128xf32> to vector<1x128xf32>
      tpu.vector_store %arg10[%swap3A, %swap3A_538], %swap3A_541 {strides = array<i32>} : memref<64x128xf32, #tpu.memory_space<vmem>>, vector<1x128xf32>,
    } else {
    }
    %le3A_180 = arith.constant 2.100000e+01 : f32
    %le3A_181 = arith.cmpf ole, %reduce_min3A_10, %le3A_180 : f32
    %ge3A_182 = arith.constant 2.100000e+01 : f32
    %ge3A_183 = arith.cmpf oge, %reduce_max3A_14, %ge3A_182 : f32
    %and3A_184 = arith.andi %le3A_181, %ge3A_183 : i1
    %convert_element_type3A_185 = arith.extui %and3A_184 : i1 to i32
    %cond3A_186 = arith.constant 0 : i32
    %cond3A_187 = arith.cmpi ne, %convert_element_type3A_185, %cond3A_186 : i32
    scf.if %cond3A_187 {
      %eq3A_529 = arith.constant 2.100000e+01 : f32
      %eq3A_530 = vector.broadcast %eq3A_529 : f32 to vector<2048x128xf32>
      %eq3A_531 = arith.cmpf oeq, %get3A_6, %eq3A_530 : vector<2048x128xf32>
      %jit3A = arith.constant 0xFF800000 : f32
      %broadcast_in_dim3A = vector.broadcast %jit3A : f32 to vector<2048x128xf32>
      %select_n3A = arith.select %eq3A_531, %get3A_3, %broadcast_in_dim3A : vector<2048x128xi1>, vector<2048x128xf32>
      %reduce_max3A_532 = arith.constant dense<0xFF800000> : vector<128xf32>
      %reduce_max3A_533 = vector.multi_reduction <maximumf>, %select_n3A, %reduce_max3A_532 [0] : vector<2048x128xf32> to vector<128xf32>
      %get3A_534 = arith.constant 21 : index
      %get3A_535 = arith.constant 0 : index
      %get3A_536 = vector.load %arg10[%get3A_534, %get3A_535] : memref<64x128xf32, #tpu.memory_space<vmem>>, vector<1x128xf32>
      %get3A_537 = vector.shape_cast %get3A_536 : vector<1x128xf32> to vector<128xf32>
      %max3A = arith.maximumf %get3A_537, %reduce_max3A_533 : vector<128xf32>
      %swap3A = arith.constant 21 : index
      %swap3A_538 = arith.constant 0 : index
      %swap3A_539 = vector.load %arg10[%swap3A, %swap3A_538] : memref<64x128xf32, #tpu.memory_space<vmem>>, vector<1x128xf32>
      %swap3A_540 = vector.shape_cast %swap3A_539 : vector<1x128xf32> to vector<128xf32>
      %swap3A_541 = vector.shape_cast %max3A : vector<128xf32> to vector<1x128xf32>
      tpu.vector_store %arg10[%swap3A, %swap3A_538], %swap3A_541 {strides = array<i32>} : memref<64x128xf32, #tpu.memory_space<vmem>>, vector<1x128xf32>,
    } else {
    }
    %le3A_188 = arith.constant 2.200000e+01 : f32
    %le3A_189 = arith.cmpf ole, %reduce_min3A_10, %le3A_188 : f32
    %ge3A_190 = arith.constant 2.200000e+01 : f32
    %ge3A_191 = arith.cmpf oge, %reduce_max3A_14, %ge3A_190 : f32
    %and3A_192 = arith.andi %le3A_189, %ge3A_191 : i1
    %convert_element_type3A_193 = arith.extui %and3A_192 : i1 to i32
    %cond3A_194 = arith.constant 0 : i32
    %cond3A_195 = arith.cmpi ne, %convert_element_type3A_193, %cond3A_194 : i32
    scf.if %cond3A_195 {
      %eq3A_529 = arith.constant 2.200000e+01 : f32
      %eq3A_530 = vector.broadcast %eq3A_529 : f32 to vector<2048x128xf32>
      %eq3A_531 = arith.cmpf oeq, %get3A_6, %eq3A_530 : vector<2048x128xf32>
      %jit3A = arith.constant 0xFF800000 : f32
      %broadcast_in_dim3A = vector.broadcast %jit3A : f32 to vector<2048x128xf32>
      %select_n3A = arith.select %eq3A_531, %get3A_3, %broadcast_in_dim3A : vector<2048x128xi1>, vector<2048x128xf32>
      %reduce_max3A_532 = arith.constant dense<0xFF800000> : vector<128xf32>
      %reduce_max3A_533 = vector.multi_reduction <maximumf>, %select_n3A, %reduce_max3A_532 [0] : vector<2048x128xf32> to vector<128xf32>
      %get3A_534 = arith.constant 22 : index
      %get3A_535 = arith.constant 0 : index
      %get3A_536 = vector.load %arg10[%get3A_534, %get3A_535] : memref<64x128xf32, #tpu.memory_space<vmem>>, vector<1x128xf32>
      %get3A_537 = vector.shape_cast %get3A_536 : vector<1x128xf32> to vector<128xf32>
      %max3A = arith.maximumf %get3A_537, %reduce_max3A_533 : vector<128xf32>
      %swap3A = arith.constant 22 : index
      %swap3A_538 = arith.constant 0 : index
      %swap3A_539 = vector.load %arg10[%swap3A, %swap3A_538] : memref<64x128xf32, #tpu.memory_space<vmem>>, vector<1x128xf32>
      %swap3A_540 = vector.shape_cast %swap3A_539 : vector<1x128xf32> to vector<128xf32>
      %swap3A_541 = vector.shape_cast %max3A : vector<128xf32> to vector<1x128xf32>
      tpu.vector_store %arg10[%swap3A, %swap3A_538], %swap3A_541 {strides = array<i32>} : memref<64x128xf32, #tpu.memory_space<vmem>>, vector<1x128xf32>,
    } else {
    }
    %le3A_196 = arith.constant 2.300000e+01 : f32
    %le3A_197 = arith.cmpf ole, %reduce_min3A_10, %le3A_196 : f32
    %ge3A_198 = arith.constant 2.300000e+01 : f32
    %ge3A_199 = arith.cmpf oge, %reduce_max3A_14, %ge3A_198 : f32
    %and3A_200 = arith.andi %le3A_197, %ge3A_199 : i1
    %convert_element_type3A_201 = arith.extui %and3A_200 : i1 to i32
    %cond3A_202 = arith.constant 0 : i32
    %cond3A_203 = arith.cmpi ne, %convert_element_type3A_201, %cond3A_202 : i32
    scf.if %cond3A_203 {
      %eq3A_529 = arith.constant 2.300000e+01 : f32
      %eq3A_530 = vector.broadcast %eq3A_529 : f32 to vector<2048x128xf32>
      %eq3A_531 = arith.cmpf oeq, %get3A_6, %eq3A_530 : vector<2048x128xf32>
      %jit3A = arith.constant 0xFF800000 : f32
      %broadcast_in_dim3A = vector.broadcast %jit3A : f32 to vector<2048x128xf32>
      %select_n3A = arith.select %eq3A_531, %get3A_3, %broadcast_in_dim3A : vector<2048x128xi1>, vector<2048x128xf32>
      %reduce_max3A_532 = arith.constant dense<0xFF800000> : vector<128xf32>
      %reduce_max3A_533 = vector.multi_reduction <maximumf>, %select_n3A, %reduce_max3A_532 [0] : vector<2048x128xf32> to vector<128xf32>
      %get3A_534 = arith.constant 23 : index
      %get3A_535 = arith.constant 0 : index
      %get3A_536 = vector.load %arg10[%get3A_534, %get3A_535] : memref<64x128xf32, #tpu.memory_space<vmem>>, vector<1x128xf32>
      %get3A_537 = vector.shape_cast %get3A_536 : vector<1x128xf32> to vector<128xf32>
      %max3A = arith.maximumf %get3A_537, %reduce_max3A_533 : vector<128xf32>
      %swap3A = arith.constant 23 : index
      %swap3A_538 = arith.constant 0 : index
      %swap3A_539 = vector.load %arg10[%swap3A, %swap3A_538] : memref<64x128xf32, #tpu.memory_space<vmem>>, vector<1x128xf32>
      %swap3A_540 = vector.shape_cast %swap3A_539 : vector<1x128xf32> to vector<128xf32>
      %swap3A_541 = vector.shape_cast %max3A : vector<128xf32> to vector<1x128xf32>
      tpu.vector_store %arg10[%swap3A, %swap3A_538], %swap3A_541 {strides = array<i32>} : memref<64x128xf32, #tpu.memory_space<vmem>>, vector<1x128xf32>,
    } else {
    }
    %le3A_204 = arith.constant 2.400000e+01 : f32
    %le3A_205 = arith.cmpf ole, %reduce_min3A_10, %le3A_204 : f32
    %ge3A_206 = arith.constant 2.400000e+01 : f32
    %ge3A_207 = arith.cmpf oge, %reduce_max3A_14, %ge3A_206 : f32
    %and3A_208 = arith.andi %le3A_205, %ge3A_207 : i1
    %convert_element_type3A_209 = arith.extui %and3A_208 : i1 to i32
    %cond3A_210 = arith.constant 0 : i32
    %cond3A_211 = arith.cmpi ne, %convert_element_type3A_209, %cond3A_210 : i32
    scf.if %cond3A_211 {
      %eq3A_529 = arith.constant 2.400000e+01 : f32
      %eq3A_530 = vector.broadcast %eq3A_529 : f32 to vector<2048x128xf32>
      %eq3A_531 = arith.cmpf oeq, %get3A_6, %eq3A_530 : vector<2048x128xf32>
      %jit3A = arith.constant 0xFF800000 : f32
      %broadcast_in_dim3A = vector.broadcast %jit3A : f32 to vector<2048x128xf32>
      %select_n3A = arith.select %eq3A_531, %get3A_3, %broadcast_in_dim3A : vector<2048x128xi1>, vector<2048x128xf32>
      %reduce_max3A_532 = arith.constant dense<0xFF800000> : vector<128xf32>
      %reduce_max3A_533 = vector.multi_reduction <maximumf>, %select_n3A, %reduce_max3A_532 [0] : vector<2048x128xf32> to vector<128xf32>
      %get3A_534 = arith.constant 24 : index
      %get3A_535 = arith.constant 0 : index
      %get3A_536 = vector.load %arg10[%get3A_534, %get3A_535] : memref<64x128xf32, #tpu.memory_space<vmem>>, vector<1x128xf32>
      %get3A_537 = vector.shape_cast %get3A_536 : vector<1x128xf32> to vector<128xf32>
      %max3A = arith.maximumf %get3A_537, %reduce_max3A_533 : vector<128xf32>
      %swap3A = arith.constant 24 : index
      %swap3A_538 = arith.constant 0 : index
      %swap3A_539 = vector.load %arg10[%swap3A, %swap3A_538] : memref<64x128xf32, #tpu.memory_space<vmem>>, vector<1x128xf32>
      %swap3A_540 = vector.shape_cast %swap3A_539 : vector<1x128xf32> to vector<128xf32>
      %swap3A_541 = vector.shape_cast %max3A : vector<128xf32> to vector<1x128xf32>
      tpu.vector_store %arg10[%swap3A, %swap3A_538], %swap3A_541 {strides = array<i32>} : memref<64x128xf32, #tpu.memory_space<vmem>>, vector<1x128xf32>,
    } else {
    }
    %le3A_212 = arith.constant 2.500000e+01 : f32
    %le3A_213 = arith.cmpf ole, %reduce_min3A_10, %le3A_212 : f32
    %ge3A_214 = arith.constant 2.500000e+01 : f32
    %ge3A_215 = arith.cmpf oge, %reduce_max3A_14, %ge3A_214 : f32
    %and3A_216 = arith.andi %le3A_213, %ge3A_215 : i1
    %convert_element_type3A_217 = arith.extui %and3A_216 : i1 to i32
    %cond3A_218 = arith.constant 0 : i32
    %cond3A_219 = arith.cmpi ne, %convert_element_type3A_217, %cond3A_218 : i32
    scf.if %cond3A_219 {
      %eq3A_529 = arith.constant 2.500000e+01 : f32
      %eq3A_530 = vector.broadcast %eq3A_529 : f32 to vector<2048x128xf32>
      %eq3A_531 = arith.cmpf oeq, %get3A_6, %eq3A_530 : vector<2048x128xf32>
      %jit3A = arith.constant 0xFF800000 : f32
      %broadcast_in_dim3A = vector.broadcast %jit3A : f32 to vector<2048x128xf32>
      %select_n3A = arith.select %eq3A_531, %get3A_3, %broadcast_in_dim3A : vector<2048x128xi1>, vector<2048x128xf32>
      %reduce_max3A_532 = arith.constant dense<0xFF800000> : vector<128xf32>
      %reduce_max3A_533 = vector.multi_reduction <maximumf>, %select_n3A, %reduce_max3A_532 [0] : vector<2048x128xf32> to vector<128xf32>
      %get3A_534 = arith.constant 25 : index
      %get3A_535 = arith.constant 0 : index
      %get3A_536 = vector.load %arg10[%get3A_534, %get3A_535] : memref<64x128xf32, #tpu.memory_space<vmem>>, vector<1x128xf32>
      %get3A_537 = vector.shape_cast %get3A_536 : vector<1x128xf32> to vector<128xf32>
      %max3A = arith.maximumf %get3A_537, %reduce_max3A_533 : vector<128xf32>
      %swap3A = arith.constant 25 : index
      %swap3A_538 = arith.constant 0 : index
      %swap3A_539 = vector.load %arg10[%swap3A, %swap3A_538] : memref<64x128xf32, #tpu.memory_space<vmem>>, vector<1x128xf32>
      %swap3A_540 = vector.shape_cast %swap3A_539 : vector<1x128xf32> to vector<128xf32>
      %swap3A_541 = vector.shape_cast %max3A : vector<128xf32> to vector<1x128xf32>
      tpu.vector_store %arg10[%swap3A, %swap3A_538], %swap3A_541 {strides = array<i32>} : memref<64x128xf32, #tpu.memory_space<vmem>>, vector<1x128xf32>,
    } else {
    }
    %le3A_220 = arith.constant 2.600000e+01 : f32
    %le3A_221 = arith.cmpf ole, %reduce_min3A_10, %le3A_220 : f32
    %ge3A_222 = arith.constant 2.600000e+01 : f32
    %ge3A_223 = arith.cmpf oge, %reduce_max3A_14, %ge3A_222 : f32
    %and3A_224 = arith.andi %le3A_221, %ge3A_223 : i1
    %convert_element_type3A_225 = arith.extui %and3A_224 : i1 to i32
    %cond3A_226 = arith.constant 0 : i32
    %cond3A_227 = arith.cmpi ne, %convert_element_type3A_225, %cond3A_226 : i32
    scf.if %cond3A_227 {
      %eq3A_529 = arith.constant 2.600000e+01 : f32
      %eq3A_530 = vector.broadcast %eq3A_529 : f32 to vector<2048x128xf32>
      %eq3A_531 = arith.cmpf oeq, %get3A_6, %eq3A_530 : vector<2048x128xf32>
      %jit3A = arith.constant 0xFF800000 : f32
      %broadcast_in_dim3A = vector.broadcast %jit3A : f32 to vector<2048x128xf32>
      %select_n3A = arith.select %eq3A_531, %get3A_3, %broadcast_in_dim3A : vector<2048x128xi1>, vector<2048x128xf32>
      %reduce_max3A_532 = arith.constant dense<0xFF800000> : vector<128xf32>
      %reduce_max3A_533 = vector.multi_reduction <maximumf>, %select_n3A, %reduce_max3A_532 [0] : vector<2048x128xf32> to vector<128xf32>
      %get3A_534 = arith.constant 26 : index
      %get3A_535 = arith.constant 0 : index
      %get3A_536 = vector.load %arg10[%get3A_534, %get3A_535] : memref<64x128xf32, #tpu.memory_space<vmem>>, vector<1x128xf32>
      %get3A_537 = vector.shape_cast %get3A_536 : vector<1x128xf32> to vector<128xf32>
      %max3A = arith.maximumf %get3A_537, %reduce_max3A_533 : vector<128xf32>
      %swap3A = arith.constant 26 : index
      %swap3A_538 = arith.constant 0 : index
      %swap3A_539 = vector.load %arg10[%swap3A, %swap3A_538] : memref<64x128xf32, #tpu.memory_space<vmem>>, vector<1x128xf32>
      %swap3A_540 = vector.shape_cast %swap3A_539 : vector<1x128xf32> to vector<128xf32>
      %swap3A_541 = vector.shape_cast %max3A : vector<128xf32> to vector<1x128xf32>
      tpu.vector_store %arg10[%swap3A, %swap3A_538], %swap3A_541 {strides = array<i32>} : memref<64x128xf32, #tpu.memory_space<vmem>>, vector<1x128xf32>,
    } else {
    }
    %le3A_228 = arith.constant 2.700000e+01 : f32
    %le3A_229 = arith.cmpf ole, %reduce_min3A_10, %le3A_228 : f32
    %ge3A_230 = arith.constant 2.700000e+01 : f32
    %ge3A_231 = arith.cmpf oge, %reduce_max3A_14, %ge3A_230 : f32
    %and3A_232 = arith.andi %le3A_229, %ge3A_231 : i1
    %convert_element_type3A_233 = arith.extui %and3A_232 : i1 to i32
    %cond3A_234 = arith.constant 0 : i32
    %cond3A_235 = arith.cmpi ne, %convert_element_type3A_233, %cond3A_234 : i32
    scf.if %cond3A_235 {
      %eq3A_529 = arith.constant 2.700000e+01 : f32
      %eq3A_530 = vector.broadcast %eq3A_529 : f32 to vector<2048x128xf32>
      %eq3A_531 = arith.cmpf oeq, %get3A_6, %eq3A_530 : vector<2048x128xf32>
      %jit3A = arith.constant 0xFF800000 : f32
      %broadcast_in_dim3A = vector.broadcast %jit3A : f32 to vector<2048x128xf32>
      %select_n3A = arith.select %eq3A_531, %get3A_3, %broadcast_in_dim3A : vector<2048x128xi1>, vector<2048x128xf32>
      %reduce_max3A_532 = arith.constant dense<0xFF800000> : vector<128xf32>
      %reduce_max3A_533 = vector.multi_reduction <maximumf>, %select_n3A, %reduce_max3A_532 [0] : vector<2048x128xf32> to vector<128xf32>
      %get3A_534 = arith.constant 27 : index
      %get3A_535 = arith.constant 0 : index
      %get3A_536 = vector.load %arg10[%get3A_534, %get3A_535] : memref<64x128xf32, #tpu.memory_space<vmem>>, vector<1x128xf32>
      %get3A_537 = vector.shape_cast %get3A_536 : vector<1x128xf32> to vector<128xf32>
      %max3A = arith.maximumf %get3A_537, %reduce_max3A_533 : vector<128xf32>
      %swap3A = arith.constant 27 : index
      %swap3A_538 = arith.constant 0 : index
      %swap3A_539 = vector.load %arg10[%swap3A, %swap3A_538] : memref<64x128xf32, #tpu.memory_space<vmem>>, vector<1x128xf32>
      %swap3A_540 = vector.shape_cast %swap3A_539 : vector<1x128xf32> to vector<128xf32>
      %swap3A_541 = vector.shape_cast %max3A : vector<128xf32> to vector<1x128xf32>
      tpu.vector_store %arg10[%swap3A, %swap3A_538], %swap3A_541 {strides = array<i32>} : memref<64x128xf32, #tpu.memory_space<vmem>>, vector<1x128xf32>,
    } else {
    }
    %le3A_236 = arith.constant 2.800000e+01 : f32
    %le3A_237 = arith.cmpf ole, %reduce_min3A_10, %le3A_236 : f32
    %ge3A_238 = arith.constant 2.800000e+01 : f32
    %ge3A_239 = arith.cmpf oge, %reduce_max3A_14, %ge3A_238 : f32
    %and3A_240 = arith.andi %le3A_237, %ge3A_239 : i1
    %convert_element_type3A_241 = arith.extui %and3A_240 : i1 to i32
    %cond3A_242 = arith.constant 0 : i32
    %cond3A_243 = arith.cmpi ne, %convert_element_type3A_241, %cond3A_242 : i32
    scf.if %cond3A_243 {
      %eq3A_529 = arith.constant 2.800000e+01 : f32
      %eq3A_530 = vector.broadcast %eq3A_529 : f32 to vector<2048x128xf32>
      %eq3A_531 = arith.cmpf oeq, %get3A_6, %eq3A_530 : vector<2048x128xf32>
      %jit3A = arith.constant 0xFF800000 : f32
      %broadcast_in_dim3A = vector.broadcast %jit3A : f32 to vector<2048x128xf32>
      %select_n3A = arith.select %eq3A_531, %get3A_3, %broadcast_in_dim3A : vector<2048x128xi1>, vector<2048x128xf32>
      %reduce_max3A_532 = arith.constant dense<0xFF800000> : vector<128xf32>
      %reduce_max3A_533 = vector.multi_reduction <maximumf>, %select_n3A, %reduce_max3A_532 [0] : vector<2048x128xf32> to vector<128xf32>
      %get3A_534 = arith.constant 28 : index
      %get3A_535 = arith.constant 0 : index
      %get3A_536 = vector.load %arg10[%get3A_534, %get3A_535] : memref<64x128xf32, #tpu.memory_space<vmem>>, vector<1x128xf32>
      %get3A_537 = vector.shape_cast %get3A_536 : vector<1x128xf32> to vector<128xf32>
      %max3A = arith.maximumf %get3A_537, %reduce_max3A_533 : vector<128xf32>
      %swap3A = arith.constant 28 : index
      %swap3A_538 = arith.constant 0 : index
      %swap3A_539 = vector.load %arg10[%swap3A, %swap3A_538] : memref<64x128xf32, #tpu.memory_space<vmem>>, vector<1x128xf32>
      %swap3A_540 = vector.shape_cast %swap3A_539 : vector<1x128xf32> to vector<128xf32>
      %swap3A_541 = vector.shape_cast %max3A : vector<128xf32> to vector<1x128xf32>
      tpu.vector_store %arg10[%swap3A, %swap3A_538], %swap3A_541 {strides = array<i32>} : memref<64x128xf32, #tpu.memory_space<vmem>>, vector<1x128xf32>,
    } else {
    }
    %le3A_244 = arith.constant 2.900000e+01 : f32
    %le3A_245 = arith.cmpf ole, %reduce_min3A_10, %le3A_244 : f32
    %ge3A_246 = arith.constant 2.900000e+01 : f32
    %ge3A_247 = arith.cmpf oge, %reduce_max3A_14, %ge3A_246 : f32
    %and3A_248 = arith.andi %le3A_245, %ge3A_247 : i1
    %convert_element_type3A_249 = arith.extui %and3A_248 : i1 to i32
    %cond3A_250 = arith.constant 0 : i32
    %cond3A_251 = arith.cmpi ne, %convert_element_type3A_249, %cond3A_250 : i32
    scf.if %cond3A_251 {
      %eq3A_529 = arith.constant 2.900000e+01 : f32
      %eq3A_530 = vector.broadcast %eq3A_529 : f32 to vector<2048x128xf32>
      %eq3A_531 = arith.cmpf oeq, %get3A_6, %eq3A_530 : vector<2048x128xf32>
      %jit3A = arith.constant 0xFF800000 : f32
      %broadcast_in_dim3A = vector.broadcast %jit3A : f32 to vector<2048x128xf32>
      %select_n3A = arith.select %eq3A_531, %get3A_3, %broadcast_in_dim3A : vector<2048x128xi1>, vector<2048x128xf32>
      %reduce_max3A_532 = arith.constant dense<0xFF800000> : vector<128xf32>
      %reduce_max3A_533 = vector.multi_reduction <maximumf>, %select_n3A, %reduce_max3A_532 [0] : vector<2048x128xf32> to vector<128xf32>
      %get3A_534 = arith.constant 29 : index
      %get3A_535 = arith.constant 0 : index
      %get3A_536 = vector.load %arg10[%get3A_534, %get3A_535] : memref<64x128xf32, #tpu.memory_space<vmem>>, vector<1x128xf32>
      %get3A_537 = vector.shape_cast %get3A_536 : vector<1x128xf32> to vector<128xf32>
      %max3A = arith.maximumf %get3A_537, %reduce_max3A_533 : vector<128xf32>
      %swap3A = arith.constant 29 : index
      %swap3A_538 = arith.constant 0 : index
      %swap3A_539 = vector.load %arg10[%swap3A, %swap3A_538] : memref<64x128xf32, #tpu.memory_space<vmem>>, vector<1x128xf32>
      %swap3A_540 = vector.shape_cast %swap3A_539 : vector<1x128xf32> to vector<128xf32>
      %swap3A_541 = vector.shape_cast %max3A : vector<128xf32> to vector<1x128xf32>
      tpu.vector_store %arg10[%swap3A, %swap3A_538], %swap3A_541 {strides = array<i32>} : memref<64x128xf32, #tpu.memory_space<vmem>>, vector<1x128xf32>,
    } else {
    }
    %le3A_252 = arith.constant 3.000000e+01 : f32
    %le3A_253 = arith.cmpf ole, %reduce_min3A_10, %le3A_252 : f32
    %ge3A_254 = arith.constant 3.000000e+01 : f32
    %ge3A_255 = arith.cmpf oge, %reduce_max3A_14, %ge3A_254 : f32
    %and3A_256 = arith.andi %le3A_253, %ge3A_255 : i1
    %convert_element_type3A_257 = arith.extui %and3A_256 : i1 to i32
    %cond3A_258 = arith.constant 0 : i32
    %cond3A_259 = arith.cmpi ne, %convert_element_type3A_257, %cond3A_258 : i32
    scf.if %cond3A_259 {
      %eq3A_529 = arith.constant 3.000000e+01 : f32
      %eq3A_530 = vector.broadcast %eq3A_529 : f32 to vector<2048x128xf32>
      %eq3A_531 = arith.cmpf oeq, %get3A_6, %eq3A_530 : vector<2048x128xf32>
      %jit3A = arith.constant 0xFF800000 : f32
      %broadcast_in_dim3A = vector.broadcast %jit3A : f32 to vector<2048x128xf32>
      %select_n3A = arith.select %eq3A_531, %get3A_3, %broadcast_in_dim3A : vector<2048x128xi1>, vector<2048x128xf32>
      %reduce_max3A_532 = arith.constant dense<0xFF800000> : vector<128xf32>
      %reduce_max3A_533 = vector.multi_reduction <maximumf>, %select_n3A, %reduce_max3A_532 [0] : vector<2048x128xf32> to vector<128xf32>
      %get3A_534 = arith.constant 30 : index
      %get3A_535 = arith.constant 0 : index
      %get3A_536 = vector.load %arg10[%get3A_534, %get3A_535] : memref<64x128xf32, #tpu.memory_space<vmem>>, vector<1x128xf32>
      %get3A_537 = vector.shape_cast %get3A_536 : vector<1x128xf32> to vector<128xf32>
      %max3A = arith.maximumf %get3A_537, %reduce_max3A_533 : vector<128xf32>
      %swap3A = arith.constant 30 : index
      %swap3A_538 = arith.constant 0 : index
      %swap3A_539 = vector.load %arg10[%swap3A, %swap3A_538] : memref<64x128xf32, #tpu.memory_space<vmem>>, vector<1x128xf32>
      %swap3A_540 = vector.shape_cast %swap3A_539 : vector<1x128xf32> to vector<128xf32>
      %swap3A_541 = vector.shape_cast %max3A : vector<128xf32> to vector<1x128xf32>
      tpu.vector_store %arg10[%swap3A, %swap3A_538], %swap3A_541 {strides = array<i32>} : memref<64x128xf32, #tpu.memory_space<vmem>>, vector<1x128xf32>,
    } else {
    }
    %le3A_260 = arith.constant 3.100000e+01 : f32
    %le3A_261 = arith.cmpf ole, %reduce_min3A_10, %le3A_260 : f32
    %ge3A_262 = arith.constant 3.100000e+01 : f32
    %ge3A_263 = arith.cmpf oge, %reduce_max3A_14, %ge3A_262 : f32
    %and3A_264 = arith.andi %le3A_261, %ge3A_263 : i1
    %convert_element_type3A_265 = arith.extui %and3A_264 : i1 to i32
    %cond3A_266 = arith.constant 0 : i32
    %cond3A_267 = arith.cmpi ne, %convert_element_type3A_265, %cond3A_266 : i32
    scf.if %cond3A_267 {
      %eq3A_529 = arith.constant 3.100000e+01 : f32
      %eq3A_530 = vector.broadcast %eq3A_529 : f32 to vector<2048x128xf32>
      %eq3A_531 = arith.cmpf oeq, %get3A_6, %eq3A_530 : vector<2048x128xf32>
      %jit3A = arith.constant 0xFF800000 : f32
      %broadcast_in_dim3A = vector.broadcast %jit3A : f32 to vector<2048x128xf32>
      %select_n3A = arith.select %eq3A_531, %get3A_3, %broadcast_in_dim3A : vector<2048x128xi1>, vector<2048x128xf32>
      %reduce_max3A_532 = arith.constant dense<0xFF800000> : vector<128xf32>
      %reduce_max3A_533 = vector.multi_reduction <maximumf>, %select_n3A, %reduce_max3A_532 [0] : vector<2048x128xf32> to vector<128xf32>
      %get3A_534 = arith.constant 31 : index
      %get3A_535 = arith.constant 0 : index
      %get3A_536 = vector.load %arg10[%get3A_534, %get3A_535] : memref<64x128xf32, #tpu.memory_space<vmem>>, vector<1x128xf32>
      %get3A_537 = vector.shape_cast %get3A_536 : vector<1x128xf32> to vector<128xf32>
      %max3A = arith.maximumf %get3A_537, %reduce_max3A_533 : vector<128xf32>
      %swap3A = arith.constant 31 : index
      %swap3A_538 = arith.constant 0 : index
      %swap3A_539 = vector.load %arg10[%swap3A, %swap3A_538] : memref<64x128xf32, #tpu.memory_space<vmem>>, vector<1x128xf32>
      %swap3A_540 = vector.shape_cast %swap3A_539 : vector<1x128xf32> to vector<128xf32>
      %swap3A_541 = vector.shape_cast %max3A : vector<128xf32> to vector<1x128xf32>
      tpu.vector_store %arg10[%swap3A, %swap3A_538], %swap3A_541 {strides = array<i32>} : memref<64x128xf32, #tpu.memory_space<vmem>>, vector<1x128xf32>,
    } else {
    }
    %le3A_268 = arith.constant 3.200000e+01 : f32
    %le3A_269 = arith.cmpf ole, %reduce_min3A_10, %le3A_268 : f32
    %ge3A_270 = arith.constant 3.200000e+01 : f32
    %ge3A_271 = arith.cmpf oge, %reduce_max3A_14, %ge3A_270 : f32
    %and3A_272 = arith.andi %le3A_269, %ge3A_271 : i1
    %convert_element_type3A_273 = arith.extui %and3A_272 : i1 to i32
    %cond3A_274 = arith.constant 0 : i32
    %cond3A_275 = arith.cmpi ne, %convert_element_type3A_273, %cond3A_274 : i32
    scf.if %cond3A_275 {
      %eq3A_529 = arith.constant 3.200000e+01 : f32
      %eq3A_530 = vector.broadcast %eq3A_529 : f32 to vector<2048x128xf32>
      %eq3A_531 = arith.cmpf oeq, %get3A_6, %eq3A_530 : vector<2048x128xf32>
      %jit3A = arith.constant 0xFF800000 : f32
      %broadcast_in_dim3A = vector.broadcast %jit3A : f32 to vector<2048x128xf32>
      %select_n3A = arith.select %eq3A_531, %get3A_3, %broadcast_in_dim3A : vector<2048x128xi1>, vector<2048x128xf32>
      %reduce_max3A_532 = arith.constant dense<0xFF800000> : vector<128xf32>
      %reduce_max3A_533 = vector.multi_reduction <maximumf>, %select_n3A, %reduce_max3A_532 [0] : vector<2048x128xf32> to vector<128xf32>
      %get3A_534 = arith.constant 32 : index
      %get3A_535 = arith.constant 0 : index
      %get3A_536 = vector.load %arg10[%get3A_534, %get3A_535] : memref<64x128xf32, #tpu.memory_space<vmem>>, vector<1x128xf32>
      %get3A_537 = vector.shape_cast %get3A_536 : vector<1x128xf32> to vector<128xf32>
      %max3A = arith.maximumf %get3A_537, %reduce_max3A_533 : vector<128xf32>
      %swap3A = arith.constant 32 : index
      %swap3A_538 = arith.constant 0 : index
      %swap3A_539 = vector.load %arg10[%swap3A, %swap3A_538] : memref<64x128xf32, #tpu.memory_space<vmem>>, vector<1x128xf32>
      %swap3A_540 = vector.shape_cast %swap3A_539 : vector<1x128xf32> to vector<128xf32>
      %swap3A_541 = vector.shape_cast %max3A : vector<128xf32> to vector<1x128xf32>
      tpu.vector_store %arg10[%swap3A, %swap3A_538], %swap3A_541 {strides = array<i32>} : memref<64x128xf32, #tpu.memory_space<vmem>>, vector<1x128xf32>,
    } else {
    }
    %le3A_276 = arith.constant 3.300000e+01 : f32
    %le3A_277 = arith.cmpf ole, %reduce_min3A_10, %le3A_276 : f32
    %ge3A_278 = arith.constant 3.300000e+01 : f32
    %ge3A_279 = arith.cmpf oge, %reduce_max3A_14, %ge3A_278 : f32
    %and3A_280 = arith.andi %le3A_277, %ge3A_279 : i1
    %convert_element_type3A_281 = arith.extui %and3A_280 : i1 to i32
    %cond3A_282 = arith.constant 0 : i32
    %cond3A_283 = arith.cmpi ne, %convert_element_type3A_281, %cond3A_282 : i32
    scf.if %cond3A_283 {
      %eq3A_529 = arith.constant 3.300000e+01 : f32
      %eq3A_530 = vector.broadcast %eq3A_529 : f32 to vector<2048x128xf32>
      %eq3A_531 = arith.cmpf oeq, %get3A_6, %eq3A_530 : vector<2048x128xf32>
      %jit3A = arith.constant 0xFF800000 : f32
      %broadcast_in_dim3A = vector.broadcast %jit3A : f32 to vector<2048x128xf32>
      %select_n3A = arith.select %eq3A_531, %get3A_3, %broadcast_in_dim3A : vector<2048x128xi1>, vector<2048x128xf32>
      %reduce_max3A_532 = arith.constant dense<0xFF800000> : vector<128xf32>
      %reduce_max3A_533 = vector.multi_reduction <maximumf>, %select_n3A, %reduce_max3A_532 [0] : vector<2048x128xf32> to vector<128xf32>
      %get3A_534 = arith.constant 33 : index
      %get3A_535 = arith.constant 0 : index
      %get3A_536 = vector.load %arg10[%get3A_534, %get3A_535] : memref<64x128xf32, #tpu.memory_space<vmem>>, vector<1x128xf32>
      %get3A_537 = vector.shape_cast %get3A_536 : vector<1x128xf32> to vector<128xf32>
      %max3A = arith.maximumf %get3A_537, %reduce_max3A_533 : vector<128xf32>
      %swap3A = arith.constant 33 : index
      %swap3A_538 = arith.constant 0 : index
      %swap3A_539 = vector.load %arg10[%swap3A, %swap3A_538] : memref<64x128xf32, #tpu.memory_space<vmem>>, vector<1x128xf32>
      %swap3A_540 = vector.shape_cast %swap3A_539 : vector<1x128xf32> to vector<128xf32>
      %swap3A_541 = vector.shape_cast %max3A : vector<128xf32> to vector<1x128xf32>
      tpu.vector_store %arg10[%swap3A, %swap3A_538], %swap3A_541 {strides = array<i32>} : memref<64x128xf32, #tpu.memory_space<vmem>>, vector<1x128xf32>,
    } else {
    }
    %le3A_284 = arith.constant 3.400000e+01 : f32
    %le3A_285 = arith.cmpf ole, %reduce_min3A_10, %le3A_284 : f32
    %ge3A_286 = arith.constant 3.400000e+01 : f32
    %ge3A_287 = arith.cmpf oge, %reduce_max3A_14, %ge3A_286 : f32
    %and3A_288 = arith.andi %le3A_285, %ge3A_287 : i1
    %convert_element_type3A_289 = arith.extui %and3A_288 : i1 to i32
    %cond3A_290 = arith.constant 0 : i32
    %cond3A_291 = arith.cmpi ne, %convert_element_type3A_289, %cond3A_290 : i32
    scf.if %cond3A_291 {
      %eq3A_529 = arith.constant 3.400000e+01 : f32
      %eq3A_530 = vector.broadcast %eq3A_529 : f32 to vector<2048x128xf32>
      %eq3A_531 = arith.cmpf oeq, %get3A_6, %eq3A_530 : vector<2048x128xf32>
      %jit3A = arith.constant 0xFF800000 : f32
      %broadcast_in_dim3A = vector.broadcast %jit3A : f32 to vector<2048x128xf32>
      %select_n3A = arith.select %eq3A_531, %get3A_3, %broadcast_in_dim3A : vector<2048x128xi1>, vector<2048x128xf32>
      %reduce_max3A_532 = arith.constant dense<0xFF800000> : vector<128xf32>
      %reduce_max3A_533 = vector.multi_reduction <maximumf>, %select_n3A, %reduce_max3A_532 [0] : vector<2048x128xf32> to vector<128xf32>
      %get3A_534 = arith.constant 34 : index
      %get3A_535 = arith.constant 0 : index
      %get3A_536 = vector.load %arg10[%get3A_534, %get3A_535] : memref<64x128xf32, #tpu.memory_space<vmem>>, vector<1x128xf32>
      %get3A_537 = vector.shape_cast %get3A_536 : vector<1x128xf32> to vector<128xf32>
      %max3A = arith.maximumf %get3A_537, %reduce_max3A_533 : vector<128xf32>
      %swap3A = arith.constant 34 : index
      %swap3A_538 = arith.constant 0 : index
      %swap3A_539 = vector.load %arg10[%swap3A, %swap3A_538] : memref<64x128xf32, #tpu.memory_space<vmem>>, vector<1x128xf32>
      %swap3A_540 = vector.shape_cast %swap3A_539 : vector<1x128xf32> to vector<128xf32>
      %swap3A_541 = vector.shape_cast %max3A : vector<128xf32> to vector<1x128xf32>
      tpu.vector_store %arg10[%swap3A, %swap3A_538], %swap3A_541 {strides = array<i32>} : memref<64x128xf32, #tpu.memory_space<vmem>>, vector<1x128xf32>,
    } else {
    }
    %le3A_292 = arith.constant 3.500000e+01 : f32
    %le3A_293 = arith.cmpf ole, %reduce_min3A_10, %le3A_292 : f32
    %ge3A_294 = arith.constant 3.500000e+01 : f32
    %ge3A_295 = arith.cmpf oge, %reduce_max3A_14, %ge3A_294 : f32
    %and3A_296 = arith.andi %le3A_293, %ge3A_295 : i1
    %convert_element_type3A_297 = arith.extui %and3A_296 : i1 to i32
    %cond3A_298 = arith.constant 0 : i32
    %cond3A_299 = arith.cmpi ne, %convert_element_type3A_297, %cond3A_298 : i32
    scf.if %cond3A_299 {
      %eq3A_529 = arith.constant 3.500000e+01 : f32
      %eq3A_530 = vector.broadcast %eq3A_529 : f32 to vector<2048x128xf32>
      %eq3A_531 = arith.cmpf oeq, %get3A_6, %eq3A_530 : vector<2048x128xf32>
      %jit3A = arith.constant 0xFF800000 : f32
      %broadcast_in_dim3A = vector.broadcast %jit3A : f32 to vector<2048x128xf32>
      %select_n3A = arith.select %eq3A_531, %get3A_3, %broadcast_in_dim3A : vector<2048x128xi1>, vector<2048x128xf32>
      %reduce_max3A_532 = arith.constant dense<0xFF800000> : vector<128xf32>
      %reduce_max3A_533 = vector.multi_reduction <maximumf>, %select_n3A, %reduce_max3A_532 [0] : vector<2048x128xf32> to vector<128xf32>
      %get3A_534 = arith.constant 35 : index
      %get3A_535 = arith.constant 0 : index
      %get3A_536 = vector.load %arg10[%get3A_534, %get3A_535] : memref<64x128xf32, #tpu.memory_space<vmem>>, vector<1x128xf32>
      %get3A_537 = vector.shape_cast %get3A_536 : vector<1x128xf32> to vector<128xf32>
      %max3A = arith.maximumf %get3A_537, %reduce_max3A_533 : vector<128xf32>
      %swap3A = arith.constant 35 : index
      %swap3A_538 = arith.constant 0 : index
      %swap3A_539 = vector.load %arg10[%swap3A, %swap3A_538] : memref<64x128xf32, #tpu.memory_space<vmem>>, vector<1x128xf32>
      %swap3A_540 = vector.shape_cast %swap3A_539 : vector<1x128xf32> to vector<128xf32>
      %swap3A_541 = vector.shape_cast %max3A : vector<128xf32> to vector<1x128xf32>
      tpu.vector_store %arg10[%swap3A, %swap3A_538], %swap3A_541 {strides = array<i32>} : memref<64x128xf32, #tpu.memory_space<vmem>>, vector<1x128xf32>,
    } else {
    }
    %le3A_300 = arith.constant 3.600000e+01 : f32
    %le3A_301 = arith.cmpf ole, %reduce_min3A_10, %le3A_300 : f32
    %ge3A_302 = arith.constant 3.600000e+01 : f32
    %ge3A_303 = arith.cmpf oge, %reduce_max3A_14, %ge3A_302 : f32
    %and3A_304 = arith.andi %le3A_301, %ge3A_303 : i1
    %convert_element_type3A_305 = arith.extui %and3A_304 : i1 to i32
    %cond3A_306 = arith.constant 0 : i32
    %cond3A_307 = arith.cmpi ne, %convert_element_type3A_305, %cond3A_306 : i32
    scf.if %cond3A_307 {
      %eq3A_529 = arith.constant 3.600000e+01 : f32
      %eq3A_530 = vector.broadcast %eq3A_529 : f32 to vector<2048x128xf32>
      %eq3A_531 = arith.cmpf oeq, %get3A_6, %eq3A_530 : vector<2048x128xf32>
      %jit3A = arith.constant 0xFF800000 : f32
      %broadcast_in_dim3A = vector.broadcast %jit3A : f32 to vector<2048x128xf32>
      %select_n3A = arith.select %eq3A_531, %get3A_3, %broadcast_in_dim3A : vector<2048x128xi1>, vector<2048x128xf32>
      %reduce_max3A_532 = arith.constant dense<0xFF800000> : vector<128xf32>
      %reduce_max3A_533 = vector.multi_reduction <maximumf>, %select_n3A, %reduce_max3A_532 [0] : vector<2048x128xf32> to vector<128xf32>
      %get3A_534 = arith.constant 36 : index
      %get3A_535 = arith.constant 0 : index
      %get3A_536 = vector.load %arg10[%get3A_534, %get3A_535] : memref<64x128xf32, #tpu.memory_space<vmem>>, vector<1x128xf32>
      %get3A_537 = vector.shape_cast %get3A_536 : vector<1x128xf32> to vector<128xf32>
      %max3A = arith.maximumf %get3A_537, %reduce_max3A_533 : vector<128xf32>
      %swap3A = arith.constant 36 : index
      %swap3A_538 = arith.constant 0 : index
      %swap3A_539 = vector.load %arg10[%swap3A, %swap3A_538] : memref<64x128xf32, #tpu.memory_space<vmem>>, vector<1x128xf32>
      %swap3A_540 = vector.shape_cast %swap3A_539 : vector<1x128xf32> to vector<128xf32>
      %swap3A_541 = vector.shape_cast %max3A : vector<128xf32> to vector<1x128xf32>
      tpu.vector_store %arg10[%swap3A, %swap3A_538], %swap3A_541 {strides = array<i32>} : memref<64x128xf32, #tpu.memory_space<vmem>>, vector<1x128xf32>,
    } else {
    }
    %le3A_308 = arith.constant 3.700000e+01 : f32
    %le3A_309 = arith.cmpf ole, %reduce_min3A_10, %le3A_308 : f32
    %ge3A_310 = arith.constant 3.700000e+01 : f32
    %ge3A_311 = arith.cmpf oge, %reduce_max3A_14, %ge3A_310 : f32
    %and3A_312 = arith.andi %le3A_309, %ge3A_311 : i1
    %convert_element_type3A_313 = arith.extui %and3A_312 : i1 to i32
    %cond3A_314 = arith.constant 0 : i32
    %cond3A_315 = arith.cmpi ne, %convert_element_type3A_313, %cond3A_314 : i32
    scf.if %cond3A_315 {
      %eq3A_529 = arith.constant 3.700000e+01 : f32
      %eq3A_530 = vector.broadcast %eq3A_529 : f32 to vector<2048x128xf32>
      %eq3A_531 = arith.cmpf oeq, %get3A_6, %eq3A_530 : vector<2048x128xf32>
      %jit3A = arith.constant 0xFF800000 : f32
      %broadcast_in_dim3A = vector.broadcast %jit3A : f32 to vector<2048x128xf32>
      %select_n3A = arith.select %eq3A_531, %get3A_3, %broadcast_in_dim3A : vector<2048x128xi1>, vector<2048x128xf32>
      %reduce_max3A_532 = arith.constant dense<0xFF800000> : vector<128xf32>
      %reduce_max3A_533 = vector.multi_reduction <maximumf>, %select_n3A, %reduce_max3A_532 [0] : vector<2048x128xf32> to vector<128xf32>
      %get3A_534 = arith.constant 37 : index
      %get3A_535 = arith.constant 0 : index
      %get3A_536 = vector.load %arg10[%get3A_534, %get3A_535] : memref<64x128xf32, #tpu.memory_space<vmem>>, vector<1x128xf32>
      %get3A_537 = vector.shape_cast %get3A_536 : vector<1x128xf32> to vector<128xf32>
      %max3A = arith.maximumf %get3A_537, %reduce_max3A_533 : vector<128xf32>
      %swap3A = arith.constant 37 : index
      %swap3A_538 = arith.constant 0 : index
      %swap3A_539 = vector.load %arg10[%swap3A, %swap3A_538] : memref<64x128xf32, #tpu.memory_space<vmem>>, vector<1x128xf32>
      %swap3A_540 = vector.shape_cast %swap3A_539 : vector<1x128xf32> to vector<128xf32>
      %swap3A_541 = vector.shape_cast %max3A : vector<128xf32> to vector<1x128xf32>
      tpu.vector_store %arg10[%swap3A, %swap3A_538], %swap3A_541 {strides = array<i32>} : memref<64x128xf32, #tpu.memory_space<vmem>>, vector<1x128xf32>,
    } else {
    }
    %le3A_316 = arith.constant 3.800000e+01 : f32
    %le3A_317 = arith.cmpf ole, %reduce_min3A_10, %le3A_316 : f32
    %ge3A_318 = arith.constant 3.800000e+01 : f32
    %ge3A_319 = arith.cmpf oge, %reduce_max3A_14, %ge3A_318 : f32
    %and3A_320 = arith.andi %le3A_317, %ge3A_319 : i1
    %convert_element_type3A_321 = arith.extui %and3A_320 : i1 to i32
    %cond3A_322 = arith.constant 0 : i32
    %cond3A_323 = arith.cmpi ne, %convert_element_type3A_321, %cond3A_322 : i32
    scf.if %cond3A_323 {
      %eq3A_529 = arith.constant 3.800000e+01 : f32
      %eq3A_530 = vector.broadcast %eq3A_529 : f32 to vector<2048x128xf32>
      %eq3A_531 = arith.cmpf oeq, %get3A_6, %eq3A_530 : vector<2048x128xf32>
      %jit3A = arith.constant 0xFF800000 : f32
      %broadcast_in_dim3A = vector.broadcast %jit3A : f32 to vector<2048x128xf32>
      %select_n3A = arith.select %eq3A_531, %get3A_3, %broadcast_in_dim3A : vector<2048x128xi1>, vector<2048x128xf32>
      %reduce_max3A_532 = arith.constant dense<0xFF800000> : vector<128xf32>
      %reduce_max3A_533 = vector.multi_reduction <maximumf>, %select_n3A, %reduce_max3A_532 [0] : vector<2048x128xf32> to vector<128xf32>
      %get3A_534 = arith.constant 38 : index
      %get3A_535 = arith.constant 0 : index
      %get3A_536 = vector.load %arg10[%get3A_534, %get3A_535] : memref<64x128xf32, #tpu.memory_space<vmem>>, vector<1x128xf32>
      %get3A_537 = vector.shape_cast %get3A_536 : vector<1x128xf32> to vector<128xf32>
      %max3A = arith.maximumf %get3A_537, %reduce_max3A_533 : vector<128xf32>
      %swap3A = arith.constant 38 : index
      %swap3A_538 = arith.constant 0 : index
      %swap3A_539 = vector.load %arg10[%swap3A, %swap3A_538] : memref<64x128xf32, #tpu.memory_space<vmem>>, vector<1x128xf32>
      %swap3A_540 = vector.shape_cast %swap3A_539 : vector<1x128xf32> to vector<128xf32>
      %swap3A_541 = vector.shape_cast %max3A : vector<128xf32> to vector<1x128xf32>
      tpu.vector_store %arg10[%swap3A, %swap3A_538], %swap3A_541 {strides = array<i32>} : memref<64x128xf32, #tpu.memory_space<vmem>>, vector<1x128xf32>,
    } else {
    }
    %le3A_324 = arith.constant 3.900000e+01 : f32
    %le3A_325 = arith.cmpf ole, %reduce_min3A_10, %le3A_324 : f32
    %ge3A_326 = arith.constant 3.900000e+01 : f32
    %ge3A_327 = arith.cmpf oge, %reduce_max3A_14, %ge3A_326 : f32
    %and3A_328 = arith.andi %le3A_325, %ge3A_327 : i1
    %convert_element_type3A_329 = arith.extui %and3A_328 : i1 to i32
    %cond3A_330 = arith.constant 0 : i32
    %cond3A_331 = arith.cmpi ne, %convert_element_type3A_329, %cond3A_330 : i32
    scf.if %cond3A_331 {
      %eq3A_529 = arith.constant 3.900000e+01 : f32
      %eq3A_530 = vector.broadcast %eq3A_529 : f32 to vector<2048x128xf32>
      %eq3A_531 = arith.cmpf oeq, %get3A_6, %eq3A_530 : vector<2048x128xf32>
      %jit3A = arith.constant 0xFF800000 : f32
      %broadcast_in_dim3A = vector.broadcast %jit3A : f32 to vector<2048x128xf32>
      %select_n3A = arith.select %eq3A_531, %get3A_3, %broadcast_in_dim3A : vector<2048x128xi1>, vector<2048x128xf32>
      %reduce_max3A_532 = arith.constant dense<0xFF800000> : vector<128xf32>
      %reduce_max3A_533 = vector.multi_reduction <maximumf>, %select_n3A, %reduce_max3A_532 [0] : vector<2048x128xf32> to vector<128xf32>
      %get3A_534 = arith.constant 39 : index
      %get3A_535 = arith.constant 0 : index
      %get3A_536 = vector.load %arg10[%get3A_534, %get3A_535] : memref<64x128xf32, #tpu.memory_space<vmem>>, vector<1x128xf32>
      %get3A_537 = vector.shape_cast %get3A_536 : vector<1x128xf32> to vector<128xf32>
      %max3A = arith.maximumf %get3A_537, %reduce_max3A_533 : vector<128xf32>
      %swap3A = arith.constant 39 : index
      %swap3A_538 = arith.constant 0 : index
      %swap3A_539 = vector.load %arg10[%swap3A, %swap3A_538] : memref<64x128xf32, #tpu.memory_space<vmem>>, vector<1x128xf32>
      %swap3A_540 = vector.shape_cast %swap3A_539 : vector<1x128xf32> to vector<128xf32>
      %swap3A_541 = vector.shape_cast %max3A : vector<128xf32> to vector<1x128xf32>
      tpu.vector_store %arg10[%swap3A, %swap3A_538], %swap3A_541 {strides = array<i32>} : memref<64x128xf32, #tpu.memory_space<vmem>>, vector<1x128xf32>,
    } else {
    }
    %le3A_332 = arith.constant 4.000000e+01 : f32
    %le3A_333 = arith.cmpf ole, %reduce_min3A_10, %le3A_332 : f32
    %ge3A_334 = arith.constant 4.000000e+01 : f32
    %ge3A_335 = arith.cmpf oge, %reduce_max3A_14, %ge3A_334 : f32
    %and3A_336 = arith.andi %le3A_333, %ge3A_335 : i1
    %convert_element_type3A_337 = arith.extui %and3A_336 : i1 to i32
    %cond3A_338 = arith.constant 0 : i32
    %cond3A_339 = arith.cmpi ne, %convert_element_type3A_337, %cond3A_338 : i32
    scf.if %cond3A_339 {
      %eq3A_529 = arith.constant 4.000000e+01 : f32
      %eq3A_530 = vector.broadcast %eq3A_529 : f32 to vector<2048x128xf32>
      %eq3A_531 = arith.cmpf oeq, %get3A_6, %eq3A_530 : vector<2048x128xf32>
      %jit3A = arith.constant 0xFF800000 : f32
      %broadcast_in_dim3A = vector.broadcast %jit3A : f32 to vector<2048x128xf32>
      %select_n3A = arith.select %eq3A_531, %get3A_3, %broadcast_in_dim3A : vector<2048x128xi1>, vector<2048x128xf32>
      %reduce_max3A_532 = arith.constant dense<0xFF800000> : vector<128xf32>
      %reduce_max3A_533 = vector.multi_reduction <maximumf>, %select_n3A, %reduce_max3A_532 [0] : vector<2048x128xf32> to vector<128xf32>
      %get3A_534 = arith.constant 40 : index
      %get3A_535 = arith.constant 0 : index
      %get3A_536 = vector.load %arg10[%get3A_534, %get3A_535] : memref<64x128xf32, #tpu.memory_space<vmem>>, vector<1x128xf32>
      %get3A_537 = vector.shape_cast %get3A_536 : vector<1x128xf32> to vector<128xf32>
      %max3A = arith.maximumf %get3A_537, %reduce_max3A_533 : vector<128xf32>
      %swap3A = arith.constant 40 : index
      %swap3A_538 = arith.constant 0 : index
      %swap3A_539 = vector.load %arg10[%swap3A, %swap3A_538] : memref<64x128xf32, #tpu.memory_space<vmem>>, vector<1x128xf32>
      %swap3A_540 = vector.shape_cast %swap3A_539 : vector<1x128xf32> to vector<128xf32>
      %swap3A_541 = vector.shape_cast %max3A : vector<128xf32> to vector<1x128xf32>
      tpu.vector_store %arg10[%swap3A, %swap3A_538], %swap3A_541 {strides = array<i32>} : memref<64x128xf32, #tpu.memory_space<vmem>>, vector<1x128xf32>,
    } else {
    }
    %le3A_340 = arith.constant 4.100000e+01 : f32
    %le3A_341 = arith.cmpf ole, %reduce_min3A_10, %le3A_340 : f32
    %ge3A_342 = arith.constant 4.100000e+01 : f32
    %ge3A_343 = arith.cmpf oge, %reduce_max3A_14, %ge3A_342 : f32
    %and3A_344 = arith.andi %le3A_341, %ge3A_343 : i1
    %convert_element_type3A_345 = arith.extui %and3A_344 : i1 to i32
    %cond3A_346 = arith.constant 0 : i32
    %cond3A_347 = arith.cmpi ne, %convert_element_type3A_345, %cond3A_346 : i32
    scf.if %cond3A_347 {
      %eq3A_529 = arith.constant 4.100000e+01 : f32
      %eq3A_530 = vector.broadcast %eq3A_529 : f32 to vector<2048x128xf32>
      %eq3A_531 = arith.cmpf oeq, %get3A_6, %eq3A_530 : vector<2048x128xf32>
      %jit3A = arith.constant 0xFF800000 : f32
      %broadcast_in_dim3A = vector.broadcast %jit3A : f32 to vector<2048x128xf32>
      %select_n3A = arith.select %eq3A_531, %get3A_3, %broadcast_in_dim3A : vector<2048x128xi1>, vector<2048x128xf32>
      %reduce_max3A_532 = arith.constant dense<0xFF800000> : vector<128xf32>
      %reduce_max3A_533 = vector.multi_reduction <maximumf>, %select_n3A, %reduce_max3A_532 [0] : vector<2048x128xf32> to vector<128xf32>
      %get3A_534 = arith.constant 41 : index
      %get3A_535 = arith.constant 0 : index
      %get3A_536 = vector.load %arg10[%get3A_534, %get3A_535] : memref<64x128xf32, #tpu.memory_space<vmem>>, vector<1x128xf32>
      %get3A_537 = vector.shape_cast %get3A_536 : vector<1x128xf32> to vector<128xf32>
      %max3A = arith.maximumf %get3A_537, %reduce_max3A_533 : vector<128xf32>
      %swap3A = arith.constant 41 : index
      %swap3A_538 = arith.constant 0 : index
      %swap3A_539 = vector.load %arg10[%swap3A, %swap3A_538] : memref<64x128xf32, #tpu.memory_space<vmem>>, vector<1x128xf32>
      %swap3A_540 = vector.shape_cast %swap3A_539 : vector<1x128xf32> to vector<128xf32>
      %swap3A_541 = vector.shape_cast %max3A : vector<128xf32> to vector<1x128xf32>
      tpu.vector_store %arg10[%swap3A, %swap3A_538], %swap3A_541 {strides = array<i32>} : memref<64x128xf32, #tpu.memory_space<vmem>>, vector<1x128xf32>,
    } else {
    }
    %le3A_348 = arith.constant 4.200000e+01 : f32
    %le3A_349 = arith.cmpf ole, %reduce_min3A_10, %le3A_348 : f32
    %ge3A_350 = arith.constant 4.200000e+01 : f32
    %ge3A_351 = arith.cmpf oge, %reduce_max3A_14, %ge3A_350 : f32
    %and3A_352 = arith.andi %le3A_349, %ge3A_351 : i1
    %convert_element_type3A_353 = arith.extui %and3A_352 : i1 to i32
    %cond3A_354 = arith.constant 0 : i32
    %cond3A_355 = arith.cmpi ne, %convert_element_type3A_353, %cond3A_354 : i32
    scf.if %cond3A_355 {
      %eq3A_529 = arith.constant 4.200000e+01 : f32
      %eq3A_530 = vector.broadcast %eq3A_529 : f32 to vector<2048x128xf32>
      %eq3A_531 = arith.cmpf oeq, %get3A_6, %eq3A_530 : vector<2048x128xf32>
      %jit3A = arith.constant 0xFF800000 : f32
      %broadcast_in_dim3A = vector.broadcast %jit3A : f32 to vector<2048x128xf32>
      %select_n3A = arith.select %eq3A_531, %get3A_3, %broadcast_in_dim3A : vector<2048x128xi1>, vector<2048x128xf32>
      %reduce_max3A_532 = arith.constant dense<0xFF800000> : vector<128xf32>
      %reduce_max3A_533 = vector.multi_reduction <maximumf>, %select_n3A, %reduce_max3A_532 [0] : vector<2048x128xf32> to vector<128xf32>
      %get3A_534 = arith.constant 42 : index
      %get3A_535 = arith.constant 0 : index
      %get3A_536 = vector.load %arg10[%get3A_534, %get3A_535] : memref<64x128xf32, #tpu.memory_space<vmem>>, vector<1x128xf32>
      %get3A_537 = vector.shape_cast %get3A_536 : vector<1x128xf32> to vector<128xf32>
      %max3A = arith.maximumf %get3A_537, %reduce_max3A_533 : vector<128xf32>
      %swap3A = arith.constant 42 : index
      %swap3A_538 = arith.constant 0 : index
      %swap3A_539 = vector.load %arg10[%swap3A, %swap3A_538] : memref<64x128xf32, #tpu.memory_space<vmem>>, vector<1x128xf32>
      %swap3A_540 = vector.shape_cast %swap3A_539 : vector<1x128xf32> to vector<128xf32>
      %swap3A_541 = vector.shape_cast %max3A : vector<128xf32> to vector<1x128xf32>
      tpu.vector_store %arg10[%swap3A, %swap3A_538], %swap3A_541 {strides = array<i32>} : memref<64x128xf32, #tpu.memory_space<vmem>>, vector<1x128xf32>,
    } else {
    }
    %le3A_356 = arith.constant 4.300000e+01 : f32
    %le3A_357 = arith.cmpf ole, %reduce_min3A_10, %le3A_356 : f32
    %ge3A_358 = arith.constant 4.300000e+01 : f32
    %ge3A_359 = arith.cmpf oge, %reduce_max3A_14, %ge3A_358 : f32
    %and3A_360 = arith.andi %le3A_357, %ge3A_359 : i1
    %convert_element_type3A_361 = arith.extui %and3A_360 : i1 to i32
    %cond3A_362 = arith.constant 0 : i32
    %cond3A_363 = arith.cmpi ne, %convert_element_type3A_361, %cond3A_362 : i32
    scf.if %cond3A_363 {
      %eq3A_529 = arith.constant 4.300000e+01 : f32
      %eq3A_530 = vector.broadcast %eq3A_529 : f32 to vector<2048x128xf32>
      %eq3A_531 = arith.cmpf oeq, %get3A_6, %eq3A_530 : vector<2048x128xf32>
      %jit3A = arith.constant 0xFF800000 : f32
      %broadcast_in_dim3A = vector.broadcast %jit3A : f32 to vector<2048x128xf32>
      %select_n3A = arith.select %eq3A_531, %get3A_3, %broadcast_in_dim3A : vector<2048x128xi1>, vector<2048x128xf32>
      %reduce_max3A_532 = arith.constant dense<0xFF800000> : vector<128xf32>
      %reduce_max3A_533 = vector.multi_reduction <maximumf>, %select_n3A, %reduce_max3A_532 [0] : vector<2048x128xf32> to vector<128xf32>
      %get3A_534 = arith.constant 43 : index
      %get3A_535 = arith.constant 0 : index
      %get3A_536 = vector.load %arg10[%get3A_534, %get3A_535] : memref<64x128xf32, #tpu.memory_space<vmem>>, vector<1x128xf32>
      %get3A_537 = vector.shape_cast %get3A_536 : vector<1x128xf32> to vector<128xf32>
      %max3A = arith.maximumf %get3A_537, %reduce_max3A_533 : vector<128xf32>
      %swap3A = arith.constant 43 : index
      %swap3A_538 = arith.constant 0 : index
      %swap3A_539 = vector.load %arg10[%swap3A, %swap3A_538] : memref<64x128xf32, #tpu.memory_space<vmem>>, vector<1x128xf32>
      %swap3A_540 = vector.shape_cast %swap3A_539 : vector<1x128xf32> to vector<128xf32>
      %swap3A_541 = vector.shape_cast %max3A : vector<128xf32> to vector<1x128xf32>
      tpu.vector_store %arg10[%swap3A, %swap3A_538], %swap3A_541 {strides = array<i32>} : memref<64x128xf32, #tpu.memory_space<vmem>>, vector<1x128xf32>,
    } else {
    }
    %le3A_364 = arith.constant 4.400000e+01 : f32
    %le3A_365 = arith.cmpf ole, %reduce_min3A_10, %le3A_364 : f32
    %ge3A_366 = arith.constant 4.400000e+01 : f32
    %ge3A_367 = arith.cmpf oge, %reduce_max3A_14, %ge3A_366 : f32
    %and3A_368 = arith.andi %le3A_365, %ge3A_367 : i1
    %convert_element_type3A_369 = arith.extui %and3A_368 : i1 to i32
    %cond3A_370 = arith.constant 0 : i32
    %cond3A_371 = arith.cmpi ne, %convert_element_type3A_369, %cond3A_370 : i32
    scf.if %cond3A_371 {
      %eq3A_529 = arith.constant 4.400000e+01 : f32
      %eq3A_530 = vector.broadcast %eq3A_529 : f32 to vector<2048x128xf32>
      %eq3A_531 = arith.cmpf oeq, %get3A_6, %eq3A_530 : vector<2048x128xf32>
      %jit3A = arith.constant 0xFF800000 : f32
      %broadcast_in_dim3A = vector.broadcast %jit3A : f32 to vector<2048x128xf32>
      %select_n3A = arith.select %eq3A_531, %get3A_3, %broadcast_in_dim3A : vector<2048x128xi1>, vector<2048x128xf32>
      %reduce_max3A_532 = arith.constant dense<0xFF800000> : vector<128xf32>
      %reduce_max3A_533 = vector.multi_reduction <maximumf>, %select_n3A, %reduce_max3A_532 [0] : vector<2048x128xf32> to vector<128xf32>
      %get3A_534 = arith.constant 44 : index
      %get3A_535 = arith.constant 0 : index
      %get3A_536 = vector.load %arg10[%get3A_534, %get3A_535] : memref<64x128xf32, #tpu.memory_space<vmem>>, vector<1x128xf32>
      %get3A_537 = vector.shape_cast %get3A_536 : vector<1x128xf32> to vector<128xf32>
      %max3A = arith.maximumf %get3A_537, %reduce_max3A_533 : vector<128xf32>
      %swap3A = arith.constant 44 : index
      %swap3A_538 = arith.constant 0 : index
      %swap3A_539 = vector.load %arg10[%swap3A, %swap3A_538] : memref<64x128xf32, #tpu.memory_space<vmem>>, vector<1x128xf32>
      %swap3A_540 = vector.shape_cast %swap3A_539 : vector<1x128xf32> to vector<128xf32>
      %swap3A_541 = vector.shape_cast %max3A : vector<128xf32> to vector<1x128xf32>
      tpu.vector_store %arg10[%swap3A, %swap3A_538], %swap3A_541 {strides = array<i32>} : memref<64x128xf32, #tpu.memory_space<vmem>>, vector<1x128xf32>,
    } else {
    }
    %le3A_372 = arith.constant 4.500000e+01 : f32
    %le3A_373 = arith.cmpf ole, %reduce_min3A_10, %le3A_372 : f32
    %ge3A_374 = arith.constant 4.500000e+01 : f32
    %ge3A_375 = arith.cmpf oge, %reduce_max3A_14, %ge3A_374 : f32
    %and3A_376 = arith.andi %le3A_373, %ge3A_375 : i1
    %convert_element_type3A_377 = arith.extui %and3A_376 : i1 to i32
    %cond3A_378 = arith.constant 0 : i32
    %cond3A_379 = arith.cmpi ne, %convert_element_type3A_377, %cond3A_378 : i32
    scf.if %cond3A_379 {
      %eq3A_529 = arith.constant 4.500000e+01 : f32
      %eq3A_530 = vector.broadcast %eq3A_529 : f32 to vector<2048x128xf32>
      %eq3A_531 = arith.cmpf oeq, %get3A_6, %eq3A_530 : vector<2048x128xf32>
      %jit3A = arith.constant 0xFF800000 : f32
      %broadcast_in_dim3A = vector.broadcast %jit3A : f32 to vector<2048x128xf32>
      %select_n3A = arith.select %eq3A_531, %get3A_3, %broadcast_in_dim3A : vector<2048x128xi1>, vector<2048x128xf32>
      %reduce_max3A_532 = arith.constant dense<0xFF800000> : vector<128xf32>
      %reduce_max3A_533 = vector.multi_reduction <maximumf>, %select_n3A, %reduce_max3A_532 [0] : vector<2048x128xf32> to vector<128xf32>
      %get3A_534 = arith.constant 45 : index
      %get3A_535 = arith.constant 0 : index
      %get3A_536 = vector.load %arg10[%get3A_534, %get3A_535] : memref<64x128xf32, #tpu.memory_space<vmem>>, vector<1x128xf32>
      %get3A_537 = vector.shape_cast %get3A_536 : vector<1x128xf32> to vector<128xf32>
      %max3A = arith.maximumf %get3A_537, %reduce_max3A_533 : vector<128xf32>
      %swap3A = arith.constant 45 : index
      %swap3A_538 = arith.constant 0 : index
      %swap3A_539 = vector.load %arg10[%swap3A, %swap3A_538] : memref<64x128xf32, #tpu.memory_space<vmem>>, vector<1x128xf32>
      %swap3A_540 = vector.shape_cast %swap3A_539 : vector<1x128xf32> to vector<128xf32>
      %swap3A_541 = vector.shape_cast %max3A : vector<128xf32> to vector<1x128xf32>
      tpu.vector_store %arg10[%swap3A, %swap3A_538], %swap3A_541 {strides = array<i32>} : memref<64x128xf32, #tpu.memory_space<vmem>>, vector<1x128xf32>,
    } else {
    }
    %le3A_380 = arith.constant 4.600000e+01 : f32
    %le3A_381 = arith.cmpf ole, %reduce_min3A_10, %le3A_380 : f32
    %ge3A_382 = arith.constant 4.600000e+01 : f32
    %ge3A_383 = arith.cmpf oge, %reduce_max3A_14, %ge3A_382 : f32
    %and3A_384 = arith.andi %le3A_381, %ge3A_383 : i1
    %convert_element_type3A_385 = arith.extui %and3A_384 : i1 to i32
    %cond3A_386 = arith.constant 0 : i32
    %cond3A_387 = arith.cmpi ne, %convert_element_type3A_385, %cond3A_386 : i32
    scf.if %cond3A_387 {
      %eq3A_529 = arith.constant 4.600000e+01 : f32
      %eq3A_530 = vector.broadcast %eq3A_529 : f32 to vector<2048x128xf32>
      %eq3A_531 = arith.cmpf oeq, %get3A_6, %eq3A_530 : vector<2048x128xf32>
      %jit3A = arith.constant 0xFF800000 : f32
      %broadcast_in_dim3A = vector.broadcast %jit3A : f32 to vector<2048x128xf32>
      %select_n3A = arith.select %eq3A_531, %get3A_3, %broadcast_in_dim3A : vector<2048x128xi1>, vector<2048x128xf32>
      %reduce_max3A_532 = arith.constant dense<0xFF800000> : vector<128xf32>
      %reduce_max3A_533 = vector.multi_reduction <maximumf>, %select_n3A, %reduce_max3A_532 [0] : vector<2048x128xf32> to vector<128xf32>
      %get3A_534 = arith.constant 46 : index
      %get3A_535 = arith.constant 0 : index
      %get3A_536 = vector.load %arg10[%get3A_534, %get3A_535] : memref<64x128xf32, #tpu.memory_space<vmem>>, vector<1x128xf32>
      %get3A_537 = vector.shape_cast %get3A_536 : vector<1x128xf32> to vector<128xf32>
      %max3A = arith.maximumf %get3A_537, %reduce_max3A_533 : vector<128xf32>
      %swap3A = arith.constant 46 : index
      %swap3A_538 = arith.constant 0 : index
      %swap3A_539 = vector.load %arg10[%swap3A, %swap3A_538] : memref<64x128xf32, #tpu.memory_space<vmem>>, vector<1x128xf32>
      %swap3A_540 = vector.shape_cast %swap3A_539 : vector<1x128xf32> to vector<128xf32>
      %swap3A_541 = vector.shape_cast %max3A : vector<128xf32> to vector<1x128xf32>
      tpu.vector_store %arg10[%swap3A, %swap3A_538], %swap3A_541 {strides = array<i32>} : memref<64x128xf32, #tpu.memory_space<vmem>>, vector<1x128xf32>,
    } else {
    }
    %le3A_388 = arith.constant 4.700000e+01 : f32
    %le3A_389 = arith.cmpf ole, %reduce_min3A_10, %le3A_388 : f32
    %ge3A_390 = arith.constant 4.700000e+01 : f32
    %ge3A_391 = arith.cmpf oge, %reduce_max3A_14, %ge3A_390 : f32
    %and3A_392 = arith.andi %le3A_389, %ge3A_391 : i1
    %convert_element_type3A_393 = arith.extui %and3A_392 : i1 to i32
    %cond3A_394 = arith.constant 0 : i32
    %cond3A_395 = arith.cmpi ne, %convert_element_type3A_393, %cond3A_394 : i32
    scf.if %cond3A_395 {
      %eq3A_529 = arith.constant 4.700000e+01 : f32
      %eq3A_530 = vector.broadcast %eq3A_529 : f32 to vector<2048x128xf32>
      %eq3A_531 = arith.cmpf oeq, %get3A_6, %eq3A_530 : vector<2048x128xf32>
      %jit3A = arith.constant 0xFF800000 : f32
      %broadcast_in_dim3A = vector.broadcast %jit3A : f32 to vector<2048x128xf32>
      %select_n3A = arith.select %eq3A_531, %get3A_3, %broadcast_in_dim3A : vector<2048x128xi1>, vector<2048x128xf32>
      %reduce_max3A_532 = arith.constant dense<0xFF800000> : vector<128xf32>
      %reduce_max3A_533 = vector.multi_reduction <maximumf>, %select_n3A, %reduce_max3A_532 [0] : vector<2048x128xf32> to vector<128xf32>
      %get3A_534 = arith.constant 47 : index
      %get3A_535 = arith.constant 0 : index
      %get3A_536 = vector.load %arg10[%get3A_534, %get3A_535] : memref<64x128xf32, #tpu.memory_space<vmem>>, vector<1x128xf32>
      %get3A_537 = vector.shape_cast %get3A_536 : vector<1x128xf32> to vector<128xf32>
      %max3A = arith.maximumf %get3A_537, %reduce_max3A_533 : vector<128xf32>
      %swap3A = arith.constant 47 : index
      %swap3A_538 = arith.constant 0 : index
      %swap3A_539 = vector.load %arg10[%swap3A, %swap3A_538] : memref<64x128xf32, #tpu.memory_space<vmem>>, vector<1x128xf32>
      %swap3A_540 = vector.shape_cast %swap3A_539 : vector<1x128xf32> to vector<128xf32>
      %swap3A_541 = vector.shape_cast %max3A : vector<128xf32> to vector<1x128xf32>
      tpu.vector_store %arg10[%swap3A, %swap3A_538], %swap3A_541 {strides = array<i32>} : memref<64x128xf32, #tpu.memory_space<vmem>>, vector<1x128xf32>,
    } else {
    }
    %le3A_396 = arith.constant 4.800000e+01 : f32
    %le3A_397 = arith.cmpf ole, %reduce_min3A_10, %le3A_396 : f32
    %ge3A_398 = arith.constant 4.800000e+01 : f32
    %ge3A_399 = arith.cmpf oge, %reduce_max3A_14, %ge3A_398 : f32
    %and3A_400 = arith.andi %le3A_397, %ge3A_399 : i1
    %convert_element_type3A_401 = arith.extui %and3A_400 : i1 to i32
    %cond3A_402 = arith.constant 0 : i32
    %cond3A_403 = arith.cmpi ne, %convert_element_type3A_401, %cond3A_402 : i32
    scf.if %cond3A_403 {
      %eq3A_529 = arith.constant 4.800000e+01 : f32
      %eq3A_530 = vector.broadcast %eq3A_529 : f32 to vector<2048x128xf32>
      %eq3A_531 = arith.cmpf oeq, %get3A_6, %eq3A_530 : vector<2048x128xf32>
      %jit3A = arith.constant 0xFF800000 : f32
      %broadcast_in_dim3A = vector.broadcast %jit3A : f32 to vector<2048x128xf32>
      %select_n3A = arith.select %eq3A_531, %get3A_3, %broadcast_in_dim3A : vector<2048x128xi1>, vector<2048x128xf32>
      %reduce_max3A_532 = arith.constant dense<0xFF800000> : vector<128xf32>
      %reduce_max3A_533 = vector.multi_reduction <maximumf>, %select_n3A, %reduce_max3A_532 [0] : vector<2048x128xf32> to vector<128xf32>
      %get3A_534 = arith.constant 48 : index
      %get3A_535 = arith.constant 0 : index
      %get3A_536 = vector.load %arg10[%get3A_534, %get3A_535] : memref<64x128xf32, #tpu.memory_space<vmem>>, vector<1x128xf32>
      %get3A_537 = vector.shape_cast %get3A_536 : vector<1x128xf32> to vector<128xf32>
      %max3A = arith.maximumf %get3A_537, %reduce_max3A_533 : vector<128xf32>
      %swap3A = arith.constant 48 : index
      %swap3A_538 = arith.constant 0 : index
      %swap3A_539 = vector.load %arg10[%swap3A, %swap3A_538] : memref<64x128xf32, #tpu.memory_space<vmem>>, vector<1x128xf32>
      %swap3A_540 = vector.shape_cast %swap3A_539 : vector<1x128xf32> to vector<128xf32>
      %swap3A_541 = vector.shape_cast %max3A : vector<128xf32> to vector<1x128xf32>
      tpu.vector_store %arg10[%swap3A, %swap3A_538], %swap3A_541 {strides = array<i32>} : memref<64x128xf32, #tpu.memory_space<vmem>>, vector<1x128xf32>,
    } else {
    }
    %le3A_404 = arith.constant 4.900000e+01 : f32
    %le3A_405 = arith.cmpf ole, %reduce_min3A_10, %le3A_404 : f32
    %ge3A_406 = arith.constant 4.900000e+01 : f32
    %ge3A_407 = arith.cmpf oge, %reduce_max3A_14, %ge3A_406 : f32
    %and3A_408 = arith.andi %le3A_405, %ge3A_407 : i1
    %convert_element_type3A_409 = arith.extui %and3A_408 : i1 to i32
    %cond3A_410 = arith.constant 0 : i32
    %cond3A_411 = arith.cmpi ne, %convert_element_type3A_409, %cond3A_410 : i32
    scf.if %cond3A_411 {
      %eq3A_529 = arith.constant 4.900000e+01 : f32
      %eq3A_530 = vector.broadcast %eq3A_529 : f32 to vector<2048x128xf32>
      %eq3A_531 = arith.cmpf oeq, %get3A_6, %eq3A_530 : vector<2048x128xf32>
      %jit3A = arith.constant 0xFF800000 : f32
      %broadcast_in_dim3A = vector.broadcast %jit3A : f32 to vector<2048x128xf32>
      %select_n3A = arith.select %eq3A_531, %get3A_3, %broadcast_in_dim3A : vector<2048x128xi1>, vector<2048x128xf32>
      %reduce_max3A_532 = arith.constant dense<0xFF800000> : vector<128xf32>
      %reduce_max3A_533 = vector.multi_reduction <maximumf>, %select_n3A, %reduce_max3A_532 [0] : vector<2048x128xf32> to vector<128xf32>
      %get3A_534 = arith.constant 49 : index
      %get3A_535 = arith.constant 0 : index
      %get3A_536 = vector.load %arg10[%get3A_534, %get3A_535] : memref<64x128xf32, #tpu.memory_space<vmem>>, vector<1x128xf32>
      %get3A_537 = vector.shape_cast %get3A_536 : vector<1x128xf32> to vector<128xf32>
      %max3A = arith.maximumf %get3A_537, %reduce_max3A_533 : vector<128xf32>
      %swap3A = arith.constant 49 : index
      %swap3A_538 = arith.constant 0 : index
      %swap3A_539 = vector.load %arg10[%swap3A, %swap3A_538] : memref<64x128xf32, #tpu.memory_space<vmem>>, vector<1x128xf32>
      %swap3A_540 = vector.shape_cast %swap3A_539 : vector<1x128xf32> to vector<128xf32>
      %swap3A_541 = vector.shape_cast %max3A : vector<128xf32> to vector<1x128xf32>
      tpu.vector_store %arg10[%swap3A, %swap3A_538], %swap3A_541 {strides = array<i32>} : memref<64x128xf32, #tpu.memory_space<vmem>>, vector<1x128xf32>,
    } else {
    }
    %le3A_412 = arith.constant 5.000000e+01 : f32
    %le3A_413 = arith.cmpf ole, %reduce_min3A_10, %le3A_412 : f32
    %ge3A_414 = arith.constant 5.000000e+01 : f32
    %ge3A_415 = arith.cmpf oge, %reduce_max3A_14, %ge3A_414 : f32
    %and3A_416 = arith.andi %le3A_413, %ge3A_415 : i1
    %convert_element_type3A_417 = arith.extui %and3A_416 : i1 to i32
    %cond3A_418 = arith.constant 0 : i32
    %cond3A_419 = arith.cmpi ne, %convert_element_type3A_417, %cond3A_418 : i32
    scf.if %cond3A_419 {
      %eq3A_529 = arith.constant 5.000000e+01 : f32
      %eq3A_530 = vector.broadcast %eq3A_529 : f32 to vector<2048x128xf32>
      %eq3A_531 = arith.cmpf oeq, %get3A_6, %eq3A_530 : vector<2048x128xf32>
      %jit3A = arith.constant 0xFF800000 : f32
      %broadcast_in_dim3A = vector.broadcast %jit3A : f32 to vector<2048x128xf32>
      %select_n3A = arith.select %eq3A_531, %get3A_3, %broadcast_in_dim3A : vector<2048x128xi1>, vector<2048x128xf32>
      %reduce_max3A_532 = arith.constant dense<0xFF800000> : vector<128xf32>
      %reduce_max3A_533 = vector.multi_reduction <maximumf>, %select_n3A, %reduce_max3A_532 [0] : vector<2048x128xf32> to vector<128xf32>
      %get3A_534 = arith.constant 50 : index
      %get3A_535 = arith.constant 0 : index
      %get3A_536 = vector.load %arg10[%get3A_534, %get3A_535] : memref<64x128xf32, #tpu.memory_space<vmem>>, vector<1x128xf32>
      %get3A_537 = vector.shape_cast %get3A_536 : vector<1x128xf32> to vector<128xf32>
      %max3A = arith.maximumf %get3A_537, %reduce_max3A_533 : vector<128xf32>
      %swap3A = arith.constant 50 : index
      %swap3A_538 = arith.constant 0 : index
      %swap3A_539 = vector.load %arg10[%swap3A, %swap3A_538] : memref<64x128xf32, #tpu.memory_space<vmem>>, vector<1x128xf32>
      %swap3A_540 = vector.shape_cast %swap3A_539 : vector<1x128xf32> to vector<128xf32>
      %swap3A_541 = vector.shape_cast %max3A : vector<128xf32> to vector<1x128xf32>
      tpu.vector_store %arg10[%swap3A, %swap3A_538], %swap3A_541 {strides = array<i32>} : memref<64x128xf32, #tpu.memory_space<vmem>>, vector<1x128xf32>,
    } else {
    }
    %le3A_420 = arith.constant 5.100000e+01 : f32
    %le3A_421 = arith.cmpf ole, %reduce_min3A_10, %le3A_420 : f32
    %ge3A_422 = arith.constant 5.100000e+01 : f32
    %ge3A_423 = arith.cmpf oge, %reduce_max3A_14, %ge3A_422 : f32
    %and3A_424 = arith.andi %le3A_421, %ge3A_423 : i1
    %convert_element_type3A_425 = arith.extui %and3A_424 : i1 to i32
    %cond3A_426 = arith.constant 0 : i32
    %cond3A_427 = arith.cmpi ne, %convert_element_type3A_425, %cond3A_426 : i32
    scf.if %cond3A_427 {
      %eq3A_529 = arith.constant 5.100000e+01 : f32
      %eq3A_530 = vector.broadcast %eq3A_529 : f32 to vector<2048x128xf32>
      %eq3A_531 = arith.cmpf oeq, %get3A_6, %eq3A_530 : vector<2048x128xf32>
      %jit3A = arith.constant 0xFF800000 : f32
      %broadcast_in_dim3A = vector.broadcast %jit3A : f32 to vector<2048x128xf32>
      %select_n3A = arith.select %eq3A_531, %get3A_3, %broadcast_in_dim3A : vector<2048x128xi1>, vector<2048x128xf32>
      %reduce_max3A_532 = arith.constant dense<0xFF800000> : vector<128xf32>
      %reduce_max3A_533 = vector.multi_reduction <maximumf>, %select_n3A, %reduce_max3A_532 [0] : vector<2048x128xf32> to vector<128xf32>
      %get3A_534 = arith.constant 51 : index
      %get3A_535 = arith.constant 0 : index
      %get3A_536 = vector.load %arg10[%get3A_534, %get3A_535] : memref<64x128xf32, #tpu.memory_space<vmem>>, vector<1x128xf32>
      %get3A_537 = vector.shape_cast %get3A_536 : vector<1x128xf32> to vector<128xf32>
      %max3A = arith.maximumf %get3A_537, %reduce_max3A_533 : vector<128xf32>
      %swap3A = arith.constant 51 : index
      %swap3A_538 = arith.constant 0 : index
      %swap3A_539 = vector.load %arg10[%swap3A, %swap3A_538] : memref<64x128xf32, #tpu.memory_space<vmem>>, vector<1x128xf32>
      %swap3A_540 = vector.shape_cast %swap3A_539 : vector<1x128xf32> to vector<128xf32>
      %swap3A_541 = vector.shape_cast %max3A : vector<128xf32> to vector<1x128xf32>
      tpu.vector_store %arg10[%swap3A, %swap3A_538], %swap3A_541 {strides = array<i32>} : memref<64x128xf32, #tpu.memory_space<vmem>>, vector<1x128xf32>,
    } else {
    }
    %le3A_428 = arith.constant 5.200000e+01 : f32
    %le3A_429 = arith.cmpf ole, %reduce_min3A_10, %le3A_428 : f32
    %ge3A_430 = arith.constant 5.200000e+01 : f32
    %ge3A_431 = arith.cmpf oge, %reduce_max3A_14, %ge3A_430 : f32
    %and3A_432 = arith.andi %le3A_429, %ge3A_431 : i1
    %convert_element_type3A_433 = arith.extui %and3A_432 : i1 to i32
    %cond3A_434 = arith.constant 0 : i32
    %cond3A_435 = arith.cmpi ne, %convert_element_type3A_433, %cond3A_434 : i32
    scf.if %cond3A_435 {
      %eq3A_529 = arith.constant 5.200000e+01 : f32
      %eq3A_530 = vector.broadcast %eq3A_529 : f32 to vector<2048x128xf32>
      %eq3A_531 = arith.cmpf oeq, %get3A_6, %eq3A_530 : vector<2048x128xf32>
      %jit3A = arith.constant 0xFF800000 : f32
      %broadcast_in_dim3A = vector.broadcast %jit3A : f32 to vector<2048x128xf32>
      %select_n3A = arith.select %eq3A_531, %get3A_3, %broadcast_in_dim3A : vector<2048x128xi1>, vector<2048x128xf32>
      %reduce_max3A_532 = arith.constant dense<0xFF800000> : vector<128xf32>
      %reduce_max3A_533 = vector.multi_reduction <maximumf>, %select_n3A, %reduce_max3A_532 [0] : vector<2048x128xf32> to vector<128xf32>
      %get3A_534 = arith.constant 52 : index
      %get3A_535 = arith.constant 0 : index
      %get3A_536 = vector.load %arg10[%get3A_534, %get3A_535] : memref<64x128xf32, #tpu.memory_space<vmem>>, vector<1x128xf32>
      %get3A_537 = vector.shape_cast %get3A_536 : vector<1x128xf32> to vector<128xf32>
      %max3A = arith.maximumf %get3A_537, %reduce_max3A_533 : vector<128xf32>
      %swap3A = arith.constant 52 : index
      %swap3A_538 = arith.constant 0 : index
      %swap3A_539 = vector.load %arg10[%swap3A, %swap3A_538] : memref<64x128xf32, #tpu.memory_space<vmem>>, vector<1x128xf32>
      %swap3A_540 = vector.shape_cast %swap3A_539 : vector<1x128xf32> to vector<128xf32>
      %swap3A_541 = vector.shape_cast %max3A : vector<128xf32> to vector<1x128xf32>
      tpu.vector_store %arg10[%swap3A, %swap3A_538], %swap3A_541 {strides = array<i32>} : memref<64x128xf32, #tpu.memory_space<vmem>>, vector<1x128xf32>,
    } else {
    }
    %le3A_436 = arith.constant 5.300000e+01 : f32
    %le3A_437 = arith.cmpf ole, %reduce_min3A_10, %le3A_436 : f32
    %ge3A_438 = arith.constant 5.300000e+01 : f32
    %ge3A_439 = arith.cmpf oge, %reduce_max3A_14, %ge3A_438 : f32
    %and3A_440 = arith.andi %le3A_437, %ge3A_439 : i1
    %convert_element_type3A_441 = arith.extui %and3A_440 : i1 to i32
    %cond3A_442 = arith.constant 0 : i32
    %cond3A_443 = arith.cmpi ne, %convert_element_type3A_441, %cond3A_442 : i32
    scf.if %cond3A_443 {
      %eq3A_529 = arith.constant 5.300000e+01 : f32
      %eq3A_530 = vector.broadcast %eq3A_529 : f32 to vector<2048x128xf32>
      %eq3A_531 = arith.cmpf oeq, %get3A_6, %eq3A_530 : vector<2048x128xf32>
      %jit3A = arith.constant 0xFF800000 : f32
      %broadcast_in_dim3A = vector.broadcast %jit3A : f32 to vector<2048x128xf32>
      %select_n3A = arith.select %eq3A_531, %get3A_3, %broadcast_in_dim3A : vector<2048x128xi1>, vector<2048x128xf32>
      %reduce_max3A_532 = arith.constant dense<0xFF800000> : vector<128xf32>
      %reduce_max3A_533 = vector.multi_reduction <maximumf>, %select_n3A, %reduce_max3A_532 [0] : vector<2048x128xf32> to vector<128xf32>
      %get3A_534 = arith.constant 53 : index
      %get3A_535 = arith.constant 0 : index
      %get3A_536 = vector.load %arg10[%get3A_534, %get3A_535] : memref<64x128xf32, #tpu.memory_space<vmem>>, vector<1x128xf32>
      %get3A_537 = vector.shape_cast %get3A_536 : vector<1x128xf32> to vector<128xf32>
      %max3A = arith.maximumf %get3A_537, %reduce_max3A_533 : vector<128xf32>
      %swap3A = arith.constant 53 : index
      %swap3A_538 = arith.constant 0 : index
      %swap3A_539 = vector.load %arg10[%swap3A, %swap3A_538] : memref<64x128xf32, #tpu.memory_space<vmem>>, vector<1x128xf32>
      %swap3A_540 = vector.shape_cast %swap3A_539 : vector<1x128xf32> to vector<128xf32>
      %swap3A_541 = vector.shape_cast %max3A : vector<128xf32> to vector<1x128xf32>
      tpu.vector_store %arg10[%swap3A, %swap3A_538], %swap3A_541 {strides = array<i32>} : memref<64x128xf32, #tpu.memory_space<vmem>>, vector<1x128xf32>,
    } else {
    }
    %le3A_444 = arith.constant 5.400000e+01 : f32
    %le3A_445 = arith.cmpf ole, %reduce_min3A_10, %le3A_444 : f32
    %ge3A_446 = arith.constant 5.400000e+01 : f32
    %ge3A_447 = arith.cmpf oge, %reduce_max3A_14, %ge3A_446 : f32
    %and3A_448 = arith.andi %le3A_445, %ge3A_447 : i1
    %convert_element_type3A_449 = arith.extui %and3A_448 : i1 to i32
    %cond3A_450 = arith.constant 0 : i32
    %cond3A_451 = arith.cmpi ne, %convert_element_type3A_449, %cond3A_450 : i32
    scf.if %cond3A_451 {
      %eq3A_529 = arith.constant 5.400000e+01 : f32
      %eq3A_530 = vector.broadcast %eq3A_529 : f32 to vector<2048x128xf32>
      %eq3A_531 = arith.cmpf oeq, %get3A_6, %eq3A_530 : vector<2048x128xf32>
      %jit3A = arith.constant 0xFF800000 : f32
      %broadcast_in_dim3A = vector.broadcast %jit3A : f32 to vector<2048x128xf32>
      %select_n3A = arith.select %eq3A_531, %get3A_3, %broadcast_in_dim3A : vector<2048x128xi1>, vector<2048x128xf32>
      %reduce_max3A_532 = arith.constant dense<0xFF800000> : vector<128xf32>
      %reduce_max3A_533 = vector.multi_reduction <maximumf>, %select_n3A, %reduce_max3A_532 [0] : vector<2048x128xf32> to vector<128xf32>
      %get3A_534 = arith.constant 54 : index
      %get3A_535 = arith.constant 0 : index
      %get3A_536 = vector.load %arg10[%get3A_534, %get3A_535] : memref<64x128xf32, #tpu.memory_space<vmem>>, vector<1x128xf32>
      %get3A_537 = vector.shape_cast %get3A_536 : vector<1x128xf32> to vector<128xf32>
      %max3A = arith.maximumf %get3A_537, %reduce_max3A_533 : vector<128xf32>
      %swap3A = arith.constant 54 : index
      %swap3A_538 = arith.constant 0 : index
      %swap3A_539 = vector.load %arg10[%swap3A, %swap3A_538] : memref<64x128xf32, #tpu.memory_space<vmem>>, vector<1x128xf32>
      %swap3A_540 = vector.shape_cast %swap3A_539 : vector<1x128xf32> to vector<128xf32>
      %swap3A_541 = vector.shape_cast %max3A : vector<128xf32> to vector<1x128xf32>
      tpu.vector_store %arg10[%swap3A, %swap3A_538], %swap3A_541 {strides = array<i32>} : memref<64x128xf32, #tpu.memory_space<vmem>>, vector<1x128xf32>,
    } else {
    }
    %le3A_452 = arith.constant 5.500000e+01 : f32
    %le3A_453 = arith.cmpf ole, %reduce_min3A_10, %le3A_452 : f32
    %ge3A_454 = arith.constant 5.500000e+01 : f32
    %ge3A_455 = arith.cmpf oge, %reduce_max3A_14, %ge3A_454 : f32
    %and3A_456 = arith.andi %le3A_453, %ge3A_455 : i1
    %convert_element_type3A_457 = arith.extui %and3A_456 : i1 to i32
    %cond3A_458 = arith.constant 0 : i32
    %cond3A_459 = arith.cmpi ne, %convert_element_type3A_457, %cond3A_458 : i32
    scf.if %cond3A_459 {
      %eq3A_529 = arith.constant 5.500000e+01 : f32
      %eq3A_530 = vector.broadcast %eq3A_529 : f32 to vector<2048x128xf32>
      %eq3A_531 = arith.cmpf oeq, %get3A_6, %eq3A_530 : vector<2048x128xf32>
      %jit3A = arith.constant 0xFF800000 : f32
      %broadcast_in_dim3A = vector.broadcast %jit3A : f32 to vector<2048x128xf32>
      %select_n3A = arith.select %eq3A_531, %get3A_3, %broadcast_in_dim3A : vector<2048x128xi1>, vector<2048x128xf32>
      %reduce_max3A_532 = arith.constant dense<0xFF800000> : vector<128xf32>
      %reduce_max3A_533 = vector.multi_reduction <maximumf>, %select_n3A, %reduce_max3A_532 [0] : vector<2048x128xf32> to vector<128xf32>
      %get3A_534 = arith.constant 55 : index
      %get3A_535 = arith.constant 0 : index
      %get3A_536 = vector.load %arg10[%get3A_534, %get3A_535] : memref<64x128xf32, #tpu.memory_space<vmem>>, vector<1x128xf32>
      %get3A_537 = vector.shape_cast %get3A_536 : vector<1x128xf32> to vector<128xf32>
      %max3A = arith.maximumf %get3A_537, %reduce_max3A_533 : vector<128xf32>
      %swap3A = arith.constant 55 : index
      %swap3A_538 = arith.constant 0 : index
      %swap3A_539 = vector.load %arg10[%swap3A, %swap3A_538] : memref<64x128xf32, #tpu.memory_space<vmem>>, vector<1x128xf32>
      %swap3A_540 = vector.shape_cast %swap3A_539 : vector<1x128xf32> to vector<128xf32>
      %swap3A_541 = vector.shape_cast %max3A : vector<128xf32> to vector<1x128xf32>
      tpu.vector_store %arg10[%swap3A, %swap3A_538], %swap3A_541 {strides = array<i32>} : memref<64x128xf32, #tpu.memory_space<vmem>>, vector<1x128xf32>,
    } else {
    }
    %le3A_460 = arith.constant 5.600000e+01 : f32
    %le3A_461 = arith.cmpf ole, %reduce_min3A_10, %le3A_460 : f32
    %ge3A_462 = arith.constant 5.600000e+01 : f32
    %ge3A_463 = arith.cmpf oge, %reduce_max3A_14, %ge3A_462 : f32
    %and3A_464 = arith.andi %le3A_461, %ge3A_463 : i1
    %convert_element_type3A_465 = arith.extui %and3A_464 : i1 to i32
    %cond3A_466 = arith.constant 0 : i32
    %cond3A_467 = arith.cmpi ne, %convert_element_type3A_465, %cond3A_466 : i32
    scf.if %cond3A_467 {
      %eq3A_529 = arith.constant 5.600000e+01 : f32
      %eq3A_530 = vector.broadcast %eq3A_529 : f32 to vector<2048x128xf32>
      %eq3A_531 = arith.cmpf oeq, %get3A_6, %eq3A_530 : vector<2048x128xf32>
      %jit3A = arith.constant 0xFF800000 : f32
      %broadcast_in_dim3A = vector.broadcast %jit3A : f32 to vector<2048x128xf32>
      %select_n3A = arith.select %eq3A_531, %get3A_3, %broadcast_in_dim3A : vector<2048x128xi1>, vector<2048x128xf32>
      %reduce_max3A_532 = arith.constant dense<0xFF800000> : vector<128xf32>
      %reduce_max3A_533 = vector.multi_reduction <maximumf>, %select_n3A, %reduce_max3A_532 [0] : vector<2048x128xf32> to vector<128xf32>
      %get3A_534 = arith.constant 56 : index
      %get3A_535 = arith.constant 0 : index
      %get3A_536 = vector.load %arg10[%get3A_534, %get3A_535] : memref<64x128xf32, #tpu.memory_space<vmem>>, vector<1x128xf32>
      %get3A_537 = vector.shape_cast %get3A_536 : vector<1x128xf32> to vector<128xf32>
      %max3A = arith.maximumf %get3A_537, %reduce_max3A_533 : vector<128xf32>
      %swap3A = arith.constant 56 : index
      %swap3A_538 = arith.constant 0 : index
      %swap3A_539 = vector.load %arg10[%swap3A, %swap3A_538] : memref<64x128xf32, #tpu.memory_space<vmem>>, vector<1x128xf32>
      %swap3A_540 = vector.shape_cast %swap3A_539 : vector<1x128xf32> to vector<128xf32>
      %swap3A_541 = vector.shape_cast %max3A : vector<128xf32> to vector<1x128xf32>
      tpu.vector_store %arg10[%swap3A, %swap3A_538], %swap3A_541 {strides = array<i32>} : memref<64x128xf32, #tpu.memory_space<vmem>>, vector<1x128xf32>,
    } else {
    }
    %le3A_468 = arith.constant 5.700000e+01 : f32
    %le3A_469 = arith.cmpf ole, %reduce_min3A_10, %le3A_468 : f32
    %ge3A_470 = arith.constant 5.700000e+01 : f32
    %ge3A_471 = arith.cmpf oge, %reduce_max3A_14, %ge3A_470 : f32
    %and3A_472 = arith.andi %le3A_469, %ge3A_471 : i1
    %convert_element_type3A_473 = arith.extui %and3A_472 : i1 to i32
    %cond3A_474 = arith.constant 0 : i32
    %cond3A_475 = arith.cmpi ne, %convert_element_type3A_473, %cond3A_474 : i32
    scf.if %cond3A_475 {
      %eq3A_529 = arith.constant 5.700000e+01 : f32
      %eq3A_530 = vector.broadcast %eq3A_529 : f32 to vector<2048x128xf32>
      %eq3A_531 = arith.cmpf oeq, %get3A_6, %eq3A_530 : vector<2048x128xf32>
      %jit3A = arith.constant 0xFF800000 : f32
      %broadcast_in_dim3A = vector.broadcast %jit3A : f32 to vector<2048x128xf32>
      %select_n3A = arith.select %eq3A_531, %get3A_3, %broadcast_in_dim3A : vector<2048x128xi1>, vector<2048x128xf32>
      %reduce_max3A_532 = arith.constant dense<0xFF800000> : vector<128xf32>
      %reduce_max3A_533 = vector.multi_reduction <maximumf>, %select_n3A, %reduce_max3A_532 [0] : vector<2048x128xf32> to vector<128xf32>
      %get3A_534 = arith.constant 57 : index
      %get3A_535 = arith.constant 0 : index
      %get3A_536 = vector.load %arg10[%get3A_534, %get3A_535] : memref<64x128xf32, #tpu.memory_space<vmem>>, vector<1x128xf32>
      %get3A_537 = vector.shape_cast %get3A_536 : vector<1x128xf32> to vector<128xf32>
      %max3A = arith.maximumf %get3A_537, %reduce_max3A_533 : vector<128xf32>
      %swap3A = arith.constant 57 : index
      %swap3A_538 = arith.constant 0 : index
      %swap3A_539 = vector.load %arg10[%swap3A, %swap3A_538] : memref<64x128xf32, #tpu.memory_space<vmem>>, vector<1x128xf32>
      %swap3A_540 = vector.shape_cast %swap3A_539 : vector<1x128xf32> to vector<128xf32>
      %swap3A_541 = vector.shape_cast %max3A : vector<128xf32> to vector<1x128xf32>
      tpu.vector_store %arg10[%swap3A, %swap3A_538], %swap3A_541 {strides = array<i32>} : memref<64x128xf32, #tpu.memory_space<vmem>>, vector<1x128xf32>,
    } else {
    }
    %le3A_476 = arith.constant 5.800000e+01 : f32
    %le3A_477 = arith.cmpf ole, %reduce_min3A_10, %le3A_476 : f32
    %ge3A_478 = arith.constant 5.800000e+01 : f32
    %ge3A_479 = arith.cmpf oge, %reduce_max3A_14, %ge3A_478 : f32
    %and3A_480 = arith.andi %le3A_477, %ge3A_479 : i1
    %convert_element_type3A_481 = arith.extui %and3A_480 : i1 to i32
    %cond3A_482 = arith.constant 0 : i32
    %cond3A_483 = arith.cmpi ne, %convert_element_type3A_481, %cond3A_482 : i32
    scf.if %cond3A_483 {
      %eq3A_529 = arith.constant 5.800000e+01 : f32
      %eq3A_530 = vector.broadcast %eq3A_529 : f32 to vector<2048x128xf32>
      %eq3A_531 = arith.cmpf oeq, %get3A_6, %eq3A_530 : vector<2048x128xf32>
      %jit3A = arith.constant 0xFF800000 : f32
      %broadcast_in_dim3A = vector.broadcast %jit3A : f32 to vector<2048x128xf32>
      %select_n3A = arith.select %eq3A_531, %get3A_3, %broadcast_in_dim3A : vector<2048x128xi1>, vector<2048x128xf32>
      %reduce_max3A_532 = arith.constant dense<0xFF800000> : vector<128xf32>
      %reduce_max3A_533 = vector.multi_reduction <maximumf>, %select_n3A, %reduce_max3A_532 [0] : vector<2048x128xf32> to vector<128xf32>
      %get3A_534 = arith.constant 58 : index
      %get3A_535 = arith.constant 0 : index
      %get3A_536 = vector.load %arg10[%get3A_534, %get3A_535] : memref<64x128xf32, #tpu.memory_space<vmem>>, vector<1x128xf32>
      %get3A_537 = vector.shape_cast %get3A_536 : vector<1x128xf32> to vector<128xf32>
      %max3A = arith.maximumf %get3A_537, %reduce_max3A_533 : vector<128xf32>
      %swap3A = arith.constant 58 : index
      %swap3A_538 = arith.constant 0 : index
      %swap3A_539 = vector.load %arg10[%swap3A, %swap3A_538] : memref<64x128xf32, #tpu.memory_space<vmem>>, vector<1x128xf32>
      %swap3A_540 = vector.shape_cast %swap3A_539 : vector<1x128xf32> to vector<128xf32>
      %swap3A_541 = vector.shape_cast %max3A : vector<128xf32> to vector<1x128xf32>
      tpu.vector_store %arg10[%swap3A, %swap3A_538], %swap3A_541 {strides = array<i32>} : memref<64x128xf32, #tpu.memory_space<vmem>>, vector<1x128xf32>,
    } else {
    }
    %le3A_484 = arith.constant 5.900000e+01 : f32
    %le3A_485 = arith.cmpf ole, %reduce_min3A_10, %le3A_484 : f32
    %ge3A_486 = arith.constant 5.900000e+01 : f32
    %ge3A_487 = arith.cmpf oge, %reduce_max3A_14, %ge3A_486 : f32
    %and3A_488 = arith.andi %le3A_485, %ge3A_487 : i1
    %convert_element_type3A_489 = arith.extui %and3A_488 : i1 to i32
    %cond3A_490 = arith.constant 0 : i32
    %cond3A_491 = arith.cmpi ne, %convert_element_type3A_489, %cond3A_490 : i32
    scf.if %cond3A_491 {
      %eq3A_529 = arith.constant 5.900000e+01 : f32
      %eq3A_530 = vector.broadcast %eq3A_529 : f32 to vector<2048x128xf32>
      %eq3A_531 = arith.cmpf oeq, %get3A_6, %eq3A_530 : vector<2048x128xf32>
      %jit3A = arith.constant 0xFF800000 : f32
      %broadcast_in_dim3A = vector.broadcast %jit3A : f32 to vector<2048x128xf32>
      %select_n3A = arith.select %eq3A_531, %get3A_3, %broadcast_in_dim3A : vector<2048x128xi1>, vector<2048x128xf32>
      %reduce_max3A_532 = arith.constant dense<0xFF800000> : vector<128xf32>
      %reduce_max3A_533 = vector.multi_reduction <maximumf>, %select_n3A, %reduce_max3A_532 [0] : vector<2048x128xf32> to vector<128xf32>
      %get3A_534 = arith.constant 59 : index
      %get3A_535 = arith.constant 0 : index
      %get3A_536 = vector.load %arg10[%get3A_534, %get3A_535] : memref<64x128xf32, #tpu.memory_space<vmem>>, vector<1x128xf32>
      %get3A_537 = vector.shape_cast %get3A_536 : vector<1x128xf32> to vector<128xf32>
      %max3A = arith.maximumf %get3A_537, %reduce_max3A_533 : vector<128xf32>
      %swap3A = arith.constant 59 : index
      %swap3A_538 = arith.constant 0 : index
      %swap3A_539 = vector.load %arg10[%swap3A, %swap3A_538] : memref<64x128xf32, #tpu.memory_space<vmem>>, vector<1x128xf32>
      %swap3A_540 = vector.shape_cast %swap3A_539 : vector<1x128xf32> to vector<128xf32>
      %swap3A_541 = vector.shape_cast %max3A : vector<128xf32> to vector<1x128xf32>
      tpu.vector_store %arg10[%swap3A, %swap3A_538], %swap3A_541 {strides = array<i32>} : memref<64x128xf32, #tpu.memory_space<vmem>>, vector<1x128xf32>,
    } else {
    }
    %le3A_492 = arith.constant 6.000000e+01 : f32
    %le3A_493 = arith.cmpf ole, %reduce_min3A_10, %le3A_492 : f32
    %ge3A_494 = arith.constant 6.000000e+01 : f32
    %ge3A_495 = arith.cmpf oge, %reduce_max3A_14, %ge3A_494 : f32
    %and3A_496 = arith.andi %le3A_493, %ge3A_495 : i1
    %convert_element_type3A_497 = arith.extui %and3A_496 : i1 to i32
    %cond3A_498 = arith.constant 0 : i32
    %cond3A_499 = arith.cmpi ne, %convert_element_type3A_497, %cond3A_498 : i32
    scf.if %cond3A_499 {
      %eq3A_529 = arith.constant 6.000000e+01 : f32
      %eq3A_530 = vector.broadcast %eq3A_529 : f32 to vector<2048x128xf32>
      %eq3A_531 = arith.cmpf oeq, %get3A_6, %eq3A_530 : vector<2048x128xf32>
      %jit3A = arith.constant 0xFF800000 : f32
      %broadcast_in_dim3A = vector.broadcast %jit3A : f32 to vector<2048x128xf32>
      %select_n3A = arith.select %eq3A_531, %get3A_3, %broadcast_in_dim3A : vector<2048x128xi1>, vector<2048x128xf32>
      %reduce_max3A_532 = arith.constant dense<0xFF800000> : vector<128xf32>
      %reduce_max3A_533 = vector.multi_reduction <maximumf>, %select_n3A, %reduce_max3A_532 [0] : vector<2048x128xf32> to vector<128xf32>
      %get3A_534 = arith.constant 60 : index
      %get3A_535 = arith.constant 0 : index
      %get3A_536 = vector.load %arg10[%get3A_534, %get3A_535] : memref<64x128xf32, #tpu.memory_space<vmem>>, vector<1x128xf32>
      %get3A_537 = vector.shape_cast %get3A_536 : vector<1x128xf32> to vector<128xf32>
      %max3A = arith.maximumf %get3A_537, %reduce_max3A_533 : vector<128xf32>
      %swap3A = arith.constant 60 : index
      %swap3A_538 = arith.constant 0 : index
      %swap3A_539 = vector.load %arg10[%swap3A, %swap3A_538] : memref<64x128xf32, #tpu.memory_space<vmem>>, vector<1x128xf32>
      %swap3A_540 = vector.shape_cast %swap3A_539 : vector<1x128xf32> to vector<128xf32>
      %swap3A_541 = vector.shape_cast %max3A : vector<128xf32> to vector<1x128xf32>
      tpu.vector_store %arg10[%swap3A, %swap3A_538], %swap3A_541 {strides = array<i32>} : memref<64x128xf32, #tpu.memory_space<vmem>>, vector<1x128xf32>,
    } else {
    }
    %le3A_500 = arith.constant 6.100000e+01 : f32
    %le3A_501 = arith.cmpf ole, %reduce_min3A_10, %le3A_500 : f32
    %ge3A_502 = arith.constant 6.100000e+01 : f32
    %ge3A_503 = arith.cmpf oge, %reduce_max3A_14, %ge3A_502 : f32
    %and3A_504 = arith.andi %le3A_501, %ge3A_503 : i1
    %convert_element_type3A_505 = arith.extui %and3A_504 : i1 to i32
    %cond3A_506 = arith.constant 0 : i32
    %cond3A_507 = arith.cmpi ne, %convert_element_type3A_505, %cond3A_506 : i32
    scf.if %cond3A_507 {
      %eq3A_529 = arith.constant 6.100000e+01 : f32
      %eq3A_530 = vector.broadcast %eq3A_529 : f32 to vector<2048x128xf32>
      %eq3A_531 = arith.cmpf oeq, %get3A_6, %eq3A_530 : vector<2048x128xf32>
      %jit3A = arith.constant 0xFF800000 : f32
      %broadcast_in_dim3A = vector.broadcast %jit3A : f32 to vector<2048x128xf32>
      %select_n3A = arith.select %eq3A_531, %get3A_3, %broadcast_in_dim3A : vector<2048x128xi1>, vector<2048x128xf32>
      %reduce_max3A_532 = arith.constant dense<0xFF800000> : vector<128xf32>
      %reduce_max3A_533 = vector.multi_reduction <maximumf>, %select_n3A, %reduce_max3A_532 [0] : vector<2048x128xf32> to vector<128xf32>
      %get3A_534 = arith.constant 61 : index
      %get3A_535 = arith.constant 0 : index
      %get3A_536 = vector.load %arg10[%get3A_534, %get3A_535] : memref<64x128xf32, #tpu.memory_space<vmem>>, vector<1x128xf32>
      %get3A_537 = vector.shape_cast %get3A_536 : vector<1x128xf32> to vector<128xf32>
      %max3A = arith.maximumf %get3A_537, %reduce_max3A_533 : vector<128xf32>
      %swap3A = arith.constant 61 : index
      %swap3A_538 = arith.constant 0 : index
      %swap3A_539 = vector.load %arg10[%swap3A, %swap3A_538] : memref<64x128xf32, #tpu.memory_space<vmem>>, vector<1x128xf32>
      %swap3A_540 = vector.shape_cast %swap3A_539 : vector<1x128xf32> to vector<128xf32>
      %swap3A_541 = vector.shape_cast %max3A : vector<128xf32> to vector<1x128xf32>
      tpu.vector_store %arg10[%swap3A, %swap3A_538], %swap3A_541 {strides = array<i32>} : memref<64x128xf32, #tpu.memory_space<vmem>>, vector<1x128xf32>,
    } else {
    }
    %le3A_508 = arith.constant 6.200000e+01 : f32
    %le3A_509 = arith.cmpf ole, %reduce_min3A_10, %le3A_508 : f32
    %ge3A_510 = arith.constant 6.200000e+01 : f32
    %ge3A_511 = arith.cmpf oge, %reduce_max3A_14, %ge3A_510 : f32
    %and3A_512 = arith.andi %le3A_509, %ge3A_511 : i1
    %convert_element_type3A_513 = arith.extui %and3A_512 : i1 to i32
    %cond3A_514 = arith.constant 0 : i32
    %cond3A_515 = arith.cmpi ne, %convert_element_type3A_513, %cond3A_514 : i32
    scf.if %cond3A_515 {
      %eq3A_529 = arith.constant 6.200000e+01 : f32
      %eq3A_530 = vector.broadcast %eq3A_529 : f32 to vector<2048x128xf32>
      %eq3A_531 = arith.cmpf oeq, %get3A_6, %eq3A_530 : vector<2048x128xf32>
      %jit3A = arith.constant 0xFF800000 : f32
      %broadcast_in_dim3A = vector.broadcast %jit3A : f32 to vector<2048x128xf32>
      %select_n3A = arith.select %eq3A_531, %get3A_3, %broadcast_in_dim3A : vector<2048x128xi1>, vector<2048x128xf32>
      %reduce_max3A_532 = arith.constant dense<0xFF800000> : vector<128xf32>
      %reduce_max3A_533 = vector.multi_reduction <maximumf>, %select_n3A, %reduce_max3A_532 [0] : vector<2048x128xf32> to vector<128xf32>
      %get3A_534 = arith.constant 62 : index
      %get3A_535 = arith.constant 0 : index
      %get3A_536 = vector.load %arg10[%get3A_534, %get3A_535] : memref<64x128xf32, #tpu.memory_space<vmem>>, vector<1x128xf32>
      %get3A_537 = vector.shape_cast %get3A_536 : vector<1x128xf32> to vector<128xf32>
      %max3A = arith.maximumf %get3A_537, %reduce_max3A_533 : vector<128xf32>
      %swap3A = arith.constant 62 : index
      %swap3A_538 = arith.constant 0 : index
      %swap3A_539 = vector.load %arg10[%swap3A, %swap3A_538] : memref<64x128xf32, #tpu.memory_space<vmem>>, vector<1x128xf32>
      %swap3A_540 = vector.shape_cast %swap3A_539 : vector<1x128xf32> to vector<128xf32>
      %swap3A_541 = vector.shape_cast %max3A : vector<128xf32> to vector<1x128xf32>
      tpu.vector_store %arg10[%swap3A, %swap3A_538], %swap3A_541 {strides = array<i32>} : memref<64x128xf32, #tpu.memory_space<vmem>>, vector<1x128xf32>,
    } else {
    }
    %le3A_516 = arith.constant 6.300000e+01 : f32
    %le3A_517 = arith.cmpf ole, %reduce_min3A_10, %le3A_516 : f32
    %ge3A_518 = arith.constant 6.300000e+01 : f32
    %ge3A_519 = arith.cmpf oge, %reduce_max3A_14, %ge3A_518 : f32
    %and3A_520 = arith.andi %le3A_517, %ge3A_519 : i1
    %convert_element_type3A_521 = arith.extui %and3A_520 : i1 to i32
    %cond3A_522 = arith.constant 0 : i32
    %cond3A_523 = arith.cmpi ne, %convert_element_type3A_521, %cond3A_522 : i32
    scf.if %cond3A_523 {
      %eq3A_529 = arith.constant 6.300000e+01 : f32
      %eq3A_530 = vector.broadcast %eq3A_529 : f32 to vector<2048x128xf32>
      %eq3A_531 = arith.cmpf oeq, %get3A_6, %eq3A_530 : vector<2048x128xf32>
      %jit3A = arith.constant 0xFF800000 : f32
      %broadcast_in_dim3A = vector.broadcast %jit3A : f32 to vector<2048x128xf32>
      %select_n3A = arith.select %eq3A_531, %get3A_3, %broadcast_in_dim3A : vector<2048x128xi1>, vector<2048x128xf32>
      %reduce_max3A_532 = arith.constant dense<0xFF800000> : vector<128xf32>
      %reduce_max3A_533 = vector.multi_reduction <maximumf>, %select_n3A, %reduce_max3A_532 [0] : vector<2048x128xf32> to vector<128xf32>
      %get3A_534 = arith.constant 63 : index
      %get3A_535 = arith.constant 0 : index
      %get3A_536 = vector.load %arg10[%get3A_534, %get3A_535] : memref<64x128xf32, #tpu.memory_space<vmem>>, vector<1x128xf32>
      %get3A_537 = vector.shape_cast %get3A_536 : vector<1x128xf32> to vector<128xf32>
      %max3A = arith.maximumf %get3A_537, %reduce_max3A_533 : vector<128xf32>
      %swap3A = arith.constant 63 : index
      %swap3A_538 = arith.constant 0 : index
      %swap3A_539 = vector.load %arg10[%swap3A, %swap3A_538] : memref<64x128xf32, #tpu.memory_space<vmem>>, vector<1x128xf32>
      %swap3A_540 = vector.shape_cast %swap3A_539 : vector<1x128xf32> to vector<128xf32>
      %swap3A_541 = vector.shape_cast %max3A : vector<128xf32> to vector<1x128xf32>
      tpu.vector_store %arg10[%swap3A, %swap3A_538], %swap3A_541 {strides = array<i32>} : memref<64x128xf32, #tpu.memory_space<vmem>>, vector<1x128xf32>,
    } else {
    }
    %eq3A_524 = arith.constant 24 : i32
    %eq3A_525 = arith.cmpi eq, %arg0, %eq3A_524 : i32
    %convert_element_type3A_526 = arith.extui %eq3A_525 : i1 to i32
    %cond3A_527 = arith.constant 0 : i32
    %cond3A_528 = arith.cmpi ne, %convert_element_type3A_526, %cond3A_527 : i32
    scf.if %cond3A_528 {
      %get3A_529 = arith.constant 0 : index
      %get3A_530 = arith.constant 0 : index
      %get3A_531 = vector.load %arg10[%get3A_529, %get3A_530] : memref<64x128xf32, #tpu.memory_space<vmem>>, vector<64x128xf32>
      %get3A_532 = arith.constant 0 : index
      %get3A_533 = arith.constant 0 : index
      %get3A_534 = vector.load %arg3[%get3A_532, %get3A_533] : memref<128x64xf32, #tpu.memory_space<vmem>>, vector<128x64xf32>
      %dot_general3A = arith.constant dense<0.000000e+00> : vector<64x64xf32>
      %dot_general3A_535 = tpu.matmul %get3A_531, %get3A_534, %dot_general3A {dimension_numbers = #tpu.dot_dimension_numbers<[1], [0], [0], [1], [0, 0, 1, 1], [], []>, transpose_lhs_hint = false} : vector<64x128xf32>, vector<128x64xf32>, vector<64x64xf32> -> vector<64x64xf32>
      %get3A_536 = arith.constant 0 : index
      %get3A_537 = arith.constant 0 : index
      %get3A_538 = vector.load %arg4[%get3A_536, %get3A_537] : memref<1x64xf32, #tpu.memory_space<vmem>>, vector<1x64xf32>
      %add3A = vector.broadcast %get3A_538 : vector<1x64xf32> to vector<64x64xf32>
      %add3A_539 = arith.addf %dot_general3A_535, %add3A : vector<64x64xf32>
      %max3A = arith.constant 0.000000e+00 : f32
      %max3A_540 = vector.broadcast %max3A : f32 to vector<64x64xf32>
      %max3A_541 = arith.maximumf %add3A_539, %max3A_540 : vector<64x64xf32>
      %get3A_542 = arith.constant 0 : index
      %get3A_543 = arith.constant 0 : index
      %get3A_544 = vector.load %arg5[%get3A_542, %get3A_543] : memref<64x128xf32, #tpu.memory_space<vmem>>, vector<64x128xf32>
      %dot_general3A_545 = arith.constant dense<0.000000e+00> : vector<64x128xf32>
      %dot_general3A_546 = tpu.matmul %max3A_541, %get3A_544, %dot_general3A_545 {dimension_numbers = #tpu.dot_dimension_numbers<[1], [0], [0], [1], [0, 0, 1, 1], [], []>, transpose_lhs_hint = false} : vector<64x64xf32>, vector<64x128xf32>, vector<64x128xf32> -> vector<64x128xf32>
      %get3A_547 = arith.constant 0 : index
      %get3A_548 = arith.constant 0 : index
      %get3A_549 = vector.load %arg6[%get3A_547, %get3A_548] : memref<1x128xf32, #tpu.memory_space<vmem>>, vector<1x128xf32>
      %add3A_550 = vector.broadcast %get3A_549 : vector<1x128xf32> to vector<64x128xf32>
      %add3A_551 = arith.addf %dot_general3A_546, %add3A_550 : vector<64x128xf32>
      %max3A_552 = arith.constant 0.000000e+00 : f32
      %max3A_553 = vector.broadcast %max3A_552 : f32 to vector<64x128xf32>
      %max3A_554 = arith.maximumf %add3A_551, %max3A_553 : vector<64x128xf32>
      %get3A_555 = arith.constant 0 : index
      %get3A_556 = arith.constant 0 : index
      %get3A_557 = vector.load %arg7[%get3A_555, %get3A_556] : memref<128x10xf32, #tpu.memory_space<vmem>>, vector<128x10xf32>
      %dot_general3A_558 = arith.constant dense<0.000000e+00> : vector<64x10xf32>
      %dot_general3A_559 = tpu.matmul %max3A_554, %get3A_557, %dot_general3A_558 {dimension_numbers = #tpu.dot_dimension_numbers<[1], [0], [0], [1], [0, 0, 1, 1], [], []>, transpose_lhs_hint = false} : vector<64x128xf32>, vector<128x10xf32>, vector<64x10xf32> -> vector<64x10xf32>
      %get3A_560 = arith.constant 0 : index
      %get3A_561 = arith.constant 0 : index
      %get3A_562 = vector.load %arg8[%get3A_560, %get3A_561] : memref<1x10xf32, #tpu.memory_space<vmem>>, vector<1x10xf32>
      %add3A_563 = vector.broadcast %get3A_562 : vector<1x10xf32> to vector<64x10xf32>
      %add3A_564 = arith.addf %dot_general3A_559, %add3A_563 : vector<64x10xf32>
      %swap3A = arith.constant 0 : index
      %swap3A_565 = arith.constant 0 : index
      %swap3A_566 = vector.load %arg9[%swap3A, %swap3A_565] : memref<64x10xf32, #tpu.memory_space<vmem>>, vector<64x10xf32>
      tpu.vector_store %arg9[%swap3A, %swap3A_565], %add3A_564 {strides = array<i32>} : memref<64x10xf32, #tpu.memory_space<vmem>>, vector<64x10xf32>,
    } else {
    }
    return
  }
  func.func @transform_0(%arg0: i32) -> (i32, i32) {
    %c0_i32 = arith.constant 0 : i32
    %c0_i32_0 = arith.constant 0 : i32
    return %arg0, %c0_i32 : i32, i32
  }
  func.func @transform_1(%arg0: i32) -> (i32, i32) {
    %c0_i32 = arith.constant 0 : i32
    %c0_i32_0 = arith.constant 0 : i32
    return %arg0, %c0_i32 : i32, i32
  }
  func.func @transform_2(%arg0: i32) -> (i32, i32) {
    %c0_i32 = arith.constant 0 : i32
    %c0_i32_0 = arith.constant 0 : i32
    %c0_i32_1 = arith.constant 0 : i32
    return %c0_i32, %c0_i32_0 : i32, i32
  }
  func.func @transform_3(%arg0: i32) -> (i32, i32) {
    %c0_i32 = arith.constant 0 : i32
    %c0_i32_0 = arith.constant 0 : i32
    %c0_i32_1 = arith.constant 0 : i32
    return %c0_i32, %c0_i32_0 : i32, i32
  }
  func.func @transform_4(%arg0: i32) -> (i32, i32) {
    %c0_i32 = arith.constant 0 : i32
    %c0_i32_0 = arith.constant 0 : i32
    %c0_i32_1 = arith.constant 0 : i32
    return %c0_i32, %c0_i32_0 : i32, i32
  }
  func.func @transform_5(%arg0: i32) -> (i32, i32) {
    %c0_i32 = arith.constant 0 : i32
    %c0_i32_0 = arith.constant 0 : i32
    %c0_i32_1 = arith.constant 0 : i32
    return %c0_i32, %c0_i32_0 : i32, i32
  }
  func.func @transform_6(%arg0: i32) -> (i32, i32) {
    %c0_i32 = arith.constant 0 : i32
    %c0_i32_0 = arith.constant 0 : i32
    %c0_i32_1 = arith.constant 0 : i32
    return %c0_i32, %c0_i32_0 : i32, i32
  }
  func.func @transform_7(%arg0: i32) -> (i32, i32) {
    %c0_i32 = arith.constant 0 : i32
    %c0_i32_0 = arith.constant 0 : i32
    %c0_i32_1 = arith.constant 0 : i32
    return %c0_i32, %c0_i32_0 : i32, i32
  }
  func.func @transform_8(%arg0: i32) -> (i32, i32) {
    %c0_i32 = arith.constant 0 : i32
    %c0_i32_0 = arith.constant 0 : i32
    %c0_i32_1 = arith.constant 0 : i32
    return %c0_i32, %c0_i32_0 : i32, i32
  }
}

</mosaic_0001>

<sc_bundles>
// kernel: kernel.11.cloned.1.call-start
scs
__scs_entry_jumppad:
0x0: {  	(pc) =	sbr.rel $0x88, $3  }
0x1: {  	(tag) =	ssettag $0x0;
	lr =	simm.s32 $0x1  }
0x2: {  	[smem:$0x3F83] =	sst lr;
	_ =	strace $0xD0000000  }
0x3: {  	_ = 	snop  }
0x4: {  	_ = 	snop  }
0x5: {  	_ = 	snop  }
0x6: {  	_ = 	snop  }
0x7: {  	_ = 	snop  }
__scs_overlays_trampoline_lowered:
0x8: {  	[smem:$0x3F92] =	sst s0  }
0x9: {  	[smem:$0x3F93] =	sst s1  }
0xa: {  	[smem:$0x3F94] =	sst s2  }
0xb: {  	[smem:$0x3F95] =	sst s3  }
0xc: {  	[smem:$0x3F96] =	sst s4  }
0xd: {  	[smem:$0x3F97] =	sst s5  }
0xe: {  	[smem:$0x3F98] =	sst s6  }
0xf: {  	[smem:$0x3F99] =	sst s7  }
0x10: {  	[smem:$0x3F9A] =	sst s8  }
0x11: {  	[smem:$0x3F9B] =	sst s9;
	s0 =	simm.s32 @!p0 $0x0  }
0x12: {  	s1 =	sld [smem:$0x3F81];
	s0 =	simm.s32 @p0 $0x1  }
0x13: {  	[smem:$0x3F9C] =	sst s0;
	s0 =	simm.s32 @!p1 $0x0  }
0x14: {  	s2 =	sld [smem:$0x3F80];
	s0 =	simm.s32 @p1 $0x1  }
0x15: {  	[smem:$0x3F9D] =	sst s0;
	s0 =	simm.s32 @!p2 $0x0  }
0x16: {  	s3 =	sld [smem:$0x3FDB];
	s0 =	simm.s32 @p2 $0x1  }
0x17: {  	s4 =	simm.s32 $0x1BF5;
	[smem:$0x3F9F] =	sst s0  }
0x18: {  	s0 =	sld [smem:$0x3F82];
	_ =	swait.ge [sflag:s4], $0x0  }
0x19: {  	s7 =	sld [smem:$0x3F83]  }
0x1a: {  	s8 =	sadd.s32 $0xFFFFE003, lr  }
0x1b: {  	s9 =	sadd.s32 $0xFFFFFEF7, lr;
	s5 =	simm.s32 $0xFFFFFFFF;
	p2 =	slt.u32 s8, $0xFFFFF086  }
0x1c: {  	p1 =	slt.u32 s9, $0xF7A;
	s5 =	simm.s32 @!p2 $0x0  }
0x1d: {  	s5 =	simm.s32 @p1 $0x1;
	p0 =	seq.s32 s7, s2  }
0x1e: {  	s7 =	smul.u32 @!p0 $0xF7A, s2;
	p2 =	seq.s32 @!p0 s5, $0x0  }
0x1f: {  	s9 =	smul.u32 $0xF7A, s1;
	s8 =	simm.s32 @!p0 $0x1BF5;
	p2 =	por !p2, p0  }
0x20: {  	[sflag:s8] =	ssyncset.s32 @!p0 $0xFFFFF086;
	s6 =	sadd.s32 @!p0 s3, s7;
	s7 =	simm.s32 @!p0 $0x108  }
0x21: {  	s3 =	sadd.s32 s3, s9;
	s6 =	sadd.s32 @!p0 $0x88, s6;
	s7 =	simm.s32 @p2 $0x1082  }
0x22: {  	[simem:s7], [sflag:s8] =	dma.local @!p0 [hbm:s6], $0xF7A  }
0x23: {  	s9 =	sor.u32 $0xD0000000, s2;
	s6 =	simm.s32 $0x108;
	_ =	swait.ge @!p0 [sflag:s8], $0x0  }
0x24: {  	s3 =	sadd.s32 $0x88, s3;
	s6 =	simm.s32 @!p1 $0x1082;
	[sflag:s4] =	ssyncset.s32 $0xFFFFF086  }
0x25: {  	[simem:s6], [sflag:s4] =	dma.local [hbm:s3], $0xF7A  }
0x26: {  	[smem:$0x3F83] =	sst s1;
	(tag) =	ssettag s2;
	_ =	strace s9  }
0x27: {  	s1 =	sld [smem:$0x3F93]  }
0x28: {  	s2 =	sld [smem:$0x3F94]  }
0x29: {  	s4 =	sld [smem:$0x3F96]  }
0x2a: {  	p0 =	seq.s32 s5, $0x0;
	s5 =	sld [smem:$0x3F97]  }
0x2b: {  	s6 =	sld [smem:$0x3F98]  }
0x2c: {  	s7 =	sld [smem:$0x3F99]  }
0x2d: {  	s3 =	simm.s32 $0x108;
	s8 =	sld [smem:$0x3F9A]  }
0x2e: {  	s3 =	simm.s32 @!p0 $0x1082;
	s9 =	sld [smem:$0x3F9B]  }
0x2f: {  	lr =	sadd.s32 s0, s3;
	s0 =	sld [smem:$0x3F92]  }
0x30: {  	s3 =	sld [smem:$0x3F95]  }
0x31: {  	[smem:$0x3F9E] =	sst s10  }
0x32: {  	s10 =	sld [smem:$0x3F9C];
	_ =	sdelay $0x3  }
0x33: {  	p0 =	seq.s32 s10, $0x1;
	s10 =	sld [smem:$0x3F9E];
	_ =	sdelay $0x3  }
0x34: {  	[smem:$0x3F9E] =	sst s10  }
0x35: {  	s10 =	sld [smem:$0x3F9D];
	_ =	sdelay $0x3  }
0x36: {  	p1 =	seq.s32 s10, $0x1;
	s10 =	sld [smem:$0x3F9E];
	_ =	sdelay $0x3  }
0x37: {  	[smem:$0x3F9E] =	sst s10  }
0x38: {  	s10 =	sld [smem:$0x3F9F]  }
0x39: {  	_ = 	snop;
	(pc) =	sbr.ind lr, $3  }
0x3a: {  	_ = 	snop  }
0x3b: {  	_ = 	snop  }
0x3c: {  	p2 =	seq.s32 s10, $0x1;
	s10 =	sld [smem:$0x3F9E]  }
0x3d: {  	_ =	shalt  }
0x3e: {  	_ =	shalt  }
0x3f: {  	_ =	shalt  }
0x40: {  	_ =	shalt  }
0x41: {  	_ =	shalt  }
0x42: {  	_ =	shalt  }
0x43: {  	_ =	shalt  }
0x44: {  	_ =	shalt  }
0x45: {  	_ =	shalt  }
0x46: {  	_ =	shalt  }
0x47: {  	_ =	shalt  }
0x48: {  	_ =	shalt  }
0x49: {  	_ =	shalt  }
0x4a: {  	_ =	shalt  }
0x4b: {  	_ =	shalt  }
0x4c: {  	_ =	shalt  }
0x4d: {  	_ =	shalt  }
0x4e: {  	_ =	shalt  }
0x4f: {  	_ =	shalt  }
0x50: {  	_ =	shalt  }
0x51: {  	_ =	shalt  }
0x52: {  	_ =	shalt  }
0x53: {  	_ =	shalt  }
0x54: {  	_ =	shalt  }
0x55: {  	_ =	shalt  }
0x56: {  	_ =	shalt  }
0x57: {  	_ =	shalt  }
0x58: {  	_ =	shalt  }
0x59: {  	_ =	shalt  }
0x5a: {  	_ =	shalt  }
0x5b: {  	_ =	shalt  }
0x5c: {  	_ =	shalt  }
0x5d: {  	_ =	shalt  }
0x5e: {  	_ =	shalt  }
0x5f: {  	_ =	shalt  }
0x60: {  	_ =	shalt  }
0x61: {  	_ =	shalt  }
0x62: {  	_ =	shalt  }
0x63: {  	_ =	shalt  }
0x64: {  	_ =	shalt  }
0x65: {  	_ =	shalt  }
0x66: {  	_ =	shalt  }
0x67: {  	_ =	shalt  }
0x68: {  	_ =	shalt  }
0x69: {  	_ =	shalt  }
0x6a: {  	_ =	shalt  }
0x6b: {  	_ =	shalt  }
0x6c: {  	_ =	shalt  }
0x6d: {  	_ =	shalt  }
0x6e: {  	_ =	shalt  }
0x6f: {  	_ =	shalt  }
0x70: {  	_ =	shalt  }
0x71: {  	_ =	shalt  }
0x72: {  	_ =	shalt  }
0x73: {  	_ =	shalt  }
0x74: {  	_ =	shalt  }
0x75: {  	_ =	shalt  }
0x76: {  	_ =	shalt  }
0x77: {  	_ =	shalt  }
0x78: {  	_ =	shalt  }
0x79: {  	_ =	shalt  }
0x7a: {  	_ =	shalt  }
0x7b: {  	_ =	shalt  }
0x7c: {  	_ =	shalt  }
0x7d: {  	_ =	shalt  }
0x7e: {  	_ =	shalt  }
0x7f: {  	_ =	shalt  }
0x80: {  	_ =	shalt  }
0x81: {  	_ =	shalt  }
0x82: {  	_ =	shalt  }
0x83: {  	_ =	shalt  }
0x84: {  	_ =	shalt  }
0x85: {  	_ =	shalt  }
0x86: {  	_ =	shalt  }
0x87: {  	_ =	shalt  }
.Lfunc_end0:
.L_simem_size_0:
called_computation_lowered:
.L_overlay_start_0:
0x88: {  	s2 =	sld [smem:$0x3FD9]  }
0x89: {  	s3 =	sld [smem:$0x3FFE];
	_ =	sdelay $0x1  }
0x8a: {  	s1 =	srdreg.scid  }
0x8b: {  	s0 =	sand.u32 $0x1, s1  }
0x8c: {  	s16 =	sshll.u32 s0, $0xA;
	s2 =	sadd.s32 s3, s2  }
0x8d: {  	s2 =	sadd.s32 s2, s16  }
0x8e: {  	[smem:$0x3FAA] =	sst s2  }
0x8f: {  	_ = 	snop  }
0x90: {  	(tm) =	ssettm $0x1  }
0x91: {  	s17 =	sld [smem:$0x3FFB];
	_ =	sdelay $0x3  }
0x92: {  	_ =	strace s17  }
0x93: {  	s2 =	sld [smem:$0x3FFC];
	_ =	sdelay $0x3  }
0x94: {  	_ =	strace s2  }
0x95: {  	s2 =	sld [smem:$0x3FFD];
	_ =	sdelay $0x3  }
0x96: {  	_ =	strace s2  }
0x97: {  	_ =	strace $0x8FFFFFFF  }
0x98: {  	s18 =	sld [smem:$0x3FDB];
	_ =	sdelay $0x1  }
0x99: {  	s19 =	simm.s32 $_scs_section_size  }
0x9a: {  	s4 =	simm.s32 $_size__tile_overlayer_lowered;
	s5 =	simm.s32 $_tile_overlayer_lowered  }
0x9b: {  	s22 =	simm.s32 $0x1BFF;
	s21 =	sshll.u32 s5, $0x1;
	s2 =	sadd.s32 s19, s18  }
0x9c: {  	s6 =	simm.s32 $0x0;
	s20 =	sshll.u32 s4, $0x1;
	s4 =	sadd.s32 s21, s2  }
0x9d: {  	[timem:s6], [sflag:s22] =	dma.local [hbm:s4], s20  }
0x9e: {  	_ =	swait.ge [sflag:s22], s20  }
0x9f: {  	s3 =	ssub.s32 $0x0, s20;
	[sflag:s22] =	ssyncset.done $0x0  }
0xa0: {  	[sflag:s22] =	ssyncadd.s32 s3;
	_ =	sdelay $0x1  }
0xa1: {  	s23 =	simm.s32 $0x1B8B  }
0xa2: {  	_ =	swait.ge [sflag:s23], $0x1  }
0xa3: {  	[sflag:s23] =	ssyncset.done $0x0  }
0xa4: {  	s25 =	simm.s32 $0x1B8E;
	s24 =	sld [smem:$0x3FFE];
	[sflag:s23] =	ssyncadd.s32 $0xFFFFFFFF  }
0xa5: {  	s26 =	simm.s32 $execute0_lowered;
	[smem:$0x3FD2] =	sst s25  }
0xa6: {  	s4 =	sshll.u32 s26, $0x1;
	_ =	strace $0x80000046;
	[dreg:$0x1] =	wrdreg $0xFFFFFFFF  }
0xa7: {  	s28 =	simm.s32 $_size_execute0_lowered;
	s2 =	sadd.s32 s2, s4;
	[dreg:$0x0] =	wrdreg $0x0  }
0xa8: {  	s4 =	sshll.u32 s28, $0x1;
	[dreg:$0x2] =	wrdreg s2  }
0xa9: {  	[dreg:$0x3] =	wrdreg s4  }
0xaa: {  	[dreg:$0x4] =	wrdreg $0xC0  }
0xab: {  	_ =	task [dreg:s6], $0x5FFFF  }
0xac: {  	[dreg:$0x1] =	wrdreg $0xFFFFFFFF  }
0xad: {  	[dreg:$0x0] =	wrdreg $0x60  }
0xae: {  	[dreg:$0x2] =	wrdreg s24  }
0xaf: {  	[dreg:$0x3] =	wrdreg $0x9  }
0xb0: {  	_ =	task.clear_ibuf [dreg:s6], $0x4FFFF;
	_ =	strace $0x90000046  }
0xb1: {  	s29 =	simm.s32 $0x9;
	_ =	strace $0x80000048  }
0xb2: {  	_ =	swait.ge [sflag:s29], $0x1  }
0xb3: {  	[sflag:s29] =	ssyncadd.s32 $0xFFFFFFFF  }
0xb4: {  	_ =	strace $0x90000048  }
0xb5: {  	_ =	sfence  }
0xb6: {  	s30 =	sld [smem:$0x0];
	_ =	sdelay $0x2  }
0xb7: {  	s31 =	sshll.u32 s1, $0xD;
	s1 =	sshrl.u32 s1, $0x2  }
0xb8: {  	s3 =	sand.u32 $0x4000, s31;
	s1 =	sadd.s32 s1, s30  }
0xb9: {  	s0 =	sor.u32 s3, s0;
	s1 =	sshll.u32 s1, $0x11  }
0xba: {  	s0 =	sor.u32 s1, s0  }
0xbb: {  	s0 =	sadd.s32 $0x8F2B, s0  }
0xbc: {  	[sflag:s0] =	ssyncadd.remote.s32 $0x1  }
0xbd: {  	_ =	sfence.sel $0xFFFF  }
0xbe: {  	[dreg:$0x0] =	wrdreg $0xFFFFFFFF;
	(pc) =	sbr.abs _section_cstart, $3  }
0xbf: {  	[dreg:$0x1] =	wrdreg $0xFFFFFFFF  }
0xc0: {  	_ =	task.clear_ibuf [dreg:s6], $0x2FFFF;
	_ =	strace $0x9FFFFFFF  }
0xc1: {  	(tm) =	ssettm $0x7FFFFFFF  }
tec
execute0_lowered:
.L_overlay_start_1:
0x0: {  	(tag) =	ssettag $0x1  }
0x1: {  	s4 =	rddreg [dreg:$0x0]  }
0x2: {  	s0 =	rddreg [dreg:$0x1];
	s2 =	simm.s32 $0x0;
	s3 =	srdreg.scid  }
0x3: {  	s1 =	stileid.u32;
	s10 =	simm.s32 $0x1080;
	s11 =	simm.s32 $0x1880  }
0x4: {  	s12 =	simm.s32 $0x2080;
	s13 =	simm.s32 $0x2880;
	s14 =	simm.s32 $0x3080  }
0x5: {  	s15 =	simm.s32 $0x3880;
	s16 =	simm.s32 $0x4080;
	s17 =	simm.s32 $0x4880  }
0x6: {  	s18 =	simm.s32 $0x5080;
	s19 =	simm.s32 $0x5880;
	s20 =	simm.s32 $0x6080  }
0x7: {  	s21 =	simm.s32 $0x6880;
	s22 =	simm.s32 $0x7080;
	s23 =	simm.s32 $0x7880  }
0x8: {  	s24 =	simm.s32 $0x1;
	[smem:$0x7FF] =	sst s2;
	s5 =	sand.u32 $0x1, s3  }
0x9: {  	s6 =	sshll.u32 s1, $0x4;
	s3 =	sadd.s32 $0x5600, s4;
	s7 =	sshll.u32 s5, $0x4  }
0xa: {  	_ =	strace $0x80000047;
	s6 =	sand.u32 $0x70, s6;
	s7 =	sor.u32 s1, s7  }
0xb: {  	s5 =	ssub.s32 $0x2, s5;
	s6 =	sadd.s32 s6, s4;
	s8 =	sshll.u32 s7, $0x4  }
0xc: {  	s9 =	sshrl.u32 s5, $0x1;
	s7 =	sshll.u32 s7, $0xC;
	s8 =	sand.u32 $0x180, s8  }
0xd: {  	v2 =	vlaneseq.u32;
	s9 =	ssub.s32 s5, s9;
	s7 =	sadd.s32 s7, s4;
	s31 =	sadd.s32 s8, s6  }
0xe: {  	vm0 =	vmmov $0xffff;
	v1 =	vshrl.u32 v2, $0x3;
	s5 =	sadd.s32 $0x24A00, s7;
	s6 =	smax.u32 s9, $0x1;
	s7 =	simm.s32 $0x2  }
0xf: {  	v0 =	vand.u32 $0x7, v2;
	v2 =	vor.u32 $0x8, v2;
	v1 =	vmul.u32 $0x8, v1;
	s8 =	simm.s32 $0x80;
	s9 =	simm.s32 $0x880;
	s4 =	sadd.s32 $0x5400, s31  }
.LBB2_1:
0x10: {  	[tilespmem:s2], [sflag:$0x2] =	stream.linear.gather [hbm4b:s4+s2], $0x80, $0x38;
	[tilespmem:$0x8080] =	vst v63  }
0x11: {  	_ =	swait.ge [sflag:s7], $0x80  }
0x12: {  	[sflag:s7] =	ssyncset.done $0x0  }
0x13: {  	[sflag:s7] =	ssyncadd.s32 $0xFFFFFF80  }
0x14: {  	v3 =	vld [tilespmem:$0x0];
	_ =	sdelay $0x4  }
0x15: {  	v4 =	vshll.u32 v3, $0x1  }
0x16: {  	v3 =	vand.u32 $0x7, v3;
	v4 =	vand.u32 $0xFFFFFFF0, v4  }
0x17: {  	v3 =	vor.u32 v3, v4  }
0x18: {  	v4 =	vperm.xlane v3, v0;
	_ =	sdelay $0x1  }
0x19: {  	v3 =	vperm.xlane v3, v2;
	v4 =	vadd.s32 v1, v4;
	_ =	sdelay $0x1  }
0x1a: {  	v3 =	vadd.s32 v1, v3;
	_ =	sdelay $0x2  }
0x1b: {  	[tilespmem:s8], [sflag:$0x1] =	stream.indirect_vreg.gather [hbm4b:s3+s2], $0x80, v4, vm0, $0xb8;
	[tilespmem:$0x8080] =	vst v63  }
0x1c: {  	_ = 	snop  }
0x1d: {  	[tilespmem:s9], [sflag:$0x1] =	stream.indirect_vreg.gather [hbm4b:s3+s2], $0x80, v3, vm0, $0xb8;
	[tilespmem:$0x8080] =	vst v63  }
0x1e: {  	v3 =	vld [tilespmem:$0x10];
	_ =	sdelay $0x4  }
0x1f: {  	v57 =	vshll.u32 v3, $0x1  }
0x20: {  	v3 =	vand.u32 $0x7, v3;
	v4 =	vand.u32 $0xFFFFFFF0, v57  }
0x21: {  	v3 =	vor.u32 v3, v4  }
0x22: {  	v4 =	vperm.xlane v3, v0;
	_ =	sdelay $0x1  }
0x23: {  	v3 =	vperm.xlane v3, v2;
	v4 =	vadd.s32 v1, v4;
	_ =	sdelay $0x1  }
0x24: {  	v3 =	vadd.s32 v1, v3;
	_ =	sdelay $0x2  }
0x25: {  	[tilespmem:s10], [sflag:$0x1] =	stream.indirect_vreg.gather [hbm4b:s3+s2], $0x80, v4, vm0, $0xb8;
	[tilespmem:$0x8080] =	vst v63  }
0x26: {  	_ = 	snop  }
0x27: {  	[tilespmem:s11], [sflag:$0x1] =	stream.indirect_vreg.gather [hbm4b:s3+s2], $0x80, v3, vm0, $0xb8;
	[tilespmem:$0x8080] =	vst v63  }
0x28: {  	v3 =	vld [tilespmem:$0x20];
	_ =	sdelay $0x4  }
0x29: {  	v58 =	vshll.u32 v3, $0x1  }
0x2a: {  	v3 =	vand.u32 $0x7, v3;
	v4 =	vand.u32 $0xFFFFFFF0, v58  }
0x2b: {  	v3 =	vor.u32 v3, v4  }
0x2c: {  	v4 =	vperm.xlane v3, v0;
	_ =	sdelay $0x1  }
0x2d: {  	v3 =	vperm.xlane v3, v2;
	v4 =	vadd.s32 v1, v4;
	_ =	sdelay $0x1  }
0x2e: {  	v3 =	vadd.s32 v1, v3;
	_ =	sdelay $0x2  }
0x2f: {  	[tilespmem:s12], [sflag:$0x1] =	stream.indirect_vreg.gather [hbm4b:s3+s2], $0x80, v4, vm0, $0xb8;
	[tilespmem:$0x8080] =	vst v63  }
0x30: {  	_ = 	snop  }
0x31: {  	[tilespmem:s13], [sflag:$0x1] =	stream.indirect_vreg.gather [hbm4b:s3+s2], $0x80, v3, vm0, $0xb8;
	[tilespmem:$0x8080] =	vst v63  }
0x32: {  	v3 =	vld [tilespmem:$0x30];
	_ =	sdelay $0x4  }
0x33: {  	v59 =	vshll.u32 v3, $0x1  }
0x34: {  	v3 =	vand.u32 $0x7, v3;
	v4 =	vand.u32 $0xFFFFFFF0, v59  }
0x35: {  	v3 =	vor.u32 v3, v4  }
0x36: {  	v4 =	vperm.xlane v3, v0;
	_ =	sdelay $0x1  }
0x37: {  	v3 =	vperm.xlane v3, v2;
	v4 =	vadd.s32 v1, v4;
	_ =	sdelay $0x1  }
0x38: {  	v3 =	vadd.s32 v1, v3;
	_ =	sdelay $0x2  }
0x39: {  	[tilespmem:s14], [sflag:$0x1] =	stream.indirect_vreg.gather [hbm4b:s3+s2], $0x80, v4, vm0, $0xb8;
	[tilespmem:$0x8080] =	vst v63  }
0x3a: {  	_ = 	snop  }
0x3b: {  	[tilespmem:s15], [sflag:$0x1] =	stream.indirect_vreg.gather [hbm4b:s3+s2], $0x80, v3, vm0, $0xb8;
	[tilespmem:$0x8080] =	vst v63  }
0x3c: {  	v3 =	vld [tilespmem:$0x40];
	_ =	sdelay $0x4  }
0x3d: {  	v60 =	vshll.u32 v3, $0x1  }
0x3e: {  	v3 =	vand.u32 $0x7, v3;
	v4 =	vand.u32 $0xFFFFFFF0, v60  }
0x3f: {  	v3 =	vor.u32 v3, v4  }
0x40: {  	v4 =	vperm.xlane v3, v0;
	_ =	sdelay $0x1  }
0x41: {  	v3 =	vperm.xlane v3, v2;
	v4 =	vadd.s32 v1, v4;
	_ =	sdelay $0x1  }
0x42: {  	v3 =	vadd.s32 v1, v3;
	_ =	sdelay $0x2  }
0x43: {  	[tilespmem:s16], [sflag:$0x1] =	stream.indirect_vreg.gather [hbm4b:s3+s2], $0x80, v4, vm0, $0xb8;
	[tilespmem:$0x8080] =	vst v63  }
0x44: {  	_ = 	snop  }
0x45: {  	[tilespmem:s17], [sflag:$0x1] =	stream.indirect_vreg.gather [hbm4b:s3+s2], $0x80, v3, vm0, $0xb8;
	[tilespmem:$0x8080] =	vst v63  }
0x46: {  	v3 =	vld [tilespmem:$0x50];
	_ =	sdelay $0x4  }
0x47: {  	v61 =	vshll.u32 v3, $0x1  }
0x48: {  	v3 =	vand.u32 $0x7, v3;
	v4 =	vand.u32 $0xFFFFFFF0, v61  }
0x49: {  	v3 =	vor.u32 v3, v4  }
0x4a: {  	v4 =	vperm.xlane v3, v0;
	_ =	sdelay $0x1  }
0x4b: {  	v3 =	vperm.xlane v3, v2;
	v4 =	vadd.s32 v1, v4;
	_ =	sdelay $0x1  }
0x4c: {  	v3 =	vadd.s32 v1, v3;
	_ =	sdelay $0x2  }
0x4d: {  	[tilespmem:s18], [sflag:$0x1] =	stream.indirect_vreg.gather [hbm4b:s3+s2], $0x80, v4, vm0, $0xb8;
	[tilespmem:$0x8080] =	vst v63  }
0x4e: {  	_ = 	snop  }
0x4f: {  	[tilespmem:s19], [sflag:$0x1] =	stream.indirect_vreg.gather [hbm4b:s3+s2], $0x80, v3, vm0, $0xb8;
	[tilespmem:$0x8080] =	vst v63  }
0x50: {  	v3 =	vld [tilespmem:$0x60];
	_ =	sdelay $0x4  }
0x51: {  	v62 =	vshll.u32 v3, $0x1  }
0x52: {  	v3 =	vand.u32 $0x7, v3;
	v4 =	vand.u32 $0xFFFFFFF0, v62  }
0x53: {  	v3 =	vor.u32 v3, v4  }
0x54: {  	v4 =	vperm.xlane v3, v0;
	_ =	sdelay $0x1  }
0x55: {  	v3 =	vperm.xlane v3, v2;
	v4 =	vadd.s32 v1, v4;
	_ =	sdelay $0x1  }
0x56: {  	v3 =	vadd.s32 v1, v3;
	_ =	sdelay $0x2  }
0x57: {  	[tilespmem:s20], [sflag:$0x1] =	stream.indirect_vreg.gather [hbm4b:s3+s2], $0x80, v4, vm0, $0xb8;
	[tilespmem:$0x8080] =	vst v63  }
0x58: {  	_ = 	snop  }
0x59: {  	[tilespmem:s21], [sflag:$0x1] =	stream.indirect_vreg.gather [hbm4b:s3+s2], $0x80, v3, vm0, $0xb8;
	[tilespmem:$0x8080] =	vst v63  }
0x5a: {  	v3 =	vld [tilespmem:$0x70];
	_ =	sdelay $0x4  }
0x5b: {  	v63 =	vshll.u32 v3, $0x1  }
0x5c: {  	v3 =	vand.u32 $0x7, v3;
	v4 =	vand.u32 $0xFFFFFFF0, v63  }
0x5d: {  	v3 =	vor.u32 v3, v4  }
0x5e: {  	v4 =	vperm.xlane v3, v0;
	_ =	sdelay $0x1  }
0x5f: {  	v3 =	vperm.xlane v3, v2;
	v4 =	vadd.s32 v1, v4;
	_ =	sdelay $0x1  }
0x60: {  	v3 =	vadd.s32 v1, v3;
	_ =	sdelay $0x2  }
0x61: {  	[tilespmem:s22], [sflag:$0x1] =	stream.indirect_vreg.gather [hbm4b:s3+s2], $0x80, v4, vm0, $0xb8;
	[tilespmem:$0x8080] =	vst v63  }
0x62: {  	_ = 	snop  }
0x63: {  	[tilespmem:s23], [sflag:$0x1] =	stream.indirect_vreg.gather [hbm4b:s3+s2], $0x80, v3, vm0, $0xb8;
	[tilespmem:$0x8080] =	vst v63  }
0x64: {  	_ =	swait.ge [sflag:s24], $0x8000  }
0x65: {  	p0 =	sne.s32 s6, $0x1;
	[sflag:s24] =	ssyncset.done $0x0  }
.Ltmp0:
0x66: {  	[sflag:s24] =	ssyncadd.s32 $0xFFFF8000;
	(pc) =	sbr.rel @p0 .LBB2_1-.Ltmp0, $4  }
0x67: {  	[hbm4b:s5+s2] =	stream.linear.scatter [tilespmem:s8], [sflag:$0x2], $0x8000, $0x38;
	[tilespmem:$0x8080] =	vst v63  }
0x68: {  	_ =	swait.ge [sflag:s7], $0x8000  }
0x69: {  	[sflag:s7] =	ssyncset.done $0x0  }
0x6a: {  	s6 =	sadd.s32 $0xFFFFFFFF, s6;
	[sflag:s7] =	ssyncadd.s32 $0xFFFF8000  }
0x6b: {  	_ =	sfence.sel $0x180000  }
0x6c: {  	[bflag:$0x0] =	sbarrier.arrive $0xFFFF  }
0x6d: {  	p0 =	sne.s32 s1, $0x0;
	_ =	strace $0x90000047  }
0x6e: {  	s0 =	sadd.s32 @!p0 $0x100000, s0;
	[bflag:$0x2] =	sbarrier.arrive $0xFFFF  }
0x6f: {  	[sflag:s0] =	ssyncadd.tile.s32 @!p0 $0x1;
	_ =	shalt  }
.Lfunc_end2:
_tile_overlayer_lowered:
.L_overlay_start_2:
0x70: {  	(tag) =	ssettag $0x2  }
0x71: {  	s0 =	rddreg [dreg:$0x0];
	s2 =	stileid.u32  }
0x72: {  	s1 =	rddreg [dreg:$0x1];
	p0 =	sne.s32 s2, $0x0  }
0x73: {  	s3 =	rddreg [dreg:$0x2];
	[bflag:$0x3] =	sbarrier.arrive $0xFFFF;
	s2 =	simm.s32 @!p0 $0x1C02  }
0x74: {  	[timem:s3], [sflag:s2] =	dma.local @!p0 [hbm:s0], s1  }
0x75: {  	s0 =	simm.s32 @!p0 $0x2  }
0x76: {  	_ =	swait.ge @!p0 [sflag:s0], s1  }
0x77: {  	s1 =	ssub.s32 @!p0 $0x0, s1;
	[sflag:s0] =	ssyncset.done @!p0 $0x0  }
0x78: {  	[sflag:s0] =	ssyncadd.s32 @!p0 s1  }
0x79: {  	[bflag:$0x3] =	sbarrier.arrive $0xFFFF  }
0x7a: {  	_ =	shalt  }

// kernel: kernel.14.cloned.1.call-start
scs
__scs_entry_jumppad:
0x0: {  	(pc) =	sbr.rel $0x88, $3  }
0x1: {  	(tag) =	ssettag $0x0;
	lr =	simm.s32 $0x1  }
0x2: {  	[smem:$0x3F83] =	sst lr;
	_ =	strace $0xD0000000  }
0x3: {  	_ = 	snop  }
0x4: {  	_ = 	snop  }
0x5: {  	_ = 	snop  }
0x6: {  	_ = 	snop  }
0x7: {  	_ = 	snop  }
__scs_overlays_trampoline_lowered:
0x8: {  	[smem:$0x3F92] =	sst s0  }
0x9: {  	[smem:$0x3F93] =	sst s1  }
0xa: {  	[smem:$0x3F94] =	sst s2  }
0xb: {  	[smem:$0x3F95] =	sst s3  }
0xc: {  	[smem:$0x3F96] =	sst s4  }
0xd: {  	[smem:$0x3F97] =	sst s5  }
0xe: {  	[smem:$0x3F98] =	sst s6  }
0xf: {  	[smem:$0x3F99] =	sst s7  }
0x10: {  	[smem:$0x3F9A] =	sst s8  }
0x11: {  	[smem:$0x3F9B] =	sst s9;
	s0 =	simm.s32 @!p0 $0x0  }
0x12: {  	s1 =	sld [smem:$0x3F81];
	s0 =	simm.s32 @p0 $0x1  }
0x13: {  	[smem:$0x3F9C] =	sst s0;
	s0 =	simm.s32 @!p1 $0x0  }
0x14: {  	s2 =	sld [smem:$0x3F80];
	s0 =	simm.s32 @p1 $0x1  }
0x15: {  	[smem:$0x3F9D] =	sst s0;
	s0 =	simm.s32 @!p2 $0x0  }
0x16: {  	s3 =	sld [smem:$0x3FDB];
	s0 =	simm.s32 @p2 $0x1  }
0x17: {  	s4 =	simm.s32 $0x1BF5;
	[smem:$0x3F9F] =	sst s0  }
0x18: {  	s0 =	sld [smem:$0x3F82];
	_ =	swait.ge [sflag:s4], $0x0  }
0x19: {  	s7 =	sld [smem:$0x3F83]  }
0x1a: {  	s8 =	sadd.s32 $0xFFFFE003, lr  }
0x1b: {  	s9 =	sadd.s32 $0xFFFFFEF7, lr;
	s5 =	simm.s32 $0xFFFFFFFF;
	p2 =	slt.u32 s8, $0xFFFFF086  }
0x1c: {  	p1 =	slt.u32 s9, $0xF7A;
	s5 =	simm.s32 @!p2 $0x0  }
0x1d: {  	s5 =	simm.s32 @p1 $0x1;
	p0 =	seq.s32 s7, s2  }
0x1e: {  	s7 =	smul.u32 @!p0 $0xF7A, s2;
	p2 =	seq.s32 @!p0 s5, $0x0  }
0x1f: {  	s9 =	smul.u32 $0xF7A, s1;
	s8 =	simm.s32 @!p0 $0x1BF5;
	p2 =	por !p2, p0  }
0x20: {  	[sflag:s8] =	ssyncset.s32 @!p0 $0xFFFFF086;
	s6 =	sadd.s32 @!p0 s3, s7;
	s7 =	simm.s32 @!p0 $0x108  }
0x21: {  	s3 =	sadd.s32 s3, s9;
	s6 =	sadd.s32 @!p0 $0x88, s6;
	s7 =	simm.s32 @p2 $0x1082  }
0x22: {  	[simem:s7], [sflag:s8] =	dma.local @!p0 [hbm:s6], $0xF7A  }
0x23: {  	s9 =	sor.u32 $0xD0000000, s2;
	s6 =	simm.s32 $0x108;
	_ =	swait.ge @!p0 [sflag:s8], $0x0  }
0x24: {  	s3 =	sadd.s32 $0x88, s3;
	s6 =	simm.s32 @!p1 $0x1082;
	[sflag:s4] =	ssyncset.s32 $0xFFFFF086  }
0x25: {  	[simem:s6], [sflag:s4] =	dma.local [hbm:s3], $0xF7A  }
0x26: {  	[smem:$0x3F83] =	sst s1;
	(tag) =	ssettag s2;
	_ =	strace s9  }
0x27: {  	s1 =	sld [smem:$0x3F93]  }
0x28: {  	s2 =	sld [smem:$0x3F94]  }
0x29: {  	s4 =	sld [smem:$0x3F96]  }
0x2a: {  	p0 =	seq.s32 s5, $0x0;
	s5 =	sld [smem:$0x3F97]  }
0x2b: {  	s6 =	sld [smem:$0x3F98]  }
0x2c: {  	s7 =	sld [smem:$0x3F99]  }
0x2d: {  	s3 =	simm.s32 $0x108;
	s8 =	sld [smem:$0x3F9A]  }
0x2e: {  	s3 =	simm.s32 @!p0 $0x1082;
	s9 =	sld [smem:$0x3F9B]  }
0x2f: {  	lr =	sadd.s32 s0, s3;
	s0 =	sld [smem:$0x3F92]  }
0x30: {  	s3 =	sld [smem:$0x3F95]  }
0x31: {  	[smem:$0x3F9E] =	sst s10  }
0x32: {  	s10 =	sld [smem:$0x3F9C];
	_ =	sdelay $0x3  }
0x33: {  	p0 =	seq.s32 s10, $0x1;
	s10 =	sld [smem:$0x3F9E];
	_ =	sdelay $0x3  }
0x34: {  	[smem:$0x3F9E] =	sst s10  }
0x35: {  	s10 =	sld [smem:$0x3F9D];
	_ =	sdelay $0x3  }
0x36: {  	p1 =	seq.s32 s10, $0x1;
	s10 =	sld [smem:$0x3F9E];
	_ =	sdelay $0x3  }
0x37: {  	[smem:$0x3F9E] =	sst s10  }
0x38: {  	s10 =	sld [smem:$0x3F9F]  }
0x39: {  	_ = 	snop;
	(pc) =	sbr.ind lr, $3  }
0x3a: {  	_ = 	snop  }
0x3b: {  	_ = 	snop  }
0x3c: {  	p2 =	seq.s32 s10, $0x1;
	s10 =	sld [smem:$0x3F9E]  }
0x3d: {  	_ =	shalt  }
0x3e: {  	_ =	shalt  }
0x3f: {  	_ =	shalt  }
0x40: {  	_ =	shalt  }
0x41: {  	_ =	shalt  }
0x42: {  	_ =	shalt  }
0x43: {  	_ =	shalt  }
0x44: {  	_ =	shalt  }
0x45: {  	_ =	shalt  }
0x46: {  	_ =	shalt  }
0x47: {  	_ =	shalt  }
0x48: {  	_ =	shalt  }
0x49: {  	_ =	shalt  }
0x4a: {  	_ =	shalt  }
0x4b: {  	_ =	shalt  }
0x4c: {  	_ =	shalt  }
0x4d: {  	_ =	shalt  }
0x4e: {  	_ =	shalt  }
0x4f: {  	_ =	shalt  }
0x50: {  	_ =	shalt  }
0x51: {  	_ =	shalt  }
0x52: {  	_ =	shalt  }
0x53: {  	_ =	shalt  }
0x54: {  	_ =	shalt  }
0x55: {  	_ =	shalt  }
0x56: {  	_ =	shalt  }
0x57: {  	_ =	shalt  }
0x58: {  	_ =	shalt  }
0x59: {  	_ =	shalt  }
0x5a: {  	_ =	shalt  }
0x5b: {  	_ =	shalt  }
0x5c: {  	_ =	shalt  }
0x5d: {  	_ =	shalt  }
0x5e: {  	_ =	shalt  }
0x5f: {  	_ =	shalt  }
0x60: {  	_ =	shalt  }
0x61: {  	_ =	shalt  }
0x62: {  	_ =	shalt  }
0x63: {  	_ =	shalt  }
0x64: {  	_ =	shalt  }
0x65: {  	_ =	shalt  }
0x66: {  	_ =	shalt  }
0x67: {  	_ =	shalt  }
0x68: {  	_ =	shalt  }
0x69: {  	_ =	shalt  }
0x6a: {  	_ =	shalt  }
0x6b: {  	_ =	shalt  }
0x6c: {  	_ =	shalt  }
0x6d: {  	_ =	shalt  }
0x6e: {  	_ =	shalt  }
0x6f: {  	_ =	shalt  }
0x70: {  	_ =	shalt  }
0x71: {  	_ =	shalt  }
0x72: {  	_ =	shalt  }
0x73: {  	_ =	shalt  }
0x74: {  	_ =	shalt  }
0x75: {  	_ =	shalt  }
0x76: {  	_ =	shalt  }
0x77: {  	_ =	shalt  }
0x78: {  	_ =	shalt  }
0x79: {  	_ =	shalt  }
0x7a: {  	_ =	shalt  }
0x7b: {  	_ =	shalt  }
0x7c: {  	_ =	shalt  }
0x7d: {  	_ =	shalt  }
0x7e: {  	_ =	shalt  }
0x7f: {  	_ =	shalt  }
0x80: {  	_ =	shalt  }
0x81: {  	_ =	shalt  }
0x82: {  	_ =	shalt  }
0x83: {  	_ =	shalt  }
0x84: {  	_ =	shalt  }
0x85: {  	_ =	shalt  }
0x86: {  	_ =	shalt  }
0x87: {  	_ =	shalt  }
.Lfunc_end0:
.L_simem_size_0:
called_computation.1_lowered:
.L_overlay_start_0:
0x88: {  	s2 =	sld [smem:$0x3FD9]  }
0x89: {  	s3 =	sld [smem:$0x3FFE];
	_ =	sdelay $0x1  }
0x8a: {  	s1 =	srdreg.scid  }
0x8b: {  	s0 =	sand.u32 $0x1, s1  }
0x8c: {  	s16 =	sshll.u32 s0, $0xA;
	s2 =	sadd.s32 s3, s2  }
0x8d: {  	s2 =	sadd.s32 s2, s16  }
0x8e: {  	[smem:$0x3FAA] =	sst s2  }
0x8f: {  	_ = 	snop  }
0x90: {  	(tm) =	ssettm $0x1  }
0x91: {  	s17 =	sld [smem:$0x3FFB];
	_ =	sdelay $0x3  }
0x92: {  	_ =	strace s17  }
0x93: {  	s2 =	sld [smem:$0x3FFC];
	_ =	sdelay $0x3  }
0x94: {  	_ =	strace s2  }
0x95: {  	s2 =	sld [smem:$0x3FFD];
	_ =	sdelay $0x3  }
0x96: {  	_ =	strace s2  }
0x97: {  	_ =	strace $0x8FFFFFFF  }
0x98: {  	s18 =	sld [smem:$0x3FDB];
	_ =	sdelay $0x1  }
0x99: {  	s19 =	simm.s32 $_scs_section_size  }
0x9a: {  	s4 =	simm.s32 $_size__tile_overlayer_lowered;
	s5 =	simm.s32 $_tile_overlayer_lowered  }
0x9b: {  	s22 =	simm.s32 $0x1BFF;
	s21 =	sshll.u32 s5, $0x1;
	s2 =	sadd.s32 s19, s18  }
0x9c: {  	s6 =	simm.s32 $0x0;
	s20 =	sshll.u32 s4, $0x1;
	s4 =	sadd.s32 s21, s2  }
0x9d: {  	[timem:s6], [sflag:s22] =	dma.local [hbm:s4], s20  }
0x9e: {  	_ =	swait.ge [sflag:s22], s20  }
0x9f: {  	s3 =	ssub.s32 $0x0, s20;
	[sflag:s22] =	ssyncset.done $0x0  }
0xa0: {  	[sflag:s22] =	ssyncadd.s32 s3;
	_ =	sdelay $0x1  }
0xa1: {  	s23 =	simm.s32 $0x1B8B  }
0xa2: {  	_ =	swait.ge [sflag:s23], $0x1  }
0xa3: {  	[sflag:s23] =	ssyncset.done $0x0  }
0xa4: {  	s25 =	simm.s32 $0x1B8E;
	s24 =	sld [smem:$0x3FFE];
	[sflag:s23] =	ssyncadd.s32 $0xFFFFFFFF  }
0xa5: {  	s26 =	simm.s32 $execute0_lowered;
	[smem:$0x3FD2] =	sst s25  }
0xa6: {  	s4 =	sshll.u32 s26, $0x1;
	_ =	strace $0x80000049;
	[dreg:$0x1] =	wrdreg $0xFFFFFFFF  }
0xa7: {  	s28 =	simm.s32 $_size_execute0_lowered;
	s2 =	sadd.s32 s2, s4;
	[dreg:$0x0] =	wrdreg $0x0  }
0xa8: {  	s4 =	sshll.u32 s28, $0x1;
	[dreg:$0x2] =	wrdreg s2  }
0xa9: {  	[dreg:$0x3] =	wrdreg s4  }
0xaa: {  	[dreg:$0x4] =	wrdreg $0xC0  }
0xab: {  	_ =	task [dreg:s6], $0x5FFFF  }
0xac: {  	[dreg:$0x1] =	wrdreg $0xFFFFFFFF  }
0xad: {  	[dreg:$0x0] =	wrdreg $0x60  }
0xae: {  	[dreg:$0x2] =	wrdreg s24  }
0xaf: {  	[dreg:$0x3] =	wrdreg $0x52000  }
0xb0: {  	[dreg:$0x4] =	wrdreg $0x9  }
0xb1: {  	_ =	task.clear_ibuf [dreg:s6], $0x5FFFF;
	_ =	strace $0x90000049  }
0xb2: {  	s29 =	simm.s32 $0x9;
	_ =	strace $0x8000004B  }
0xb3: {  	_ =	swait.ge [sflag:s29], $0x1  }
0xb4: {  	[sflag:s29] =	ssyncadd.s32 $0xFFFFFFFF  }
0xb5: {  	_ =	strace $0x9000004B  }
0xb6: {  	_ =	sfence  }
0xb7: {  	s30 =	sld [smem:$0x0];
	_ =	sdelay $0x2  }
0xb8: {  	s31 =	sshll.u32 s1, $0xD;
	s1 =	sshrl.u32 s1, $0x2  }
0xb9: {  	s3 =	sand.u32 $0x4000, s31;
	s1 =	sadd.s32 s1, s30  }
0xba: {  	s0 =	sor.u32 s3, s0;
	s1 =	sshll.u32 s1, $0x11  }
0xbb: {  	s0 =	sor.u32 s1, s0  }
0xbc: {  	s0 =	sadd.s32 $0x8F2B, s0  }
0xbd: {  	[sflag:s0] =	ssyncadd.remote.s32 $0x1  }
0xbe: {  	_ =	sfence.sel $0xFFFF  }
0xbf: {  	[dreg:$0x0] =	wrdreg $0xFFFFFFFF;
	(pc) =	sbr.abs _section_cstart, $3  }
0xc0: {  	[dreg:$0x1] =	wrdreg $0xFFFFFFFF  }
0xc1: {  	_ =	task.clear_ibuf [dreg:s6], $0x2FFFF;
	_ =	strace $0x9FFFFFFF  }
0xc2: {  	(tm) =	ssettm $0x7FFFFFFF  }
0xc3: {  	_ =	shalt  }
tec
execute0_lowered:
.L_overlay_start_1:
0x0: {  	(tag) =	ssettag $0x1  }
0x1: {  	s0 =	rddreg [dreg:$0x0]  }
0x2: {  	s2 =	rddreg [dreg:$0x1];
	s1 =	srdreg.scid;
	s3 =	simm.s32 $0x0  }
0x3: {  	s14 =	stileid.u32;
	s16 =	simm.s32 $0x5;
	s18 =	simm.s32 $0x80  }
0x4: {  	s19 =	simm.s32 $0x1000;
	s20 =	simm.s32 $0x1200;
	s21 =	simm.s32 $0x1080  }
0x5: {  	s22 =	simm.s32 $0x3200;
	s1 =	sand.u32 $0x1, s1;
	[smem:$0x7FF] =	sst s3  }
0x6: {  	s4 =	sshll.u32 s14, $0xD;
	s9 =	smul.u32 $0x18A00, s14;
	s5 =	sadd.s32 $0x22A800, s0  }
0x7: {  	s6 =	sadd.s32 $0x84A00, s0;
	s12 =	smul.u32 $0x18800, s14;
	s31 =	sshll.u32 s14, $0x6  }
0x8: {  	s11 =	smul.u32 $0xD2F0, s1;
	_ =	strace $0x8000004A;
	s13 =	sadd.s32 s4, s0  }
0x9: {  	s7 =	smul.u32 $0x314000, s1;
	s4 =	sadd.s32 $0x663600, s0;
	s8 =	ssub.s32 $0x2, s1  }
0xa: {  	s1 =	smul.u32 $0x310000, s1;
	s14 =	sor.u32 $0x1C05, s31;
	s10 =	sshrl.u32 s8, $0x1  }
.Ltmp0:
0xb: {  	s15 =	sadd.s32 s9, s2;
	s30 =	sadd.s32 s12, s2;
	(pc) =	sbr.rel .LBB2_1-.Ltmp0, $4  }
0xc: {  	v8 =	vlaneseq.u32;
	s29 =	ssub.s32 s8, s10;
	s7 =	sadd.s32 s7, s9;
	s8 =	sadd.s32 $0x64A00, s13  }
0xd: {  	v1 =	vor.u32 $0x6200, v8;
	v2 =	vor.u32 $0x6210, v8;
	v3 =	vor.u32 $0x6220, v8;
	s9 =	sadd.s32 $0x44A00, s13;
	s10 =	sadd.s32 s1, s12;
	s12 =	sadd.s32 $0x64A20, s13  }
0xe: {  	v4 =	vor.u32 $0x6230, v8;
	v5 =	vor.u32 $0x6240, v8;
	v6 =	vor.u32 $0x6250, v8;
	s13 =	sadd.s32 $0x44A20, s13;
	s15 =	sshrl.u32 s15, $0x3;
	s0 =	smax.u32 s29, $0x1  }
0xf: {  	v7 =	vor.u32 $0x6260, v8;
	v8 =	vor.u32 $0x6270, v8;
	v0 =	vmov s11;
	s23 =	sshrl.u32 s30, $0x3;
	s1 =	simm.s32 $0x0;
	[dreg:$0x3] =	wrdreg s0  }
.LBB2_7:
0x10: {  	s1 =	rddreg [dreg:$0x4]  }
0x11: {  	s0 =	rddreg [dreg:$0x3];
	s1 =	sadd.s32 $0x1, s1  }
0x12: {  	p0 =	sne.s32 s1, s0  }
.Ltmp1:
0x13: {  	_ = 	snop;
	(pc) =	sbr.rel @!p0 .LBB2_8-.Ltmp1, $1  }
0x14: {  	_ =	sdelay $0x3  }
.LBB2_1:
.Ltmp2:
0x15: {  	(pc) =	sbr.rel .LBB2_2-.Ltmp2, $2  }
0x16: {  	_ =	sdelay $0x2  }
0x17: {  	[dreg:$0x4] =	wrdreg s1;
	p0 =	por $0x1, $0x1;
	s25 =	simm.s32 $0x0  }
.LBB2_6:
0x18: {  	s0 =	smul.u32 $0x188000, s25;
	_ =	sdelay $0x1  }
0x19: {  	s0 =	sadd.s32 s0, s10  }
0x1a: {  	s0 =	sshrl.u32 s0, $0x3  }
0x1b: {  	[bflag:$0x0] =	sbarrier.arrive $0xFFFF;
	s0 =	sadd.s32 s6, s0  }
0x1c: {  	[hbm:s0], [sflag:s14] =	dma.local [spmem:s23], $0x3100  }
.Ltmp3:
0x1d: {  	_ =	swait.ge [sflag:s16], $0x3100;
	(pc) =	sbr.rel @!p1 .LBB2_7-.Ltmp3, $4  }
0x1e: {  	[sflag:s16] =	ssyncset.done $0x0  }
0x1f: {  	[sflag:s16] =	ssyncadd.s32 $0xFFFFCF00  }
0x20: {  	[bflag:$0x0] =	sbarrier.arrive $0xFFFF  }
0x21: {  	s25 =	simm.s32 $0x1;
	p0 =	por $0x0, $0x0  }
.LBB2_2:
0x22: {  	s0 =	smul.u32 $0x18A000, s25;
	_ =	sdelay $0x1  }
0x23: {  	s0 =	sadd.s32 s0, s7  }
0x24: {  	s0 =	sshrl.u32 s0, $0x3  }
0x25: {  	s0 =	sadd.s32 s4, s0  }
0x26: {  	[spmem:s15], [sflag:s14] =	dma.local [hbm:s0], $0x3140  }
0x27: {  	_ =	swait.ge [sflag:s16], $0x3140  }
0x28: {  	[sflag:s16] =	ssyncset.done $0x0  }
0x29: {  	[sflag:s16] =	ssyncadd.s32 $0xFFFFCEC0  }
0x2a: {  	[bflag:$0x0] =	sbarrier.arrive $0xFFFF  }
0x2b: {  	[tilespmem:s3], [sflag:$0x5] =	stream.linear.gather [hbm4b:s8+s3], $0x400, $0x38;
	[tilespmem:$0x1DC00] =	vst v63  }
0x2c: {  	_ =	swait.ge [sflag:s16], $0x400  }
0x2d: {  	[sflag:s16] =	ssyncset.done $0x0  }
0x2e: {  	s31 =	simm.s32 $0x800;
	[sflag:s16] =	ssyncadd.s32 $0xFFFFFC00  }
0x2f: {  	[tilespmem:s31], [sflag:$0x5] =	stream.linear.gather [hbm4b:s9+s3], $0x400, $0x38;
	[tilespmem:$0x1DC00] =	vst v63  }
0x30: {  	_ =	swait.ge [sflag:s16], $0x400  }
0x31: {  	[sflag:s16] =	ssyncset.done $0x0  }
0x32: {  	[sflag:s16] =	ssyncadd.s32 $0xFFFFFC00  }
0x33: {  	v10 =	vld [tilespmem:$0x800]  }
0x34: {  	v11 =	vld [tilespmem:$0x0]  }
0x35: {  	s28 =	smul.u32 $0x6200, s25;
	v12 =	vld [tilespmem:$0x810]  }
0x36: {  	v13 =	vld [tilespmem:$0x10]  }
0x37: {  	s26 =	sadd.s32 $0x6200, s28;
	v14 =	vld [tilespmem:$0x820]  }
0x38: {  	v9 =	vmov s28;
	v15 =	vld [tilespmem:$0x20];
	vm0 =	vge.s32 v10, s28;
	vm1 =	vlt.s32 v10, s26  }
0x39: {  	v16 =	vld [tilespmem:$0x830];
	v10 =	vsub.s32 v10, v9;
	v11 =	vadd.s32 v0, v11;
	vm0 =	vmand vm0, vm1  }
0x3a: {  	vm10 =	vge.s32 v12, s28;
	vm11 =	vlt.s32 v12, s26;
	[tilespmem:$0x1000] =	vst v11;
	v11 =	vld [tilespmem:$0x30];
	v10 =	vsel vm0, v10, v1  }
0x3b: {  	v42 =	vld [tilespmem:$0x840];
	v41 =	vadd.s32 v0, v13;
	vm0 =	vmand vm10, vm11;
	[tilespmem:$0x1100] =	vst v10;
	v10 =	vsub.s32 v12, v9  }
0x3c: {  	v43 =	vld [tilespmem:$0x40];
	vm12 =	vge.s32 v14, s28;
	vm13 =	vlt.s32 v14, s26;
	[tilespmem:$0x1010] =	vst v41;
	v10 =	vsel vm0, v10, v2  }
0x3d: {  	v45 =	vld [tilespmem:$0x850];
	v44 =	vadd.s32 v0, v15;
	vm0 =	vmand vm12, vm13;
	[tilespmem:$0x1110] =	vst v10;
	v10 =	vsub.s32 v14, v9  }
0x3e: {  	v46 =	vld [tilespmem:$0x50];
	vm14 =	vge.s32 v16, s28;
	vm15 =	vlt.s32 v16, s26;
	[tilespmem:$0x1020] =	vst v44;
	v10 =	vsel vm0, v10, v3  }
0x3f: {  	v47 =	vld [tilespmem:$0x860];
	vm0 =	vmand vm14, vm15;
	v11 =	vadd.s32 v0, v11;
	[tilespmem:$0x1120] =	vst v10;
	v10 =	vsub.s32 v16, v9  }
0x40: {  	vm4 =	vge.s32 v42, s28;
	vm5 =	vlt.s32 v42, s26;
	[tilespmem:$0x1030] =	vst v11;
	v11 =	vld [tilespmem:$0x60];
	v10 =	vsel vm0, v10, v4  }
0x41: {  	v48 =	vld [tilespmem:$0x870];
	v12 =	vadd.s32 v0, v43;
	vm0 =	vmand vm4, vm5;
	[tilespmem:$0x1130] =	vst v10;
	v10 =	vsub.s32 v42, v9  }
0x42: {  	v49 =	vld [tilespmem:$0x70];
	vm6 =	vge.s32 v45, s28;
	vm7 =	vlt.s32 v45, s26;
	[tilespmem:$0x1040] =	vst v12;
	v10 =	vsel vm0, v10, v5  }
0x43: {  	v14 =	vadd.s32 v0, v46;
	vm0 =	vmand vm6, vm7;
	[tilespmem:$0x1140] =	vst v10;
	v10 =	vsub.s32 v45, v9  }
0x44: {  	vm8 =	vge.s32 v47, s28;
	vm9 =	vlt.s32 v47, s26;
	[tilespmem:$0x1050] =	vst v14;
	v10 =	vsel vm0, v10, v6  }
0x45: {  	vm0 =	vmand vm8, vm9;
	v11 =	vadd.s32 v0, v11;
	[tilespmem:$0x1150] =	vst v10;
	v10 =	vsub.s32 v47, v9  }
0x46: {  	vm10 =	vge.s32 v48, s28;
	vm11 =	vlt.s32 v48, s26;
	[tilespmem:$0x1060] =	vst v11;
	v10 =	vsel vm0, v10, v7  }
0x47: {  	v11 =	vadd.s32 v0, v49;
	vm0 =	vmand vm10, vm11;
	[tilespmem:$0x1160] =	vst v10;
	v10 =	vsub.s32 v48, v9  }
0x48: {  	[tilespmem:$0x1070] =	vst v11;
	v10 =	vsel vm0, v10, v8  }
0x49: {  	[tilespmem:$0x1170] =	vst v10  }
0x4a: {  	[tilespmem:s20], [sflag:$0x1] =	stream.indirect.gather [hbm4b:s5+s18], $0x40, s19, s18, $0xb8;
	[tilespmem:$0x1DC00] =	vst v63  }
0x4b: {  	v10 =	vld [tilespmem:$0x880]  }
0x4c: {  	v11 =	vld [tilespmem:$0x80]  }
0x4d: {  	v50 =	vld [tilespmem:$0x890]  }
0x4e: {  	v51 =	vld [tilespmem:$0x90]  }
0x4f: {  	v52 =	vld [tilespmem:$0x8A0]  }
0x50: {  	v53 =	vld [tilespmem:$0xA0];
	vm12 =	vge.s32 v10, s28;
	vm13 =	vlt.s32 v10, s26  }
0x51: {  	v54 =	vld [tilespmem:$0x8B0];
	v10 =	vsub.s32 v10, v9;
	v11 =	vadd.s32 v0, v11;
	vm0 =	vmand vm12, vm13  }
0x52: {  	vm14 =	vge.s32 v50, s28;
	vm15 =	vlt.s32 v50, s26;
	[tilespmem:$0x1080] =	vst v11;
	v11 =	vld [tilespmem:$0xB0];
	v10 =	vsel vm0, v10, v1  }
0x53: {  	v56 =	vld [tilespmem:$0x8C0];
	v55 =	vadd.s32 v0, v51;
	vm0 =	vmand vm14, vm15;
	[tilespmem:$0x1180] =	vst v10;
	v10 =	vsub.s32 v50, v9  }
0x54: {  	v57 =	vld [tilespmem:$0xC0];
	vm4 =	vge.s32 v52, s28;
	vm5 =	vlt.s32 v52, s26;
	[tilespmem:$0x1090] =	vst v55;
	v10 =	vsel vm0, v10, v2  }
0x55: {  	v59 =	vld [tilespmem:$0x8D0];
	v58 =	vadd.s32 v0, v53;
	vm0 =	vmand vm4, vm5;
	[tilespmem:$0x1190] =	vst v10;
	v10 =	vsub.s32 v52, v9  }
0x56: {  	v60 =	vld [tilespmem:$0xD0];
	vm6 =	vge.s32 v54, s28;
	vm7 =	vlt.s32 v54, s26;
	[tilespmem:$0x10A0] =	vst v58;
	v10 =	vsel vm0, v10, v3  }
0x57: {  	v61 =	vld [tilespmem:$0x8E0];
	vm0 =	vmand vm6, vm7;
	v11 =	vadd.s32 v0, v11;
	[tilespmem:$0x11A0] =	vst v10;
	v10 =	vsub.s32 v54, v9  }
0x58: {  	vm8 =	vge.s32 v56, s28;
	vm9 =	vlt.s32 v56, s26;
	[tilespmem:$0x10B0] =	vst v11;
	v11 =	vld [tilespmem:$0xE0];
	v10 =	vsel vm0, v10, v4  }
0x59: {  	v62 =	vld [tilespmem:$0x8F0];
	v12 =	vadd.s32 v0, v57;
	vm0 =	vmand vm8, vm9;
	[tilespmem:$0x11B0] =	vst v10;
	v10 =	vsub.s32 v56, v9  }
0x5a: {  	v63 =	vld [tilespmem:$0xF0];
	vm10 =	vge.s32 v59, s28;
	vm11 =	vlt.s32 v59, s26;
	[tilespmem:$0x10C0] =	vst v12;
	v10 =	vsel vm0, v10, v5  }
0x5b: {  	v14 =	vadd.s32 v0, v60;
	vm0 =	vmand vm10, vm11;
	[tilespmem:$0x11C0] =	vst v10;
	v10 =	vsub.s32 v59, v9  }
0x5c: {  	[tilespmem:$0x10D0] =	vst v14;
	vm12 =	vge.s32 v61, s28;
	vm13 =	vlt.s32 v61, s26;
	v10 =	vsel vm0, v10, v6  }
0x5d: {  	vm0 =	vmand vm12, vm13;
	v11 =	vadd.s32 v0, v11;
	[tilespmem:$0x11D0] =	vst v10;
	v10 =	vsub.s32 v61, v9  }
.Ltmp4:
0x5e: {  	vm14 =	vge.s32 v62, s28;
	vm15 =	vlt.s32 v62, s26;
	[tilespmem:$0x10E0] =	vst v11;
	v10 =	vsel vm0, v10, v7;
	(pc) =	sbr.rel .LBB2_3-.Ltmp4, $4  }
0x5f: {  	v11 =	vadd.s32 v0, v63;
	vm0 =	vmand vm14, vm15;
	[tilespmem:$0x11E0] =	vst v10;
	v10 =	vsub.s32 v62, v9  }
0x60: {  	p1 =	por p0, p0;
	s29 =	smov.u32 s13;
	[tilespmem:$0x10F0] =	vst v11;
	v10 =	vsel vm0, v10, v8  }
0x61: {  	s30 =	smov.u32 s12;
	s28 =	simm.s32 $0x100;
	[tilespmem:$0x11F0] =	vst v10;
	v10 =	vmov s26;
	s26 =	simm.s32 $0x2  }
0x62: {  	[tilespmem:s22], [sflag:$0x2] =	stream.indirect.gather [hbm4b:s5+s18], $0x40, s21, s18, $0xb8;
	[tilespmem:$0x1DC00] =	vst v63  }
.LBB2_5:
0x63: {  	s26 =	sadd.s32 $0x1, s26  }
0x64: {  	p0 =	sne.s32 s26, $0x202  }
.Ltmp5:
0x65: {  	_ = 	snop;
	(pc) =	sbr.rel @!p0 .LBB2_6-.Ltmp5, $2  }
0x66: {  	_ =	sdelay $0x2  }
0x67: {  	s28 =	sadd.s32 $0x80, s28;
	s30 =	sadd.s32 $0x10, s30;
	s29 =	sadd.s32 $0x10, s29  }
.LBB2_3:
0x68: {  	s11 =	sadd.s32 $0xFFFFFFFE, s26  }
0x69: {  	s24 =	sand.u32 $0x1, s11  }
0x6a: {  	p0 =	sgt.u32 s11, $0x1FD;
	s31 =	sadd.s32 $0x1, s24  }
0x6b: {  	s0 =	sshll.u32 s24, $0xD;
	s1 =	sshll.u32 s24, $0x7;
	_ =	swait.ge [sflag:s31], $0x2000  }
0x6c: {  	s24 =	sadd.s32 $0x3, s24;
	s0 =	sor.u32 $0x1200, s0;
	[sflag:s31] =	ssyncset.done $0x0  }
.Ltmp6:
0x6d: {  	s17 =	sor.u32 $0x1100, s1;
	[sflag:s31] =	ssyncadd.s32 $0xFFFFE000;
	(pc) =	sbr.rel @p0 .LBB2_5-.Ltmp6, $4  }
0x6e: {  	[spmem:s2] =	stream.indirect.scatter.add.f32 [tilespmem:s0], [sflag:s24], $0x40, s17, s18, $0xb8;
	[tilespmem:$0x1DC00] =	vst v63  }
0x6f: {  	_ =	swait.ge [sflag:s24], $0x2000  }
0x70: {  	[sflag:s24] =	ssyncset.done $0x0  }
0x71: {  	[sflag:s24] =	ssyncadd.s32 $0xFFFFE000  }
0x72: {  	s11 =	sand.u32 $0x7, s26  }
0x73: {  	p0 =	sne.s32 s11, $0x0  }
0x74: {  	s11 =	sand.u32 @!p0 $0x400, s28;
	s17 =	simm.s32 @!p0 $0x0;
	s24 =	simm.s32 @!p0 $0x5  }
0x75: {  	[tilespmem:s11], [sflag:$0x5] =	stream.linear.gather @!p0 [hbm4b:s30+s17], $0x400, $0x38;
	[tilespmem:$0x1DC00] =	vst v63  }
0x76: {  	_ =	swait.ge @!p0 [sflag:s24], $0x400  }
0x77: {  	[sflag:s24] =	ssyncset.done @!p0 $0x0  }
0x78: {  	s11 =	sor.u32 @!p0 $0x800, s11;
	[sflag:s24] =	ssyncadd.s32 @!p0 $0xFFFFFC00  }
0x79: {  	[tilespmem:s11], [sflag:$0x5] =	stream.linear.gather @!p0 [hbm4b:s29+s17], $0x400, $0x38;
	[tilespmem:$0x1DC00] =	vst v63  }
0x7a: {  	_ =	swait.ge @!p0 [sflag:s24], $0x400  }
0x7b: {  	[sflag:s24] =	ssyncset.done @!p0 $0x0  }
0x7c: {  	s11 =	sand.u32 $0x780, s28;
	[sflag:s24] =	ssyncadd.s32 @!p0 $0xFFFFFC00  }
0x7d: {  	v11 =	vld [tilespmem:s11+$0x800]  }
0x7e: {  	v12 =	vld [tilespmem:s11+$0x0];
	_ =	sdelay $0x3  }
0x7f: {  	vm0 =	vge.s32 v11, v9;
	vm1 =	vlt.s32 v11, v10  }
0x80: {  	v11 =	vsub.s32 v11, v9;
	v12 =	vadd.s32 v0, v12;
	vm0 =	vmand vm0, vm1  }
0x81: {  	[tilespmem:s1+$0x1000] =	vst v12;
	v11 =	vsel vm0, v11, v1  }
0x82: {  	[tilespmem:s1+$0x1100] =	vst v11  }
0x83: {  	v11 =	vld [tilespmem:s11+$0x810]  }
0x84: {  	v12 =	vld [tilespmem:s11+$0x10];
	_ =	sdelay $0x3  }
0x85: {  	vm14 =	vge.s32 v11, v9;
	vm15 =	vlt.s32 v11, v10  }
0x86: {  	s24 =	sor.u32 $0x1010, s1;
	v11 =	vsub.s32 v11, v9;
	v12 =	vadd.s32 v0, v12;
	vm0 =	vmand vm14, vm15  }
0x87: {  	[tilespmem:s24+$0x0] =	vst v12;
	s24 =	sor.u32 $0x1110, s1;
	v11 =	vsel vm0, v11, v2  }
0x88: {  	[tilespmem:s24+$0x0] =	vst v11  }
0x89: {  	v11 =	vld [tilespmem:s11+$0x820]  }
0x8a: {  	v12 =	vld [tilespmem:s11+$0x20];
	_ =	sdelay $0x3  }
0x8b: {  	vm4 =	vge.s32 v11, v9;
	vm5 =	vlt.s32 v11, v10  }
0x8c: {  	s24 =	sor.u32 $0x1020, s1;
	v11 =	vsub.s32 v11, v9;
	v12 =	vadd.s32 v0, v12;
	vm0 =	vmand vm4, vm5  }
0x8d: {  	[tilespmem:s24+$0x0] =	vst v12;
	s24 =	sor.u32 $0x1120, s1;
	v11 =	vsel vm0, v11, v3  }
0x8e: {  	[tilespmem:s24+$0x0] =	vst v11  }
0x8f: {  	v11 =	vld [tilespmem:s11+$0x830]  }
0x90: {  	v12 =	vld [tilespmem:s11+$0x30];
	_ =	sdelay $0x3  }
0x91: {  	vm6 =	vge.s32 v11, v9;
	vm7 =	vlt.s32 v11, v10  }
0x92: {  	s24 =	sor.u32 $0x1030, s1;
	v11 =	vsub.s32 v11, v9;
	v12 =	vadd.s32 v0, v12;
	vm0 =	vmand vm6, vm7  }
0x93: {  	[tilespmem:s24+$0x0] =	vst v12;
	s24 =	sor.u32 $0x1130, s1;
	v11 =	vsel vm0, v11, v4  }
0x94: {  	[tilespmem:s24+$0x0] =	vst v11  }
0x95: {  	v11 =	vld [tilespmem:s11+$0x840]  }
0x96: {  	v12 =	vld [tilespmem:s11+$0x40];
	_ =	sdelay $0x3  }
0x97: {  	vm8 =	vge.s32 v11, v9;
	vm9 =	vlt.s32 v11, v10  }
0x98: {  	s24 =	sor.u32 $0x1040, s1;
	v11 =	vsub.s32 v11, v9;
	v12 =	vadd.s32 v0, v12;
	vm0 =	vmand vm8, vm9  }
0x99: {  	[tilespmem:s24+$0x0] =	vst v12;
	s24 =	sor.u32 $0x1140, s1;
	v11 =	vsel vm0, v11, v5  }
0x9a: {  	[tilespmem:s24+$0x0] =	vst v11  }
0x9b: {  	v11 =	vld [tilespmem:s11+$0x850]  }
0x9c: {  	v12 =	vld [tilespmem:s11+$0x50];
	_ =	sdelay $0x3  }
0x9d: {  	vm10 =	vge.s32 v11, v9;
	vm11 =	vlt.s32 v11, v10  }
0x9e: {  	s24 =	sor.u32 $0x1050, s1;
	v11 =	vsub.s32 v11, v9;
	v12 =	vadd.s32 v0, v12;
	vm0 =	vmand vm10, vm11  }
0x9f: {  	[tilespmem:s24+$0x0] =	vst v12;
	s24 =	sor.u32 $0x1150, s1;
	v11 =	vsel vm0, v11, v6  }
0xa0: {  	[tilespmem:s24+$0x0] =	vst v11  }
0xa1: {  	v11 =	vld [tilespmem:s11+$0x860]  }
0xa2: {  	v12 =	vld [tilespmem:s11+$0x60];
	_ =	sdelay $0x3  }
0xa3: {  	vm12 =	vge.s32 v11, v9;
	vm13 =	vlt.s32 v11, v10  }
0xa4: {  	s24 =	sor.u32 $0x1060, s1;
	v11 =	vsub.s32 v11, v9;
	v12 =	vadd.s32 v0, v12;
	vm0 =	vmand vm12, vm13  }
0xa5: {  	[tilespmem:s24+$0x0] =	vst v12;
	s24 =	sor.u32 $0x1160, s1;
	v11 =	vsel vm0, v11, v7  }
0xa6: {  	[tilespmem:s24+$0x0] =	vst v11  }
0xa7: {  	v11 =	vld [tilespmem:s11+$0x870]  }
0xa8: {  	v12 =	vld [tilespmem:s11+$0x70];
	_ =	sdelay $0x3  }
.Ltmp7:
0xa9: {  	vm14 =	vge.s32 v11, v9;
	vm15 =	vlt.s32 v11, v10;
	(pc) =	sbr.rel .LBB2_5-.Ltmp7, $4  }
0xaa: {  	s24 =	sor.u32 $0x1070, s1;
	v11 =	vsub.s32 v11, v9;
	v12 =	vadd.s32 v0, v12;
	vm0 =	vmand vm14, vm15  }
0xab: {  	s17 =	sor.u32 $0x1170, s1;
	[tilespmem:s24+$0x0] =	vst v12;
	v11 =	vsel vm0, v11, v8  }
0xac: {  	s24 =	sor.u32 $0x1000, s1;
	[tilespmem:s17+$0x0] =	vst v11  }
0xad: {  	[tilespmem:s0], [sflag:s31] =	stream.indirect.gather [hbm4b:s5+s18], $0x40, s24, s18, $0xb8;
	[tilespmem:$0x1DC00] =	vst v63  }
.LBB2_8:
0xae: {  	_ =	sfence.sel $0x180000  }
0xaf: {  	[bflag:$0x0] =	sbarrier.arrive $0xFFFF  }
0xb0: {  	_ =	strace $0x9000004A  }
0xb1: {  	s0 =	stileid.u32;
	[bflag:$0x2] =	sbarrier.arrive $0xFFFF  }
0xb2: {  	p0 =	sne.s32 s0, $0x0;
	s0 =	rddreg [dreg:$0x2]  }
0xb3: {  	s0 =	sadd.s32 @!p0 $0x100000, s0  }
0xb4: {  	[sflag:s0] =	ssyncadd.tile.s32 @!p0 $0x1;
	_ =	shalt  }
.Lfunc_end2:
_tile_overlayer_lowered:
.L_overlay_start_2:
0xb5: {  	(tag) =	ssettag $0x2  }
0xb6: {  	s0 =	rddreg [dreg:$0x0];
	s2 =	stileid.u32  }
0xb7: {  	s1 =	rddreg [dreg:$0x1];
	p0 =	sne.s32 s2, $0x0  }
0xb8: {  	s3 =	rddreg [dreg:$0x2];
	[bflag:$0x3] =	sbarrier.arrive $0xFFFF;
	s2 =	simm.s32 @!p0 $0x1C05  }
0xb9: {  	[timem:s3], [sflag:s2] =	dma.local @!p0 [hbm:s0], s1  }
0xba: {  	s0 =	simm.s32 @!p0 $0x5  }
0xbb: {  	_ =	swait.ge @!p0 [sflag:s0], s1  }
0xbc: {  	s1 =	ssub.s32 @!p0 $0x0, s1;
	[sflag:s0] =	ssyncset.done @!p0 $0x0  }
0xbd: {  	[sflag:s0] =	ssyncadd.s32 @!p0 s1  }
0xbe: {  	[bflag:$0x3] =	sbarrier.arrive $0xFFFF  }
0xbf: {  	_ =	shalt  }

// kernel: kernel.17.cloned.1.call-start
scs
__scs_entry_jumppad:
0x0: {  	(pc) =	sbr.rel $0x88, $3  }
0x1: {  	(tag) =	ssettag $0x0;
	lr =	simm.s32 $0x1  }
0x2: {  	[smem:$0x3F83] =	sst lr;
	_ =	strace $0xD0000000  }
0x3: {  	_ = 	snop  }
0x4: {  	_ = 	snop  }
0x5: {  	_ = 	snop  }
0x6: {  	_ = 	snop  }
0x7: {  	_ = 	snop  }
__scs_overlays_trampoline_lowered:
0x8: {  	[smem:$0x3F92] =	sst s0  }
0x9: {  	[smem:$0x3F93] =	sst s1  }
0xa: {  	[smem:$0x3F94] =	sst s2  }
0xb: {  	[smem:$0x3F95] =	sst s3  }
0xc: {  	[smem:$0x3F96] =	sst s4  }
0xd: {  	[smem:$0x3F97] =	sst s5  }
0xe: {  	[smem:$0x3F98] =	sst s6  }
0xf: {  	[smem:$0x3F99] =	sst s7  }
0x10: {  	[smem:$0x3F9A] =	sst s8  }
0x11: {  	[smem:$0x3F9B] =	sst s9;
	s0 =	simm.s32 @!p0 $0x0  }
0x12: {  	s1 =	sld [smem:$0x3F81];
	s0 =	simm.s32 @p0 $0x1  }
0x13: {  	[smem:$0x3F9C] =	sst s0;
	s0 =	simm.s32 @!p1 $0x0  }
0x14: {  	s2 =	sld [smem:$0x3F80];
	s0 =	simm.s32 @p1 $0x1  }
0x15: {  	[smem:$0x3F9D] =	sst s0;
	s0 =	simm.s32 @!p2 $0x0  }
0x16: {  	s3 =	sld [smem:$0x3FDB];
	s0 =	simm.s32 @p2 $0x1  }
0x17: {  	s4 =	simm.s32 $0x1BF5;
	[smem:$0x3F9F] =	sst s0  }
0x18: {  	s0 =	sld [smem:$0x3F82];
	_ =	swait.ge [sflag:s4], $0x0  }
0x19: {  	s7 =	sld [smem:$0x3F83]  }
0x1a: {  	s8 =	sadd.s32 $0xFFFFE003, lr  }
0x1b: {  	s9 =	sadd.s32 $0xFFFFFEF7, lr;
	s5 =	simm.s32 $0xFFFFFFFF;
	p2 =	slt.u32 s8, $0xFFFFF086  }
0x1c: {  	p1 =	slt.u32 s9, $0xF7A;
	s5 =	simm.s32 @!p2 $0x0  }
0x1d: {  	s5 =	simm.s32 @p1 $0x1;
	p0 =	seq.s32 s7, s2  }
0x1e: {  	s7 =	smul.u32 @!p0 $0xF7A, s2;
	p2 =	seq.s32 @!p0 s5, $0x0  }
0x1f: {  	s9 =	smul.u32 $0xF7A, s1;
	s8 =	simm.s32 @!p0 $0x1BF5;
	p2 =	por !p2, p0  }
0x20: {  	[sflag:s8] =	ssyncset.s32 @!p0 $0xFFFFF086;
	s6 =	sadd.s32 @!p0 s3, s7;
	s7 =	simm.s32 @!p0 $0x108  }
0x21: {  	s3 =	sadd.s32 s3, s9;
	s6 =	sadd.s32 @!p0 $0x88, s6;
	s7 =	simm.s32 @p2 $0x1082  }
0x22: {  	[simem:s7], [sflag:s8] =	dma.local @!p0 [hbm:s6], $0xF7A  }
0x23: {  	s9 =	sor.u32 $0xD0000000, s2;
	s6 =	simm.s32 $0x108;
	_ =	swait.ge @!p0 [sflag:s8], $0x0  }
0x24: {  	s3 =	sadd.s32 $0x88, s3;
	s6 =	simm.s32 @!p1 $0x1082;
	[sflag:s4] =	ssyncset.s32 $0xFFFFF086  }
0x25: {  	[simem:s6], [sflag:s4] =	dma.local [hbm:s3], $0xF7A  }
0x26: {  	[smem:$0x3F83] =	sst s1;
	(tag) =	ssettag s2;
	_ =	strace s9  }
0x27: {  	s1 =	sld [smem:$0x3F93]  }
0x28: {  	s2 =	sld [smem:$0x3F94]  }
0x29: {  	s4 =	sld [smem:$0x3F96]  }
0x2a: {  	p0 =	seq.s32 s5, $0x0;
	s5 =	sld [smem:$0x3F97]  }
0x2b: {  	s6 =	sld [smem:$0x3F98]  }
0x2c: {  	s7 =	sld [smem:$0x3F99]  }
0x2d: {  	s3 =	simm.s32 $0x108;
	s8 =	sld [smem:$0x3F9A]  }
0x2e: {  	s3 =	simm.s32 @!p0 $0x1082;
	s9 =	sld [smem:$0x3F9B]  }
0x2f: {  	lr =	sadd.s32 s0, s3;
	s0 =	sld [smem:$0x3F92]  }
0x30: {  	s3 =	sld [smem:$0x3F95]  }
0x31: {  	[smem:$0x3F9E] =	sst s10  }
0x32: {  	s10 =	sld [smem:$0x3F9C];
	_ =	sdelay $0x3  }
0x33: {  	p0 =	seq.s32 s10, $0x1;
	s10 =	sld [smem:$0x3F9E];
	_ =	sdelay $0x3  }
0x34: {  	[smem:$0x3F9E] =	sst s10  }
0x35: {  	s10 =	sld [smem:$0x3F9D];
	_ =	sdelay $0x3  }
0x36: {  	p1 =	seq.s32 s10, $0x1;
	s10 =	sld [smem:$0x3F9E];
	_ =	sdelay $0x3  }
0x37: {  	[smem:$0x3F9E] =	sst s10  }
0x38: {  	s10 =	sld [smem:$0x3F9F]  }
0x39: {  	_ = 	snop;
	(pc) =	sbr.ind lr, $3  }
0x3a: {  	_ = 	snop  }
0x3b: {  	_ = 	snop  }
0x3c: {  	p2 =	seq.s32 s10, $0x1;
	s10 =	sld [smem:$0x3F9E]  }
0x3d: {  	_ =	shalt  }
0x3e: {  	_ =	shalt  }
0x3f: {  	_ =	shalt  }
0x40: {  	_ =	shalt  }
0x41: {  	_ =	shalt  }
0x42: {  	_ =	shalt  }
0x43: {  	_ =	shalt  }
0x44: {  	_ =	shalt  }
0x45: {  	_ =	shalt  }
0x46: {  	_ =	shalt  }
0x47: {  	_ =	shalt  }
0x48: {  	_ =	shalt  }
0x49: {  	_ =	shalt  }
0x4a: {  	_ =	shalt  }
0x4b: {  	_ =	shalt  }
0x4c: {  	_ =	shalt  }
0x4d: {  	_ =	shalt  }
0x4e: {  	_ =	shalt  }
0x4f: {  	_ =	shalt  }
0x50: {  	_ =	shalt  }
0x51: {  	_ =	shalt  }
0x52: {  	_ =	shalt  }
0x53: {  	_ =	shalt  }
0x54: {  	_ =	shalt  }
0x55: {  	_ =	shalt  }
0x56: {  	_ =	shalt  }
0x57: {  	_ =	shalt  }
0x58: {  	_ =	shalt  }
0x59: {  	_ =	shalt  }
0x5a: {  	_ =	shalt  }
0x5b: {  	_ =	shalt  }
0x5c: {  	_ =	shalt  }
0x5d: {  	_ =	shalt  }
0x5e: {  	_ =	shalt  }
0x5f: {  	_ =	shalt  }
0x60: {  	_ =	shalt  }
0x61: {  	_ =	shalt  }
0x62: {  	_ =	shalt  }
0x63: {  	_ =	shalt  }
0x64: {  	_ =	shalt  }
0x65: {  	_ =	shalt  }
0x66: {  	_ =	shalt  }
0x67: {  	_ =	shalt  }
0x68: {  	_ =	shalt  }
0x69: {  	_ =	shalt  }
0x6a: {  	_ =	shalt  }
0x6b: {  	_ =	shalt  }
0x6c: {  	_ =	shalt  }
0x6d: {  	_ =	shalt  }
0x6e: {  	_ =	shalt  }
0x6f: {  	_ =	shalt  }
0x70: {  	_ =	shalt  }
0x71: {  	_ =	shalt  }
0x72: {  	_ =	shalt  }
0x73: {  	_ =	shalt  }
0x74: {  	_ =	shalt  }
0x75: {  	_ =	shalt  }
0x76: {  	_ =	shalt  }
0x77: {  	_ =	shalt  }
0x78: {  	_ =	shalt  }
0x79: {  	_ =	shalt  }
0x7a: {  	_ =	shalt  }
0x7b: {  	_ =	shalt  }
0x7c: {  	_ =	shalt  }
0x7d: {  	_ =	shalt  }
0x7e: {  	_ =	shalt  }
0x7f: {  	_ =	shalt  }
0x80: {  	_ =	shalt  }
0x81: {  	_ =	shalt  }
0x82: {  	_ =	shalt  }
0x83: {  	_ =	shalt  }
0x84: {  	_ =	shalt  }
0x85: {  	_ =	shalt  }
0x86: {  	_ =	shalt  }
0x87: {  	_ =	shalt  }
.Lfunc_end0:
.L_simem_size_0:
called_computation.2_lowered:
.L_overlay_start_0:
0x88: {  	s2 =	sld [smem:$0x3FD9]  }
0x89: {  	s3 =	sld [smem:$0x3FFE];
	_ =	sdelay $0x1  }
0x8a: {  	s1 =	srdreg.scid  }
0x8b: {  	s0 =	sand.u32 $0x1, s1  }
0x8c: {  	s17 =	sshll.u32 s0, $0xA;
	s2 =	sadd.s32 s3, s2  }
0x8d: {  	s2 =	sadd.s32 s2, s17  }
0x8e: {  	[smem:$0x3FAA] =	sst s2  }
0x8f: {  	_ = 	snop  }
0x90: {  	(tm) =	ssettm $0x1  }
0x91: {  	s18 =	sld [smem:$0x3FFB];
	_ =	sdelay $0x3  }
0x92: {  	_ =	strace s18  }
0x93: {  	s2 =	sld [smem:$0x3FFC];
	_ =	sdelay $0x3  }
0x94: {  	_ =	strace s2  }
0x95: {  	s2 =	sld [smem:$0x3FFD];
	_ =	sdelay $0x3  }
0x96: {  	_ =	strace s2  }
0x97: {  	_ =	strace $0x8FFFFFFF  }
0x98: {  	s19 =	sld [smem:$0x3FDB];
	_ =	sdelay $0x1  }
0x99: {  	s20 =	simm.s32 $_scs_section_size  }
0x9a: {  	s4 =	simm.s32 $_size__tile_overlayer_lowered;
	s5 =	simm.s32 $_tile_overlayer_lowered  }
0x9b: {  	s6 =	simm.s32 $0x1BFF;
	s21 =	sshll.u32 s5, $0x1;
	s3 =	sadd.s32 s20, s19  }
0x9c: {  	s22 =	simm.s32 $0x0;
	s4 =	sshll.u32 s4, $0x1;
	s5 =	sadd.s32 s21, s3  }
0x9d: {  	[timem:s22], [sflag:s6] =	dma.local [hbm:s5], s4  }
0x9e: {  	_ =	swait.ge [sflag:s6], s4  }
0x9f: {  	s4 =	ssub.s32 $0x0, s4;
	[sflag:s6] =	ssyncset.done $0x0  }
0xa0: {  	[sflag:s6] =	ssyncadd.s32 s4;
	_ =	sdelay $0x1  }
0xa1: {  	s23 =	simm.s32 $0x1B8B  }
0xa2: {  	_ =	swait.ge [sflag:s23], $0x1  }
0xa3: {  	[sflag:s23] =	ssyncset.done $0x0  }
0xa4: {  	[sflag:s23] =	ssyncadd.s32 $0xFFFFFFFF  }
0xa5: {  	s4 =	sld [smem:$0x0]  }
0xa6: {  	s5 =	sand.u32 $0xFFFFFFFE, s1  }
0xa7: {  	p0 =	sne.s32 s1, s5  }
0xa8: {  	s5 =	sshll.u32 @p0 s5, $0xE  }
0xa9: {  	s5 =	sadd.s32 @p0 $0x11B8D, s5;
	s6 =	sshll.u32 @p0 s4, $0x11  }
0xaa: {  	s5 =	sor.u32 @p0 s6, s5  }
0xab: {  	[sflag:s5] =	ssyncadd.remote.s32 @p0 $0x1;
	_ =	sdelay $0x1  }
0xac: {  	s5 =	simm.s32 @p0 $0x1B8D  }
0xad: {  	_ =	swait.eq @p0 [sflag:s5], $0x1  }
0xae: {  	[sflag:s5] =	ssyncadd.s32 @p0 $0xFFFFFFFF  }
0xaf: {  	s6 =	sshll.u32 @!p0 s1, $0xE  }
0xb0: {  	s6 =	sor.u32 @!p0 $0x4000, s6;
	s5 =	simm.s32 @!p0 $0x1B8D  }
0xb1: {  	s4 =	sshll.u32 @!p0 s4, $0x11;
	s6 =	sadd.s32 @!p0 $0x11B8D, s6;
	_ =	swait.eq @!p0 [sflag:s5], $0x1  }
0xb2: {  	s4 =	sor.u32 @!p0 s4, s6;
	[sflag:s5] =	ssyncadd.s32 @!p0 $0xFFFFFFFF  }
0xb3: {  	s25 =	simm.s32 $0x1B8E;
	s24 =	sld [smem:$0x3FFE];
	[sflag:s4] =	ssyncadd.remote.s32 @!p0 $0x1  }
0xb4: {  	s26 =	simm.s32 $execute0_lowered;
	[smem:$0x3FD2] =	sst s25  }
0xb5: {  	s5 =	sshll.u32 s26, $0x1;
	_ =	strace $0x8000004C;
	[dreg:$0x1] =	wrdreg $0xFFFFFFFF  }
0xb6: {  	s28 =	simm.s32 $_size_execute0_lowered;
	s3 =	sadd.s32 s3, s5;
	[dreg:$0x0] =	wrdreg $0x0  }
0xb7: {  	s5 =	sshll.u32 s28, $0x1;
	[dreg:$0x2] =	wrdreg s3  }
0xb8: {  	[dreg:$0x3] =	wrdreg s5  }
0xb9: {  	[dreg:$0x4] =	wrdreg $0xC0  }
0xba: {  	_ =	task [dreg:s22], $0x5FFFF  }
0xbb: {  	[dreg:$0x1] =	wrdreg $0xFFFFFFFF  }
0xbc: {  	[dreg:$0x0] =	wrdreg $0x60  }
0xbd: {  	[dreg:$0x2] =	wrdreg s24  }
0xbe: {  	[dreg:$0x3] =	wrdreg $0x100000  }
0xbf: {  	[dreg:$0x4] =	wrdreg $0xA  }
0xc0: {  	_ =	task.clear_ibuf [dreg:s22], $0x5FFFF;
	_ =	strace $0x9000004C  }
0xc1: {  	s29 =	simm.s32 $0xA;
	_ =	strace $0x8000004E  }
0xc2: {  	_ =	swait.ge [sflag:s29], $0x1  }
0xc3: {  	[sflag:s29] =	ssyncadd.s32 $0xFFFFFFFF  }
0xc4: {  	_ =	strace $0x9000004E  }
0xc5: {  	_ =	sfence  }
0xc6: {  	s30 =	sld [smem:$0x0];
	_ =	sdelay $0x2  }
0xc7: {  	s31 =	sshll.u32 s1, $0xD;
	s1 =	sshrl.u32 s1, $0x2  }
0xc8: {  	s4 =	sand.u32 $0x4000, s31;
	s1 =	sadd.s32 s1, s30  }
0xc9: {  	s0 =	sor.u32 s4, s0;
	s1 =	sshll.u32 s1, $0x11  }
0xca: {  	s0 =	sor.u32 s1, s0  }
0xcb: {  	s0 =	sadd.s32 $0x8F2B, s0  }
0xcc: {  	[sflag:s0] =	ssyncadd.remote.s32 $0x1  }
0xcd: {  	_ =	sfence.sel $0xFFFF  }
0xce: {  	[dreg:$0x0] =	wrdreg $0xFFFFFFFF;
	(pc) =	sbr.abs _section_cstart, $3  }
0xcf: {  	[dreg:$0x1] =	wrdreg $0xFFFFFFFF  }
0xd0: {  	_ =	task.clear_ibuf [dreg:s22], $0x2FFFF;
	_ =	strace $0x9FFFFFFF  }
0xd1: {  	(tm) =	ssettm $0x7FFFFFFF  }
tec
execute0_lowered:
.L_overlay_start_1:
0x0: {  	(tag) =	ssettag $0x1  }
0x1: {  	s5 =	rddreg [dreg:$0x0]  }
0x2: {  	s2 =	rddreg [dreg:$0x1]  }
0x3: {  	s0 =	rddreg [dreg:$0x2]  }
0x4: {  	s4 =	srdreg.scid;
	s3 =	simm.s32 $0x0;
	s1 =	stileid.u32  }
0x5: {  	s13 =	simm.s32 $0x80;
	s14 =	simm.s32 $0x8000;
	s15 =	simm.s32 $0xC000  }
0x6: {  	s16 =	simm.s32 $0x0;
	s4 =	sand.u32 $0x1, s4;
	[smem:$0x7FF] =	sst s3  }
0x7: {  	s7 =	sshll.u32 s1, $0xB;
	s8 =	sshll.u32 s1, $0xC;
	s31 =	sshll.u32 s1, $0xF  }
0x8: {  	s11 =	sshll.u32 s1, $0x6;
	s6 =	sshll.u32 s4, $0xF;
	_ =	strace $0x8000004D  }
0x9: {  	s29 =	sshll.u32 s4, $0x10;
	s9 =	ssub.s32 $0x2, s4;
	s4 =	sadd.s32 $0x352000, s5  }
0xa: {  	s12 =	sadd.s32 s31, s2;
	s11 =	sor.u32 $0x1C05, s11;
	s6 =	sor.u32 s7, s6  }
0xb: {  	s7 =	sor.u32 s8, s29;
	s30 =	sshrl.u32 s9, $0x1;
	s12 =	sshrl.u32 s12, $0x3  }
0xc: {  	s6 =	sadd.s32 s6, s5;
	s10 =	sadd.s32 s7, s5;
	s9 =	ssub.s32 s9, s30  }
0xd: {  	s5 =	sadd.s32 $0x5400, s6;
	s6 =	sadd.s32 $0x2FD800, s6;
	s7 =	sadd.s32 $0x15400, s10  }
0xe: {  	s8 =	sadd.s32 $0x30D800, s10;
	s9 =	smax.u32 s9, $0x1;
	s10 =	simm.s32 $0x5  }
.LBB2_1:
0xf: {  	[tilespmem:s3], [sflag:$0x5] =	stream.linear.gather [hbm4b:s5+s3], $0x3D80, $0x38;
	[tilespmem:$0x18000] =	vst v63  }
0x10: {  	_ =	swait.ge [sflag:s10], $0x3D80  }
0x11: {  	[sflag:s10] =	ssyncset.done $0x0  }
0x12: {  	s20 =	simm.s32 $0x4000;
	[sflag:s10] =	ssyncadd.s32 $0xFFFFC280  }
0x13: {  	[tilespmem:s20], [sflag:$0x5] =	stream.linear.gather [hbm4b:s6+s3], $0x3D80, $0x38;
	[tilespmem:$0x18000] =	vst v63  }
0x14: {  	_ =	swait.ge [sflag:s10], $0x3D80  }
0x15: {  	[sflag:s10] =	ssyncset.done $0x0  }
0x16: {  	[sflag:s10] =	ssyncadd.s32 $0xFFFFC280  }
0x17: {  	[spmem:s12], [sflag:s11] =	dma.local [hbm:s7], $0x1000  }
0x18: {  	_ =	swait.ge [sflag:s10], $0x1000  }
0x19: {  	[sflag:s10] =	ssyncset.done $0x0  }
0x1a: {  	[sflag:s10] =	ssyncadd.s32 $0xFFFFF000  }
0x1b: {  	s22 =	sand.u32 $0x1, s3;
	[bflag:$0x0] =	sbarrier.arrive $0xFFFF  }
0x1c: {  	[tilespmem:s14], [sflag:$0x1] =	stream.indirect.gather [hbm4b:s4+s13], $0x80, s3, s13, $0xb8;
	[tilespmem:$0x18000] =	vst v63  }
0x1d: {  	s21 =	sadd.s32 $0x1, s22  }
0x1e: {  	[tilespmem:s15], [sflag:$0x2] =	stream.indirect.gather [hbm4b:s4+s13], $0x80, s13, s13, $0xb8;
	[tilespmem:$0x18000] =	vst v63  }
0x1f: {  	s19 =	simm.s32 $0x100;
	s17 =	simm.s32 $0x1;
	_ =	swait.ge [sflag:s21], $0x4000  }
0x20: {  	p1 =	por $0x0, $0x0;
	s23 =	sshll.u32 s22, $0xE;
	[sflag:s21] =	ssyncset.done $0x0  }
0x21: {  	s26 =	sadd.s32 $0x3, s22;
	s25 =	sor.u32 $0x8000, s23;
	[sflag:s21] =	ssyncadd.s32 $0xFFFFC000  }
0x22: {  	[spmem:s2] =	stream.indirect.scatter.add.f32 [tilespmem:s25], [sflag:s26], $0x80, s20, s13, $0xb8;
	[tilespmem:$0x18000] =	vst v63  }
0x23: {  	s18 =	sand.u32 $0x1, s17;
	s22 =	simm.s32 $0x4080;
	_ =	swait.ge [sflag:s26], $0x4000  }
0x24: {  	s23 =	simm.s32 $0x2;
	s24 =	sshll.u32 s18, $0xE;
	[sflag:s26] =	ssyncset.done $0x0  }
0x25: {  	s20 =	simm.s32 $0x180;
	[sflag:s26] =	ssyncadd.s32 $0xFFFFC000;
	s26 =	simm.s32 @!p1 $0x80  }
.LBB2_2:
0x26: {  	[tilespmem:s25], [sflag:s21] =	stream.indirect.gather @!p1 [hbm4b:s4+s26], $0x80, s19, s26, $0xb8;
	[tilespmem:$0x18000] =	vst v63  }
0x27: {  	s26 =	smov.u32 s17;
	s17 =	smov.u32 s23;
	s19 =	smov.u32 s20  }
0x28: {  	s23 =	sadd.s32 $0x1, s23;
	s21 =	sadd.s32 $0x1, s18;
	s25 =	sand.u32 $0x1, s17  }
0x29: {  	p0 =	sne.s32 s23, $0x7B;
	s28 =	sshll.u32 s25, $0xE;
	_ =	swait.ge [sflag:s21], $0x4000  }
0x2a: {  	s29 =	sadd.s32 $0x3, s18;
	s18 =	smov.u32 s25;
	[sflag:s21] =	ssyncset.done $0x0  }
.Ltmp0:
0x2b: {  	s25 =	sor.u32 $0x8000, s24;
	[sflag:s21] =	ssyncadd.s32 $0xFFFFC000;
	(pc) =	sbr.rel @p0 .LBB2_2-.Ltmp0, $4  }
0x2c: {  	[spmem:s2] =	stream.indirect.scatter.add.f32 [tilespmem:s25], [sflag:s29], $0x80, s22, s13, $0xb8;
	[tilespmem:$0x18000] =	vst v63  }
0x2d: {  	s24 =	smov.u32 s28;
	_ =	swait.ge [sflag:s29], $0x4000  }
0x2e: {  	p1 =	sgt.u32 s26, $0x78;
	s22 =	sadd.s32 $0x80, s22;
	[sflag:s29] =	ssyncset.done $0x0  }
0x2f: {  	s20 =	sadd.s32 $0x80, s20;
	s26 =	simm.s32 @!p1 $0x80;
	[sflag:s29] =	ssyncadd.s32 $0xFFFFC000  }
0x30: {  	[tilespmem:s25], [sflag:s21] =	stream.indirect.gather @!p1 [hbm4b:s4+s26], $0x80, s19, s26, $0xb8;
	[tilespmem:$0x18000] =	vst v63  }
0x31: {  	s19 =	sadd.s32 $0x1, s18  }
0x32: {  	_ =	swait.ge [sflag:s19], $0x4000  }
0x33: {  	[sflag:s19] =	ssyncset.done $0x0  }
0x34: {  	s31 =	sadd.s32 $0x3, s18;
	s21 =	sor.u32 $0x8000, s24;
	[sflag:s19] =	ssyncadd.s32 $0xFFFFC000  }
0x35: {  	[spmem:s2] =	stream.indirect.scatter.add.f32 [tilespmem:s21], [sflag:s31], $0x80, s22, s13, $0xb8;
	[tilespmem:$0x18000] =	vst v63  }
0x36: {  	_ =	swait.ge [sflag:s31], $0x4000  }
0x37: {  	p0 =	sgt.u32 s17, $0x78;
	[sflag:s31] =	ssyncset.done $0x0  }
0x38: {  	s16 =	sadd.s32 $0x1, s16;
	s17 =	simm.s32 @!p0 $0x80;
	[sflag:s31] =	ssyncadd.s32 $0xFFFFC000  }
0x39: {  	[tilespmem:s21], [sflag:s19] =	stream.indirect.gather @!p0 [hbm4b:s4+s17], $0x80, s20, s17, $0xb8;
	[tilespmem:$0x18000] =	vst v63  }
0x3a: {  	p0 =	sne.s32 s16, s9  }
.Ltmp1:
0x3b: {  	[bflag:$0x0] =	sbarrier.arrive $0xFFFF;
	(pc) =	sbr.rel @p0 .LBB2_1-.Ltmp1, $4  }
0x3c: {  	[hbm:s8], [sflag:s11] =	dma.local [spmem:s12], $0x1000  }
0x3d: {  	_ =	swait.ge [sflag:s10], $0x1000  }
0x3e: {  	[sflag:s10] =	ssyncset.done $0x0  }
0x3f: {  	[sflag:s10] =	ssyncadd.s32 $0xFFFFF000  }
0x40: {  	_ =	sfence.sel $0x180000  }
0x41: {  	[bflag:$0x0] =	sbarrier.arrive $0xFFFF  }
0x42: {  	p0 =	sne.s32 s1, $0x0;
	_ =	strace $0x9000004D  }
0x43: {  	s0 =	sadd.s32 @!p0 $0x100000, s0;
	[bflag:$0x2] =	sbarrier.arrive $0xFFFF  }
0x44: {  	[sflag:s0] =	ssyncadd.tile.s32 @!p0 $0x1;
	_ =	shalt  }
.Lfunc_end2:
_tile_overlayer_lowered:
.L_overlay_start_2:
0x45: {  	(tag) =	ssettag $0x2  }
0x46: {  	s0 =	rddreg [dreg:$0x0];
	s2 =	stileid.u32  }
0x47: {  	s1 =	rddreg [dreg:$0x1];
	p0 =	sne.s32 s2, $0x0  }
0x48: {  	s3 =	rddreg [dreg:$0x2];
	[bflag:$0x3] =	sbarrier.arrive $0xFFFF;
	s2 =	simm.s32 @!p0 $0x1C05  }
0x49: {  	[timem:s3], [sflag:s2] =	dma.local @!p0 [hbm:s0], s1  }
0x4a: {  	s0 =	simm.s32 @!p0 $0x5  }
0x4b: {  	_ =	swait.ge @!p0 [sflag:s0], s1  }
0x4c: {  	s1 =	ssub.s32 @!p0 $0x0, s1;
	[sflag:s0] =	ssyncset.done @!p0 $0x0  }
0x4d: {  	[sflag:s0] =	ssyncadd.s32 @!p0 s1  }
0x4e: {  	[bflag:$0x3] =	sbarrier.arrive $0xFFFF  }
0x4f: {  	_ =	shalt  }

// kernel: kernel.20.cloned.1.call-start
scs
__scs_entry_jumppad:
0x0: {  	(pc) =	sbr.rel $0x88, $3  }
0x1: {  	(tag) =	ssettag $0x0;
	lr =	simm.s32 $0x1  }
0x2: {  	[smem:$0x3F83] =	sst lr;
	_ =	strace $0xD0000000  }
0x3: {  	_ = 	snop  }
0x4: {  	_ = 	snop  }
0x5: {  	_ = 	snop  }
0x6: {  	_ = 	snop  }
0x7: {  	_ = 	snop  }
__scs_overlays_trampoline_lowered:
0x8: {  	[smem:$0x3F92] =	sst s0  }
0x9: {  	[smem:$0x3F93] =	sst s1  }
0xa: {  	[smem:$0x3F94] =	sst s2  }
0xb: {  	[smem:$0x3F95] =	sst s3  }
0xc: {  	[smem:$0x3F96] =	sst s4  }
0xd: {  	[smem:$0x3F97] =	sst s5  }
0xe: {  	[smem:$0x3F98] =	sst s6  }
0xf: {  	[smem:$0x3F99] =	sst s7  }
0x10: {  	[smem:$0x3F9A] =	sst s8  }
0x11: {  	[smem:$0x3F9B] =	sst s9;
	s0 =	simm.s32 @!p0 $0x0  }
0x12: {  	s1 =	sld [smem:$0x3F81];
	s0 =	simm.s32 @p0 $0x1  }
0x13: {  	[smem:$0x3F9C] =	sst s0;
	s0 =	simm.s32 @!p1 $0x0  }
0x14: {  	s2 =	sld [smem:$0x3F80];
	s0 =	simm.s32 @p1 $0x1  }
0x15: {  	[smem:$0x3F9D] =	sst s0;
	s0 =	simm.s32 @!p2 $0x0  }
0x16: {  	s3 =	sld [smem:$0x3FDB];
	s0 =	simm.s32 @p2 $0x1  }
0x17: {  	s4 =	simm.s32 $0x1BF5;
	[smem:$0x3F9F] =	sst s0  }
0x18: {  	s0 =	sld [smem:$0x3F82];
	_ =	swait.ge [sflag:s4], $0x0  }
0x19: {  	s7 =	sld [smem:$0x3F83]  }
0x1a: {  	s8 =	sadd.s32 $0xFFFFE003, lr  }
0x1b: {  	s9 =	sadd.s32 $0xFFFFFEF7, lr;
	s5 =	simm.s32 $0xFFFFFFFF;
	p2 =	slt.u32 s8, $0xFFFFF086  }
0x1c: {  	p1 =	slt.u32 s9, $0xF7A;
	s5 =	simm.s32 @!p2 $0x0  }
0x1d: {  	s5 =	simm.s32 @p1 $0x1;
	p0 =	seq.s32 s7, s2  }
0x1e: {  	s7 =	smul.u32 @!p0 $0xF7A, s2;
	p2 =	seq.s32 @!p0 s5, $0x0  }
0x1f: {  	s9 =	smul.u32 $0xF7A, s1;
	s8 =	simm.s32 @!p0 $0x1BF5;
	p2 =	por !p2, p0  }
0x20: {  	[sflag:s8] =	ssyncset.s32 @!p0 $0xFFFFF086;
	s6 =	sadd.s32 @!p0 s3, s7;
	s7 =	simm.s32 @!p0 $0x108  }
0x21: {  	s3 =	sadd.s32 s3, s9;
	s6 =	sadd.s32 @!p0 $0x88, s6;
	s7 =	simm.s32 @p2 $0x1082  }
0x22: {  	[simem:s7], [sflag:s8] =	dma.local @!p0 [hbm:s6], $0xF7A  }
0x23: {  	s9 =	sor.u32 $0xD0000000, s2;
	s6 =	simm.s32 $0x108;
	_ =	swait.ge @!p0 [sflag:s8], $0x0  }
0x24: {  	s3 =	sadd.s32 $0x88, s3;
	s6 =	simm.s32 @!p1 $0x1082;
	[sflag:s4] =	ssyncset.s32 $0xFFFFF086  }
0x25: {  	[simem:s6], [sflag:s4] =	dma.local [hbm:s3], $0xF7A  }
0x26: {  	[smem:$0x3F83] =	sst s1;
	(tag) =	ssettag s2;
	_ =	strace s9  }
0x27: {  	s1 =	sld [smem:$0x3F93]  }
0x28: {  	s2 =	sld [smem:$0x3F94]  }
0x29: {  	s4 =	sld [smem:$0x3F96]  }
0x2a: {  	p0 =	seq.s32 s5, $0x0;
	s5 =	sld [smem:$0x3F97]  }
0x2b: {  	s6 =	sld [smem:$0x3F98]  }
0x2c: {  	s7 =	sld [smem:$0x3F99]  }
0x2d: {  	s3 =	simm.s32 $0x108;
	s8 =	sld [smem:$0x3F9A]  }
0x2e: {  	s3 =	simm.s32 @!p0 $0x1082;
	s9 =	sld [smem:$0x3F9B]  }
0x2f: {  	lr =	sadd.s32 s0, s3;
	s0 =	sld [smem:$0x3F92]  }
0x30: {  	s3 =	sld [smem:$0x3F95]  }
0x31: {  	[smem:$0x3F9E] =	sst s10  }
0x32: {  	s10 =	sld [smem:$0x3F9C];
	_ =	sdelay $0x3  }
0x33: {  	p0 =	seq.s32 s10, $0x1;
	s10 =	sld [smem:$0x3F9E];
	_ =	sdelay $0x3  }
0x34: {  	[smem:$0x3F9E] =	sst s10  }
0x35: {  	s10 =	sld [smem:$0x3F9D];
	_ =	sdelay $0x3  }
0x36: {  	p1 =	seq.s32 s10, $0x1;
	s10 =	sld [smem:$0x3F9E];
	_ =	sdelay $0x3  }
0x37: {  	[smem:$0x3F9E] =	sst s10  }
0x38: {  	s10 =	sld [smem:$0x3F9F]  }
0x39: {  	_ = 	snop;
	(pc) =	sbr.ind lr, $3  }
0x3a: {  	_ = 	snop  }
0x3b: {  	_ = 	snop  }
0x3c: {  	p2 =	seq.s32 s10, $0x1;
	s10 =	sld [smem:$0x3F9E]  }
0x3d: {  	_ =	shalt  }
0x3e: {  	_ =	shalt  }
0x3f: {  	_ =	shalt  }
0x40: {  	_ =	shalt  }
0x41: {  	_ =	shalt  }
0x42: {  	_ =	shalt  }
0x43: {  	_ =	shalt  }
0x44: {  	_ =	shalt  }
0x45: {  	_ =	shalt  }
0x46: {  	_ =	shalt  }
0x47: {  	_ =	shalt  }
0x48: {  	_ =	shalt  }
0x49: {  	_ =	shalt  }
0x4a: {  	_ =	shalt  }
0x4b: {  	_ =	shalt  }
0x4c: {  	_ =	shalt  }
0x4d: {  	_ =	shalt  }
0x4e: {  	_ =	shalt  }
0x4f: {  	_ =	shalt  }
0x50: {  	_ =	shalt  }
0x51: {  	_ =	shalt  }
0x52: {  	_ =	shalt  }
0x53: {  	_ =	shalt  }
0x54: {  	_ =	shalt  }
0x55: {  	_ =	shalt  }
0x56: {  	_ =	shalt  }
0x57: {  	_ =	shalt  }
0x58: {  	_ =	shalt  }
0x59: {  	_ =	shalt  }
0x5a: {  	_ =	shalt  }
0x5b: {  	_ =	shalt  }
0x5c: {  	_ =	shalt  }
0x5d: {  	_ =	shalt  }
0x5e: {  	_ =	shalt  }
0x5f: {  	_ =	shalt  }
0x60: {  	_ =	shalt  }
0x61: {  	_ =	shalt  }
0x62: {  	_ =	shalt  }
0x63: {  	_ =	shalt  }
0x64: {  	_ =	shalt  }
0x65: {  	_ =	shalt  }
0x66: {  	_ =	shalt  }
0x67: {  	_ =	shalt  }
0x68: {  	_ =	shalt  }
0x69: {  	_ =	shalt  }
0x6a: {  	_ =	shalt  }
0x6b: {  	_ =	shalt  }
0x6c: {  	_ =	shalt  }
0x6d: {  	_ =	shalt  }
0x6e: {  	_ =	shalt  }
0x6f: {  	_ =	shalt  }
0x70: {  	_ =	shalt  }
0x71: {  	_ =	shalt  }
0x72: {  	_ =	shalt  }
0x73: {  	_ =	shalt  }
0x74: {  	_ =	shalt  }
0x75: {  	_ =	shalt  }
0x76: {  	_ =	shalt  }
0x77: {  	_ =	shalt  }
0x78: {  	_ =	shalt  }
0x79: {  	_ =	shalt  }
0x7a: {  	_ =	shalt  }
0x7b: {  	_ =	shalt  }
0x7c: {  	_ =	shalt  }
0x7d: {  	_ =	shalt  }
0x7e: {  	_ =	shalt  }
0x7f: {  	_ =	shalt  }
0x80: {  	_ =	shalt  }
0x81: {  	_ =	shalt  }
0x82: {  	_ =	shalt  }
0x83: {  	_ =	shalt  }
0x84: {  	_ =	shalt  }
0x85: {  	_ =	shalt  }
0x86: {  	_ =	shalt  }
0x87: {  	_ =	shalt  }
.Lfunc_end0:
.L_simem_size_0:
called_computation.3_lowered:
.L_overlay_start_0:
0x88: {  	s2 =	sld [smem:$0x3FD9]  }
0x89: {  	s3 =	sld [smem:$0x3FFE];
	_ =	sdelay $0x1  }
0x8a: {  	s1 =	srdreg.scid  }
0x8b: {  	s0 =	sand.u32 $0x1, s1  }
0x8c: {  	s16 =	sshll.u32 s0, $0xA;
	s2 =	sadd.s32 s3, s2  }
0x8d: {  	s2 =	sadd.s32 s2, s16  }
0x8e: {  	[smem:$0x3FAA] =	sst s2  }
0x8f: {  	_ = 	snop  }
0x90: {  	(tm) =	ssettm $0x1  }
0x91: {  	s17 =	sld [smem:$0x3FFB];
	_ =	sdelay $0x3  }
0x92: {  	_ =	strace s17  }
0x93: {  	s2 =	sld [smem:$0x3FFC];
	_ =	sdelay $0x3  }
0x94: {  	_ =	strace s2  }
0x95: {  	s2 =	sld [smem:$0x3FFD];
	_ =	sdelay $0x3  }
0x96: {  	_ =	strace s2  }
0x97: {  	_ =	strace $0x8FFFFFFF  }
0x98: {  	s18 =	sld [smem:$0x3FDB];
	_ =	sdelay $0x1  }
0x99: {  	s19 =	simm.s32 $_scs_section_size  }
0x9a: {  	s4 =	simm.s32 $_size__tile_overlayer_lowered;
	s5 =	simm.s32 $_tile_overlayer_lowered  }
0x9b: {  	s22 =	simm.s32 $0x1BFF;
	s21 =	sshll.u32 s5, $0x1;
	s2 =	sadd.s32 s19, s18  }
0x9c: {  	s6 =	simm.s32 $0x0;
	s20 =	sshll.u32 s4, $0x1;
	s4 =	sadd.s32 s21, s2  }
0x9d: {  	[timem:s6], [sflag:s22] =	dma.local [hbm:s4], s20  }
0x9e: {  	_ =	swait.ge [sflag:s22], s20  }
0x9f: {  	s3 =	ssub.s32 $0x0, s20;
	[sflag:s22] =	ssyncset.done $0x0  }
0xa0: {  	[sflag:s22] =	ssyncadd.s32 s3;
	_ =	sdelay $0x1  }
0xa1: {  	s23 =	simm.s32 $0x1B8B  }
0xa2: {  	_ =	swait.ge [sflag:s23], $0x1  }
0xa3: {  	[sflag:s23] =	ssyncset.done $0x0  }
0xa4: {  	s25 =	simm.s32 $0x1B8E;
	s24 =	sld [smem:$0x3FFE];
	[sflag:s23] =	ssyncadd.s32 $0xFFFFFFFF  }
0xa5: {  	s26 =	simm.s32 $execute0_lowered;
	[smem:$0x3FD2] =	sst s25  }
0xa6: {  	s4 =	sshll.u32 s26, $0x1;
	_ =	strace $0x8000004F;
	[dreg:$0x1] =	wrdreg $0xFFFFFFFF  }
0xa7: {  	s28 =	simm.s32 $_size_execute0_lowered;
	s2 =	sadd.s32 s2, s4;
	[dreg:$0x0] =	wrdreg $0x0  }
0xa8: {  	s4 =	sshll.u32 s28, $0x1;
	[dreg:$0x2] =	wrdreg s2  }
0xa9: {  	[dreg:$0x3] =	wrdreg s4  }
0xaa: {  	[dreg:$0x4] =	wrdreg $0xC0  }
0xab: {  	_ =	task [dreg:s6], $0x5FFFF  }
0xac: {  	[dreg:$0x1] =	wrdreg $0xFFFFFFFF  }
0xad: {  	[dreg:$0x0] =	wrdreg $0x60  }
0xae: {  	[dreg:$0x2] =	wrdreg s24  }
0xaf: {  	[dreg:$0x3] =	wrdreg $0x52000  }
0xb0: {  	[dreg:$0x4] =	wrdreg $0x9  }
0xb1: {  	_ =	task.clear_ibuf [dreg:s6], $0x5FFFF;
	_ =	strace $0x9000004F  }
0xb2: {  	s29 =	simm.s32 $0x9;
	_ =	strace $0x80000051  }
0xb3: {  	_ =	swait.ge [sflag:s29], $0x1  }
0xb4: {  	[sflag:s29] =	ssyncadd.s32 $0xFFFFFFFF  }
0xb5: {  	_ =	strace $0x90000051  }
0xb6: {  	_ =	sfence  }
0xb7: {  	s30 =	sld [smem:$0x0];
	_ =	sdelay $0x2  }
0xb8: {  	s31 =	sshll.u32 s1, $0xD;
	s1 =	sshrl.u32 s1, $0x2  }
0xb9: {  	s3 =	sand.u32 $0x4000, s31;
	s1 =	sadd.s32 s1, s30  }
0xba: {  	s0 =	sor.u32 s3, s0;
	s1 =	sshll.u32 s1, $0x11  }
0xbb: {  	s0 =	sor.u32 s1, s0  }
0xbc: {  	s0 =	sadd.s32 $0x8F2B, s0  }
0xbd: {  	[sflag:s0] =	ssyncadd.remote.s32 $0x1  }
0xbe: {  	_ =	sfence.sel $0xFFFF  }
0xbf: {  	[dreg:$0x0] =	wrdreg $0xFFFFFFFF;
	(pc) =	sbr.abs _section_cstart, $3  }
0xc0: {  	[dreg:$0x1] =	wrdreg $0xFFFFFFFF  }
0xc1: {  	_ =	task.clear_ibuf [dreg:s6], $0x2FFFF;
	_ =	strace $0x9FFFFFFF  }
0xc2: {  	(tm) =	ssettm $0x7FFFFFFF  }
0xc3: {  	_ =	shalt  }
tec
execute0_lowered:
.L_overlay_start_1:
0x0: {  	(tag) =	ssettag $0x1  }
0x1: {  	s0 =	rddreg [dreg:$0x0]  }
0x2: {  	s2 =	rddreg [dreg:$0x1];
	s1 =	srdreg.scid;
	s3 =	simm.s32 $0x0  }
0x3: {  	s14 =	stileid.u32;
	s16 =	simm.s32 $0x5;
	s18 =	simm.s32 $0x80  }
0x4: {  	s19 =	simm.s32 $0x1000;
	s20 =	simm.s32 $0x1200;
	s21 =	simm.s32 $0x1080  }
0x5: {  	s22 =	simm.s32 $0x3200;
	s1 =	sand.u32 $0x1, s1;
	[smem:$0x7FF] =	sst s3  }
0x6: {  	s4 =	sshll.u32 s14, $0xD;
	s9 =	smul.u32 $0x18A00, s14;
	s5 =	sadd.s32 $0x2EDE00, s0  }
0x7: {  	s6 =	sadd.s32 $0x149A00, s0;
	s12 =	smul.u32 $0x18800, s14;
	s31 =	sshll.u32 s14, $0x6  }
0x8: {  	s11 =	smul.u32 $0xD2F0, s1;
	_ =	strace $0x80000050;
	s13 =	sadd.s32 s4, s0  }
0x9: {  	s7 =	smul.u32 $0x314000, s1;
	s4 =	sadd.s32 $0x84A00, s0;
	s8 =	ssub.s32 $0x2, s1  }
0xa: {  	s1 =	smul.u32 $0x310000, s1;
	s14 =	sor.u32 $0x1C05, s31;
	s10 =	sshrl.u32 s8, $0x1  }
.Ltmp0:
0xb: {  	s15 =	sadd.s32 s9, s2;
	s30 =	sadd.s32 s12, s2;
	(pc) =	sbr.rel .LBB2_1-.Ltmp0, $4  }
0xc: {  	v8 =	vlaneseq.u32;
	s29 =	ssub.s32 s8, s10;
	s7 =	sadd.s32 s7, s9;
	s8 =	sadd.s32 $0x64A00, s13  }
0xd: {  	v1 =	vor.u32 $0x6200, v8;
	v2 =	vor.u32 $0x6210, v8;
	v3 =	vor.u32 $0x6220, v8;
	s9 =	sadd.s32 $0x44A00, s13;
	s10 =	sadd.s32 s1, s12;
	s12 =	sadd.s32 $0x64A20, s13  }
0xe: {  	v4 =	vor.u32 $0x6230, v8;
	v5 =	vor.u32 $0x6240, v8;
	v6 =	vor.u32 $0x6250, v8;
	s13 =	sadd.s32 $0x44A20, s13;
	s15 =	sshrl.u32 s15, $0x3;
	s0 =	smax.u32 s29, $0x1  }
0xf: {  	v7 =	vor.u32 $0x6260, v8;
	v8 =	vor.u32 $0x6270, v8;
	v0 =	vmov s11;
	s23 =	sshrl.u32 s30, $0x3;
	s1 =	simm.s32 $0x0;
	[dreg:$0x3] =	wrdreg s0  }
.LBB2_7:
0x10: {  	s1 =	rddreg [dreg:$0x4]  }
0x11: {  	s0 =	rddreg [dreg:$0x3];
	s1 =	sadd.s32 $0x1, s1  }
0x12: {  	p0 =	sne.s32 s1, s0  }
.Ltmp1:
0x13: {  	_ = 	snop;
	(pc) =	sbr.rel @!p0 .LBB2_8-.Ltmp1, $1  }
0x14: {  	_ =	sdelay $0x3  }
.LBB2_1:
.Ltmp2:
0x15: {  	(pc) =	sbr.rel .LBB2_2-.Ltmp2, $2  }
0x16: {  	_ =	sdelay $0x2  }
0x17: {  	[dreg:$0x4] =	wrdreg s1;
	p0 =	por $0x1, $0x1;
	s25 =	simm.s32 $0x0  }
.LBB2_6:
0x18: {  	s0 =	smul.u32 $0x188000, s25;
	_ =	sdelay $0x1  }
0x19: {  	s0 =	sadd.s32 s0, s10  }
0x1a: {  	s0 =	sshrl.u32 s0, $0x3  }
0x1b: {  	[bflag:$0x0] =	sbarrier.arrive $0xFFFF;
	s0 =	sadd.s32 s6, s0  }
0x1c: {  	[hbm:s0], [sflag:s14] =	dma.local [spmem:s23], $0x3100  }
.Ltmp3:
0x1d: {  	_ =	swait.ge [sflag:s16], $0x3100;
	(pc) =	sbr.rel @!p1 .LBB2_7-.Ltmp3, $4  }
0x1e: {  	[sflag:s16] =	ssyncset.done $0x0  }
0x1f: {  	[sflag:s16] =	ssyncadd.s32 $0xFFFFCF00  }
0x20: {  	[bflag:$0x0] =	sbarrier.arrive $0xFFFF  }
0x21: {  	s25 =	simm.s32 $0x1;
	p0 =	por $0x0, $0x0  }
.LBB2_2:
0x22: {  	s0 =	smul.u32 $0x18A000, s25;
	_ =	sdelay $0x1  }
0x23: {  	s0 =	sadd.s32 s0, s7  }
0x24: {  	s0 =	sshrl.u32 s0, $0x3  }
0x25: {  	s0 =	sadd.s32 s4, s0  }
0x26: {  	[spmem:s15], [sflag:s14] =	dma.local [hbm:s0], $0x3140  }
0x27: {  	_ =	swait.ge [sflag:s16], $0x3140  }
0x28: {  	[sflag:s16] =	ssyncset.done $0x0  }
0x29: {  	[sflag:s16] =	ssyncadd.s32 $0xFFFFCEC0  }
0x2a: {  	[bflag:$0x0] =	sbarrier.arrive $0xFFFF  }
0x2b: {  	[tilespmem:s3], [sflag:$0x5] =	stream.linear.gather [hbm4b:s8+s3], $0x400, $0x38;
	[tilespmem:$0x1DC00] =	vst v63  }
0x2c: {  	_ =	swait.ge [sflag:s16], $0x400  }
0x2d: {  	[sflag:s16] =	ssyncset.done $0x0  }
0x2e: {  	s31 =	simm.s32 $0x800;
	[sflag:s16] =	ssyncadd.s32 $0xFFFFFC00  }
0x2f: {  	[tilespmem:s31], [sflag:$0x5] =	stream.linear.gather [hbm4b:s9+s3], $0x400, $0x38;
	[tilespmem:$0x1DC00] =	vst v63  }
0x30: {  	_ =	swait.ge [sflag:s16], $0x400  }
0x31: {  	[sflag:s16] =	ssyncset.done $0x0  }
0x32: {  	[sflag:s16] =	ssyncadd.s32 $0xFFFFFC00  }
0x33: {  	v10 =	vld [tilespmem:$0x800]  }
0x34: {  	v11 =	vld [tilespmem:$0x0]  }
0x35: {  	s28 =	smul.u32 $0x6200, s25;
	v12 =	vld [tilespmem:$0x810]  }
0x36: {  	v13 =	vld [tilespmem:$0x10]  }
0x37: {  	s26 =	sadd.s32 $0x6200, s28;
	v14 =	vld [tilespmem:$0x820]  }
0x38: {  	v9 =	vmov s28;
	v15 =	vld [tilespmem:$0x20];
	vm0 =	vge.s32 v10, s28;
	vm1 =	vlt.s32 v10, s26  }
0x39: {  	v16 =	vld [tilespmem:$0x830];
	v10 =	vsub.s32 v10, v9;
	v11 =	vadd.s32 v0, v11;
	vm0 =	vmand vm0, vm1  }
0x3a: {  	vm10 =	vge.s32 v12, s28;
	vm11 =	vlt.s32 v12, s26;
	[tilespmem:$0x1000] =	vst v11;
	v11 =	vld [tilespmem:$0x30];
	v10 =	vsel vm0, v10, v1  }
0x3b: {  	v42 =	vld [tilespmem:$0x840];
	v41 =	vadd.s32 v0, v13;
	vm0 =	vmand vm10, vm11;
	[tilespmem:$0x1100] =	vst v10;
	v10 =	vsub.s32 v12, v9  }
0x3c: {  	v43 =	vld [tilespmem:$0x40];
	vm12 =	vge.s32 v14, s28;
	vm13 =	vlt.s32 v14, s26;
	[tilespmem:$0x1010] =	vst v41;
	v10 =	vsel vm0, v10, v2  }
0x3d: {  	v45 =	vld [tilespmem:$0x850];
	v44 =	vadd.s32 v0, v15;
	vm0 =	vmand vm12, vm13;
	[tilespmem:$0x1110] =	vst v10;
	v10 =	vsub.s32 v14, v9  }
0x3e: {  	v46 =	vld [tilespmem:$0x50];
	vm14 =	vge.s32 v16, s28;
	vm15 =	vlt.s32 v16, s26;
	[tilespmem:$0x1020] =	vst v44;
	v10 =	vsel vm0, v10, v3  }
0x3f: {  	v47 =	vld [tilespmem:$0x860];
	vm0 =	vmand vm14, vm15;
	v11 =	vadd.s32 v0, v11;
	[tilespmem:$0x1120] =	vst v10;
	v10 =	vsub.s32 v16, v9  }
0x40: {  	vm4 =	vge.s32 v42, s28;
	vm5 =	vlt.s32 v42, s26;
	[tilespmem:$0x1030] =	vst v11;
	v11 =	vld [tilespmem:$0x60];
	v10 =	vsel vm0, v10, v4  }
0x41: {  	v48 =	vld [tilespmem:$0x870];
	v12 =	vadd.s32 v0, v43;
	vm0 =	vmand vm4, vm5;
	[tilespmem:$0x1130] =	vst v10;
	v10 =	vsub.s32 v42, v9  }
0x42: {  	v49 =	vld [tilespmem:$0x70];
	vm6 =	vge.s32 v45, s28;
	vm7 =	vlt.s32 v45, s26;
	[tilespmem:$0x1040] =	vst v12;
	v10 =	vsel vm0, v10, v5  }
0x43: {  	v14 =	vadd.s32 v0, v46;
	vm0 =	vmand vm6, vm7;
	[tilespmem:$0x1140] =	vst v10;
	v10 =	vsub.s32 v45, v9  }
0x44: {  	vm8 =	vge.s32 v47, s28;
	vm9 =	vlt.s32 v47, s26;
	[tilespmem:$0x1050] =	vst v14;
	v10 =	vsel vm0, v10, v6  }
0x45: {  	vm0 =	vmand vm8, vm9;
	v11 =	vadd.s32 v0, v11;
	[tilespmem:$0x1150] =	vst v10;
	v10 =	vsub.s32 v47, v9  }
0x46: {  	vm10 =	vge.s32 v48, s28;
	vm11 =	vlt.s32 v48, s26;
	[tilespmem:$0x1060] =	vst v11;
	v10 =	vsel vm0, v10, v7  }
0x47: {  	v11 =	vadd.s32 v0, v49;
	vm0 =	vmand vm10, vm11;
	[tilespmem:$0x1160] =	vst v10;
	v10 =	vsub.s32 v48, v9  }
0x48: {  	[tilespmem:$0x1070] =	vst v11;
	v10 =	vsel vm0, v10, v8  }
0x49: {  	[tilespmem:$0x1170] =	vst v10  }
0x4a: {  	[tilespmem:s20], [sflag:$0x1] =	stream.indirect.gather [hbm4b:s5+s18], $0x40, s19, s18, $0xb8;
	[tilespmem:$0x1DC00] =	vst v63  }
0x4b: {  	v10 =	vld [tilespmem:$0x880]  }
0x4c: {  	v11 =	vld [tilespmem:$0x80]  }
0x4d: {  	v50 =	vld [tilespmem:$0x890]  }
0x4e: {  	v51 =	vld [tilespmem:$0x90]  }
0x4f: {  	v52 =	vld [tilespmem:$0x8A0]  }
0x50: {  	v53 =	vld [tilespmem:$0xA0];
	vm12 =	vge.s32 v10, s28;
	vm13 =	vlt.s32 v10, s26  }
0x51: {  	v54 =	vld [tilespmem:$0x8B0];
	v10 =	vsub.s32 v10, v9;
	v11 =	vadd.s32 v0, v11;
	vm0 =	vmand vm12, vm13  }
0x52: {  	vm14 =	vge.s32 v50, s28;
	vm15 =	vlt.s32 v50, s26;
	[tilespmem:$0x1080] =	vst v11;
	v11 =	vld [tilespmem:$0xB0];
	v10 =	vsel vm0, v10, v1  }
0x53: {  	v56 =	vld [tilespmem:$0x8C0];
	v55 =	vadd.s32 v0, v51;
	vm0 =	vmand vm14, vm15;
	[tilespmem:$0x1180] =	vst v10;
	v10 =	vsub.s32 v50, v9  }
0x54: {  	v57 =	vld [tilespmem:$0xC0];
	vm4 =	vge.s32 v52, s28;
	vm5 =	vlt.s32 v52, s26;
	[tilespmem:$0x1090] =	vst v55;
	v10 =	vsel vm0, v10, v2  }
0x55: {  	v59 =	vld [tilespmem:$0x8D0];
	v58 =	vadd.s32 v0, v53;
	vm0 =	vmand vm4, vm5;
	[tilespmem:$0x1190] =	vst v10;
	v10 =	vsub.s32 v52, v9  }
0x56: {  	v60 =	vld [tilespmem:$0xD0];
	vm6 =	vge.s32 v54, s28;
	vm7 =	vlt.s32 v54, s26;
	[tilespmem:$0x10A0] =	vst v58;
	v10 =	vsel vm0, v10, v3  }
0x57: {  	v61 =	vld [tilespmem:$0x8E0];
	vm0 =	vmand vm6, vm7;
	v11 =	vadd.s32 v0, v11;
	[tilespmem:$0x11A0] =	vst v10;
	v10 =	vsub.s32 v54, v9  }
0x58: {  	vm8 =	vge.s32 v56, s28;
	vm9 =	vlt.s32 v56, s26;
	[tilespmem:$0x10B0] =	vst v11;
	v11 =	vld [tilespmem:$0xE0];
	v10 =	vsel vm0, v10, v4  }
0x59: {  	v62 =	vld [tilespmem:$0x8F0];
	v12 =	vadd.s32 v0, v57;
	vm0 =	vmand vm8, vm9;
	[tilespmem:$0x11B0] =	vst v10;
	v10 =	vsub.s32 v56, v9  }
0x5a: {  	v63 =	vld [tilespmem:$0xF0];
	vm10 =	vge.s32 v59, s28;
	vm11 =	vlt.s32 v59, s26;
	[tilespmem:$0x10C0] =	vst v12;
	v10 =	vsel vm0, v10, v5  }
0x5b: {  	v14 =	vadd.s32 v0, v60;
	vm0 =	vmand vm10, vm11;
	[tilespmem:$0x11C0] =	vst v10;
	v10 =	vsub.s32 v59, v9  }
0x5c: {  	[tilespmem:$0x10D0] =	vst v14;
	vm12 =	vge.s32 v61, s28;
	vm13 =	vlt.s32 v61, s26;
	v10 =	vsel vm0, v10, v6  }
0x5d: {  	vm0 =	vmand vm12, vm13;
	v11 =	vadd.s32 v0, v11;
	[tilespmem:$0x11D0] =	vst v10;
	v10 =	vsub.s32 v61, v9  }
.Ltmp4:
0x5e: {  	vm14 =	vge.s32 v62, s28;
	vm15 =	vlt.s32 v62, s26;
	[tilespmem:$0x10E0] =	vst v11;
	v10 =	vsel vm0, v10, v7;
	(pc) =	sbr.rel .LBB2_3-.Ltmp4, $4  }
0x5f: {  	v11 =	vadd.s32 v0, v63;
	vm0 =	vmand vm14, vm15;
	[tilespmem:$0x11E0] =	vst v10;
	v10 =	vsub.s32 v62, v9  }
0x60: {  	p1 =	por p0, p0;
	s29 =	smov.u32 s13;
	[tilespmem:$0x10F0] =	vst v11;
	v10 =	vsel vm0, v10, v8  }
0x61: {  	s30 =	smov.u32 s12;
	s28 =	simm.s32 $0x100;
	[tilespmem:$0x11F0] =	vst v10;
	v10 =	vmov s26;
	s26 =	simm.s32 $0x2  }
0x62: {  	[tilespmem:s22], [sflag:$0x2] =	stream.indirect.gather [hbm4b:s5+s18], $0x40, s21, s18, $0xb8;
	[tilespmem:$0x1DC00] =	vst v63  }
.LBB2_5:
0x63: {  	s26 =	sadd.s32 $0x1, s26  }
0x64: {  	p0 =	sne.s32 s26, $0x202  }
.Ltmp5:
0x65: {  	_ = 	snop;
	(pc) =	sbr.rel @!p0 .LBB2_6-.Ltmp5, $2  }
0x66: {  	_ =	sdelay $0x2  }
0x67: {  	s28 =	sadd.s32 $0x80, s28;
	s30 =	sadd.s32 $0x10, s30;
	s29 =	sadd.s32 $0x10, s29  }
.LBB2_3:
0x68: {  	s11 =	sadd.s32 $0xFFFFFFFE, s26  }
0x69: {  	s24 =	sand.u32 $0x1, s11  }
0x6a: {  	p0 =	sgt.u32 s11, $0x1FD;
	s31 =	sadd.s32 $0x1, s24  }
0x6b: {  	s0 =	sshll.u32 s24, $0xD;
	s1 =	sshll.u32 s24, $0x7;
	_ =	swait.ge [sflag:s31], $0x2000  }
0x6c: {  	s24 =	sadd.s32 $0x3, s24;
	s0 =	sor.u32 $0x1200, s0;
	[sflag:s31] =	ssyncset.done $0x0  }
.Ltmp6:
0x6d: {  	s17 =	sor.u32 $0x1100, s1;
	[sflag:s31] =	ssyncadd.s32 $0xFFFFE000;
	(pc) =	sbr.rel @p0 .LBB2_5-.Ltmp6, $4  }
0x6e: {  	[spmem:s2] =	stream.indirect.scatter.add.f32 [tilespmem:s0], [sflag:s24], $0x40, s17, s18, $0xb8;
	[tilespmem:$0x1DC00] =	vst v63  }
0x6f: {  	_ =	swait.ge [sflag:s24], $0x2000  }
0x70: {  	[sflag:s24] =	ssyncset.done $0x0  }
0x71: {  	[sflag:s24] =	ssyncadd.s32 $0xFFFFE000  }
0x72: {  	s11 =	sand.u32 $0x7, s26  }
0x73: {  	p0 =	sne.s32 s11, $0x0  }
0x74: {  	s11 =	sand.u32 @!p0 $0x400, s28;
	s17 =	simm.s32 @!p0 $0x0;
	s24 =	simm.s32 @!p0 $0x5  }
0x75: {  	[tilespmem:s11], [sflag:$0x5] =	stream.linear.gather @!p0 [hbm4b:s30+s17], $0x400, $0x38;
	[tilespmem:$0x1DC00] =	vst v63  }
0x76: {  	_ =	swait.ge @!p0 [sflag:s24], $0x400  }
0x77: {  	[sflag:s24] =	ssyncset.done @!p0 $0x0  }
0x78: {  	s11 =	sor.u32 @!p0 $0x800, s11;
	[sflag:s24] =	ssyncadd.s32 @!p0 $0xFFFFFC00  }
0x79: {  	[tilespmem:s11], [sflag:$0x5] =	stream.linear.gather @!p0 [hbm4b:s29+s17], $0x400, $0x38;
	[tilespmem:$0x1DC00] =	vst v63  }
0x7a: {  	_ =	swait.ge @!p0 [sflag:s24], $0x400  }
0x7b: {  	[sflag:s24] =	ssyncset.done @!p0 $0x0  }
0x7c: {  	s11 =	sand.u32 $0x780, s28;
	[sflag:s24] =	ssyncadd.s32 @!p0 $0xFFFFFC00  }
0x7d: {  	v11 =	vld [tilespmem:s11+$0x800]  }
0x7e: {  	v12 =	vld [tilespmem:s11+$0x0];
	_ =	sdelay $0x3  }
0x7f: {  	vm0 =	vge.s32 v11, v9;
	vm1 =	vlt.s32 v11, v10  }
0x80: {  	v11 =	vsub.s32 v11, v9;
	v12 =	vadd.s32 v0, v12;
	vm0 =	vmand vm0, vm1  }
0x81: {  	[tilespmem:s1+$0x1000] =	vst v12;
	v11 =	vsel vm0, v11, v1  }
0x82: {  	[tilespmem:s1+$0x1100] =	vst v11  }
0x83: {  	v11 =	vld [tilespmem:s11+$0x810]  }
0x84: {  	v12 =	vld [tilespmem:s11+$0x10];
	_ =	sdelay $0x3  }
0x85: {  	vm14 =	vge.s32 v11, v9;
	vm15 =	vlt.s32 v11, v10  }
0x86: {  	s24 =	sor.u32 $0x1010, s1;
	v11 =	vsub.s32 v11, v9;
	v12 =	vadd.s32 v0, v12;
	vm0 =	vmand vm14, vm15  }
0x87: {  	[tilespmem:s24+$0x0] =	vst v12;
	s24 =	sor.u32 $0x1110, s1;
	v11 =	vsel vm0, v11, v2  }
0x88: {  	[tilespmem:s24+$0x0] =	vst v11  }
0x89: {  	v11 =	vld [tilespmem:s11+$0x820]  }
0x8a: {  	v12 =	vld [tilespmem:s11+$0x20];
	_ =	sdelay $0x3  }
0x8b: {  	vm4 =	vge.s32 v11, v9;
	vm5 =	vlt.s32 v11, v10  }
0x8c: {  	s24 =	sor.u32 $0x1020, s1;
	v11 =	vsub.s32 v11, v9;
	v12 =	vadd.s32 v0, v12;
	vm0 =	vmand vm4, vm5  }
0x8d: {  	[tilespmem:s24+$0x0] =	vst v12;
	s24 =	sor.u32 $0x1120, s1;
	v11 =	vsel vm0, v11, v3  }
0x8e: {  	[tilespmem:s24+$0x0] =	vst v11  }
0x8f: {  	v11 =	vld [tilespmem:s11+$0x830]  }
0x90: {  	v12 =	vld [tilespmem:s11+$0x30];
	_ =	sdelay $0x3  }
0x91: {  	vm6 =	vge.s32 v11, v9;
	vm7 =	vlt.s32 v11, v10  }
0x92: {  	s24 =	sor.u32 $0x1030, s1;
	v11 =	vsub.s32 v11, v9;
	v12 =	vadd.s32 v0, v12;
	vm0 =	vmand vm6, vm7  }
0x93: {  	[tilespmem:s24+$0x0] =	vst v12;
	s24 =	sor.u32 $0x1130, s1;
	v11 =	vsel vm0, v11, v4  }
0x94: {  	[tilespmem:s24+$0x0] =	vst v11  }
0x95: {  	v11 =	vld [tilespmem:s11+$0x840]  }
0x96: {  	v12 =	vld [tilespmem:s11+$0x40];
	_ =	sdelay $0x3  }
0x97: {  	vm8 =	vge.s32 v11, v9;
	vm9 =	vlt.s32 v11, v10  }
0x98: {  	s24 =	sor.u32 $0x1040, s1;
	v11 =	vsub.s32 v11, v9;
	v12 =	vadd.s32 v0, v12;
	vm0 =	vmand vm8, vm9  }
0x99: {  	[tilespmem:s24+$0x0] =	vst v12;
	s24 =	sor.u32 $0x1140, s1;
	v11 =	vsel vm0, v11, v5  }
0x9a: {  	[tilespmem:s24+$0x0] =	vst v11  }
0x9b: {  	v11 =	vld [tilespmem:s11+$0x850]  }
0x9c: {  	v12 =	vld [tilespmem:s11+$0x50];
	_ =	sdelay $0x3  }
0x9d: {  	vm10 =	vge.s32 v11, v9;
	vm11 =	vlt.s32 v11, v10  }
0x9e: {  	s24 =	sor.u32 $0x1050, s1;
	v11 =	vsub.s32 v11, v9;
	v12 =	vadd.s32 v0, v12;
	vm0 =	vmand vm10, vm11  }
0x9f: {  	[tilespmem:s24+$0x0] =	vst v12;
	s24 =	sor.u32 $0x1150, s1;
	v11 =	vsel vm0, v11, v6  }
0xa0: {  	[tilespmem:s24+$0x0] =	vst v11  }
0xa1: {  	v11 =	vld [tilespmem:s11+$0x860]  }
0xa2: {  	v12 =	vld [tilespmem:s11+$0x60];
	_ =	sdelay $0x3  }
0xa3: {  	vm12 =	vge.s32 v11, v9;
	vm13 =	vlt.s32 v11, v10  }
0xa4: {  	s24 =	sor.u32 $0x1060, s1;
	v11 =	vsub.s32 v11, v9;
	v12 =	vadd.s32 v0, v12;
	vm0 =	vmand vm12, vm13  }
0xa5: {  	[tilespmem:s24+$0x0] =	vst v12;
	s24 =	sor.u32 $0x1160, s1;
	v11 =	vsel vm0, v11, v7  }
0xa6: {  	[tilespmem:s24+$0x0] =	vst v11  }
0xa7: {  	v11 =	vld [tilespmem:s11+$0x870]  }
0xa8: {  	v12 =	vld [tilespmem:s11+$0x70];
	_ =	sdelay $0x3  }
.Ltmp7:
0xa9: {  	vm14 =	vge.s32 v11, v9;
	vm15 =	vlt.s32 v11, v10;
	(pc) =	sbr.rel .LBB2_5-.Ltmp7, $4  }
0xaa: {  	s24 =	sor.u32 $0x1070, s1;
	v11 =	vsub.s32 v11, v9;
	v12 =	vadd.s32 v0, v12;
	vm0 =	vmand vm14, vm15  }
0xab: {  	s17 =	sor.u32 $0x1170, s1;
	[tilespmem:s24+$0x0] =	vst v12;
	v11 =	vsel vm0, v11, v8  }
0xac: {  	s24 =	sor.u32 $0x1000, s1;
	[tilespmem:s17+$0x0] =	vst v11  }
0xad: {  	[tilespmem:s0], [sflag:s31] =	stream.indirect.gather [hbm4b:s5+s18], $0x40, s24, s18, $0xb8;
	[tilespmem:$0x1DC00] =	vst v63  }
.LBB2_8:
0xae: {  	_ =	sfence.sel $0x180000  }
0xaf: {  	[bflag:$0x0] =	sbarrier.arrive $0xFFFF  }
0xb0: {  	_ =	strace $0x90000050  }
0xb1: {  	s0 =	stileid.u32;
	[bflag:$0x2] =	sbarrier.arrive $0xFFFF  }
0xb2: {  	p0 =	sne.s32 s0, $0x0;
	s0 =	rddreg [dreg:$0x2]  }
0xb3: {  	s0 =	sadd.s32 @!p0 $0x100000, s0  }
0xb4: {  	[sflag:s0] =	ssyncadd.tile.s32 @!p0 $0x1;
	_ =	shalt  }
.Lfunc_end2:
_tile_overlayer_lowered:
.L_overlay_start_2:
0xb5: {  	(tag) =	ssettag $0x2  }
0xb6: {  	s0 =	rddreg [dreg:$0x0];
	s2 =	stileid.u32  }
0xb7: {  	s1 =	rddreg [dreg:$0x1];
	p0 =	sne.s32 s2, $0x0  }
0xb8: {  	s3 =	rddreg [dreg:$0x2];
	[bflag:$0x3] =	sbarrier.arrive $0xFFFF;
	s2 =	simm.s32 @!p0 $0x1C05  }
0xb9: {  	[timem:s3], [sflag:s2] =	dma.local @!p0 [hbm:s0], s1  }
0xba: {  	s0 =	simm.s32 @!p0 $0x5  }
0xbb: {  	_ =	swait.ge @!p0 [sflag:s0], s1  }
0xbc: {  	s1 =	ssub.s32 @!p0 $0x0, s1;
	[sflag:s0] =	ssyncset.done @!p0 $0x0  }
0xbd: {  	[sflag:s0] =	ssyncadd.s32 @!p0 s1  }
0xbe: {  	[bflag:$0x3] =	sbarrier.arrive $0xFFFF  }
0xbf: {  	_ =	shalt  }

</sc_bundles>
